<compile_context>
chip_gen: v7x
topology: tpu7x:2x2x1
jax: 0.10.2.dev20260603
libtpu: 0.0.44.dev20260713+nightly
codegen_flags: <defaults>
</compile_context>

<pallas_src>
import functools

import jax
import jax.numpy as jnp
from jax import lax
from jax.experimental import pallas as pl
from jax.experimental.pallas import tpu as pltpu
from jax.experimental.pallas import tpu_sc as plsc

VOCAB = 30522
HIDDEN = 768
BATCH = 1024
SEQ = 200
L = 16

NC = 2
NS = 16
NW = NC * NS
RPW = BATCH // NW
SPLIT = 128
REST = SEQ - SPLIT


def _proj_body(e_ref, w_ref, o_ref):
    x = jnp.dot(e_ref[...], w_ref[...], preferred_element_type=jnp.float32)

    def rne_hi(u):
        return (u + 0x7FFF + ((u >> 16) & 1)) & jnp.uint32(0xFFFF0000)

    u0 = lax.bitcast_convert_type(x[:, 0], jnp.uint32)
    u1 = lax.bitcast_convert_type(x[:, 1], jnp.uint32)
    o_ref[...] = (rne_hi(u0) >> 16) | rne_hi(u1)


def _project_table(emb, w):
    bm = 3072
    return pl.pallas_call(
        _proj_body,
        grid=(pl.cdiv(VOCAB, bm),),
        in_specs=[
            pl.BlockSpec((bm, HIDDEN), lambda i: (i, 0)),
            pl.BlockSpec((HIDDEN, 2), lambda i: (0, 0)),
        ],
        out_specs=pl.BlockSpec((bm,), lambda i: (i,)),
        out_shape=jax.ShapeDtypeStruct((VOCAB,), jnp.uint32),
    )(emb, w)


def _sc_pool_body(ids_hbm, mask_hbm, p_hbm, b_hbm, out_hbm,
                  idx_v, mask_v, g_v, b_v, out_v, sem_a, sem_b):
    wid = lax.axis_index("s") * NC + lax.axis_index("c")
    base = wid * RPW

    pltpu.sync_copy(ids_hbm.at[pl.ds(base, RPW), :], idx_v)

    def fire(r, sem):
        return [
            pltpu.async_copy(p_hbm.at[idx_v.at[r, pl.ds(0, SPLIT)]],
                             g_v.at[r, pl.ds(0, SPLIT)], sem),
            pltpu.async_copy(p_hbm.at[idx_v.at[r, pl.ds(SPLIT, REST)]],
                             g_v.at[r, pl.ds(SPLIT, REST)], sem),
        ]

    handles_a, handles_b = [], []
    for r in range(RPW // 2):
        handles_a += fire(r, sem_a)
    for r in range(RPW // 2, RPW):
        handles_b += fire(r, sem_b)

    pltpu.sync_copy(mask_hbm.at[pl.ds(base, RPW), :], mask_v)
    pltpu.sync_copy(b_hbm, b_v)

    iota = lax.iota(jnp.int32, L)
    bvec = b_v[...]

    dnums = lax.GatherDimensionNumbers(
        offset_dims=(), collapsed_slice_dims=(0,), start_index_map=(0,))

    def shuffle(x, perm):
        return lax.gather(x, perm[:, None], dnums, (1,),
                          mode=lax.GatherScatterMode.PROMISE_IN_BOUNDS)

    def lane_sum(x):
        for k in (8, 4, 2, 1):
            x = x + shuffle(x, iota ^ k)
        return x

    def unpack(g):
        c0 = lax.bitcast_convert_type(g << 16, jnp.float32)
        c1 = lax.bitcast_convert_type(g & jnp.uint32(0xFFFF0000),
                                      jnp.float32)
        return c0, c1

    zero = jnp.zeros((L,), jnp.float32)
    bpair = shuffle(bvec, iota & 1)

    def row_sums(r):
        def chunk(j, carry):
            a0, a1 = carry
            s0 = j * L
            m = mask_v[r, pl.ds(s0, L)]
            c0, c1 = unpack(g_v[r, pl.ds(s0, L)])
            return a0 + c0 * m, a1 + c1 * m

        acc0, acc1 = lax.fori_loop(0, SEQ // L, chunk, (zero, zero))

        s0 = SEQ - L
        m = mask_v[r, pl.ds(s0, L)]
        m = jnp.where(iota < (L - SEQ % L), 0.0, m)
        c0, c1 = unpack(g_v[r, pl.ds(s0, L)])
        acc0 = acc0 + c0 * m
        acc1 = acc1 + c1 * m
        return lane_sum(acc0), lane_sum(acc1)

    def group_body(gi, _):
        vacc = zero
        for q in range(8):
            t0, t1 = row_sums(gi * 8 + q)
            vacc = jnp.where(iota == 2 * q, t0, vacc)
            vacc = jnp.where(iota == 2 * q + 1, t1, vacc)
        out_v[pl.ds(gi * L, L)] = vacc / float(SEQ) + bpair
        return 0

    for h in handles_a:
        h.wait()
    lax.fori_loop(0, 2, group_body, 0)
    for h in handles_b:
        h.wait()
    lax.fori_loop(2, 4, group_body, 0)

    pltpu.sync_copy(out_v, out_hbm.at[pl.ds(wid * 2 * RPW, 2 * RPW)])


@functools.cache
def _make_sc_pool():
    @functools.partial(
        pl.kernel,
        mesh=plsc.VectorSubcoreMesh(core_axis_name="c", subcore_axis_name="s"),
        out_type=jax.ShapeDtypeStruct((BATCH * 2,), jnp.float32),
        scratch_types=[
            pltpu.VMEM((RPW, SEQ), jnp.int32),
            pltpu.VMEM((RPW, SEQ), jnp.float32),
            pltpu.VMEM((RPW, SEQ), jnp.uint32),
            pltpu.VMEM((L,), jnp.float32),
            pltpu.VMEM((2 * RPW,), jnp.float32),
            pltpu.SemaphoreType.DMA,
            pltpu.SemaphoreType.DMA,
        ],
    )
    def _sc_pool(ids_hbm, mask_hbm, p_hbm, b_hbm, out_hbm, *scratch):
        _sc_pool_body(ids_hbm, mask_hbm, p_hbm, b_hbm, out_hbm, *scratch)

    return _sc_pool


def kernel(input_ids, attention_mask, embedding_table, classifier_w,
           classifier_b):
    p = _project_table(embedding_table, classifier_w.astype(jnp.float32))
    ids = input_ids.astype(jnp.int32)
    mask = attention_mask.astype(jnp.float32)
    b16 = jnp.pad(classifier_b.astype(jnp.float32), (0, L - 2))
    return _make_sc_pool()(ids, mask, p, b16).reshape(BATCH, 2)

# --- scband reference (transcript-rebuilt; emitter-appended) ---
"""Pipeline reference for scband-simple-bert-31568009625829 (READ-ONLY COPY).

The authoritative reference and input builder live on the scoring server;
editing this copy changes nothing except your own understanding.
"""

import jax, jax.numpy as jnp
import numpy as np

VOCAB = 30522
HIDDEN = 768
BATCH = 1024
SEQ = 200

def setup_inputs(seed: int = 0) -> dict:
    key = jax.random.key(seed)
    k1, k2, k3, k4 = jax.random.split(key, 4)
    input_ids = jax.random.randint(k1, (BATCH, SEQ), 0, VOCAB, dtype=jnp.int64 if jax.config.jax_enable_x64 else jnp.int32)
    attention_mask = jnp.ones((BATCH, SEQ), dtype=jnp.float32)
    embedding_table = jax.random.normal(k2, (VOCAB, HIDDEN), dtype=jnp.float32) * 0.02
    classifier_w = jax.random.normal(k3, (HIDDEN, 2), dtype=jnp.float32) * 0.02
    classifier_b = jnp.zeros((2,), dtype=jnp.float32)
    return {
        "input_ids": input_ids,
        "attention_mask": attention_mask,
        "embedding_table": embedding_table,
        "classifier_w": classifier_w,
        "classifier_b": classifier_b,
    }

def reference(input_ids, attention_mask, embedding_table, classifier_w, classifier_b):
    # nn.Embedding lookup -> gather rows from table
    embeddings = jnp.take(embedding_table, input_ids, axis=0)  # [B, S, H]
    # mask application
    mask = attention_mask[..., None].astype(jnp.float32)  # [B, S, 1]
    embeddings = embeddings * mask
    # mean pooling over sequence dim (matches torch .mean(dim=1))
    pooled = jnp.mean(embeddings, axis=1)  # [B, H]
    # linear classifier
    logits = pooled @ classifier_w + classifier_b  # [B, 2]
    return logits

if __name__ == "__main__":
    import jax
    _d = setup_inputs()
    print(jax.jit(kernel)(*tuple(_d.values())))

</pallas_src>

<mosaic_0001>
#map = affine_map<(d0, d1) -> (0, 0)>
#map1 = affine_map<(d0, d1) -> (0)>
module attributes {stable_mosaic.version = 14 : i64} {
  func.func @_sc_pool(%arg0: i32, %arg1: i32, %arg2: memref<1024x200xi32, #tpu.memory_space<hbm>>, %arg3: memref<1024x200xf32, #tpu.memory_space<hbm>>, %arg4: memref<30522xi32, #tpu.memory_space<hbm>>, %arg5: memref<16xf32, #tpu.memory_space<hbm>>, %arg6: memref<2048xf32, #tpu.memory_space<hbm>>, %arg7: memref<32x200xi32, #tpu.memory_space<vmem>>, %arg8: memref<32x200xf32, #tpu.memory_space<vmem>>, %arg9: memref<32x200xi32, #tpu.memory_space<vmem>>, %arg10: memref<16xf32, #tpu.memory_space<vmem>>, %arg11: memref<64xf32, #tpu.memory_space<vmem>>, %arg12: memref<!tpu.dma_semaphore, #tpu.memory_space<semaphore_mem>>, %arg13: memref<!tpu.dma_semaphore, #tpu.memory_space<semaphore_mem>>) attributes {dimension_semantics = [#tpu.dimension_semantics<core_parallel>, #tpu.dimension_semantics<subcore_parallel>], iteration_bounds = array<i64: 2, 16>, scalar_prefetch = 0 : i64, scratch_operands = 7 : i64, tpu.core_type = #tpu.core_type<sc_vector_subcore>, window_params = [{transform_indices = #map}, {transform_indices = #map}, {transform_indices = #map1}, {transform_indices = #map1}, {transform_indices = #map1}]} {
    %mul3A = arith.constant 2 : i32
    %mul3A_0 = arith.muli %arg1, %mul3A : i32
    %add3A = arith.addi %mul3A_0, %arg0 : i32
    %mul3A_1 = arith.constant 32 : i32
    %mul3A_2 = arith.muli %add3A, %mul3A_1 : i32
    "tpu.region"() ({
      %run_scoped3A = tpu.sem_alloc : memref<!tpu.dma_semaphore, #tpu.memory_space<semaphore_mem>>
      %dma_start3A_1305 = arith.constant 0 : i32
      %dma_start3A_1306 = tpu.memref_slice %arg2[%mul3A_2, %dma_start3A_1305] : memref<1024x200xi32, #tpu.memory_space<hbm>> -> memref<32x200xi32, #tpu.memory_space<hbm>>
      %dma_start3A_1307 = arith.constant 0 : i32
      %dma_start3A_1308 = tpu.memref_slice %arg2[%mul3A_2, %dma_start3A_1307] : memref<1024x200xi32, #tpu.memory_space<hbm>> -> memref<32x200xi32, #tpu.memory_space<hbm>>
      tpu.enqueue_dma source(%dma_start3A_1308 : memref<32x200xi32, #tpu.memory_space<hbm>>) target(%arg7 : memref<32x200xi32, #tpu.memory_space<vmem>>) target_semaphore(%run_scoped3A : memref<!tpu.dma_semaphore, #tpu.memory_space<semaphore_mem>>)
      %dma_wait3A_1309 = arith.constant 0 : i32
      %dma_wait3A_1310 = tpu.memref_slice %arg2[%mul3A_2, %dma_wait3A_1309] : memref<1024x200xi32, #tpu.memory_space<hbm>> -> memref<32x200xi32, #tpu.memory_space<hbm>>
      %dma_wait3A_1311 = arith.constant 0 : i32
      %dma_wait3A_1312 = tpu.memref_slice %arg2[%mul3A_2, %dma_wait3A_1311] : memref<1024x200xi32, #tpu.memory_space<hbm>> -> memref<32x200xi32, #tpu.memory_space<hbm>>
      tpu.wait_dma2 semaphore(%run_scoped3A : memref<!tpu.dma_semaphore, #tpu.memory_space<semaphore_mem>>) src(%dma_wait3A_1312 : memref<32x200xi32, #tpu.memory_space<hbm>>) dst(%arg7 : memref<32x200xi32, #tpu.memory_space<vmem>>)
      tpu.yield
    }) : () -> ()
    %dma_start3A = arith.constant 0 : i32
    %dma_start3A_3 = arith.constant 0 : i32
    %dma_start3A_4 = arith.constant 0 : i32
    %dma_start3A_5 = tpu.memref_slice %arg9[%dma_start3A_3, %dma_start3A_4] : memref<32x200xi32, #tpu.memory_space<vmem>> -> memref<1x128xi32, #tpu.memory_space<vmem>>
    %dma_start3A_6 = tpu.memref_squeeze %dma_start3A_5 : memref<1x128xi32, #tpu.memory_space<vmem>> -> memref<128xi32, #tpu.memory_space<vmem>>
    %dma_start3A_7 = arith.constant 0 : i32
    %dma_start3A_8 = tpu.memref_slice %arg7[%dma_start3A, %dma_start3A_7] : memref<32x200xi32, #tpu.memory_space<vmem>> -> memref<1x128xi32, #tpu.memory_space<vmem>>
    %dma_start3A_9 = tpu.memref_squeeze %dma_start3A_8 : memref<1x128xi32, #tpu.memory_space<vmem>> -> memref<128xi32, #tpu.memory_space<vmem>>
    %dma_start3A_10 = arith.constant 0 : i32
    %dma_start3A_11 = tpu.memref_slice %arg4[%dma_start3A_10] : memref<30522xi32, #tpu.memory_space<hbm>> -> memref<30522xi32, #tpu.memory_space<hbm>>
    tpu.enqueue_indirect_dma source(%dma_start3A_11 : memref<30522xi32, #tpu.memory_space<hbm>>) target(%dma_start3A_6 : memref<128xi32, #tpu.memory_space<vmem>>) offsets(%dma_start3A_9 : memref<128xi32, #tpu.memory_space<vmem>>) semaphore(%arg12 : memref<!tpu.dma_semaphore, #tpu.memory_space<semaphore_mem>>)
    %dma_start3A_12 = arith.constant 0 : i32
    %dma_start3A_13 = arith.constant 0 : i32
    %dma_start3A_14 = arith.constant 128 : i32
    %dma_start3A_15 = tpu.memref_slice %arg9[%dma_start3A_13, %dma_start3A_14] : memref<32x200xi32, #tpu.memory_space<vmem>> -> memref<1x72xi32, #tpu.memory_space<vmem>>
    %dma_start3A_16 = tpu.memref_squeeze %dma_start3A_15 : memref<1x72xi32, #tpu.memory_space<vmem>> -> memref<72xi32, #tpu.memory_space<vmem>>
    %dma_start3A_17 = arith.constant 128 : i32
    %dma_start3A_18 = tpu.memref_slice %arg7[%dma_start3A_12, %dma_start3A_17] : memref<32x200xi32, #tpu.memory_space<vmem>> -> memref<1x72xi32, #tpu.memory_space<vmem>>
    %dma_start3A_19 = tpu.memref_squeeze %dma_start3A_18 : memref<1x72xi32, #tpu.memory_space<vmem>> -> memref<72xi32, #tpu.memory_space<vmem>>
    %dma_start3A_20 = arith.constant 0 : i32
    %dma_start3A_21 = tpu.memref_slice %arg4[%dma_start3A_20] : memref<30522xi32, #tpu.memory_space<hbm>> -> memref<30522xi32, #tpu.memory_space<hbm>>
    tpu.enqueue_indirect_dma source(%dma_start3A_21 : memref<30522xi32, #tpu.memory_space<hbm>>) target(%dma_start3A_16 : memref<72xi32, #tpu.memory_space<vmem>>) offsets(%dma_start3A_19 : memref<72xi32, #tpu.memory_space<vmem>>) semaphore(%arg12 : memref<!tpu.dma_semaphore, #tpu.memory_space<semaphore_mem>>)
    %dma_start3A_22 = arith.constant 1 : i32
    %dma_start3A_23 = arith.constant 1 : i32
    %dma_start3A_24 = arith.constant 0 : i32
    %dma_start3A_25 = tpu.memref_slice %arg9[%dma_start3A_23, %dma_start3A_24] : memref<32x200xi32, #tpu.memory_space<vmem>> -> memref<1x128xi32, #tpu.memory_space<vmem>>
    %dma_start3A_26 = tpu.memref_squeeze %dma_start3A_25 : memref<1x128xi32, #tpu.memory_space<vmem>> -> memref<128xi32, #tpu.memory_space<vmem>>
    %dma_start3A_27 = arith.constant 0 : i32
    %dma_start3A_28 = tpu.memref_slice %arg7[%dma_start3A_22, %dma_start3A_27] : memref<32x200xi32, #tpu.memory_space<vmem>> -> memref<1x128xi32, #tpu.memory_space<vmem>>
    %dma_start3A_29 = tpu.memref_squeeze %dma_start3A_28 : memref<1x128xi32, #tpu.memory_space<vmem>> -> memref<128xi32, #tpu.memory_space<vmem>>
    %dma_start3A_30 = arith.constant 0 : i32
    %dma_start3A_31 = tpu.memref_slice %arg4[%dma_start3A_30] : memref<30522xi32, #tpu.memory_space<hbm>> -> memref<30522xi32, #tpu.memory_space<hbm>>
    tpu.enqueue_indirect_dma source(%dma_start3A_31 : memref<30522xi32, #tpu.memory_space<hbm>>) target(%dma_start3A_26 : memref<128xi32, #tpu.memory_space<vmem>>) offsets(%dma_start3A_29 : memref<128xi32, #tpu.memory_space<vmem>>) semaphore(%arg12 : memref<!tpu.dma_semaphore, #tpu.memory_space<semaphore_mem>>)
    %dma_start3A_32 = arith.constant 1 : i32
    %dma_start3A_33 = arith.constant 1 : i32
    %dma_start3A_34 = arith.constant 128 : i32
    %dma_start3A_35 = tpu.memref_slice %arg9[%dma_start3A_33, %dma_start3A_34] : memref<32x200xi32, #tpu.memory_space<vmem>> -> memref<1x72xi32, #tpu.memory_space<vmem>>
    %dma_start3A_36 = tpu.memref_squeeze %dma_start3A_35 : memref<1x72xi32, #tpu.memory_space<vmem>> -> memref<72xi32, #tpu.memory_space<vmem>>
    %dma_start3A_37 = arith.constant 128 : i32
    %dma_start3A_38 = tpu.memref_slice %arg7[%dma_start3A_32, %dma_start3A_37] : memref<32x200xi32, #tpu.memory_space<vmem>> -> memref<1x72xi32, #tpu.memory_space<vmem>>
    %dma_start3A_39 = tpu.memref_squeeze %dma_start3A_38 : memref<1x72xi32, #tpu.memory_space<vmem>> -> memref<72xi32, #tpu.memory_space<vmem>>
    %dma_start3A_40 = arith.constant 0 : i32
    %dma_start3A_41 = tpu.memref_slice %arg4[%dma_start3A_40] : memref<30522xi32, #tpu.memory_space<hbm>> -> memref<30522xi32, #tpu.memory_space<hbm>>
    tpu.enqueue_indirect_dma source(%dma_start3A_41 : memref<30522xi32, #tpu.memory_space<hbm>>) target(%dma_start3A_36 : memref<72xi32, #tpu.memory_space<vmem>>) offsets(%dma_start3A_39 : memref<72xi32, #tpu.memory_space<vmem>>) semaphore(%arg12 : memref<!tpu.dma_semaphore, #tpu.memory_space<semaphore_mem>>)
    %dma_start3A_42 = arith.constant 2 : i32
    %dma_start3A_43 = arith.constant 2 : i32
    %dma_start3A_44 = arith.constant 0 : i32
    %dma_start3A_45 = tpu.memref_slice %arg9[%dma_start3A_43, %dma_start3A_44] : memref<32x200xi32, #tpu.memory_space<vmem>> -> memref<1x128xi32, #tpu.memory_space<vmem>>
    %dma_start3A_46 = tpu.memref_squeeze %dma_start3A_45 : memref<1x128xi32, #tpu.memory_space<vmem>> -> memref<128xi32, #tpu.memory_space<vmem>>
    %dma_start3A_47 = arith.constant 0 : i32
    %dma_start3A_48 = tpu.memref_slice %arg7[%dma_start3A_42, %dma_start3A_47] : memref<32x200xi32, #tpu.memory_space<vmem>> -> memref<1x128xi32, #tpu.memory_space<vmem>>
    %dma_start3A_49 = tpu.memref_squeeze %dma_start3A_48 : memref<1x128xi32, #tpu.memory_space<vmem>> -> memref<128xi32, #tpu.memory_space<vmem>>
    %dma_start3A_50 = arith.constant 0 : i32
    %dma_start3A_51 = tpu.memref_slice %arg4[%dma_start3A_50] : memref<30522xi32, #tpu.memory_space<hbm>> -> memref<30522xi32, #tpu.memory_space<hbm>>
    tpu.enqueue_indirect_dma source(%dma_start3A_51 : memref<30522xi32, #tpu.memory_space<hbm>>) target(%dma_start3A_46 : memref<128xi32, #tpu.memory_space<vmem>>) offsets(%dma_start3A_49 : memref<128xi32, #tpu.memory_space<vmem>>) semaphore(%arg12 : memref<!tpu.dma_semaphore, #tpu.memory_space<semaphore_mem>>)
    %dma_start3A_52 = arith.constant 2 : i32
    %dma_start3A_53 = arith.constant 2 : i32
    %dma_start3A_54 = arith.constant 128 : i32
    %dma_start3A_55 = tpu.memref_slice %arg9[%dma_start3A_53, %dma_start3A_54] : memref<32x200xi32, #tpu.memory_space<vmem>> -> memref<1x72xi32, #tpu.memory_space<vmem>>
    %dma_start3A_56 = tpu.memref_squeeze %dma_start3A_55 : memref<1x72xi32, #tpu.memory_space<vmem>> -> memref<72xi32, #tpu.memory_space<vmem>>
    %dma_start3A_57 = arith.constant 128 : i32
    %dma_start3A_58 = tpu.memref_slice %arg7[%dma_start3A_52, %dma_start3A_57] : memref<32x200xi32, #tpu.memory_space<vmem>> -> memref<1x72xi32, #tpu.memory_space<vmem>>
    %dma_start3A_59 = tpu.memref_squeeze %dma_start3A_58 : memref<1x72xi32, #tpu.memory_space<vmem>> -> memref<72xi32, #tpu.memory_space<vmem>>
    %dma_start3A_60 = arith.constant 0 : i32
    %dma_start3A_61 = tpu.memref_slice %arg4[%dma_start3A_60] : memref<30522xi32, #tpu.memory_space<hbm>> -> memref<30522xi32, #tpu.memory_space<hbm>>
    tpu.enqueue_indirect_dma source(%dma_start3A_61 : memref<30522xi32, #tpu.memory_space<hbm>>) target(%dma_start3A_56 : memref<72xi32, #tpu.memory_space<vmem>>) offsets(%dma_start3A_59 : memref<72xi32, #tpu.memory_space<vmem>>) semaphore(%arg12 : memref<!tpu.dma_semaphore, #tpu.memory_space<semaphore_mem>>)
    %dma_start3A_62 = arith.constant 3 : i32
    %dma_start3A_63 = arith.constant 3 : i32
    %dma_start3A_64 = arith.constant 0 : i32
    %dma_start3A_65 = tpu.memref_slice %arg9[%dma_start3A_63, %dma_start3A_64] : memref<32x200xi32, #tpu.memory_space<vmem>> -> memref<1x128xi32, #tpu.memory_space<vmem>>
    %dma_start3A_66 = tpu.memref_squeeze %dma_start3A_65 : memref<1x128xi32, #tpu.memory_space<vmem>> -> memref<128xi32, #tpu.memory_space<vmem>>
    %dma_start3A_67 = arith.constant 0 : i32
    %dma_start3A_68 = tpu.memref_slice %arg7[%dma_start3A_62, %dma_start3A_67] : memref<32x200xi32, #tpu.memory_space<vmem>> -> memref<1x128xi32, #tpu.memory_space<vmem>>
    %dma_start3A_69 = tpu.memref_squeeze %dma_start3A_68 : memref<1x128xi32, #tpu.memory_space<vmem>> -> memref<128xi32, #tpu.memory_space<vmem>>
    %dma_start3A_70 = arith.constant 0 : i32
    %dma_start3A_71 = tpu.memref_slice %arg4[%dma_start3A_70] : memref<30522xi32, #tpu.memory_space<hbm>> -> memref<30522xi32, #tpu.memory_space<hbm>>
    tpu.enqueue_indirect_dma source(%dma_start3A_71 : memref<30522xi32, #tpu.memory_space<hbm>>) target(%dma_start3A_66 : memref<128xi32, #tpu.memory_space<vmem>>) offsets(%dma_start3A_69 : memref<128xi32, #tpu.memory_space<vmem>>) semaphore(%arg12 : memref<!tpu.dma_semaphore, #tpu.memory_space<semaphore_mem>>)
    %dma_start3A_72 = arith.constant 3 : i32
    %dma_start3A_73 = arith.constant 3 : i32
    %dma_start3A_74 = arith.constant 128 : i32
    %dma_start3A_75 = tpu.memref_slice %arg9[%dma_start3A_73, %dma_start3A_74] : memref<32x200xi32, #tpu.memory_space<vmem>> -> memref<1x72xi32, #tpu.memory_space<vmem>>
    %dma_start3A_76 = tpu.memref_squeeze %dma_start3A_75 : memref<1x72xi32, #tpu.memory_space<vmem>> -> memref<72xi32, #tpu.memory_space<vmem>>
    %dma_start3A_77 = arith.constant 128 : i32
    %dma_start3A_78 = tpu.memref_slice %arg7[%dma_start3A_72, %dma_start3A_77] : memref<32x200xi32, #tpu.memory_space<vmem>> -> memref<1x72xi32, #tpu.memory_space<vmem>>
    %dma_start3A_79 = tpu.memref_squeeze %dma_start3A_78 : memref<1x72xi32, #tpu.memory_space<vmem>> -> memref<72xi32, #tpu.memory_space<vmem>>
    %dma_start3A_80 = arith.constant 0 : i32
    %dma_start3A_81 = tpu.memref_slice %arg4[%dma_start3A_80] : memref<30522xi32, #tpu.memory_space<hbm>> -> memref<30522xi32, #tpu.memory_space<hbm>>
    tpu.enqueue_indirect_dma source(%dma_start3A_81 : memref<30522xi32, #tpu.memory_space<hbm>>) target(%dma_start3A_76 : memref<72xi32, #tpu.memory_space<vmem>>) offsets(%dma_start3A_79 : memref<72xi32, #tpu.memory_space<vmem>>) semaphore(%arg12 : memref<!tpu.dma_semaphore, #tpu.memory_space<semaphore_mem>>)
    %dma_start3A_82 = arith.constant 4 : i32
    %dma_start3A_83 = arith.constant 4 : i32
    %dma_start3A_84 = arith.constant 0 : i32
    %dma_start3A_85 = tpu.memref_slice %arg9[%dma_start3A_83, %dma_start3A_84] : memref<32x200xi32, #tpu.memory_space<vmem>> -> memref<1x128xi32, #tpu.memory_space<vmem>>
    %dma_start3A_86 = tpu.memref_squeeze %dma_start3A_85 : memref<1x128xi32, #tpu.memory_space<vmem>> -> memref<128xi32, #tpu.memory_space<vmem>>
    %dma_start3A_87 = arith.constant 0 : i32
    %dma_start3A_88 = tpu.memref_slice %arg7[%dma_start3A_82, %dma_start3A_87] : memref<32x200xi32, #tpu.memory_space<vmem>> -> memref<1x128xi32, #tpu.memory_space<vmem>>
    %dma_start3A_89 = tpu.memref_squeeze %dma_start3A_88 : memref<1x128xi32, #tpu.memory_space<vmem>> -> memref<128xi32, #tpu.memory_space<vmem>>
    %dma_start3A_90 = arith.constant 0 : i32
    %dma_start3A_91 = tpu.memref_slice %arg4[%dma_start3A_90] : memref<30522xi32, #tpu.memory_space<hbm>> -> memref<30522xi32, #tpu.memory_space<hbm>>
    tpu.enqueue_indirect_dma source(%dma_start3A_91 : memref<30522xi32, #tpu.memory_space<hbm>>) target(%dma_start3A_86 : memref<128xi32, #tpu.memory_space<vmem>>) offsets(%dma_start3A_89 : memref<128xi32, #tpu.memory_space<vmem>>) semaphore(%arg12 : memref<!tpu.dma_semaphore, #tpu.memory_space<semaphore_mem>>)
    %dma_start3A_92 = arith.constant 4 : i32
    %dma_start3A_93 = arith.constant 4 : i32
    %dma_start3A_94 = arith.constant 128 : i32
    %dma_start3A_95 = tpu.memref_slice %arg9[%dma_start3A_93, %dma_start3A_94] : memref<32x200xi32, #tpu.memory_space<vmem>> -> memref<1x72xi32, #tpu.memory_space<vmem>>
    %dma_start3A_96 = tpu.memref_squeeze %dma_start3A_95 : memref<1x72xi32, #tpu.memory_space<vmem>> -> memref<72xi32, #tpu.memory_space<vmem>>
    %dma_start3A_97 = arith.constant 128 : i32
    %dma_start3A_98 = tpu.memref_slice %arg7[%dma_start3A_92, %dma_start3A_97] : memref<32x200xi32, #tpu.memory_space<vmem>> -> memref<1x72xi32, #tpu.memory_space<vmem>>
    %dma_start3A_99 = tpu.memref_squeeze %dma_start3A_98 : memref<1x72xi32, #tpu.memory_space<vmem>> -> memref<72xi32, #tpu.memory_space<vmem>>
    %dma_start3A_100 = arith.constant 0 : i32
    %dma_start3A_101 = tpu.memref_slice %arg4[%dma_start3A_100] : memref<30522xi32, #tpu.memory_space<hbm>> -> memref<30522xi32, #tpu.memory_space<hbm>>
    tpu.enqueue_indirect_dma source(%dma_start3A_101 : memref<30522xi32, #tpu.memory_space<hbm>>) target(%dma_start3A_96 : memref<72xi32, #tpu.memory_space<vmem>>) offsets(%dma_start3A_99 : memref<72xi32, #tpu.memory_space<vmem>>) semaphore(%arg12 : memref<!tpu.dma_semaphore, #tpu.memory_space<semaphore_mem>>)
    %dma_start3A_102 = arith.constant 5 : i32
    %dma_start3A_103 = arith.constant 5 : i32
    %dma_start3A_104 = arith.constant 0 : i32
    %dma_start3A_105 = tpu.memref_slice %arg9[%dma_start3A_103, %dma_start3A_104] : memref<32x200xi32, #tpu.memory_space<vmem>> -> memref<1x128xi32, #tpu.memory_space<vmem>>
    %dma_start3A_106 = tpu.memref_squeeze %dma_start3A_105 : memref<1x128xi32, #tpu.memory_space<vmem>> -> memref<128xi32, #tpu.memory_space<vmem>>
    %dma_start3A_107 = arith.constant 0 : i32
    %dma_start3A_108 = tpu.memref_slice %arg7[%dma_start3A_102, %dma_start3A_107] : memref<32x200xi32, #tpu.memory_space<vmem>> -> memref<1x128xi32, #tpu.memory_space<vmem>>
    %dma_start3A_109 = tpu.memref_squeeze %dma_start3A_108 : memref<1x128xi32, #tpu.memory_space<vmem>> -> memref<128xi32, #tpu.memory_space<vmem>>
    %dma_start3A_110 = arith.constant 0 : i32
    %dma_start3A_111 = tpu.memref_slice %arg4[%dma_start3A_110] : memref<30522xi32, #tpu.memory_space<hbm>> -> memref<30522xi32, #tpu.memory_space<hbm>>
    tpu.enqueue_indirect_dma source(%dma_start3A_111 : memref<30522xi32, #tpu.memory_space<hbm>>) target(%dma_start3A_106 : memref<128xi32, #tpu.memory_space<vmem>>) offsets(%dma_start3A_109 : memref<128xi32, #tpu.memory_space<vmem>>) semaphore(%arg12 : memref<!tpu.dma_semaphore, #tpu.memory_space<semaphore_mem>>)
    %dma_start3A_112 = arith.constant 5 : i32
    %dma_start3A_113 = arith.constant 5 : i32
    %dma_start3A_114 = arith.constant 128 : i32
    %dma_start3A_115 = tpu.memref_slice %arg9[%dma_start3A_113, %dma_start3A_114] : memref<32x200xi32, #tpu.memory_space<vmem>> -> memref<1x72xi32, #tpu.memory_space<vmem>>
    %dma_start3A_116 = tpu.memref_squeeze %dma_start3A_115 : memref<1x72xi32, #tpu.memory_space<vmem>> -> memref<72xi32, #tpu.memory_space<vmem>>
    %dma_start3A_117 = arith.constant 128 : i32
    %dma_start3A_118 = tpu.memref_slice %arg7[%dma_start3A_112, %dma_start3A_117] : memref<32x200xi32, #tpu.memory_space<vmem>> -> memref<1x72xi32, #tpu.memory_space<vmem>>
    %dma_start3A_119 = tpu.memref_squeeze %dma_start3A_118 : memref<1x72xi32, #tpu.memory_space<vmem>> -> memref<72xi32, #tpu.memory_space<vmem>>
    %dma_start3A_120 = arith.constant 0 : i32
    %dma_start3A_121 = tpu.memref_slice %arg4[%dma_start3A_120] : memref<30522xi32, #tpu.memory_space<hbm>> -> memref<30522xi32, #tpu.memory_space<hbm>>
    tpu.enqueue_indirect_dma source(%dma_start3A_121 : memref<30522xi32, #tpu.memory_space<hbm>>) target(%dma_start3A_116 : memref<72xi32, #tpu.memory_space<vmem>>) offsets(%dma_start3A_119 : memref<72xi32, #tpu.memory_space<vmem>>) semaphore(%arg12 : memref<!tpu.dma_semaphore, #tpu.memory_space<semaphore_mem>>)
    %dma_start3A_122 = arith.constant 6 : i32
    %dma_start3A_123 = arith.constant 6 : i32
    %dma_start3A_124 = arith.constant 0 : i32
    %dma_start3A_125 = tpu.memref_slice %arg9[%dma_start3A_123, %dma_start3A_124] : memref<32x200xi32, #tpu.memory_space<vmem>> -> memref<1x128xi32, #tpu.memory_space<vmem>>
    %dma_start3A_126 = tpu.memref_squeeze %dma_start3A_125 : memref<1x128xi32, #tpu.memory_space<vmem>> -> memref<128xi32, #tpu.memory_space<vmem>>
    %dma_start3A_127 = arith.constant 0 : i32
    %dma_start3A_128 = tpu.memref_slice %arg7[%dma_start3A_122, %dma_start3A_127] : memref<32x200xi32, #tpu.memory_space<vmem>> -> memref<1x128xi32, #tpu.memory_space<vmem>>
    %dma_start3A_129 = tpu.memref_squeeze %dma_start3A_128 : memref<1x128xi32, #tpu.memory_space<vmem>> -> memref<128xi32, #tpu.memory_space<vmem>>
    %dma_start3A_130 = arith.constant 0 : i32
    %dma_start3A_131 = tpu.memref_slice %arg4[%dma_start3A_130] : memref<30522xi32, #tpu.memory_space<hbm>> -> memref<30522xi32, #tpu.memory_space<hbm>>
    tpu.enqueue_indirect_dma source(%dma_start3A_131 : memref<30522xi32, #tpu.memory_space<hbm>>) target(%dma_start3A_126 : memref<128xi32, #tpu.memory_space<vmem>>) offsets(%dma_start3A_129 : memref<128xi32, #tpu.memory_space<vmem>>) semaphore(%arg12 : memref<!tpu.dma_semaphore, #tpu.memory_space<semaphore_mem>>)
    %dma_start3A_132 = arith.constant 6 : i32
    %dma_start3A_133 = arith.constant 6 : i32
    %dma_start3A_134 = arith.constant 128 : i32
    %dma_start3A_135 = tpu.memref_slice %arg9[%dma_start3A_133, %dma_start3A_134] : memref<32x200xi32, #tpu.memory_space<vmem>> -> memref<1x72xi32, #tpu.memory_space<vmem>>
    %dma_start3A_136 = tpu.memref_squeeze %dma_start3A_135 : memref<1x72xi32, #tpu.memory_space<vmem>> -> memref<72xi32, #tpu.memory_space<vmem>>
    %dma_start3A_137 = arith.constant 128 : i32
    %dma_start3A_138 = tpu.memref_slice %arg7[%dma_start3A_132, %dma_start3A_137] : memref<32x200xi32, #tpu.memory_space<vmem>> -> memref<1x72xi32, #tpu.memory_space<vmem>>
    %dma_start3A_139 = tpu.memref_squeeze %dma_start3A_138 : memref<1x72xi32, #tpu.memory_space<vmem>> -> memref<72xi32, #tpu.memory_space<vmem>>
    %dma_start3A_140 = arith.constant 0 : i32
    %dma_start3A_141 = tpu.memref_slice %arg4[%dma_start3A_140] : memref<30522xi32, #tpu.memory_space<hbm>> -> memref<30522xi32, #tpu.memory_space<hbm>>
    tpu.enqueue_indirect_dma source(%dma_start3A_141 : memref<30522xi32, #tpu.memory_space<hbm>>) target(%dma_start3A_136 : memref<72xi32, #tpu.memory_space<vmem>>) offsets(%dma_start3A_139 : memref<72xi32, #tpu.memory_space<vmem>>) semaphore(%arg12 : memref<!tpu.dma_semaphore, #tpu.memory_space<semaphore_mem>>)
    %dma_start3A_142 = arith.constant 7 : i32
    %dma_start3A_143 = arith.constant 7 : i32
    %dma_start3A_144 = arith.constant 0 : i32
    %dma_start3A_145 = tpu.memref_slice %arg9[%dma_start3A_143, %dma_start3A_144] : memref<32x200xi32, #tpu.memory_space<vmem>> -> memref<1x128xi32, #tpu.memory_space<vmem>>
    %dma_start3A_146 = tpu.memref_squeeze %dma_start3A_145 : memref<1x128xi32, #tpu.memory_space<vmem>> -> memref<128xi32, #tpu.memory_space<vmem>>
    %dma_start3A_147 = arith.constant 0 : i32
    %dma_start3A_148 = tpu.memref_slice %arg7[%dma_start3A_142, %dma_start3A_147] : memref<32x200xi32, #tpu.memory_space<vmem>> -> memref<1x128xi32, #tpu.memory_space<vmem>>
    %dma_start3A_149 = tpu.memref_squeeze %dma_start3A_148 : memref<1x128xi32, #tpu.memory_space<vmem>> -> memref<128xi32, #tpu.memory_space<vmem>>
    %dma_start3A_150 = arith.constant 0 : i32
    %dma_start3A_151 = tpu.memref_slice %arg4[%dma_start3A_150] : memref<30522xi32, #tpu.memory_space<hbm>> -> memref<30522xi32, #tpu.memory_space<hbm>>
    tpu.enqueue_indirect_dma source(%dma_start3A_151 : memref<30522xi32, #tpu.memory_space<hbm>>) target(%dma_start3A_146 : memref<128xi32, #tpu.memory_space<vmem>>) offsets(%dma_start3A_149 : memref<128xi32, #tpu.memory_space<vmem>>) semaphore(%arg12 : memref<!tpu.dma_semaphore, #tpu.memory_space<semaphore_mem>>)
    %dma_start3A_152 = arith.constant 7 : i32
    %dma_start3A_153 = arith.constant 7 : i32
    %dma_start3A_154 = arith.constant 128 : i32
    %dma_start3A_155 = tpu.memref_slice %arg9[%dma_start3A_153, %dma_start3A_154] : memref<32x200xi32, #tpu.memory_space<vmem>> -> memref<1x72xi32, #tpu.memory_space<vmem>>
    %dma_start3A_156 = tpu.memref_squeeze %dma_start3A_155 : memref<1x72xi32, #tpu.memory_space<vmem>> -> memref<72xi32, #tpu.memory_space<vmem>>
    %dma_start3A_157 = arith.constant 128 : i32
    %dma_start3A_158 = tpu.memref_slice %arg7[%dma_start3A_152, %dma_start3A_157] : memref<32x200xi32, #tpu.memory_space<vmem>> -> memref<1x72xi32, #tpu.memory_space<vmem>>
    %dma_start3A_159 = tpu.memref_squeeze %dma_start3A_158 : memref<1x72xi32, #tpu.memory_space<vmem>> -> memref<72xi32, #tpu.memory_space<vmem>>
    %dma_start3A_160 = arith.constant 0 : i32
    %dma_start3A_161 = tpu.memref_slice %arg4[%dma_start3A_160] : memref<30522xi32, #tpu.memory_space<hbm>> -> memref<30522xi32, #tpu.memory_space<hbm>>
    tpu.enqueue_indirect_dma source(%dma_start3A_161 : memref<30522xi32, #tpu.memory_space<hbm>>) target(%dma_start3A_156 : memref<72xi32, #tpu.memory_space<vmem>>) offsets(%dma_start3A_159 : memref<72xi32, #tpu.memory_space<vmem>>) semaphore(%arg12 : memref<!tpu.dma_semaphore, #tpu.memory_space<semaphore_mem>>)
    %dma_start3A_162 = arith.constant 8 : i32
    %dma_start3A_163 = arith.constant 8 : i32
    %dma_start3A_164 = arith.constant 0 : i32
    %dma_start3A_165 = tpu.memref_slice %arg9[%dma_start3A_163, %dma_start3A_164] : memref<32x200xi32, #tpu.memory_space<vmem>> -> memref<1x128xi32, #tpu.memory_space<vmem>>
    %dma_start3A_166 = tpu.memref_squeeze %dma_start3A_165 : memref<1x128xi32, #tpu.memory_space<vmem>> -> memref<128xi32, #tpu.memory_space<vmem>>
    %dma_start3A_167 = arith.constant 0 : i32
    %dma_start3A_168 = tpu.memref_slice %arg7[%dma_start3A_162, %dma_start3A_167] : memref<32x200xi32, #tpu.memory_space<vmem>> -> memref<1x128xi32, #tpu.memory_space<vmem>>
    %dma_start3A_169 = tpu.memref_squeeze %dma_start3A_168 : memref<1x128xi32, #tpu.memory_space<vmem>> -> memref<128xi32, #tpu.memory_space<vmem>>
    %dma_start3A_170 = arith.constant 0 : i32
    %dma_start3A_171 = tpu.memref_slice %arg4[%dma_start3A_170] : memref<30522xi32, #tpu.memory_space<hbm>> -> memref<30522xi32, #tpu.memory_space<hbm>>
    tpu.enqueue_indirect_dma source(%dma_start3A_171 : memref<30522xi32, #tpu.memory_space<hbm>>) target(%dma_start3A_166 : memref<128xi32, #tpu.memory_space<vmem>>) offsets(%dma_start3A_169 : memref<128xi32, #tpu.memory_space<vmem>>) semaphore(%arg12 : memref<!tpu.dma_semaphore, #tpu.memory_space<semaphore_mem>>)
    %dma_start3A_172 = arith.constant 8 : i32
    %dma_start3A_173 = arith.constant 8 : i32
    %dma_start3A_174 = arith.constant 128 : i32
    %dma_start3A_175 = tpu.memref_slice %arg9[%dma_start3A_173, %dma_start3A_174] : memref<32x200xi32, #tpu.memory_space<vmem>> -> memref<1x72xi32, #tpu.memory_space<vmem>>
    %dma_start3A_176 = tpu.memref_squeeze %dma_start3A_175 : memref<1x72xi32, #tpu.memory_space<vmem>> -> memref<72xi32, #tpu.memory_space<vmem>>
    %dma_start3A_177 = arith.constant 128 : i32
    %dma_start3A_178 = tpu.memref_slice %arg7[%dma_start3A_172, %dma_start3A_177] : memref<32x200xi32, #tpu.memory_space<vmem>> -> memref<1x72xi32, #tpu.memory_space<vmem>>
    %dma_start3A_179 = tpu.memref_squeeze %dma_start3A_178 : memref<1x72xi32, #tpu.memory_space<vmem>> -> memref<72xi32, #tpu.memory_space<vmem>>
    %dma_start3A_180 = arith.constant 0 : i32
    %dma_start3A_181 = tpu.memref_slice %arg4[%dma_start3A_180] : memref<30522xi32, #tpu.memory_space<hbm>> -> memref<30522xi32, #tpu.memory_space<hbm>>
    tpu.enqueue_indirect_dma source(%dma_start3A_181 : memref<30522xi32, #tpu.memory_space<hbm>>) target(%dma_start3A_176 : memref<72xi32, #tpu.memory_space<vmem>>) offsets(%dma_start3A_179 : memref<72xi32, #tpu.memory_space<vmem>>) semaphore(%arg12 : memref<!tpu.dma_semaphore, #tpu.memory_space<semaphore_mem>>)
    %dma_start3A_182 = arith.constant 9 : i32
    %dma_start3A_183 = arith.constant 9 : i32
    %dma_start3A_184 = arith.constant 0 : i32
    %dma_start3A_185 = tpu.memref_slice %arg9[%dma_start3A_183, %dma_start3A_184] : memref<32x200xi32, #tpu.memory_space<vmem>> -> memref<1x128xi32, #tpu.memory_space<vmem>>
    %dma_start3A_186 = tpu.memref_squeeze %dma_start3A_185 : memref<1x128xi32, #tpu.memory_space<vmem>> -> memref<128xi32, #tpu.memory_space<vmem>>
    %dma_start3A_187 = arith.constant 0 : i32
    %dma_start3A_188 = tpu.memref_slice %arg7[%dma_start3A_182, %dma_start3A_187] : memref<32x200xi32, #tpu.memory_space<vmem>> -> memref<1x128xi32, #tpu.memory_space<vmem>>
    %dma_start3A_189 = tpu.memref_squeeze %dma_start3A_188 : memref<1x128xi32, #tpu.memory_space<vmem>> -> memref<128xi32, #tpu.memory_space<vmem>>
    %dma_start3A_190 = arith.constant 0 : i32
    %dma_start3A_191 = tpu.memref_slice %arg4[%dma_start3A_190] : memref<30522xi32, #tpu.memory_space<hbm>> -> memref<30522xi32, #tpu.memory_space<hbm>>
    tpu.enqueue_indirect_dma source(%dma_start3A_191 : memref<30522xi32, #tpu.memory_space<hbm>>) target(%dma_start3A_186 : memref<128xi32, #tpu.memory_space<vmem>>) offsets(%dma_start3A_189 : memref<128xi32, #tpu.memory_space<vmem>>) semaphore(%arg12 : memref<!tpu.dma_semaphore, #tpu.memory_space<semaphore_mem>>)
    %dma_start3A_192 = arith.constant 9 : i32
    %dma_start3A_193 = arith.constant 9 : i32
    %dma_start3A_194 = arith.constant 128 : i32
    %dma_start3A_195 = tpu.memref_slice %arg9[%dma_start3A_193, %dma_start3A_194] : memref<32x200xi32, #tpu.memory_space<vmem>> -> memref<1x72xi32, #tpu.memory_space<vmem>>
    %dma_start3A_196 = tpu.memref_squeeze %dma_start3A_195 : memref<1x72xi32, #tpu.memory_space<vmem>> -> memref<72xi32, #tpu.memory_space<vmem>>
    %dma_start3A_197 = arith.constant 128 : i32
    %dma_start3A_198 = tpu.memref_slice %arg7[%dma_start3A_192, %dma_start3A_197] : memref<32x200xi32, #tpu.memory_space<vmem>> -> memref<1x72xi32, #tpu.memory_space<vmem>>
    %dma_start3A_199 = tpu.memref_squeeze %dma_start3A_198 : memref<1x72xi32, #tpu.memory_space<vmem>> -> memref<72xi32, #tpu.memory_space<vmem>>
    %dma_start3A_200 = arith.constant 0 : i32
    %dma_start3A_201 = tpu.memref_slice %arg4[%dma_start3A_200] : memref<30522xi32, #tpu.memory_space<hbm>> -> memref<30522xi32, #tpu.memory_space<hbm>>
    tpu.enqueue_indirect_dma source(%dma_start3A_201 : memref<30522xi32, #tpu.memory_space<hbm>>) target(%dma_start3A_196 : memref<72xi32, #tpu.memory_space<vmem>>) offsets(%dma_start3A_199 : memref<72xi32, #tpu.memory_space<vmem>>) semaphore(%arg12 : memref<!tpu.dma_semaphore, #tpu.memory_space<semaphore_mem>>)
    %dma_start3A_202 = arith.constant 10 : i32
    %dma_start3A_203 = arith.constant 10 : i32
    %dma_start3A_204 = arith.constant 0 : i32
    %dma_start3A_205 = tpu.memref_slice %arg9[%dma_start3A_203, %dma_start3A_204] : memref<32x200xi32, #tpu.memory_space<vmem>> -> memref<1x128xi32, #tpu.memory_space<vmem>>
    %dma_start3A_206 = tpu.memref_squeeze %dma_start3A_205 : memref<1x128xi32, #tpu.memory_space<vmem>> -> memref<128xi32, #tpu.memory_space<vmem>>
    %dma_start3A_207 = arith.constant 0 : i32
    %dma_start3A_208 = tpu.memref_slice %arg7[%dma_start3A_202, %dma_start3A_207] : memref<32x200xi32, #tpu.memory_space<vmem>> -> memref<1x128xi32, #tpu.memory_space<vmem>>
    %dma_start3A_209 = tpu.memref_squeeze %dma_start3A_208 : memref<1x128xi32, #tpu.memory_space<vmem>> -> memref<128xi32, #tpu.memory_space<vmem>>
    %dma_start3A_210 = arith.constant 0 : i32
    %dma_start3A_211 = tpu.memref_slice %arg4[%dma_start3A_210] : memref<30522xi32, #tpu.memory_space<hbm>> -> memref<30522xi32, #tpu.memory_space<hbm>>
    tpu.enqueue_indirect_dma source(%dma_start3A_211 : memref<30522xi32, #tpu.memory_space<hbm>>) target(%dma_start3A_206 : memref<128xi32, #tpu.memory_space<vmem>>) offsets(%dma_start3A_209 : memref<128xi32, #tpu.memory_space<vmem>>) semaphore(%arg12 : memref<!tpu.dma_semaphore, #tpu.memory_space<semaphore_mem>>)
    %dma_start3A_212 = arith.constant 10 : i32
    %dma_start3A_213 = arith.constant 10 : i32
    %dma_start3A_214 = arith.constant 128 : i32
    %dma_start3A_215 = tpu.memref_slice %arg9[%dma_start3A_213, %dma_start3A_214] : memref<32x200xi32, #tpu.memory_space<vmem>> -> memref<1x72xi32, #tpu.memory_space<vmem>>
    %dma_start3A_216 = tpu.memref_squeeze %dma_start3A_215 : memref<1x72xi32, #tpu.memory_space<vmem>> -> memref<72xi32, #tpu.memory_space<vmem>>
    %dma_start3A_217 = arith.constant 128 : i32
    %dma_start3A_218 = tpu.memref_slice %arg7[%dma_start3A_212, %dma_start3A_217] : memref<32x200xi32, #tpu.memory_space<vmem>> -> memref<1x72xi32, #tpu.memory_space<vmem>>
    %dma_start3A_219 = tpu.memref_squeeze %dma_start3A_218 : memref<1x72xi32, #tpu.memory_space<vmem>> -> memref<72xi32, #tpu.memory_space<vmem>>
    %dma_start3A_220 = arith.constant 0 : i32
    %dma_start3A_221 = tpu.memref_slice %arg4[%dma_start3A_220] : memref<30522xi32, #tpu.memory_space<hbm>> -> memref<30522xi32, #tpu.memory_space<hbm>>
    tpu.enqueue_indirect_dma source(%dma_start3A_221 : memref<30522xi32, #tpu.memory_space<hbm>>) target(%dma_start3A_216 : memref<72xi32, #tpu.memory_space<vmem>>) offsets(%dma_start3A_219 : memref<72xi32, #tpu.memory_space<vmem>>) semaphore(%arg12 : memref<!tpu.dma_semaphore, #tpu.memory_space<semaphore_mem>>)
    %dma_start3A_222 = arith.constant 11 : i32
    %dma_start3A_223 = arith.constant 11 : i32
    %dma_start3A_224 = arith.constant 0 : i32
    %dma_start3A_225 = tpu.memref_slice %arg9[%dma_start3A_223, %dma_start3A_224] : memref<32x200xi32, #tpu.memory_space<vmem>> -> memref<1x128xi32, #tpu.memory_space<vmem>>
    %dma_start3A_226 = tpu.memref_squeeze %dma_start3A_225 : memref<1x128xi32, #tpu.memory_space<vmem>> -> memref<128xi32, #tpu.memory_space<vmem>>
    %dma_start3A_227 = arith.constant 0 : i32
    %dma_start3A_228 = tpu.memref_slice %arg7[%dma_start3A_222, %dma_start3A_227] : memref<32x200xi32, #tpu.memory_space<vmem>> -> memref<1x128xi32, #tpu.memory_space<vmem>>
    %dma_start3A_229 = tpu.memref_squeeze %dma_start3A_228 : memref<1x128xi32, #tpu.memory_space<vmem>> -> memref<128xi32, #tpu.memory_space<vmem>>
    %dma_start3A_230 = arith.constant 0 : i32
    %dma_start3A_231 = tpu.memref_slice %arg4[%dma_start3A_230] : memref<30522xi32, #tpu.memory_space<hbm>> -> memref<30522xi32, #tpu.memory_space<hbm>>
    tpu.enqueue_indirect_dma source(%dma_start3A_231 : memref<30522xi32, #tpu.memory_space<hbm>>) target(%dma_start3A_226 : memref<128xi32, #tpu.memory_space<vmem>>) offsets(%dma_start3A_229 : memref<128xi32, #tpu.memory_space<vmem>>) semaphore(%arg12 : memref<!tpu.dma_semaphore, #tpu.memory_space<semaphore_mem>>)
    %dma_start3A_232 = arith.constant 11 : i32
    %dma_start3A_233 = arith.constant 11 : i32
    %dma_start3A_234 = arith.constant 128 : i32
    %dma_start3A_235 = tpu.memref_slice %arg9[%dma_start3A_233, %dma_start3A_234] : memref<32x200xi32, #tpu.memory_space<vmem>> -> memref<1x72xi32, #tpu.memory_space<vmem>>
    %dma_start3A_236 = tpu.memref_squeeze %dma_start3A_235 : memref<1x72xi32, #tpu.memory_space<vmem>> -> memref<72xi32, #tpu.memory_space<vmem>>
    %dma_start3A_237 = arith.constant 128 : i32
    %dma_start3A_238 = tpu.memref_slice %arg7[%dma_start3A_232, %dma_start3A_237] : memref<32x200xi32, #tpu.memory_space<vmem>> -> memref<1x72xi32, #tpu.memory_space<vmem>>
    %dma_start3A_239 = tpu.memref_squeeze %dma_start3A_238 : memref<1x72xi32, #tpu.memory_space<vmem>> -> memref<72xi32, #tpu.memory_space<vmem>>
    %dma_start3A_240 = arith.constant 0 : i32
    %dma_start3A_241 = tpu.memref_slice %arg4[%dma_start3A_240] : memref<30522xi32, #tpu.memory_space<hbm>> -> memref<30522xi32, #tpu.memory_space<hbm>>
    tpu.enqueue_indirect_dma source(%dma_start3A_241 : memref<30522xi32, #tpu.memory_space<hbm>>) target(%dma_start3A_236 : memref<72xi32, #tpu.memory_space<vmem>>) offsets(%dma_start3A_239 : memref<72xi32, #tpu.memory_space<vmem>>) semaphore(%arg12 : memref<!tpu.dma_semaphore, #tpu.memory_space<semaphore_mem>>)
    %dma_start3A_242 = arith.constant 12 : i32
    %dma_start3A_243 = arith.constant 12 : i32
    %dma_start3A_244 = arith.constant 0 : i32
    %dma_start3A_245 = tpu.memref_slice %arg9[%dma_start3A_243, %dma_start3A_244] : memref<32x200xi32, #tpu.memory_space<vmem>> -> memref<1x128xi32, #tpu.memory_space<vmem>>
    %dma_start3A_246 = tpu.memref_squeeze %dma_start3A_245 : memref<1x128xi32, #tpu.memory_space<vmem>> -> memref<128xi32, #tpu.memory_space<vmem>>
    %dma_start3A_247 = arith.constant 0 : i32
    %dma_start3A_248 = tpu.memref_slice %arg7[%dma_start3A_242, %dma_start3A_247] : memref<32x200xi32, #tpu.memory_space<vmem>> -> memref<1x128xi32, #tpu.memory_space<vmem>>
    %dma_start3A_249 = tpu.memref_squeeze %dma_start3A_248 : memref<1x128xi32, #tpu.memory_space<vmem>> -> memref<128xi32, #tpu.memory_space<vmem>>
    %dma_start3A_250 = arith.constant 0 : i32
    %dma_start3A_251 = tpu.memref_slice %arg4[%dma_start3A_250] : memref<30522xi32, #tpu.memory_space<hbm>> -> memref<30522xi32, #tpu.memory_space<hbm>>
    tpu.enqueue_indirect_dma source(%dma_start3A_251 : memref<30522xi32, #tpu.memory_space<hbm>>) target(%dma_start3A_246 : memref<128xi32, #tpu.memory_space<vmem>>) offsets(%dma_start3A_249 : memref<128xi32, #tpu.memory_space<vmem>>) semaphore(%arg12 : memref<!tpu.dma_semaphore, #tpu.memory_space<semaphore_mem>>)
    %dma_start3A_252 = arith.constant 12 : i32
    %dma_start3A_253 = arith.constant 12 : i32
    %dma_start3A_254 = arith.constant 128 : i32
    %dma_start3A_255 = tpu.memref_slice %arg9[%dma_start3A_253, %dma_start3A_254] : memref<32x200xi32, #tpu.memory_space<vmem>> -> memref<1x72xi32, #tpu.memory_space<vmem>>
    %dma_start3A_256 = tpu.memref_squeeze %dma_start3A_255 : memref<1x72xi32, #tpu.memory_space<vmem>> -> memref<72xi32, #tpu.memory_space<vmem>>
    %dma_start3A_257 = arith.constant 128 : i32
    %dma_start3A_258 = tpu.memref_slice %arg7[%dma_start3A_252, %dma_start3A_257] : memref<32x200xi32, #tpu.memory_space<vmem>> -> memref<1x72xi32, #tpu.memory_space<vmem>>
    %dma_start3A_259 = tpu.memref_squeeze %dma_start3A_258 : memref<1x72xi32, #tpu.memory_space<vmem>> -> memref<72xi32, #tpu.memory_space<vmem>>
    %dma_start3A_260 = arith.constant 0 : i32
    %dma_start3A_261 = tpu.memref_slice %arg4[%dma_start3A_260] : memref<30522xi32, #tpu.memory_space<hbm>> -> memref<30522xi32, #tpu.memory_space<hbm>>
    tpu.enqueue_indirect_dma source(%dma_start3A_261 : memref<30522xi32, #tpu.memory_space<hbm>>) target(%dma_start3A_256 : memref<72xi32, #tpu.memory_space<vmem>>) offsets(%dma_start3A_259 : memref<72xi32, #tpu.memory_space<vmem>>) semaphore(%arg12 : memref<!tpu.dma_semaphore, #tpu.memory_space<semaphore_mem>>)
    %dma_start3A_262 = arith.constant 13 : i32
    %dma_start3A_263 = arith.constant 13 : i32
    %dma_start3A_264 = arith.constant 0 : i32
    %dma_start3A_265 = tpu.memref_slice %arg9[%dma_start3A_263, %dma_start3A_264] : memref<32x200xi32, #tpu.memory_space<vmem>> -> memref<1x128xi32, #tpu.memory_space<vmem>>
    %dma_start3A_266 = tpu.memref_squeeze %dma_start3A_265 : memref<1x128xi32, #tpu.memory_space<vmem>> -> memref<128xi32, #tpu.memory_space<vmem>>
    %dma_start3A_267 = arith.constant 0 : i32
    %dma_start3A_268 = tpu.memref_slice %arg7[%dma_start3A_262, %dma_start3A_267] : memref<32x200xi32, #tpu.memory_space<vmem>> -> memref<1x128xi32, #tpu.memory_space<vmem>>
    %dma_start3A_269 = tpu.memref_squeeze %dma_start3A_268 : memref<1x128xi32, #tpu.memory_space<vmem>> -> memref<128xi32, #tpu.memory_space<vmem>>
    %dma_start3A_270 = arith.constant 0 : i32
    %dma_start3A_271 = tpu.memref_slice %arg4[%dma_start3A_270] : memref<30522xi32, #tpu.memory_space<hbm>> -> memref<30522xi32, #tpu.memory_space<hbm>>
    tpu.enqueue_indirect_dma source(%dma_start3A_271 : memref<30522xi32, #tpu.memory_space<hbm>>) target(%dma_start3A_266 : memref<128xi32, #tpu.memory_space<vmem>>) offsets(%dma_start3A_269 : memref<128xi32, #tpu.memory_space<vmem>>) semaphore(%arg12 : memref<!tpu.dma_semaphore, #tpu.memory_space<semaphore_mem>>)
    %dma_start3A_272 = arith.constant 13 : i32
    %dma_start3A_273 = arith.constant 13 : i32
    %dma_start3A_274 = arith.constant 128 : i32
    %dma_start3A_275 = tpu.memref_slice %arg9[%dma_start3A_273, %dma_start3A_274] : memref<32x200xi32, #tpu.memory_space<vmem>> -> memref<1x72xi32, #tpu.memory_space<vmem>>
    %dma_start3A_276 = tpu.memref_squeeze %dma_start3A_275 : memref<1x72xi32, #tpu.memory_space<vmem>> -> memref<72xi32, #tpu.memory_space<vmem>>
    %dma_start3A_277 = arith.constant 128 : i32
    %dma_start3A_278 = tpu.memref_slice %arg7[%dma_start3A_272, %dma_start3A_277] : memref<32x200xi32, #tpu.memory_space<vmem>> -> memref<1x72xi32, #tpu.memory_space<vmem>>
    %dma_start3A_279 = tpu.memref_squeeze %dma_start3A_278 : memref<1x72xi32, #tpu.memory_space<vmem>> -> memref<72xi32, #tpu.memory_space<vmem>>
    %dma_start3A_280 = arith.constant 0 : i32
    %dma_start3A_281 = tpu.memref_slice %arg4[%dma_start3A_280] : memref<30522xi32, #tpu.memory_space<hbm>> -> memref<30522xi32, #tpu.memory_space<hbm>>
    tpu.enqueue_indirect_dma source(%dma_start3A_281 : memref<30522xi32, #tpu.memory_space<hbm>>) target(%dma_start3A_276 : memref<72xi32, #tpu.memory_space<vmem>>) offsets(%dma_start3A_279 : memref<72xi32, #tpu.memory_space<vmem>>) semaphore(%arg12 : memref<!tpu.dma_semaphore, #tpu.memory_space<semaphore_mem>>)
    %dma_start3A_282 = arith.constant 14 : i32
    %dma_start3A_283 = arith.constant 14 : i32
    %dma_start3A_284 = arith.constant 0 : i32
    %dma_start3A_285 = tpu.memref_slice %arg9[%dma_start3A_283, %dma_start3A_284] : memref<32x200xi32, #tpu.memory_space<vmem>> -> memref<1x128xi32, #tpu.memory_space<vmem>>
    %dma_start3A_286 = tpu.memref_squeeze %dma_start3A_285 : memref<1x128xi32, #tpu.memory_space<vmem>> -> memref<128xi32, #tpu.memory_space<vmem>>
    %dma_start3A_287 = arith.constant 0 : i32
    %dma_start3A_288 = tpu.memref_slice %arg7[%dma_start3A_282, %dma_start3A_287] : memref<32x200xi32, #tpu.memory_space<vmem>> -> memref<1x128xi32, #tpu.memory_space<vmem>>
    %dma_start3A_289 = tpu.memref_squeeze %dma_start3A_288 : memref<1x128xi32, #tpu.memory_space<vmem>> -> memref<128xi32, #tpu.memory_space<vmem>>
    %dma_start3A_290 = arith.constant 0 : i32
    %dma_start3A_291 = tpu.memref_slice %arg4[%dma_start3A_290] : memref<30522xi32, #tpu.memory_space<hbm>> -> memref<30522xi32, #tpu.memory_space<hbm>>
    tpu.enqueue_indirect_dma source(%dma_start3A_291 : memref<30522xi32, #tpu.memory_space<hbm>>) target(%dma_start3A_286 : memref<128xi32, #tpu.memory_space<vmem>>) offsets(%dma_start3A_289 : memref<128xi32, #tpu.memory_space<vmem>>) semaphore(%arg12 : memref<!tpu.dma_semaphore, #tpu.memory_space<semaphore_mem>>)
    %dma_start3A_292 = arith.constant 14 : i32
    %dma_start3A_293 = arith.constant 14 : i32
    %dma_start3A_294 = arith.constant 128 : i32
    %dma_start3A_295 = tpu.memref_slice %arg9[%dma_start3A_293, %dma_start3A_294] : memref<32x200xi32, #tpu.memory_space<vmem>> -> memref<1x72xi32, #tpu.memory_space<vmem>>
    %dma_start3A_296 = tpu.memref_squeeze %dma_start3A_295 : memref<1x72xi32, #tpu.memory_space<vmem>> -> memref<72xi32, #tpu.memory_space<vmem>>
    %dma_start3A_297 = arith.constant 128 : i32
    %dma_start3A_298 = tpu.memref_slice %arg7[%dma_start3A_292, %dma_start3A_297] : memref<32x200xi32, #tpu.memory_space<vmem>> -> memref<1x72xi32, #tpu.memory_space<vmem>>
    %dma_start3A_299 = tpu.memref_squeeze %dma_start3A_298 : memref<1x72xi32, #tpu.memory_space<vmem>> -> memref<72xi32, #tpu.memory_space<vmem>>
    %dma_start3A_300 = arith.constant 0 : i32
    %dma_start3A_301 = tpu.memref_slice %arg4[%dma_start3A_300] : memref<30522xi32, #tpu.memory_space<hbm>> -> memref<30522xi32, #tpu.memory_space<hbm>>
    tpu.enqueue_indirect_dma source(%dma_start3A_301 : memref<30522xi32, #tpu.memory_space<hbm>>) target(%dma_start3A_296 : memref<72xi32, #tpu.memory_space<vmem>>) offsets(%dma_start3A_299 : memref<72xi32, #tpu.memory_space<vmem>>) semaphore(%arg12 : memref<!tpu.dma_semaphore, #tpu.memory_space<semaphore_mem>>)
    %dma_start3A_302 = arith.constant 15 : i32
    %dma_start3A_303 = arith.constant 15 : i32
    %dma_start3A_304 = arith.constant 0 : i32
    %dma_start3A_305 = tpu.memref_slice %arg9[%dma_start3A_303, %dma_start3A_304] : memref<32x200xi32, #tpu.memory_space<vmem>> -> memref<1x128xi32, #tpu.memory_space<vmem>>
    %dma_start3A_306 = tpu.memref_squeeze %dma_start3A_305 : memref<1x128xi32, #tpu.memory_space<vmem>> -> memref<128xi32, #tpu.memory_space<vmem>>
    %dma_start3A_307 = arith.constant 0 : i32
    %dma_start3A_308 = tpu.memref_slice %arg7[%dma_start3A_302, %dma_start3A_307] : memref<32x200xi32, #tpu.memory_space<vmem>> -> memref<1x128xi32, #tpu.memory_space<vmem>>
    %dma_start3A_309 = tpu.memref_squeeze %dma_start3A_308 : memref<1x128xi32, #tpu.memory_space<vmem>> -> memref<128xi32, #tpu.memory_space<vmem>>
    %dma_start3A_310 = arith.constant 0 : i32
    %dma_start3A_311 = tpu.memref_slice %arg4[%dma_start3A_310] : memref<30522xi32, #tpu.memory_space<hbm>> -> memref<30522xi32, #tpu.memory_space<hbm>>
    tpu.enqueue_indirect_dma source(%dma_start3A_311 : memref<30522xi32, #tpu.memory_space<hbm>>) target(%dma_start3A_306 : memref<128xi32, #tpu.memory_space<vmem>>) offsets(%dma_start3A_309 : memref<128xi32, #tpu.memory_space<vmem>>) semaphore(%arg12 : memref<!tpu.dma_semaphore, #tpu.memory_space<semaphore_mem>>)
    %dma_start3A_312 = arith.constant 15 : i32
    %dma_start3A_313 = arith.constant 15 : i32
    %dma_start3A_314 = arith.constant 128 : i32
    %dma_start3A_315 = tpu.memref_slice %arg9[%dma_start3A_313, %dma_start3A_314] : memref<32x200xi32, #tpu.memory_space<vmem>> -> memref<1x72xi32, #tpu.memory_space<vmem>>
    %dma_start3A_316 = tpu.memref_squeeze %dma_start3A_315 : memref<1x72xi32, #tpu.memory_space<vmem>> -> memref<72xi32, #tpu.memory_space<vmem>>
    %dma_start3A_317 = arith.constant 128 : i32
    %dma_start3A_318 = tpu.memref_slice %arg7[%dma_start3A_312, %dma_start3A_317] : memref<32x200xi32, #tpu.memory_space<vmem>> -> memref<1x72xi32, #tpu.memory_space<vmem>>
    %dma_start3A_319 = tpu.memref_squeeze %dma_start3A_318 : memref<1x72xi32, #tpu.memory_space<vmem>> -> memref<72xi32, #tpu.memory_space<vmem>>
    %dma_start3A_320 = arith.constant 0 : i32
    %dma_start3A_321 = tpu.memref_slice %arg4[%dma_start3A_320] : memref<30522xi32, #tpu.memory_space<hbm>> -> memref<30522xi32, #tpu.memory_space<hbm>>
    tpu.enqueue_indirect_dma source(%dma_start3A_321 : memref<30522xi32, #tpu.memory_space<hbm>>) target(%dma_start3A_316 : memref<72xi32, #tpu.memory_space<vmem>>) offsets(%dma_start3A_319 : memref<72xi32, #tpu.memory_space<vmem>>) semaphore(%arg12 : memref<!tpu.dma_semaphore, #tpu.memory_space<semaphore_mem>>)
    %dma_start3A_322 = arith.constant 16 : i32
    %dma_start3A_323 = arith.constant 16 : i32
    %dma_start3A_324 = arith.constant 0 : i32
    %dma_start3A_325 = tpu.memref_slice %arg9[%dma_start3A_323, %dma_start3A_324] : memref<32x200xi32, #tpu.memory_space<vmem>> -> memref<1x128xi32, #tpu.memory_space<vmem>>
    %dma_start3A_326 = tpu.memref_squeeze %dma_start3A_325 : memref<1x128xi32, #tpu.memory_space<vmem>> -> memref<128xi32, #tpu.memory_space<vmem>>
    %dma_start3A_327 = arith.constant 0 : i32
    %dma_start3A_328 = tpu.memref_slice %arg7[%dma_start3A_322, %dma_start3A_327] : memref<32x200xi32, #tpu.memory_space<vmem>> -> memref<1x128xi32, #tpu.memory_space<vmem>>
    %dma_start3A_329 = tpu.memref_squeeze %dma_start3A_328 : memref<1x128xi32, #tpu.memory_space<vmem>> -> memref<128xi32, #tpu.memory_space<vmem>>
    %dma_start3A_330 = arith.constant 0 : i32
    %dma_start3A_331 = tpu.memref_slice %arg4[%dma_start3A_330] : memref<30522xi32, #tpu.memory_space<hbm>> -> memref<30522xi32, #tpu.memory_space<hbm>>
    tpu.enqueue_indirect_dma source(%dma_start3A_331 : memref<30522xi32, #tpu.memory_space<hbm>>) target(%dma_start3A_326 : memref<128xi32, #tpu.memory_space<vmem>>) offsets(%dma_start3A_329 : memref<128xi32, #tpu.memory_space<vmem>>) semaphore(%arg13 : memref<!tpu.dma_semaphore, #tpu.memory_space<semaphore_mem>>)
    %dma_start3A_332 = arith.constant 16 : i32
    %dma_start3A_333 = arith.constant 16 : i32
    %dma_start3A_334 = arith.constant 128 : i32
    %dma_start3A_335 = tpu.memref_slice %arg9[%dma_start3A_333, %dma_start3A_334] : memref<32x200xi32, #tpu.memory_space<vmem>> -> memref<1x72xi32, #tpu.memory_space<vmem>>
    %dma_start3A_336 = tpu.memref_squeeze %dma_start3A_335 : memref<1x72xi32, #tpu.memory_space<vmem>> -> memref<72xi32, #tpu.memory_space<vmem>>
    %dma_start3A_337 = arith.constant 128 : i32
    %dma_start3A_338 = tpu.memref_slice %arg7[%dma_start3A_332, %dma_start3A_337] : memref<32x200xi32, #tpu.memory_space<vmem>> -> memref<1x72xi32, #tpu.memory_space<vmem>>
    %dma_start3A_339 = tpu.memref_squeeze %dma_start3A_338 : memref<1x72xi32, #tpu.memory_space<vmem>> -> memref<72xi32, #tpu.memory_space<vmem>>
    %dma_start3A_340 = arith.constant 0 : i32
    %dma_start3A_341 = tpu.memref_slice %arg4[%dma_start3A_340] : memref<30522xi32, #tpu.memory_space<hbm>> -> memref<30522xi32, #tpu.memory_space<hbm>>
    tpu.enqueue_indirect_dma source(%dma_start3A_341 : memref<30522xi32, #tpu.memory_space<hbm>>) target(%dma_start3A_336 : memref<72xi32, #tpu.memory_space<vmem>>) offsets(%dma_start3A_339 : memref<72xi32, #tpu.memory_space<vmem>>) semaphore(%arg13 : memref<!tpu.dma_semaphore, #tpu.memory_space<semaphore_mem>>)
    %dma_start3A_342 = arith.constant 17 : i32
    %dma_start3A_343 = arith.constant 17 : i32
    %dma_start3A_344 = arith.constant 0 : i32
    %dma_start3A_345 = tpu.memref_slice %arg9[%dma_start3A_343, %dma_start3A_344] : memref<32x200xi32, #tpu.memory_space<vmem>> -> memref<1x128xi32, #tpu.memory_space<vmem>>
    %dma_start3A_346 = tpu.memref_squeeze %dma_start3A_345 : memref<1x128xi32, #tpu.memory_space<vmem>> -> memref<128xi32, #tpu.memory_space<vmem>>
    %dma_start3A_347 = arith.constant 0 : i32
    %dma_start3A_348 = tpu.memref_slice %arg7[%dma_start3A_342, %dma_start3A_347] : memref<32x200xi32, #tpu.memory_space<vmem>> -> memref<1x128xi32, #tpu.memory_space<vmem>>
    %dma_start3A_349 = tpu.memref_squeeze %dma_start3A_348 : memref<1x128xi32, #tpu.memory_space<vmem>> -> memref<128xi32, #tpu.memory_space<vmem>>
    %dma_start3A_350 = arith.constant 0 : i32
    %dma_start3A_351 = tpu.memref_slice %arg4[%dma_start3A_350] : memref<30522xi32, #tpu.memory_space<hbm>> -> memref<30522xi32, #tpu.memory_space<hbm>>
    tpu.enqueue_indirect_dma source(%dma_start3A_351 : memref<30522xi32, #tpu.memory_space<hbm>>) target(%dma_start3A_346 : memref<128xi32, #tpu.memory_space<vmem>>) offsets(%dma_start3A_349 : memref<128xi32, #tpu.memory_space<vmem>>) semaphore(%arg13 : memref<!tpu.dma_semaphore, #tpu.memory_space<semaphore_mem>>)
    %dma_start3A_352 = arith.constant 17 : i32
    %dma_start3A_353 = arith.constant 17 : i32
    %dma_start3A_354 = arith.constant 128 : i32
    %dma_start3A_355 = tpu.memref_slice %arg9[%dma_start3A_353, %dma_start3A_354] : memref<32x200xi32, #tpu.memory_space<vmem>> -> memref<1x72xi32, #tpu.memory_space<vmem>>
    %dma_start3A_356 = tpu.memref_squeeze %dma_start3A_355 : memref<1x72xi32, #tpu.memory_space<vmem>> -> memref<72xi32, #tpu.memory_space<vmem>>
    %dma_start3A_357 = arith.constant 128 : i32
    %dma_start3A_358 = tpu.memref_slice %arg7[%dma_start3A_352, %dma_start3A_357] : memref<32x200xi32, #tpu.memory_space<vmem>> -> memref<1x72xi32, #tpu.memory_space<vmem>>
    %dma_start3A_359 = tpu.memref_squeeze %dma_start3A_358 : memref<1x72xi32, #tpu.memory_space<vmem>> -> memref<72xi32, #tpu.memory_space<vmem>>
    %dma_start3A_360 = arith.constant 0 : i32
    %dma_start3A_361 = tpu.memref_slice %arg4[%dma_start3A_360] : memref<30522xi32, #tpu.memory_space<hbm>> -> memref<30522xi32, #tpu.memory_space<hbm>>
    tpu.enqueue_indirect_dma source(%dma_start3A_361 : memref<30522xi32, #tpu.memory_space<hbm>>) target(%dma_start3A_356 : memref<72xi32, #tpu.memory_space<vmem>>) offsets(%dma_start3A_359 : memref<72xi32, #tpu.memory_space<vmem>>) semaphore(%arg13 : memref<!tpu.dma_semaphore, #tpu.memory_space<semaphore_mem>>)
    %dma_start3A_362 = arith.constant 18 : i32
    %dma_start3A_363 = arith.constant 18 : i32
    %dma_start3A_364 = arith.constant 0 : i32
    %dma_start3A_365 = tpu.memref_slice %arg9[%dma_start3A_363, %dma_start3A_364] : memref<32x200xi32, #tpu.memory_space<vmem>> -> memref<1x128xi32, #tpu.memory_space<vmem>>
    %dma_start3A_366 = tpu.memref_squeeze %dma_start3A_365 : memref<1x128xi32, #tpu.memory_space<vmem>> -> memref<128xi32, #tpu.memory_space<vmem>>
    %dma_start3A_367 = arith.constant 0 : i32
    %dma_start3A_368 = tpu.memref_slice %arg7[%dma_start3A_362, %dma_start3A_367] : memref<32x200xi32, #tpu.memory_space<vmem>> -> memref<1x128xi32, #tpu.memory_space<vmem>>
    %dma_start3A_369 = tpu.memref_squeeze %dma_start3A_368 : memref<1x128xi32, #tpu.memory_space<vmem>> -> memref<128xi32, #tpu.memory_space<vmem>>
    %dma_start3A_370 = arith.constant 0 : i32
    %dma_start3A_371 = tpu.memref_slice %arg4[%dma_start3A_370] : memref<30522xi32, #tpu.memory_space<hbm>> -> memref<30522xi32, #tpu.memory_space<hbm>>
    tpu.enqueue_indirect_dma source(%dma_start3A_371 : memref<30522xi32, #tpu.memory_space<hbm>>) target(%dma_start3A_366 : memref<128xi32, #tpu.memory_space<vmem>>) offsets(%dma_start3A_369 : memref<128xi32, #tpu.memory_space<vmem>>) semaphore(%arg13 : memref<!tpu.dma_semaphore, #tpu.memory_space<semaphore_mem>>)
    %dma_start3A_372 = arith.constant 18 : i32
    %dma_start3A_373 = arith.constant 18 : i32
    %dma_start3A_374 = arith.constant 128 : i32
    %dma_start3A_375 = tpu.memref_slice %arg9[%dma_start3A_373, %dma_start3A_374] : memref<32x200xi32, #tpu.memory_space<vmem>> -> memref<1x72xi32, #tpu.memory_space<vmem>>
    %dma_start3A_376 = tpu.memref_squeeze %dma_start3A_375 : memref<1x72xi32, #tpu.memory_space<vmem>> -> memref<72xi32, #tpu.memory_space<vmem>>
    %dma_start3A_377 = arith.constant 128 : i32
    %dma_start3A_378 = tpu.memref_slice %arg7[%dma_start3A_372, %dma_start3A_377] : memref<32x200xi32, #tpu.memory_space<vmem>> -> memref<1x72xi32, #tpu.memory_space<vmem>>
    %dma_start3A_379 = tpu.memref_squeeze %dma_start3A_378 : memref<1x72xi32, #tpu.memory_space<vmem>> -> memref<72xi32, #tpu.memory_space<vmem>>
    %dma_start3A_380 = arith.constant 0 : i32
    %dma_start3A_381 = tpu.memref_slice %arg4[%dma_start3A_380] : memref<30522xi32, #tpu.memory_space<hbm>> -> memref<30522xi32, #tpu.memory_space<hbm>>
    tpu.enqueue_indirect_dma source(%dma_start3A_381 : memref<30522xi32, #tpu.memory_space<hbm>>) target(%dma_start3A_376 : memref<72xi32, #tpu.memory_space<vmem>>) offsets(%dma_start3A_379 : memref<72xi32, #tpu.memory_space<vmem>>) semaphore(%arg13 : memref<!tpu.dma_semaphore, #tpu.memory_space<semaphore_mem>>)
    %dma_start3A_382 = arith.constant 19 : i32
    %dma_start3A_383 = arith.constant 19 : i32
    %dma_start3A_384 = arith.constant 0 : i32
    %dma_start3A_385 = tpu.memref_slice %arg9[%dma_start3A_383, %dma_start3A_384] : memref<32x200xi32, #tpu.memory_space<vmem>> -> memref<1x128xi32, #tpu.memory_space<vmem>>
    %dma_start3A_386 = tpu.memref_squeeze %dma_start3A_385 : memref<1x128xi32, #tpu.memory_space<vmem>> -> memref<128xi32, #tpu.memory_space<vmem>>
    %dma_start3A_387 = arith.constant 0 : i32
    %dma_start3A_388 = tpu.memref_slice %arg7[%dma_start3A_382, %dma_start3A_387] : memref<32x200xi32, #tpu.memory_space<vmem>> -> memref<1x128xi32, #tpu.memory_space<vmem>>
    %dma_start3A_389 = tpu.memref_squeeze %dma_start3A_388 : memref<1x128xi32, #tpu.memory_space<vmem>> -> memref<128xi32, #tpu.memory_space<vmem>>
    %dma_start3A_390 = arith.constant 0 : i32
    %dma_start3A_391 = tpu.memref_slice %arg4[%dma_start3A_390] : memref<30522xi32, #tpu.memory_space<hbm>> -> memref<30522xi32, #tpu.memory_space<hbm>>
    tpu.enqueue_indirect_dma source(%dma_start3A_391 : memref<30522xi32, #tpu.memory_space<hbm>>) target(%dma_start3A_386 : memref<128xi32, #tpu.memory_space<vmem>>) offsets(%dma_start3A_389 : memref<128xi32, #tpu.memory_space<vmem>>) semaphore(%arg13 : memref<!tpu.dma_semaphore, #tpu.memory_space<semaphore_mem>>)
    %dma_start3A_392 = arith.constant 19 : i32
    %dma_start3A_393 = arith.constant 19 : i32
    %dma_start3A_394 = arith.constant 128 : i32
    %dma_start3A_395 = tpu.memref_slice %arg9[%dma_start3A_393, %dma_start3A_394] : memref<32x200xi32, #tpu.memory_space<vmem>> -> memref<1x72xi32, #tpu.memory_space<vmem>>
    %dma_start3A_396 = tpu.memref_squeeze %dma_start3A_395 : memref<1x72xi32, #tpu.memory_space<vmem>> -> memref<72xi32, #tpu.memory_space<vmem>>
    %dma_start3A_397 = arith.constant 128 : i32
    %dma_start3A_398 = tpu.memref_slice %arg7[%dma_start3A_392, %dma_start3A_397] : memref<32x200xi32, #tpu.memory_space<vmem>> -> memref<1x72xi32, #tpu.memory_space<vmem>>
    %dma_start3A_399 = tpu.memref_squeeze %dma_start3A_398 : memref<1x72xi32, #tpu.memory_space<vmem>> -> memref<72xi32, #tpu.memory_space<vmem>>
    %dma_start3A_400 = arith.constant 0 : i32
    %dma_start3A_401 = tpu.memref_slice %arg4[%dma_start3A_400] : memref<30522xi32, #tpu.memory_space<hbm>> -> memref<30522xi32, #tpu.memory_space<hbm>>
    tpu.enqueue_indirect_dma source(%dma_start3A_401 : memref<30522xi32, #tpu.memory_space<hbm>>) target(%dma_start3A_396 : memref<72xi32, #tpu.memory_space<vmem>>) offsets(%dma_start3A_399 : memref<72xi32, #tpu.memory_space<vmem>>) semaphore(%arg13 : memref<!tpu.dma_semaphore, #tpu.memory_space<semaphore_mem>>)
    %dma_start3A_402 = arith.constant 20 : i32
    %dma_start3A_403 = arith.constant 20 : i32
    %dma_start3A_404 = arith.constant 0 : i32
    %dma_start3A_405 = tpu.memref_slice %arg9[%dma_start3A_403, %dma_start3A_404] : memref<32x200xi32, #tpu.memory_space<vmem>> -> memref<1x128xi32, #tpu.memory_space<vmem>>
    %dma_start3A_406 = tpu.memref_squeeze %dma_start3A_405 : memref<1x128xi32, #tpu.memory_space<vmem>> -> memref<128xi32, #tpu.memory_space<vmem>>
    %dma_start3A_407 = arith.constant 0 : i32
    %dma_start3A_408 = tpu.memref_slice %arg7[%dma_start3A_402, %dma_start3A_407] : memref<32x200xi32, #tpu.memory_space<vmem>> -> memref<1x128xi32, #tpu.memory_space<vmem>>
    %dma_start3A_409 = tpu.memref_squeeze %dma_start3A_408 : memref<1x128xi32, #tpu.memory_space<vmem>> -> memref<128xi32, #tpu.memory_space<vmem>>
    %dma_start3A_410 = arith.constant 0 : i32
    %dma_start3A_411 = tpu.memref_slice %arg4[%dma_start3A_410] : memref<30522xi32, #tpu.memory_space<hbm>> -> memref<30522xi32, #tpu.memory_space<hbm>>
    tpu.enqueue_indirect_dma source(%dma_start3A_411 : memref<30522xi32, #tpu.memory_space<hbm>>) target(%dma_start3A_406 : memref<128xi32, #tpu.memory_space<vmem>>) offsets(%dma_start3A_409 : memref<128xi32, #tpu.memory_space<vmem>>) semaphore(%arg13 : memref<!tpu.dma_semaphore, #tpu.memory_space<semaphore_mem>>)
    %dma_start3A_412 = arith.constant 20 : i32
    %dma_start3A_413 = arith.constant 20 : i32
    %dma_start3A_414 = arith.constant 128 : i32
    %dma_start3A_415 = tpu.memref_slice %arg9[%dma_start3A_413, %dma_start3A_414] : memref<32x200xi32, #tpu.memory_space<vmem>> -> memref<1x72xi32, #tpu.memory_space<vmem>>
    %dma_start3A_416 = tpu.memref_squeeze %dma_start3A_415 : memref<1x72xi32, #tpu.memory_space<vmem>> -> memref<72xi32, #tpu.memory_space<vmem>>
    %dma_start3A_417 = arith.constant 128 : i32
    %dma_start3A_418 = tpu.memref_slice %arg7[%dma_start3A_412, %dma_start3A_417] : memref<32x200xi32, #tpu.memory_space<vmem>> -> memref<1x72xi32, #tpu.memory_space<vmem>>
    %dma_start3A_419 = tpu.memref_squeeze %dma_start3A_418 : memref<1x72xi32, #tpu.memory_space<vmem>> -> memref<72xi32, #tpu.memory_space<vmem>>
    %dma_start3A_420 = arith.constant 0 : i32
    %dma_start3A_421 = tpu.memref_slice %arg4[%dma_start3A_420] : memref<30522xi32, #tpu.memory_space<hbm>> -> memref<30522xi32, #tpu.memory_space<hbm>>
    tpu.enqueue_indirect_dma source(%dma_start3A_421 : memref<30522xi32, #tpu.memory_space<hbm>>) target(%dma_start3A_416 : memref<72xi32, #tpu.memory_space<vmem>>) offsets(%dma_start3A_419 : memref<72xi32, #tpu.memory_space<vmem>>) semaphore(%arg13 : memref<!tpu.dma_semaphore, #tpu.memory_space<semaphore_mem>>)
    %dma_start3A_422 = arith.constant 21 : i32
    %dma_start3A_423 = arith.constant 21 : i32
    %dma_start3A_424 = arith.constant 0 : i32
    %dma_start3A_425 = tpu.memref_slice %arg9[%dma_start3A_423, %dma_start3A_424] : memref<32x200xi32, #tpu.memory_space<vmem>> -> memref<1x128xi32, #tpu.memory_space<vmem>>
    %dma_start3A_426 = tpu.memref_squeeze %dma_start3A_425 : memref<1x128xi32, #tpu.memory_space<vmem>> -> memref<128xi32, #tpu.memory_space<vmem>>
    %dma_start3A_427 = arith.constant 0 : i32
    %dma_start3A_428 = tpu.memref_slice %arg7[%dma_start3A_422, %dma_start3A_427] : memref<32x200xi32, #tpu.memory_space<vmem>> -> memref<1x128xi32, #tpu.memory_space<vmem>>
    %dma_start3A_429 = tpu.memref_squeeze %dma_start3A_428 : memref<1x128xi32, #tpu.memory_space<vmem>> -> memref<128xi32, #tpu.memory_space<vmem>>
    %dma_start3A_430 = arith.constant 0 : i32
    %dma_start3A_431 = tpu.memref_slice %arg4[%dma_start3A_430] : memref<30522xi32, #tpu.memory_space<hbm>> -> memref<30522xi32, #tpu.memory_space<hbm>>
    tpu.enqueue_indirect_dma source(%dma_start3A_431 : memref<30522xi32, #tpu.memory_space<hbm>>) target(%dma_start3A_426 : memref<128xi32, #tpu.memory_space<vmem>>) offsets(%dma_start3A_429 : memref<128xi32, #tpu.memory_space<vmem>>) semaphore(%arg13 : memref<!tpu.dma_semaphore, #tpu.memory_space<semaphore_mem>>)
    %dma_start3A_432 = arith.constant 21 : i32
    %dma_start3A_433 = arith.constant 21 : i32
    %dma_start3A_434 = arith.constant 128 : i32
    %dma_start3A_435 = tpu.memref_slice %arg9[%dma_start3A_433, %dma_start3A_434] : memref<32x200xi32, #tpu.memory_space<vmem>> -> memref<1x72xi32, #tpu.memory_space<vmem>>
    %dma_start3A_436 = tpu.memref_squeeze %dma_start3A_435 : memref<1x72xi32, #tpu.memory_space<vmem>> -> memref<72xi32, #tpu.memory_space<vmem>>
    %dma_start3A_437 = arith.constant 128 : i32
    %dma_start3A_438 = tpu.memref_slice %arg7[%dma_start3A_432, %dma_start3A_437] : memref<32x200xi32, #tpu.memory_space<vmem>> -> memref<1x72xi32, #tpu.memory_space<vmem>>
    %dma_start3A_439 = tpu.memref_squeeze %dma_start3A_438 : memref<1x72xi32, #tpu.memory_space<vmem>> -> memref<72xi32, #tpu.memory_space<vmem>>
    %dma_start3A_440 = arith.constant 0 : i32
    %dma_start3A_441 = tpu.memref_slice %arg4[%dma_start3A_440] : memref<30522xi32, #tpu.memory_space<hbm>> -> memref<30522xi32, #tpu.memory_space<hbm>>
    tpu.enqueue_indirect_dma source(%dma_start3A_441 : memref<30522xi32, #tpu.memory_space<hbm>>) target(%dma_start3A_436 : memref<72xi32, #tpu.memory_space<vmem>>) offsets(%dma_start3A_439 : memref<72xi32, #tpu.memory_space<vmem>>) semaphore(%arg13 : memref<!tpu.dma_semaphore, #tpu.memory_space<semaphore_mem>>)
    %dma_start3A_442 = arith.constant 22 : i32
    %dma_start3A_443 = arith.constant 22 : i32
    %dma_start3A_444 = arith.constant 0 : i32
    %dma_start3A_445 = tpu.memref_slice %arg9[%dma_start3A_443, %dma_start3A_444] : memref<32x200xi32, #tpu.memory_space<vmem>> -> memref<1x128xi32, #tpu.memory_space<vmem>>
    %dma_start3A_446 = tpu.memref_squeeze %dma_start3A_445 : memref<1x128xi32, #tpu.memory_space<vmem>> -> memref<128xi32, #tpu.memory_space<vmem>>
    %dma_start3A_447 = arith.constant 0 : i32
    %dma_start3A_448 = tpu.memref_slice %arg7[%dma_start3A_442, %dma_start3A_447] : memref<32x200xi32, #tpu.memory_space<vmem>> -> memref<1x128xi32, #tpu.memory_space<vmem>>
    %dma_start3A_449 = tpu.memref_squeeze %dma_start3A_448 : memref<1x128xi32, #tpu.memory_space<vmem>> -> memref<128xi32, #tpu.memory_space<vmem>>
    %dma_start3A_450 = arith.constant 0 : i32
    %dma_start3A_451 = tpu.memref_slice %arg4[%dma_start3A_450] : memref<30522xi32, #tpu.memory_space<hbm>> -> memref<30522xi32, #tpu.memory_space<hbm>>
    tpu.enqueue_indirect_dma source(%dma_start3A_451 : memref<30522xi32, #tpu.memory_space<hbm>>) target(%dma_start3A_446 : memref<128xi32, #tpu.memory_space<vmem>>) offsets(%dma_start3A_449 : memref<128xi32, #tpu.memory_space<vmem>>) semaphore(%arg13 : memref<!tpu.dma_semaphore, #tpu.memory_space<semaphore_mem>>)
    %dma_start3A_452 = arith.constant 22 : i32
    %dma_start3A_453 = arith.constant 22 : i32
    %dma_start3A_454 = arith.constant 128 : i32
    %dma_start3A_455 = tpu.memref_slice %arg9[%dma_start3A_453, %dma_start3A_454] : memref<32x200xi32, #tpu.memory_space<vmem>> -> memref<1x72xi32, #tpu.memory_space<vmem>>
    %dma_start3A_456 = tpu.memref_squeeze %dma_start3A_455 : memref<1x72xi32, #tpu.memory_space<vmem>> -> memref<72xi32, #tpu.memory_space<vmem>>
    %dma_start3A_457 = arith.constant 128 : i32
    %dma_start3A_458 = tpu.memref_slice %arg7[%dma_start3A_452, %dma_start3A_457] : memref<32x200xi32, #tpu.memory_space<vmem>> -> memref<1x72xi32, #tpu.memory_space<vmem>>
    %dma_start3A_459 = tpu.memref_squeeze %dma_start3A_458 : memref<1x72xi32, #tpu.memory_space<vmem>> -> memref<72xi32, #tpu.memory_space<vmem>>
    %dma_start3A_460 = arith.constant 0 : i32
    %dma_start3A_461 = tpu.memref_slice %arg4[%dma_start3A_460] : memref<30522xi32, #tpu.memory_space<hbm>> -> memref<30522xi32, #tpu.memory_space<hbm>>
    tpu.enqueue_indirect_dma source(%dma_start3A_461 : memref<30522xi32, #tpu.memory_space<hbm>>) target(%dma_start3A_456 : memref<72xi32, #tpu.memory_space<vmem>>) offsets(%dma_start3A_459 : memref<72xi32, #tpu.memory_space<vmem>>) semaphore(%arg13 : memref<!tpu.dma_semaphore, #tpu.memory_space<semaphore_mem>>)
    %dma_start3A_462 = arith.constant 23 : i32
    %dma_start3A_463 = arith.constant 23 : i32
    %dma_start3A_464 = arith.constant 0 : i32
    %dma_start3A_465 = tpu.memref_slice %arg9[%dma_start3A_463, %dma_start3A_464] : memref<32x200xi32, #tpu.memory_space<vmem>> -> memref<1x128xi32, #tpu.memory_space<vmem>>
    %dma_start3A_466 = tpu.memref_squeeze %dma_start3A_465 : memref<1x128xi32, #tpu.memory_space<vmem>> -> memref<128xi32, #tpu.memory_space<vmem>>
    %dma_start3A_467 = arith.constant 0 : i32
    %dma_start3A_468 = tpu.memref_slice %arg7[%dma_start3A_462, %dma_start3A_467] : memref<32x200xi32, #tpu.memory_space<vmem>> -> memref<1x128xi32, #tpu.memory_space<vmem>>
    %dma_start3A_469 = tpu.memref_squeeze %dma_start3A_468 : memref<1x128xi32, #tpu.memory_space<vmem>> -> memref<128xi32, #tpu.memory_space<vmem>>
    %dma_start3A_470 = arith.constant 0 : i32
    %dma_start3A_471 = tpu.memref_slice %arg4[%dma_start3A_470] : memref<30522xi32, #tpu.memory_space<hbm>> -> memref<30522xi32, #tpu.memory_space<hbm>>
    tpu.enqueue_indirect_dma source(%dma_start3A_471 : memref<30522xi32, #tpu.memory_space<hbm>>) target(%dma_start3A_466 : memref<128xi32, #tpu.memory_space<vmem>>) offsets(%dma_start3A_469 : memref<128xi32, #tpu.memory_space<vmem>>) semaphore(%arg13 : memref<!tpu.dma_semaphore, #tpu.memory_space<semaphore_mem>>)
    %dma_start3A_472 = arith.constant 23 : i32
    %dma_start3A_473 = arith.constant 23 : i32
    %dma_start3A_474 = arith.constant 128 : i32
    %dma_start3A_475 = tpu.memref_slice %arg9[%dma_start3A_473, %dma_start3A_474] : memref<32x200xi32, #tpu.memory_space<vmem>> -> memref<1x72xi32, #tpu.memory_space<vmem>>
    %dma_start3A_476 = tpu.memref_squeeze %dma_start3A_475 : memref<1x72xi32, #tpu.memory_space<vmem>> -> memref<72xi32, #tpu.memory_space<vmem>>
    %dma_start3A_477 = arith.constant 128 : i32
    %dma_start3A_478 = tpu.memref_slice %arg7[%dma_start3A_472, %dma_start3A_477] : memref<32x200xi32, #tpu.memory_space<vmem>> -> memref<1x72xi32, #tpu.memory_space<vmem>>
    %dma_start3A_479 = tpu.memref_squeeze %dma_start3A_478 : memref<1x72xi32, #tpu.memory_space<vmem>> -> memref<72xi32, #tpu.memory_space<vmem>>
    %dma_start3A_480 = arith.constant 0 : i32
    %dma_start3A_481 = tpu.memref_slice %arg4[%dma_start3A_480] : memref<30522xi32, #tpu.memory_space<hbm>> -> memref<30522xi32, #tpu.memory_space<hbm>>
    tpu.enqueue_indirect_dma source(%dma_start3A_481 : memref<30522xi32, #tpu.memory_space<hbm>>) target(%dma_start3A_476 : memref<72xi32, #tpu.memory_space<vmem>>) offsets(%dma_start3A_479 : memref<72xi32, #tpu.memory_space<vmem>>) semaphore(%arg13 : memref<!tpu.dma_semaphore, #tpu.memory_space<semaphore_mem>>)
    %dma_start3A_482 = arith.constant 24 : i32
    %dma_start3A_483 = arith.constant 24 : i32
    %dma_start3A_484 = arith.constant 0 : i32
    %dma_start3A_485 = tpu.memref_slice %arg9[%dma_start3A_483, %dma_start3A_484] : memref<32x200xi32, #tpu.memory_space<vmem>> -> memref<1x128xi32, #tpu.memory_space<vmem>>
    %dma_start3A_486 = tpu.memref_squeeze %dma_start3A_485 : memref<1x128xi32, #tpu.memory_space<vmem>> -> memref<128xi32, #tpu.memory_space<vmem>>
    %dma_start3A_487 = arith.constant 0 : i32
    %dma_start3A_488 = tpu.memref_slice %arg7[%dma_start3A_482, %dma_start3A_487] : memref<32x200xi32, #tpu.memory_space<vmem>> -> memref<1x128xi32, #tpu.memory_space<vmem>>
    %dma_start3A_489 = tpu.memref_squeeze %dma_start3A_488 : memref<1x128xi32, #tpu.memory_space<vmem>> -> memref<128xi32, #tpu.memory_space<vmem>>
    %dma_start3A_490 = arith.constant 0 : i32
    %dma_start3A_491 = tpu.memref_slice %arg4[%dma_start3A_490] : memref<30522xi32, #tpu.memory_space<hbm>> -> memref<30522xi32, #tpu.memory_space<hbm>>
    tpu.enqueue_indirect_dma source(%dma_start3A_491 : memref<30522xi32, #tpu.memory_space<hbm>>) target(%dma_start3A_486 : memref<128xi32, #tpu.memory_space<vmem>>) offsets(%dma_start3A_489 : memref<128xi32, #tpu.memory_space<vmem>>) semaphore(%arg13 : memref<!tpu.dma_semaphore, #tpu.memory_space<semaphore_mem>>)
    %dma_start3A_492 = arith.constant 24 : i32
    %dma_start3A_493 = arith.constant 24 : i32
    %dma_start3A_494 = arith.constant 128 : i32
    %dma_start3A_495 = tpu.memref_slice %arg9[%dma_start3A_493, %dma_start3A_494] : memref<32x200xi32, #tpu.memory_space<vmem>> -> memref<1x72xi32, #tpu.memory_space<vmem>>
    %dma_start3A_496 = tpu.memref_squeeze %dma_start3A_495 : memref<1x72xi32, #tpu.memory_space<vmem>> -> memref<72xi32, #tpu.memory_space<vmem>>
    %dma_start3A_497 = arith.constant 128 : i32
    %dma_start3A_498 = tpu.memref_slice %arg7[%dma_start3A_492, %dma_start3A_497] : memref<32x200xi32, #tpu.memory_space<vmem>> -> memref<1x72xi32, #tpu.memory_space<vmem>>
    %dma_start3A_499 = tpu.memref_squeeze %dma_start3A_498 : memref<1x72xi32, #tpu.memory_space<vmem>> -> memref<72xi32, #tpu.memory_space<vmem>>
    %dma_start3A_500 = arith.constant 0 : i32
    %dma_start3A_501 = tpu.memref_slice %arg4[%dma_start3A_500] : memref<30522xi32, #tpu.memory_space<hbm>> -> memref<30522xi32, #tpu.memory_space<hbm>>
    tpu.enqueue_indirect_dma source(%dma_start3A_501 : memref<30522xi32, #tpu.memory_space<hbm>>) target(%dma_start3A_496 : memref<72xi32, #tpu.memory_space<vmem>>) offsets(%dma_start3A_499 : memref<72xi32, #tpu.memory_space<vmem>>) semaphore(%arg13 : memref<!tpu.dma_semaphore, #tpu.memory_space<semaphore_mem>>)
    %dma_start3A_502 = arith.constant 25 : i32
    %dma_start3A_503 = arith.constant 25 : i32
    %dma_start3A_504 = arith.constant 0 : i32
    %dma_start3A_505 = tpu.memref_slice %arg9[%dma_start3A_503, %dma_start3A_504] : memref<32x200xi32, #tpu.memory_space<vmem>> -> memref<1x128xi32, #tpu.memory_space<vmem>>
    %dma_start3A_506 = tpu.memref_squeeze %dma_start3A_505 : memref<1x128xi32, #tpu.memory_space<vmem>> -> memref<128xi32, #tpu.memory_space<vmem>>
    %dma_start3A_507 = arith.constant 0 : i32
    %dma_start3A_508 = tpu.memref_slice %arg7[%dma_start3A_502, %dma_start3A_507] : memref<32x200xi32, #tpu.memory_space<vmem>> -> memref<1x128xi32, #tpu.memory_space<vmem>>
    %dma_start3A_509 = tpu.memref_squeeze %dma_start3A_508 : memref<1x128xi32, #tpu.memory_space<vmem>> -> memref<128xi32, #tpu.memory_space<vmem>>
    %dma_start3A_510 = arith.constant 0 : i32
    %dma_start3A_511 = tpu.memref_slice %arg4[%dma_start3A_510] : memref<30522xi32, #tpu.memory_space<hbm>> -> memref<30522xi32, #tpu.memory_space<hbm>>
    tpu.enqueue_indirect_dma source(%dma_start3A_511 : memref<30522xi32, #tpu.memory_space<hbm>>) target(%dma_start3A_506 : memref<128xi32, #tpu.memory_space<vmem>>) offsets(%dma_start3A_509 : memref<128xi32, #tpu.memory_space<vmem>>) semaphore(%arg13 : memref<!tpu.dma_semaphore, #tpu.memory_space<semaphore_mem>>)
    %dma_start3A_512 = arith.constant 25 : i32
    %dma_start3A_513 = arith.constant 25 : i32
    %dma_start3A_514 = arith.constant 128 : i32
    %dma_start3A_515 = tpu.memref_slice %arg9[%dma_start3A_513, %dma_start3A_514] : memref<32x200xi32, #tpu.memory_space<vmem>> -> memref<1x72xi32, #tpu.memory_space<vmem>>
    %dma_start3A_516 = tpu.memref_squeeze %dma_start3A_515 : memref<1x72xi32, #tpu.memory_space<vmem>> -> memref<72xi32, #tpu.memory_space<vmem>>
    %dma_start3A_517 = arith.constant 128 : i32
    %dma_start3A_518 = tpu.memref_slice %arg7[%dma_start3A_512, %dma_start3A_517] : memref<32x200xi32, #tpu.memory_space<vmem>> -> memref<1x72xi32, #tpu.memory_space<vmem>>
    %dma_start3A_519 = tpu.memref_squeeze %dma_start3A_518 : memref<1x72xi32, #tpu.memory_space<vmem>> -> memref<72xi32, #tpu.memory_space<vmem>>
    %dma_start3A_520 = arith.constant 0 : i32
    %dma_start3A_521 = tpu.memref_slice %arg4[%dma_start3A_520] : memref<30522xi32, #tpu.memory_space<hbm>> -> memref<30522xi32, #tpu.memory_space<hbm>>
    tpu.enqueue_indirect_dma source(%dma_start3A_521 : memref<30522xi32, #tpu.memory_space<hbm>>) target(%dma_start3A_516 : memref<72xi32, #tpu.memory_space<vmem>>) offsets(%dma_start3A_519 : memref<72xi32, #tpu.memory_space<vmem>>) semaphore(%arg13 : memref<!tpu.dma_semaphore, #tpu.memory_space<semaphore_mem>>)
    %dma_start3A_522 = arith.constant 26 : i32
    %dma_start3A_523 = arith.constant 26 : i32
    %dma_start3A_524 = arith.constant 0 : i32
    %dma_start3A_525 = tpu.memref_slice %arg9[%dma_start3A_523, %dma_start3A_524] : memref<32x200xi32, #tpu.memory_space<vmem>> -> memref<1x128xi32, #tpu.memory_space<vmem>>
    %dma_start3A_526 = tpu.memref_squeeze %dma_start3A_525 : memref<1x128xi32, #tpu.memory_space<vmem>> -> memref<128xi32, #tpu.memory_space<vmem>>
    %dma_start3A_527 = arith.constant 0 : i32
    %dma_start3A_528 = tpu.memref_slice %arg7[%dma_start3A_522, %dma_start3A_527] : memref<32x200xi32, #tpu.memory_space<vmem>> -> memref<1x128xi32, #tpu.memory_space<vmem>>
    %dma_start3A_529 = tpu.memref_squeeze %dma_start3A_528 : memref<1x128xi32, #tpu.memory_space<vmem>> -> memref<128xi32, #tpu.memory_space<vmem>>
    %dma_start3A_530 = arith.constant 0 : i32
    %dma_start3A_531 = tpu.memref_slice %arg4[%dma_start3A_530] : memref<30522xi32, #tpu.memory_space<hbm>> -> memref<30522xi32, #tpu.memory_space<hbm>>
    tpu.enqueue_indirect_dma source(%dma_start3A_531 : memref<30522xi32, #tpu.memory_space<hbm>>) target(%dma_start3A_526 : memref<128xi32, #tpu.memory_space<vmem>>) offsets(%dma_start3A_529 : memref<128xi32, #tpu.memory_space<vmem>>) semaphore(%arg13 : memref<!tpu.dma_semaphore, #tpu.memory_space<semaphore_mem>>)
    %dma_start3A_532 = arith.constant 26 : i32
    %dma_start3A_533 = arith.constant 26 : i32
    %dma_start3A_534 = arith.constant 128 : i32
    %dma_start3A_535 = tpu.memref_slice %arg9[%dma_start3A_533, %dma_start3A_534] : memref<32x200xi32, #tpu.memory_space<vmem>> -> memref<1x72xi32, #tpu.memory_space<vmem>>
    %dma_start3A_536 = tpu.memref_squeeze %dma_start3A_535 : memref<1x72xi32, #tpu.memory_space<vmem>> -> memref<72xi32, #tpu.memory_space<vmem>>
    %dma_start3A_537 = arith.constant 128 : i32
    %dma_start3A_538 = tpu.memref_slice %arg7[%dma_start3A_532, %dma_start3A_537] : memref<32x200xi32, #tpu.memory_space<vmem>> -> memref<1x72xi32, #tpu.memory_space<vmem>>
    %dma_start3A_539 = tpu.memref_squeeze %dma_start3A_538 : memref<1x72xi32, #tpu.memory_space<vmem>> -> memref<72xi32, #tpu.memory_space<vmem>>
    %dma_start3A_540 = arith.constant 0 : i32
    %dma_start3A_541 = tpu.memref_slice %arg4[%dma_start3A_540] : memref<30522xi32, #tpu.memory_space<hbm>> -> memref<30522xi32, #tpu.memory_space<hbm>>
    tpu.enqueue_indirect_dma source(%dma_start3A_541 : memref<30522xi32, #tpu.memory_space<hbm>>) target(%dma_start3A_536 : memref<72xi32, #tpu.memory_space<vmem>>) offsets(%dma_start3A_539 : memref<72xi32, #tpu.memory_space<vmem>>) semaphore(%arg13 : memref<!tpu.dma_semaphore, #tpu.memory_space<semaphore_mem>>)
    %dma_start3A_542 = arith.constant 27 : i32
    %dma_start3A_543 = arith.constant 27 : i32
    %dma_start3A_544 = arith.constant 0 : i32
    %dma_start3A_545 = tpu.memref_slice %arg9[%dma_start3A_543, %dma_start3A_544] : memref<32x200xi32, #tpu.memory_space<vmem>> -> memref<1x128xi32, #tpu.memory_space<vmem>>
    %dma_start3A_546 = tpu.memref_squeeze %dma_start3A_545 : memref<1x128xi32, #tpu.memory_space<vmem>> -> memref<128xi32, #tpu.memory_space<vmem>>
    %dma_start3A_547 = arith.constant 0 : i32
    %dma_start3A_548 = tpu.memref_slice %arg7[%dma_start3A_542, %dma_start3A_547] : memref<32x200xi32, #tpu.memory_space<vmem>> -> memref<1x128xi32, #tpu.memory_space<vmem>>
    %dma_start3A_549 = tpu.memref_squeeze %dma_start3A_548 : memref<1x128xi32, #tpu.memory_space<vmem>> -> memref<128xi32, #tpu.memory_space<vmem>>
    %dma_start3A_550 = arith.constant 0 : i32
    %dma_start3A_551 = tpu.memref_slice %arg4[%dma_start3A_550] : memref<30522xi32, #tpu.memory_space<hbm>> -> memref<30522xi32, #tpu.memory_space<hbm>>
    tpu.enqueue_indirect_dma source(%dma_start3A_551 : memref<30522xi32, #tpu.memory_space<hbm>>) target(%dma_start3A_546 : memref<128xi32, #tpu.memory_space<vmem>>) offsets(%dma_start3A_549 : memref<128xi32, #tpu.memory_space<vmem>>) semaphore(%arg13 : memref<!tpu.dma_semaphore, #tpu.memory_space<semaphore_mem>>)
    %dma_start3A_552 = arith.constant 27 : i32
    %dma_start3A_553 = arith.constant 27 : i32
    %dma_start3A_554 = arith.constant 128 : i32
    %dma_start3A_555 = tpu.memref_slice %arg9[%dma_start3A_553, %dma_start3A_554] : memref<32x200xi32, #tpu.memory_space<vmem>> -> memref<1x72xi32, #tpu.memory_space<vmem>>
    %dma_start3A_556 = tpu.memref_squeeze %dma_start3A_555 : memref<1x72xi32, #tpu.memory_space<vmem>> -> memref<72xi32, #tpu.memory_space<vmem>>
    %dma_start3A_557 = arith.constant 128 : i32
    %dma_start3A_558 = tpu.memref_slice %arg7[%dma_start3A_552, %dma_start3A_557] : memref<32x200xi32, #tpu.memory_space<vmem>> -> memref<1x72xi32, #tpu.memory_space<vmem>>
    %dma_start3A_559 = tpu.memref_squeeze %dma_start3A_558 : memref<1x72xi32, #tpu.memory_space<vmem>> -> memref<72xi32, #tpu.memory_space<vmem>>
    %dma_start3A_560 = arith.constant 0 : i32
    %dma_start3A_561 = tpu.memref_slice %arg4[%dma_start3A_560] : memref<30522xi32, #tpu.memory_space<hbm>> -> memref<30522xi32, #tpu.memory_space<hbm>>
    tpu.enqueue_indirect_dma source(%dma_start3A_561 : memref<30522xi32, #tpu.memory_space<hbm>>) target(%dma_start3A_556 : memref<72xi32, #tpu.memory_space<vmem>>) offsets(%dma_start3A_559 : memref<72xi32, #tpu.memory_space<vmem>>) semaphore(%arg13 : memref<!tpu.dma_semaphore, #tpu.memory_space<semaphore_mem>>)
    %dma_start3A_562 = arith.constant 28 : i32
    %dma_start3A_563 = arith.constant 28 : i32
    %dma_start3A_564 = arith.constant 0 : i32
    %dma_start3A_565 = tpu.memref_slice %arg9[%dma_start3A_563, %dma_start3A_564] : memref<32x200xi32, #tpu.memory_space<vmem>> -> memref<1x128xi32, #tpu.memory_space<vmem>>
    %dma_start3A_566 = tpu.memref_squeeze %dma_start3A_565 : memref<1x128xi32, #tpu.memory_space<vmem>> -> memref<128xi32, #tpu.memory_space<vmem>>
    %dma_start3A_567 = arith.constant 0 : i32
    %dma_start3A_568 = tpu.memref_slice %arg7[%dma_start3A_562, %dma_start3A_567] : memref<32x200xi32, #tpu.memory_space<vmem>> -> memref<1x128xi32, #tpu.memory_space<vmem>>
    %dma_start3A_569 = tpu.memref_squeeze %dma_start3A_568 : memref<1x128xi32, #tpu.memory_space<vmem>> -> memref<128xi32, #tpu.memory_space<vmem>>
    %dma_start3A_570 = arith.constant 0 : i32
    %dma_start3A_571 = tpu.memref_slice %arg4[%dma_start3A_570] : memref<30522xi32, #tpu.memory_space<hbm>> -> memref<30522xi32, #tpu.memory_space<hbm>>
    tpu.enqueue_indirect_dma source(%dma_start3A_571 : memref<30522xi32, #tpu.memory_space<hbm>>) target(%dma_start3A_566 : memref<128xi32, #tpu.memory_space<vmem>>) offsets(%dma_start3A_569 : memref<128xi32, #tpu.memory_space<vmem>>) semaphore(%arg13 : memref<!tpu.dma_semaphore, #tpu.memory_space<semaphore_mem>>)
    %dma_start3A_572 = arith.constant 28 : i32
    %dma_start3A_573 = arith.constant 28 : i32
    %dma_start3A_574 = arith.constant 128 : i32
    %dma_start3A_575 = tpu.memref_slice %arg9[%dma_start3A_573, %dma_start3A_574] : memref<32x200xi32, #tpu.memory_space<vmem>> -> memref<1x72xi32, #tpu.memory_space<vmem>>
    %dma_start3A_576 = tpu.memref_squeeze %dma_start3A_575 : memref<1x72xi32, #tpu.memory_space<vmem>> -> memref<72xi32, #tpu.memory_space<vmem>>
    %dma_start3A_577 = arith.constant 128 : i32
    %dma_start3A_578 = tpu.memref_slice %arg7[%dma_start3A_572, %dma_start3A_577] : memref<32x200xi32, #tpu.memory_space<vmem>> -> memref<1x72xi32, #tpu.memory_space<vmem>>
    %dma_start3A_579 = tpu.memref_squeeze %dma_start3A_578 : memref<1x72xi32, #tpu.memory_space<vmem>> -> memref<72xi32, #tpu.memory_space<vmem>>
    %dma_start3A_580 = arith.constant 0 : i32
    %dma_start3A_581 = tpu.memref_slice %arg4[%dma_start3A_580] : memref<30522xi32, #tpu.memory_space<hbm>> -> memref<30522xi32, #tpu.memory_space<hbm>>
    tpu.enqueue_indirect_dma source(%dma_start3A_581 : memref<30522xi32, #tpu.memory_space<hbm>>) target(%dma_start3A_576 : memref<72xi32, #tpu.memory_space<vmem>>) offsets(%dma_start3A_579 : memref<72xi32, #tpu.memory_space<vmem>>) semaphore(%arg13 : memref<!tpu.dma_semaphore, #tpu.memory_space<semaphore_mem>>)
    %dma_start3A_582 = arith.constant 29 : i32
    %dma_start3A_583 = arith.constant 29 : i32
    %dma_start3A_584 = arith.constant 0 : i32
    %dma_start3A_585 = tpu.memref_slice %arg9[%dma_start3A_583, %dma_start3A_584] : memref<32x200xi32, #tpu.memory_space<vmem>> -> memref<1x128xi32, #tpu.memory_space<vmem>>
    %dma_start3A_586 = tpu.memref_squeeze %dma_start3A_585 : memref<1x128xi32, #tpu.memory_space<vmem>> -> memref<128xi32, #tpu.memory_space<vmem>>
    %dma_start3A_587 = arith.constant 0 : i32
    %dma_start3A_588 = tpu.memref_slice %arg7[%dma_start3A_582, %dma_start3A_587] : memref<32x200xi32, #tpu.memory_space<vmem>> -> memref<1x128xi32, #tpu.memory_space<vmem>>
    %dma_start3A_589 = tpu.memref_squeeze %dma_start3A_588 : memref<1x128xi32, #tpu.memory_space<vmem>> -> memref<128xi32, #tpu.memory_space<vmem>>
    %dma_start3A_590 = arith.constant 0 : i32
    %dma_start3A_591 = tpu.memref_slice %arg4[%dma_start3A_590] : memref<30522xi32, #tpu.memory_space<hbm>> -> memref<30522xi32, #tpu.memory_space<hbm>>
    tpu.enqueue_indirect_dma source(%dma_start3A_591 : memref<30522xi32, #tpu.memory_space<hbm>>) target(%dma_start3A_586 : memref<128xi32, #tpu.memory_space<vmem>>) offsets(%dma_start3A_589 : memref<128xi32, #tpu.memory_space<vmem>>) semaphore(%arg13 : memref<!tpu.dma_semaphore, #tpu.memory_space<semaphore_mem>>)
    %dma_start3A_592 = arith.constant 29 : i32
    %dma_start3A_593 = arith.constant 29 : i32
    %dma_start3A_594 = arith.constant 128 : i32
    %dma_start3A_595 = tpu.memref_slice %arg9[%dma_start3A_593, %dma_start3A_594] : memref<32x200xi32, #tpu.memory_space<vmem>> -> memref<1x72xi32, #tpu.memory_space<vmem>>
    %dma_start3A_596 = tpu.memref_squeeze %dma_start3A_595 : memref<1x72xi32, #tpu.memory_space<vmem>> -> memref<72xi32, #tpu.memory_space<vmem>>
    %dma_start3A_597 = arith.constant 128 : i32
    %dma_start3A_598 = tpu.memref_slice %arg7[%dma_start3A_592, %dma_start3A_597] : memref<32x200xi32, #tpu.memory_space<vmem>> -> memref<1x72xi32, #tpu.memory_space<vmem>>
    %dma_start3A_599 = tpu.memref_squeeze %dma_start3A_598 : memref<1x72xi32, #tpu.memory_space<vmem>> -> memref<72xi32, #tpu.memory_space<vmem>>
    %dma_start3A_600 = arith.constant 0 : i32
    %dma_start3A_601 = tpu.memref_slice %arg4[%dma_start3A_600] : memref<30522xi32, #tpu.memory_space<hbm>> -> memref<30522xi32, #tpu.memory_space<hbm>>
    tpu.enqueue_indirect_dma source(%dma_start3A_601 : memref<30522xi32, #tpu.memory_space<hbm>>) target(%dma_start3A_596 : memref<72xi32, #tpu.memory_space<vmem>>) offsets(%dma_start3A_599 : memref<72xi32, #tpu.memory_space<vmem>>) semaphore(%arg13 : memref<!tpu.dma_semaphore, #tpu.memory_space<semaphore_mem>>)
    %dma_start3A_602 = arith.constant 30 : i32
    %dma_start3A_603 = arith.constant 30 : i32
    %dma_start3A_604 = arith.constant 0 : i32
    %dma_start3A_605 = tpu.memref_slice %arg9[%dma_start3A_603, %dma_start3A_604] : memref<32x200xi32, #tpu.memory_space<vmem>> -> memref<1x128xi32, #tpu.memory_space<vmem>>
    %dma_start3A_606 = tpu.memref_squeeze %dma_start3A_605 : memref<1x128xi32, #tpu.memory_space<vmem>> -> memref<128xi32, #tpu.memory_space<vmem>>
    %dma_start3A_607 = arith.constant 0 : i32
    %dma_start3A_608 = tpu.memref_slice %arg7[%dma_start3A_602, %dma_start3A_607] : memref<32x200xi32, #tpu.memory_space<vmem>> -> memref<1x128xi32, #tpu.memory_space<vmem>>
    %dma_start3A_609 = tpu.memref_squeeze %dma_start3A_608 : memref<1x128xi32, #tpu.memory_space<vmem>> -> memref<128xi32, #tpu.memory_space<vmem>>
    %dma_start3A_610 = arith.constant 0 : i32
    %dma_start3A_611 = tpu.memref_slice %arg4[%dma_start3A_610] : memref<30522xi32, #tpu.memory_space<hbm>> -> memref<30522xi32, #tpu.memory_space<hbm>>
    tpu.enqueue_indirect_dma source(%dma_start3A_611 : memref<30522xi32, #tpu.memory_space<hbm>>) target(%dma_start3A_606 : memref<128xi32, #tpu.memory_space<vmem>>) offsets(%dma_start3A_609 : memref<128xi32, #tpu.memory_space<vmem>>) semaphore(%arg13 : memref<!tpu.dma_semaphore, #tpu.memory_space<semaphore_mem>>)
    %dma_start3A_612 = arith.constant 30 : i32
    %dma_start3A_613 = arith.constant 30 : i32
    %dma_start3A_614 = arith.constant 128 : i32
    %dma_start3A_615 = tpu.memref_slice %arg9[%dma_start3A_613, %dma_start3A_614] : memref<32x200xi32, #tpu.memory_space<vmem>> -> memref<1x72xi32, #tpu.memory_space<vmem>>
    %dma_start3A_616 = tpu.memref_squeeze %dma_start3A_615 : memref<1x72xi32, #tpu.memory_space<vmem>> -> memref<72xi32, #tpu.memory_space<vmem>>
    %dma_start3A_617 = arith.constant 128 : i32
    %dma_start3A_618 = tpu.memref_slice %arg7[%dma_start3A_612, %dma_start3A_617] : memref<32x200xi32, #tpu.memory_space<vmem>> -> memref<1x72xi32, #tpu.memory_space<vmem>>
    %dma_start3A_619 = tpu.memref_squeeze %dma_start3A_618 : memref<1x72xi32, #tpu.memory_space<vmem>> -> memref<72xi32, #tpu.memory_space<vmem>>
    %dma_start3A_620 = arith.constant 0 : i32
    %dma_start3A_621 = tpu.memref_slice %arg4[%dma_start3A_620] : memref<30522xi32, #tpu.memory_space<hbm>> -> memref<30522xi32, #tpu.memory_space<hbm>>
    tpu.enqueue_indirect_dma source(%dma_start3A_621 : memref<30522xi32, #tpu.memory_space<hbm>>) target(%dma_start3A_616 : memref<72xi32, #tpu.memory_space<vmem>>) offsets(%dma_start3A_619 : memref<72xi32, #tpu.memory_space<vmem>>) semaphore(%arg13 : memref<!tpu.dma_semaphore, #tpu.memory_space<semaphore_mem>>)
    %dma_start3A_622 = arith.constant 31 : i32
    %dma_start3A_623 = arith.constant 31 : i32
    %dma_start3A_624 = arith.constant 0 : i32
    %dma_start3A_625 = tpu.memref_slice %arg9[%dma_start3A_623, %dma_start3A_624] : memref<32x200xi32, #tpu.memory_space<vmem>> -> memref<1x128xi32, #tpu.memory_space<vmem>>
    %dma_start3A_626 = tpu.memref_squeeze %dma_start3A_625 : memref<1x128xi32, #tpu.memory_space<vmem>> -> memref<128xi32, #tpu.memory_space<vmem>>
    %dma_start3A_627 = arith.constant 0 : i32
    %dma_start3A_628 = tpu.memref_slice %arg7[%dma_start3A_622, %dma_start3A_627] : memref<32x200xi32, #tpu.memory_space<vmem>> -> memref<1x128xi32, #tpu.memory_space<vmem>>
    %dma_start3A_629 = tpu.memref_squeeze %dma_start3A_628 : memref<1x128xi32, #tpu.memory_space<vmem>> -> memref<128xi32, #tpu.memory_space<vmem>>
    %dma_start3A_630 = arith.constant 0 : i32
    %dma_start3A_631 = tpu.memref_slice %arg4[%dma_start3A_630] : memref<30522xi32, #tpu.memory_space<hbm>> -> memref<30522xi32, #tpu.memory_space<hbm>>
    tpu.enqueue_indirect_dma source(%dma_start3A_631 : memref<30522xi32, #tpu.memory_space<hbm>>) target(%dma_start3A_626 : memref<128xi32, #tpu.memory_space<vmem>>) offsets(%dma_start3A_629 : memref<128xi32, #tpu.memory_space<vmem>>) semaphore(%arg13 : memref<!tpu.dma_semaphore, #tpu.memory_space<semaphore_mem>>)
    %dma_start3A_632 = arith.constant 31 : i32
    %dma_start3A_633 = arith.constant 31 : i32
    %dma_start3A_634 = arith.constant 128 : i32
    %dma_start3A_635 = tpu.memref_slice %arg9[%dma_start3A_633, %dma_start3A_634] : memref<32x200xi32, #tpu.memory_space<vmem>> -> memref<1x72xi32, #tpu.memory_space<vmem>>
    %dma_start3A_636 = tpu.memref_squeeze %dma_start3A_635 : memref<1x72xi32, #tpu.memory_space<vmem>> -> memref<72xi32, #tpu.memory_space<vmem>>
    %dma_start3A_637 = arith.constant 128 : i32
    %dma_start3A_638 = tpu.memref_slice %arg7[%dma_start3A_632, %dma_start3A_637] : memref<32x200xi32, #tpu.memory_space<vmem>> -> memref<1x72xi32, #tpu.memory_space<vmem>>
    %dma_start3A_639 = tpu.memref_squeeze %dma_start3A_638 : memref<1x72xi32, #tpu.memory_space<vmem>> -> memref<72xi32, #tpu.memory_space<vmem>>
    %dma_start3A_640 = arith.constant 0 : i32
    %dma_start3A_641 = tpu.memref_slice %arg4[%dma_start3A_640] : memref<30522xi32, #tpu.memory_space<hbm>> -> memref<30522xi32, #tpu.memory_space<hbm>>
    tpu.enqueue_indirect_dma source(%dma_start3A_641 : memref<30522xi32, #tpu.memory_space<hbm>>) target(%dma_start3A_636 : memref<72xi32, #tpu.memory_space<vmem>>) offsets(%dma_start3A_639 : memref<72xi32, #tpu.memory_space<vmem>>) semaphore(%arg13 : memref<!tpu.dma_semaphore, #tpu.memory_space<semaphore_mem>>)
    "tpu.region"() ({
      %run_scoped3A = tpu.sem_alloc : memref<!tpu.dma_semaphore, #tpu.memory_space<semaphore_mem>>
      %dma_start3A_1305 = arith.constant 0 : i32
      %dma_start3A_1306 = tpu.memref_slice %arg3[%mul3A_2, %dma_start3A_1305] : memref<1024x200xf32, #tpu.memory_space<hbm>> -> memref<32x200xf32, #tpu.memory_space<hbm>>
      %dma_start3A_1307 = arith.constant 0 : i32
      %dma_start3A_1308 = tpu.memref_slice %arg3[%mul3A_2, %dma_start3A_1307] : memref<1024x200xf32, #tpu.memory_space<hbm>> -> memref<32x200xf32, #tpu.memory_space<hbm>>
      tpu.enqueue_dma source(%dma_start3A_1308 : memref<32x200xf32, #tpu.memory_space<hbm>>) target(%arg8 : memref<32x200xf32, #tpu.memory_space<vmem>>) target_semaphore(%run_scoped3A : memref<!tpu.dma_semaphore, #tpu.memory_space<semaphore_mem>>)
      %dma_wait3A_1309 = arith.constant 0 : i32
      %dma_wait3A_1310 = tpu.memref_slice %arg3[%mul3A_2, %dma_wait3A_1309] : memref<1024x200xf32, #tpu.memory_space<hbm>> -> memref<32x200xf32, #tpu.memory_space<hbm>>
      %dma_wait3A_1311 = arith.constant 0 : i32
      %dma_wait3A_1312 = tpu.memref_slice %arg3[%mul3A_2, %dma_wait3A_1311] : memref<1024x200xf32, #tpu.memory_space<hbm>> -> memref<32x200xf32, #tpu.memory_space<hbm>>
      tpu.wait_dma2 semaphore(%run_scoped3A : memref<!tpu.dma_semaphore, #tpu.memory_space<semaphore_mem>>) src(%dma_wait3A_1312 : memref<32x200xf32, #tpu.memory_space<hbm>>) dst(%arg8 : memref<32x200xf32, #tpu.memory_space<vmem>>)
      tpu.yield
    }) : () -> ()
    "tpu.region"() ({
      %run_scoped3A = tpu.sem_alloc : memref<!tpu.dma_semaphore, #tpu.memory_space<semaphore_mem>>
      tpu.enqueue_dma source(%arg5 : memref<16xf32, #tpu.memory_space<hbm>>) target(%arg10 : memref<16xf32, #tpu.memory_space<vmem>>) target_semaphore(%run_scoped3A : memref<!tpu.dma_semaphore, #tpu.memory_space<semaphore_mem>>)
      tpu.wait_dma2 semaphore(%run_scoped3A : memref<!tpu.dma_semaphore, #tpu.memory_space<semaphore_mem>>) src(%arg5 : memref<16xf32, #tpu.memory_space<hbm>>) dst(%arg10 : memref<16xf32, #tpu.memory_space<vmem>>)
      tpu.yield
    }) : () -> ()
    %iota3A = tpu.iota {dimensions = array<i32: 0>} : vector<16xi32>
    %get3A = arith.constant 0 : index
    %get3A_642 = tpu.vector_load %arg10[%get3A] {strides = array<i32>} : memref<16xf32, #tpu.memory_space<vmem>>, vector<16xf32>,
    %get3A_643 = vector.shape_cast %get3A_642 : vector<16xf32> to vector<16xf32>
    %broadcast_in_dim3A = arith.constant 0.000000e+00 : f32
    %broadcast_in_dim3A_644 = vector.broadcast %broadcast_in_dim3A : f32 to vector<16xf32>
    %and3A = arith.constant 1 : i32
    %and3A_645 = vector.broadcast %and3A : i32 to vector<16xi32>
    %and3A_646 = arith.andi %iota3A, %and3A_645 : vector<16xi32>
    %broadcast_in_dim3A_647 = vector.shape_cast %and3A_646 : vector<16xi32> to vector<16x1xi32>
    %gather3A = vector.shape_cast %broadcast_in_dim3A_647 : vector<16x1xi32> to vector<16xi32>
    %gather3A_648 = tpu.dynamic_gather %get3A_643[%gather3A] in [0] : vector<16xf32>, vector<16xi32> -> vector<16xf32>
    %dma_wait3A = arith.constant 0 : i32
    %dma_wait3A_649 = arith.constant 0 : i32
    %dma_wait3A_650 = arith.constant 0 : i32
    %dma_wait3A_651 = tpu.memref_slice %arg9[%dma_wait3A_649, %dma_wait3A_650] : memref<32x200xi32, #tpu.memory_space<vmem>> -> memref<1x128xi32, #tpu.memory_space<vmem>>
    %dma_wait3A_652 = tpu.memref_squeeze %dma_wait3A_651 : memref<1x128xi32, #tpu.memory_space<vmem>> -> memref<128xi32, #tpu.memory_space<vmem>>
    %dma_wait3A_653 = arith.constant 0 : i32
    %dma_wait3A_654 = tpu.memref_slice %arg7[%dma_wait3A, %dma_wait3A_653] : memref<32x200xi32, #tpu.memory_space<vmem>> -> memref<1x128xi32, #tpu.memory_space<vmem>>
    %dma_wait3A_655 = tpu.memref_squeeze %dma_wait3A_654 : memref<1x128xi32, #tpu.memory_space<vmem>> -> memref<128xi32, #tpu.memory_space<vmem>>
    %dma_wait3A_656 = arith.constant 0 : i32
    %dma_wait3A_657 = tpu.memref_slice %arg4[%dma_wait3A_656] : memref<30522xi32, #tpu.memory_space<hbm>> -> memref<30522xi32, #tpu.memory_space<hbm>>
    tpu.wait_indirect_dma semaphore(%arg12 : memref<!tpu.dma_semaphore, #tpu.memory_space<semaphore_mem>>) src(%dma_wait3A_657 : memref<30522xi32, #tpu.memory_space<hbm>>) dst(%dma_wait3A_652 : memref<128xi32, #tpu.memory_space<vmem>>)
    %dma_wait3A_658 = arith.constant 0 : i32
    %dma_wait3A_659 = arith.constant 0 : i32
    %dma_wait3A_660 = arith.constant 128 : i32
    %dma_wait3A_661 = tpu.memref_slice %arg9[%dma_wait3A_659, %dma_wait3A_660] : memref<32x200xi32, #tpu.memory_space<vmem>> -> memref<1x72xi32, #tpu.memory_space<vmem>>
    %dma_wait3A_662 = tpu.memref_squeeze %dma_wait3A_661 : memref<1x72xi32, #tpu.memory_space<vmem>> -> memref<72xi32, #tpu.memory_space<vmem>>
    %dma_wait3A_663 = arith.constant 128 : i32
    %dma_wait3A_664 = tpu.memref_slice %arg7[%dma_wait3A_658, %dma_wait3A_663] : memref<32x200xi32, #tpu.memory_space<vmem>> -> memref<1x72xi32, #tpu.memory_space<vmem>>
    %dma_wait3A_665 = tpu.memref_squeeze %dma_wait3A_664 : memref<1x72xi32, #tpu.memory_space<vmem>> -> memref<72xi32, #tpu.memory_space<vmem>>
    %dma_wait3A_666 = arith.constant 0 : i32
    %dma_wait3A_667 = tpu.memref_slice %arg4[%dma_wait3A_666] : memref<30522xi32, #tpu.memory_space<hbm>> -> memref<30522xi32, #tpu.memory_space<hbm>>
    tpu.wait_indirect_dma semaphore(%arg12 : memref<!tpu.dma_semaphore, #tpu.memory_space<semaphore_mem>>) src(%dma_wait3A_667 : memref<30522xi32, #tpu.memory_space<hbm>>) dst(%dma_wait3A_662 : memref<72xi32, #tpu.memory_space<vmem>>)
    %dma_wait3A_668 = arith.constant 1 : i32
    %dma_wait3A_669 = arith.constant 1 : i32
    %dma_wait3A_670 = arith.constant 0 : i32
    %dma_wait3A_671 = tpu.memref_slice %arg9[%dma_wait3A_669, %dma_wait3A_670] : memref<32x200xi32, #tpu.memory_space<vmem>> -> memref<1x128xi32, #tpu.memory_space<vmem>>
    %dma_wait3A_672 = tpu.memref_squeeze %dma_wait3A_671 : memref<1x128xi32, #tpu.memory_space<vmem>> -> memref<128xi32, #tpu.memory_space<vmem>>
    %dma_wait3A_673 = arith.constant 0 : i32
    %dma_wait3A_674 = tpu.memref_slice %arg7[%dma_wait3A_668, %dma_wait3A_673] : memref<32x200xi32, #tpu.memory_space<vmem>> -> memref<1x128xi32, #tpu.memory_space<vmem>>
    %dma_wait3A_675 = tpu.memref_squeeze %dma_wait3A_674 : memref<1x128xi32, #tpu.memory_space<vmem>> -> memref<128xi32, #tpu.memory_space<vmem>>
    %dma_wait3A_676 = arith.constant 0 : i32
    %dma_wait3A_677 = tpu.memref_slice %arg4[%dma_wait3A_676] : memref<30522xi32, #tpu.memory_space<hbm>> -> memref<30522xi32, #tpu.memory_space<hbm>>
    tpu.wait_indirect_dma semaphore(%arg12 : memref<!tpu.dma_semaphore, #tpu.memory_space<semaphore_mem>>) src(%dma_wait3A_677 : memref<30522xi32, #tpu.memory_space<hbm>>) dst(%dma_wait3A_672 : memref<128xi32, #tpu.memory_space<vmem>>)
    %dma_wait3A_678 = arith.constant 1 : i32
    %dma_wait3A_679 = arith.constant 1 : i32
    %dma_wait3A_680 = arith.constant 128 : i32
    %dma_wait3A_681 = tpu.memref_slice %arg9[%dma_wait3A_679, %dma_wait3A_680] : memref<32x200xi32, #tpu.memory_space<vmem>> -> memref<1x72xi32, #tpu.memory_space<vmem>>
    %dma_wait3A_682 = tpu.memref_squeeze %dma_wait3A_681 : memref<1x72xi32, #tpu.memory_space<vmem>> -> memref<72xi32, #tpu.memory_space<vmem>>
    %dma_wait3A_683 = arith.constant 128 : i32
    %dma_wait3A_684 = tpu.memref_slice %arg7[%dma_wait3A_678, %dma_wait3A_683] : memref<32x200xi32, #tpu.memory_space<vmem>> -> memref<1x72xi32, #tpu.memory_space<vmem>>
    %dma_wait3A_685 = tpu.memref_squeeze %dma_wait3A_684 : memref<1x72xi32, #tpu.memory_space<vmem>> -> memref<72xi32, #tpu.memory_space<vmem>>
    %dma_wait3A_686 = arith.constant 0 : i32
    %dma_wait3A_687 = tpu.memref_slice %arg4[%dma_wait3A_686] : memref<30522xi32, #tpu.memory_space<hbm>> -> memref<30522xi32, #tpu.memory_space<hbm>>
    tpu.wait_indirect_dma semaphore(%arg12 : memref<!tpu.dma_semaphore, #tpu.memory_space<semaphore_mem>>) src(%dma_wait3A_687 : memref<30522xi32, #tpu.memory_space<hbm>>) dst(%dma_wait3A_682 : memref<72xi32, #tpu.memory_space<vmem>>)
    %dma_wait3A_688 = arith.constant 2 : i32
    %dma_wait3A_689 = arith.constant 2 : i32
    %dma_wait3A_690 = arith.constant 0 : i32
    %dma_wait3A_691 = tpu.memref_slice %arg9[%dma_wait3A_689, %dma_wait3A_690] : memref<32x200xi32, #tpu.memory_space<vmem>> -> memref<1x128xi32, #tpu.memory_space<vmem>>
    %dma_wait3A_692 = tpu.memref_squeeze %dma_wait3A_691 : memref<1x128xi32, #tpu.memory_space<vmem>> -> memref<128xi32, #tpu.memory_space<vmem>>
    %dma_wait3A_693 = arith.constant 0 : i32
    %dma_wait3A_694 = tpu.memref_slice %arg7[%dma_wait3A_688, %dma_wait3A_693] : memref<32x200xi32, #tpu.memory_space<vmem>> -> memref<1x128xi32, #tpu.memory_space<vmem>>
    %dma_wait3A_695 = tpu.memref_squeeze %dma_wait3A_694 : memref<1x128xi32, #tpu.memory_space<vmem>> -> memref<128xi32, #tpu.memory_space<vmem>>
    %dma_wait3A_696 = arith.constant 0 : i32
    %dma_wait3A_697 = tpu.memref_slice %arg4[%dma_wait3A_696] : memref<30522xi32, #tpu.memory_space<hbm>> -> memref<30522xi32, #tpu.memory_space<hbm>>
    tpu.wait_indirect_dma semaphore(%arg12 : memref<!tpu.dma_semaphore, #tpu.memory_space<semaphore_mem>>) src(%dma_wait3A_697 : memref<30522xi32, #tpu.memory_space<hbm>>) dst(%dma_wait3A_692 : memref<128xi32, #tpu.memory_space<vmem>>)
    %dma_wait3A_698 = arith.constant 2 : i32
    %dma_wait3A_699 = arith.constant 2 : i32
    %dma_wait3A_700 = arith.constant 128 : i32
    %dma_wait3A_701 = tpu.memref_slice %arg9[%dma_wait3A_699, %dma_wait3A_700] : memref<32x200xi32, #tpu.memory_space<vmem>> -> memref<1x72xi32, #tpu.memory_space<vmem>>
    %dma_wait3A_702 = tpu.memref_squeeze %dma_wait3A_701 : memref<1x72xi32, #tpu.memory_space<vmem>> -> memref<72xi32, #tpu.memory_space<vmem>>
    %dma_wait3A_703 = arith.constant 128 : i32
    %dma_wait3A_704 = tpu.memref_slice %arg7[%dma_wait3A_698, %dma_wait3A_703] : memref<32x200xi32, #tpu.memory_space<vmem>> -> memref<1x72xi32, #tpu.memory_space<vmem>>
    %dma_wait3A_705 = tpu.memref_squeeze %dma_wait3A_704 : memref<1x72xi32, #tpu.memory_space<vmem>> -> memref<72xi32, #tpu.memory_space<vmem>>
    %dma_wait3A_706 = arith.constant 0 : i32
    %dma_wait3A_707 = tpu.memref_slice %arg4[%dma_wait3A_706] : memref<30522xi32, #tpu.memory_space<hbm>> -> memref<30522xi32, #tpu.memory_space<hbm>>
    tpu.wait_indirect_dma semaphore(%arg12 : memref<!tpu.dma_semaphore, #tpu.memory_space<semaphore_mem>>) src(%dma_wait3A_707 : memref<30522xi32, #tpu.memory_space<hbm>>) dst(%dma_wait3A_702 : memref<72xi32, #tpu.memory_space<vmem>>)
    %dma_wait3A_708 = arith.constant 3 : i32
    %dma_wait3A_709 = arith.constant 3 : i32
    %dma_wait3A_710 = arith.constant 0 : i32
    %dma_wait3A_711 = tpu.memref_slice %arg9[%dma_wait3A_709, %dma_wait3A_710] : memref<32x200xi32, #tpu.memory_space<vmem>> -> memref<1x128xi32, #tpu.memory_space<vmem>>
    %dma_wait3A_712 = tpu.memref_squeeze %dma_wait3A_711 : memref<1x128xi32, #tpu.memory_space<vmem>> -> memref<128xi32, #tpu.memory_space<vmem>>
    %dma_wait3A_713 = arith.constant 0 : i32
    %dma_wait3A_714 = tpu.memref_slice %arg7[%dma_wait3A_708, %dma_wait3A_713] : memref<32x200xi32, #tpu.memory_space<vmem>> -> memref<1x128xi32, #tpu.memory_space<vmem>>
    %dma_wait3A_715 = tpu.memref_squeeze %dma_wait3A_714 : memref<1x128xi32, #tpu.memory_space<vmem>> -> memref<128xi32, #tpu.memory_space<vmem>>
    %dma_wait3A_716 = arith.constant 0 : i32
    %dma_wait3A_717 = tpu.memref_slice %arg4[%dma_wait3A_716] : memref<30522xi32, #tpu.memory_space<hbm>> -> memref<30522xi32, #tpu.memory_space<hbm>>
    tpu.wait_indirect_dma semaphore(%arg12 : memref<!tpu.dma_semaphore, #tpu.memory_space<semaphore_mem>>) src(%dma_wait3A_717 : memref<30522xi32, #tpu.memory_space<hbm>>) dst(%dma_wait3A_712 : memref<128xi32, #tpu.memory_space<vmem>>)
    %dma_wait3A_718 = arith.constant 3 : i32
    %dma_wait3A_719 = arith.constant 3 : i32
    %dma_wait3A_720 = arith.constant 128 : i32
    %dma_wait3A_721 = tpu.memref_slice %arg9[%dma_wait3A_719, %dma_wait3A_720] : memref<32x200xi32, #tpu.memory_space<vmem>> -> memref<1x72xi32, #tpu.memory_space<vmem>>
    %dma_wait3A_722 = tpu.memref_squeeze %dma_wait3A_721 : memref<1x72xi32, #tpu.memory_space<vmem>> -> memref<72xi32, #tpu.memory_space<vmem>>
    %dma_wait3A_723 = arith.constant 128 : i32
    %dma_wait3A_724 = tpu.memref_slice %arg7[%dma_wait3A_718, %dma_wait3A_723] : memref<32x200xi32, #tpu.memory_space<vmem>> -> memref<1x72xi32, #tpu.memory_space<vmem>>
    %dma_wait3A_725 = tpu.memref_squeeze %dma_wait3A_724 : memref<1x72xi32, #tpu.memory_space<vmem>> -> memref<72xi32, #tpu.memory_space<vmem>>
    %dma_wait3A_726 = arith.constant 0 : i32
    %dma_wait3A_727 = tpu.memref_slice %arg4[%dma_wait3A_726] : memref<30522xi32, #tpu.memory_space<hbm>> -> memref<30522xi32, #tpu.memory_space<hbm>>
    tpu.wait_indirect_dma semaphore(%arg12 : memref<!tpu.dma_semaphore, #tpu.memory_space<semaphore_mem>>) src(%dma_wait3A_727 : memref<30522xi32, #tpu.memory_space<hbm>>) dst(%dma_wait3A_722 : memref<72xi32, #tpu.memory_space<vmem>>)
    %dma_wait3A_728 = arith.constant 4 : i32
    %dma_wait3A_729 = arith.constant 4 : i32
    %dma_wait3A_730 = arith.constant 0 : i32
    %dma_wait3A_731 = tpu.memref_slice %arg9[%dma_wait3A_729, %dma_wait3A_730] : memref<32x200xi32, #tpu.memory_space<vmem>> -> memref<1x128xi32, #tpu.memory_space<vmem>>
    %dma_wait3A_732 = tpu.memref_squeeze %dma_wait3A_731 : memref<1x128xi32, #tpu.memory_space<vmem>> -> memref<128xi32, #tpu.memory_space<vmem>>
    %dma_wait3A_733 = arith.constant 0 : i32
    %dma_wait3A_734 = tpu.memref_slice %arg7[%dma_wait3A_728, %dma_wait3A_733] : memref<32x200xi32, #tpu.memory_space<vmem>> -> memref<1x128xi32, #tpu.memory_space<vmem>>
    %dma_wait3A_735 = tpu.memref_squeeze %dma_wait3A_734 : memref<1x128xi32, #tpu.memory_space<vmem>> -> memref<128xi32, #tpu.memory_space<vmem>>
    %dma_wait3A_736 = arith.constant 0 : i32
    %dma_wait3A_737 = tpu.memref_slice %arg4[%dma_wait3A_736] : memref<30522xi32, #tpu.memory_space<hbm>> -> memref<30522xi32, #tpu.memory_space<hbm>>
    tpu.wait_indirect_dma semaphore(%arg12 : memref<!tpu.dma_semaphore, #tpu.memory_space<semaphore_mem>>) src(%dma_wait3A_737 : memref<30522xi32, #tpu.memory_space<hbm>>) dst(%dma_wait3A_732 : memref<128xi32, #tpu.memory_space<vmem>>)
    %dma_wait3A_738 = arith.constant 4 : i32
    %dma_wait3A_739 = arith.constant 4 : i32
    %dma_wait3A_740 = arith.constant 128 : i32
    %dma_wait3A_741 = tpu.memref_slice %arg9[%dma_wait3A_739, %dma_wait3A_740] : memref<32x200xi32, #tpu.memory_space<vmem>> -> memref<1x72xi32, #tpu.memory_space<vmem>>
    %dma_wait3A_742 = tpu.memref_squeeze %dma_wait3A_741 : memref<1x72xi32, #tpu.memory_space<vmem>> -> memref<72xi32, #tpu.memory_space<vmem>>
    %dma_wait3A_743 = arith.constant 128 : i32
    %dma_wait3A_744 = tpu.memref_slice %arg7[%dma_wait3A_738, %dma_wait3A_743] : memref<32x200xi32, #tpu.memory_space<vmem>> -> memref<1x72xi32, #tpu.memory_space<vmem>>
    %dma_wait3A_745 = tpu.memref_squeeze %dma_wait3A_744 : memref<1x72xi32, #tpu.memory_space<vmem>> -> memref<72xi32, #tpu.memory_space<vmem>>
    %dma_wait3A_746 = arith.constant 0 : i32
    %dma_wait3A_747 = tpu.memref_slice %arg4[%dma_wait3A_746] : memref<30522xi32, #tpu.memory_space<hbm>> -> memref<30522xi32, #tpu.memory_space<hbm>>
    tpu.wait_indirect_dma semaphore(%arg12 : memref<!tpu.dma_semaphore, #tpu.memory_space<semaphore_mem>>) src(%dma_wait3A_747 : memref<30522xi32, #tpu.memory_space<hbm>>) dst(%dma_wait3A_742 : memref<72xi32, #tpu.memory_space<vmem>>)
    %dma_wait3A_748 = arith.constant 5 : i32
    %dma_wait3A_749 = arith.constant 5 : i32
    %dma_wait3A_750 = arith.constant 0 : i32
    %dma_wait3A_751 = tpu.memref_slice %arg9[%dma_wait3A_749, %dma_wait3A_750] : memref<32x200xi32, #tpu.memory_space<vmem>> -> memref<1x128xi32, #tpu.memory_space<vmem>>
    %dma_wait3A_752 = tpu.memref_squeeze %dma_wait3A_751 : memref<1x128xi32, #tpu.memory_space<vmem>> -> memref<128xi32, #tpu.memory_space<vmem>>
    %dma_wait3A_753 = arith.constant 0 : i32
    %dma_wait3A_754 = tpu.memref_slice %arg7[%dma_wait3A_748, %dma_wait3A_753] : memref<32x200xi32, #tpu.memory_space<vmem>> -> memref<1x128xi32, #tpu.memory_space<vmem>>
    %dma_wait3A_755 = tpu.memref_squeeze %dma_wait3A_754 : memref<1x128xi32, #tpu.memory_space<vmem>> -> memref<128xi32, #tpu.memory_space<vmem>>
    %dma_wait3A_756 = arith.constant 0 : i32
    %dma_wait3A_757 = tpu.memref_slice %arg4[%dma_wait3A_756] : memref<30522xi32, #tpu.memory_space<hbm>> -> memref<30522xi32, #tpu.memory_space<hbm>>
    tpu.wait_indirect_dma semaphore(%arg12 : memref<!tpu.dma_semaphore, #tpu.memory_space<semaphore_mem>>) src(%dma_wait3A_757 : memref<30522xi32, #tpu.memory_space<hbm>>) dst(%dma_wait3A_752 : memref<128xi32, #tpu.memory_space<vmem>>)
    %dma_wait3A_758 = arith.constant 5 : i32
    %dma_wait3A_759 = arith.constant 5 : i32
    %dma_wait3A_760 = arith.constant 128 : i32
    %dma_wait3A_761 = tpu.memref_slice %arg9[%dma_wait3A_759, %dma_wait3A_760] : memref<32x200xi32, #tpu.memory_space<vmem>> -> memref<1x72xi32, #tpu.memory_space<vmem>>
    %dma_wait3A_762 = tpu.memref_squeeze %dma_wait3A_761 : memref<1x72xi32, #tpu.memory_space<vmem>> -> memref<72xi32, #tpu.memory_space<vmem>>
    %dma_wait3A_763 = arith.constant 128 : i32
    %dma_wait3A_764 = tpu.memref_slice %arg7[%dma_wait3A_758, %dma_wait3A_763] : memref<32x200xi32, #tpu.memory_space<vmem>> -> memref<1x72xi32, #tpu.memory_space<vmem>>
    %dma_wait3A_765 = tpu.memref_squeeze %dma_wait3A_764 : memref<1x72xi32, #tpu.memory_space<vmem>> -> memref<72xi32, #tpu.memory_space<vmem>>
    %dma_wait3A_766 = arith.constant 0 : i32
    %dma_wait3A_767 = tpu.memref_slice %arg4[%dma_wait3A_766] : memref<30522xi32, #tpu.memory_space<hbm>> -> memref<30522xi32, #tpu.memory_space<hbm>>
    tpu.wait_indirect_dma semaphore(%arg12 : memref<!tpu.dma_semaphore, #tpu.memory_space<semaphore_mem>>) src(%dma_wait3A_767 : memref<30522xi32, #tpu.memory_space<hbm>>) dst(%dma_wait3A_762 : memref<72xi32, #tpu.memory_space<vmem>>)
    %dma_wait3A_768 = arith.constant 6 : i32
    %dma_wait3A_769 = arith.constant 6 : i32
    %dma_wait3A_770 = arith.constant 0 : i32
    %dma_wait3A_771 = tpu.memref_slice %arg9[%dma_wait3A_769, %dma_wait3A_770] : memref<32x200xi32, #tpu.memory_space<vmem>> -> memref<1x128xi32, #tpu.memory_space<vmem>>
    %dma_wait3A_772 = tpu.memref_squeeze %dma_wait3A_771 : memref<1x128xi32, #tpu.memory_space<vmem>> -> memref<128xi32, #tpu.memory_space<vmem>>
    %dma_wait3A_773 = arith.constant 0 : i32
    %dma_wait3A_774 = tpu.memref_slice %arg7[%dma_wait3A_768, %dma_wait3A_773] : memref<32x200xi32, #tpu.memory_space<vmem>> -> memref<1x128xi32, #tpu.memory_space<vmem>>
    %dma_wait3A_775 = tpu.memref_squeeze %dma_wait3A_774 : memref<1x128xi32, #tpu.memory_space<vmem>> -> memref<128xi32, #tpu.memory_space<vmem>>
    %dma_wait3A_776 = arith.constant 0 : i32
    %dma_wait3A_777 = tpu.memref_slice %arg4[%dma_wait3A_776] : memref<30522xi32, #tpu.memory_space<hbm>> -> memref<30522xi32, #tpu.memory_space<hbm>>
    tpu.wait_indirect_dma semaphore(%arg12 : memref<!tpu.dma_semaphore, #tpu.memory_space<semaphore_mem>>) src(%dma_wait3A_777 : memref<30522xi32, #tpu.memory_space<hbm>>) dst(%dma_wait3A_772 : memref<128xi32, #tpu.memory_space<vmem>>)
    %dma_wait3A_778 = arith.constant 6 : i32
    %dma_wait3A_779 = arith.constant 6 : i32
    %dma_wait3A_780 = arith.constant 128 : i32
    %dma_wait3A_781 = tpu.memref_slice %arg9[%dma_wait3A_779, %dma_wait3A_780] : memref<32x200xi32, #tpu.memory_space<vmem>> -> memref<1x72xi32, #tpu.memory_space<vmem>>
    %dma_wait3A_782 = tpu.memref_squeeze %dma_wait3A_781 : memref<1x72xi32, #tpu.memory_space<vmem>> -> memref<72xi32, #tpu.memory_space<vmem>>
    %dma_wait3A_783 = arith.constant 128 : i32
    %dma_wait3A_784 = tpu.memref_slice %arg7[%dma_wait3A_778, %dma_wait3A_783] : memref<32x200xi32, #tpu.memory_space<vmem>> -> memref<1x72xi32, #tpu.memory_space<vmem>>
    %dma_wait3A_785 = tpu.memref_squeeze %dma_wait3A_784 : memref<1x72xi32, #tpu.memory_space<vmem>> -> memref<72xi32, #tpu.memory_space<vmem>>
    %dma_wait3A_786 = arith.constant 0 : i32
    %dma_wait3A_787 = tpu.memref_slice %arg4[%dma_wait3A_786] : memref<30522xi32, #tpu.memory_space<hbm>> -> memref<30522xi32, #tpu.memory_space<hbm>>
    tpu.wait_indirect_dma semaphore(%arg12 : memref<!tpu.dma_semaphore, #tpu.memory_space<semaphore_mem>>) src(%dma_wait3A_787 : memref<30522xi32, #tpu.memory_space<hbm>>) dst(%dma_wait3A_782 : memref<72xi32, #tpu.memory_space<vmem>>)
    %dma_wait3A_788 = arith.constant 7 : i32
    %dma_wait3A_789 = arith.constant 7 : i32
    %dma_wait3A_790 = arith.constant 0 : i32
    %dma_wait3A_791 = tpu.memref_slice %arg9[%dma_wait3A_789, %dma_wait3A_790] : memref<32x200xi32, #tpu.memory_space<vmem>> -> memref<1x128xi32, #tpu.memory_space<vmem>>
    %dma_wait3A_792 = tpu.memref_squeeze %dma_wait3A_791 : memref<1x128xi32, #tpu.memory_space<vmem>> -> memref<128xi32, #tpu.memory_space<vmem>>
    %dma_wait3A_793 = arith.constant 0 : i32
    %dma_wait3A_794 = tpu.memref_slice %arg7[%dma_wait3A_788, %dma_wait3A_793] : memref<32x200xi32, #tpu.memory_space<vmem>> -> memref<1x128xi32, #tpu.memory_space<vmem>>
    %dma_wait3A_795 = tpu.memref_squeeze %dma_wait3A_794 : memref<1x128xi32, #tpu.memory_space<vmem>> -> memref<128xi32, #tpu.memory_space<vmem>>
    %dma_wait3A_796 = arith.constant 0 : i32
    %dma_wait3A_797 = tpu.memref_slice %arg4[%dma_wait3A_796] : memref<30522xi32, #tpu.memory_space<hbm>> -> memref<30522xi32, #tpu.memory_space<hbm>>
    tpu.wait_indirect_dma semaphore(%arg12 : memref<!tpu.dma_semaphore, #tpu.memory_space<semaphore_mem>>) src(%dma_wait3A_797 : memref<30522xi32, #tpu.memory_space<hbm>>) dst(%dma_wait3A_792 : memref<128xi32, #tpu.memory_space<vmem>>)
    %dma_wait3A_798 = arith.constant 7 : i32
    %dma_wait3A_799 = arith.constant 7 : i32
    %dma_wait3A_800 = arith.constant 128 : i32
    %dma_wait3A_801 = tpu.memref_slice %arg9[%dma_wait3A_799, %dma_wait3A_800] : memref<32x200xi32, #tpu.memory_space<vmem>> -> memref<1x72xi32, #tpu.memory_space<vmem>>
    %dma_wait3A_802 = tpu.memref_squeeze %dma_wait3A_801 : memref<1x72xi32, #tpu.memory_space<vmem>> -> memref<72xi32, #tpu.memory_space<vmem>>
    %dma_wait3A_803 = arith.constant 128 : i32
    %dma_wait3A_804 = tpu.memref_slice %arg7[%dma_wait3A_798, %dma_wait3A_803] : memref<32x200xi32, #tpu.memory_space<vmem>> -> memref<1x72xi32, #tpu.memory_space<vmem>>
    %dma_wait3A_805 = tpu.memref_squeeze %dma_wait3A_804 : memref<1x72xi32, #tpu.memory_space<vmem>> -> memref<72xi32, #tpu.memory_space<vmem>>
    %dma_wait3A_806 = arith.constant 0 : i32
    %dma_wait3A_807 = tpu.memref_slice %arg4[%dma_wait3A_806] : memref<30522xi32, #tpu.memory_space<hbm>> -> memref<30522xi32, #tpu.memory_space<hbm>>
    tpu.wait_indirect_dma semaphore(%arg12 : memref<!tpu.dma_semaphore, #tpu.memory_space<semaphore_mem>>) src(%dma_wait3A_807 : memref<30522xi32, #tpu.memory_space<hbm>>) dst(%dma_wait3A_802 : memref<72xi32, #tpu.memory_space<vmem>>)
    %dma_wait3A_808 = arith.constant 8 : i32
    %dma_wait3A_809 = arith.constant 8 : i32
    %dma_wait3A_810 = arith.constant 0 : i32
    %dma_wait3A_811 = tpu.memref_slice %arg9[%dma_wait3A_809, %dma_wait3A_810] : memref<32x200xi32, #tpu.memory_space<vmem>> -> memref<1x128xi32, #tpu.memory_space<vmem>>
    %dma_wait3A_812 = tpu.memref_squeeze %dma_wait3A_811 : memref<1x128xi32, #tpu.memory_space<vmem>> -> memref<128xi32, #tpu.memory_space<vmem>>
    %dma_wait3A_813 = arith.constant 0 : i32
    %dma_wait3A_814 = tpu.memref_slice %arg7[%dma_wait3A_808, %dma_wait3A_813] : memref<32x200xi32, #tpu.memory_space<vmem>> -> memref<1x128xi32, #tpu.memory_space<vmem>>
    %dma_wait3A_815 = tpu.memref_squeeze %dma_wait3A_814 : memref<1x128xi32, #tpu.memory_space<vmem>> -> memref<128xi32, #tpu.memory_space<vmem>>
    %dma_wait3A_816 = arith.constant 0 : i32
    %dma_wait3A_817 = tpu.memref_slice %arg4[%dma_wait3A_816] : memref<30522xi32, #tpu.memory_space<hbm>> -> memref<30522xi32, #tpu.memory_space<hbm>>
    tpu.wait_indirect_dma semaphore(%arg12 : memref<!tpu.dma_semaphore, #tpu.memory_space<semaphore_mem>>) src(%dma_wait3A_817 : memref<30522xi32, #tpu.memory_space<hbm>>) dst(%dma_wait3A_812 : memref<128xi32, #tpu.memory_space<vmem>>)
    %dma_wait3A_818 = arith.constant 8 : i32
    %dma_wait3A_819 = arith.constant 8 : i32
    %dma_wait3A_820 = arith.constant 128 : i32
    %dma_wait3A_821 = tpu.memref_slice %arg9[%dma_wait3A_819, %dma_wait3A_820] : memref<32x200xi32, #tpu.memory_space<vmem>> -> memref<1x72xi32, #tpu.memory_space<vmem>>
    %dma_wait3A_822 = tpu.memref_squeeze %dma_wait3A_821 : memref<1x72xi32, #tpu.memory_space<vmem>> -> memref<72xi32, #tpu.memory_space<vmem>>
    %dma_wait3A_823 = arith.constant 128 : i32
    %dma_wait3A_824 = tpu.memref_slice %arg7[%dma_wait3A_818, %dma_wait3A_823] : memref<32x200xi32, #tpu.memory_space<vmem>> -> memref<1x72xi32, #tpu.memory_space<vmem>>
    %dma_wait3A_825 = tpu.memref_squeeze %dma_wait3A_824 : memref<1x72xi32, #tpu.memory_space<vmem>> -> memref<72xi32, #tpu.memory_space<vmem>>
    %dma_wait3A_826 = arith.constant 0 : i32
    %dma_wait3A_827 = tpu.memref_slice %arg4[%dma_wait3A_826] : memref<30522xi32, #tpu.memory_space<hbm>> -> memref<30522xi32, #tpu.memory_space<hbm>>
    tpu.wait_indirect_dma semaphore(%arg12 : memref<!tpu.dma_semaphore, #tpu.memory_space<semaphore_mem>>) src(%dma_wait3A_827 : memref<30522xi32, #tpu.memory_space<hbm>>) dst(%dma_wait3A_822 : memref<72xi32, #tpu.memory_space<vmem>>)
    %dma_wait3A_828 = arith.constant 9 : i32
    %dma_wait3A_829 = arith.constant 9 : i32
    %dma_wait3A_830 = arith.constant 0 : i32
    %dma_wait3A_831 = tpu.memref_slice %arg9[%dma_wait3A_829, %dma_wait3A_830] : memref<32x200xi32, #tpu.memory_space<vmem>> -> memref<1x128xi32, #tpu.memory_space<vmem>>
    %dma_wait3A_832 = tpu.memref_squeeze %dma_wait3A_831 : memref<1x128xi32, #tpu.memory_space<vmem>> -> memref<128xi32, #tpu.memory_space<vmem>>
    %dma_wait3A_833 = arith.constant 0 : i32
    %dma_wait3A_834 = tpu.memref_slice %arg7[%dma_wait3A_828, %dma_wait3A_833] : memref<32x200xi32, #tpu.memory_space<vmem>> -> memref<1x128xi32, #tpu.memory_space<vmem>>
    %dma_wait3A_835 = tpu.memref_squeeze %dma_wait3A_834 : memref<1x128xi32, #tpu.memory_space<vmem>> -> memref<128xi32, #tpu.memory_space<vmem>>
    %dma_wait3A_836 = arith.constant 0 : i32
    %dma_wait3A_837 = tpu.memref_slice %arg4[%dma_wait3A_836] : memref<30522xi32, #tpu.memory_space<hbm>> -> memref<30522xi32, #tpu.memory_space<hbm>>
    tpu.wait_indirect_dma semaphore(%arg12 : memref<!tpu.dma_semaphore, #tpu.memory_space<semaphore_mem>>) src(%dma_wait3A_837 : memref<30522xi32, #tpu.memory_space<hbm>>) dst(%dma_wait3A_832 : memref<128xi32, #tpu.memory_space<vmem>>)
    %dma_wait3A_838 = arith.constant 9 : i32
    %dma_wait3A_839 = arith.constant 9 : i32
    %dma_wait3A_840 = arith.constant 128 : i32
    %dma_wait3A_841 = tpu.memref_slice %arg9[%dma_wait3A_839, %dma_wait3A_840] : memref<32x200xi32, #tpu.memory_space<vmem>> -> memref<1x72xi32, #tpu.memory_space<vmem>>
    %dma_wait3A_842 = tpu.memref_squeeze %dma_wait3A_841 : memref<1x72xi32, #tpu.memory_space<vmem>> -> memref<72xi32, #tpu.memory_space<vmem>>
    %dma_wait3A_843 = arith.constant 128 : i32
    %dma_wait3A_844 = tpu.memref_slice %arg7[%dma_wait3A_838, %dma_wait3A_843] : memref<32x200xi32, #tpu.memory_space<vmem>> -> memref<1x72xi32, #tpu.memory_space<vmem>>
    %dma_wait3A_845 = tpu.memref_squeeze %dma_wait3A_844 : memref<1x72xi32, #tpu.memory_space<vmem>> -> memref<72xi32, #tpu.memory_space<vmem>>
    %dma_wait3A_846 = arith.constant 0 : i32
    %dma_wait3A_847 = tpu.memref_slice %arg4[%dma_wait3A_846] : memref<30522xi32, #tpu.memory_space<hbm>> -> memref<30522xi32, #tpu.memory_space<hbm>>
    tpu.wait_indirect_dma semaphore(%arg12 : memref<!tpu.dma_semaphore, #tpu.memory_space<semaphore_mem>>) src(%dma_wait3A_847 : memref<30522xi32, #tpu.memory_space<hbm>>) dst(%dma_wait3A_842 : memref<72xi32, #tpu.memory_space<vmem>>)
    %dma_wait3A_848 = arith.constant 10 : i32
    %dma_wait3A_849 = arith.constant 10 : i32
    %dma_wait3A_850 = arith.constant 0 : i32
    %dma_wait3A_851 = tpu.memref_slice %arg9[%dma_wait3A_849, %dma_wait3A_850] : memref<32x200xi32, #tpu.memory_space<vmem>> -> memref<1x128xi32, #tpu.memory_space<vmem>>
    %dma_wait3A_852 = tpu.memref_squeeze %dma_wait3A_851 : memref<1x128xi32, #tpu.memory_space<vmem>> -> memref<128xi32, #tpu.memory_space<vmem>>
    %dma_wait3A_853 = arith.constant 0 : i32
    %dma_wait3A_854 = tpu.memref_slice %arg7[%dma_wait3A_848, %dma_wait3A_853] : memref<32x200xi32, #tpu.memory_space<vmem>> -> memref<1x128xi32, #tpu.memory_space<vmem>>
    %dma_wait3A_855 = tpu.memref_squeeze %dma_wait3A_854 : memref<1x128xi32, #tpu.memory_space<vmem>> -> memref<128xi32, #tpu.memory_space<vmem>>
    %dma_wait3A_856 = arith.constant 0 : i32
    %dma_wait3A_857 = tpu.memref_slice %arg4[%dma_wait3A_856] : memref<30522xi32, #tpu.memory_space<hbm>> -> memref<30522xi32, #tpu.memory_space<hbm>>
    tpu.wait_indirect_dma semaphore(%arg12 : memref<!tpu.dma_semaphore, #tpu.memory_space<semaphore_mem>>) src(%dma_wait3A_857 : memref<30522xi32, #tpu.memory_space<hbm>>) dst(%dma_wait3A_852 : memref<128xi32, #tpu.memory_space<vmem>>)
    %dma_wait3A_858 = arith.constant 10 : i32
    %dma_wait3A_859 = arith.constant 10 : i32
    %dma_wait3A_860 = arith.constant 128 : i32
    %dma_wait3A_861 = tpu.memref_slice %arg9[%dma_wait3A_859, %dma_wait3A_860] : memref<32x200xi32, #tpu.memory_space<vmem>> -> memref<1x72xi32, #tpu.memory_space<vmem>>
    %dma_wait3A_862 = tpu.memref_squeeze %dma_wait3A_861 : memref<1x72xi32, #tpu.memory_space<vmem>> -> memref<72xi32, #tpu.memory_space<vmem>>
    %dma_wait3A_863 = arith.constant 128 : i32
    %dma_wait3A_864 = tpu.memref_slice %arg7[%dma_wait3A_858, %dma_wait3A_863] : memref<32x200xi32, #tpu.memory_space<vmem>> -> memref<1x72xi32, #tpu.memory_space<vmem>>
    %dma_wait3A_865 = tpu.memref_squeeze %dma_wait3A_864 : memref<1x72xi32, #tpu.memory_space<vmem>> -> memref<72xi32, #tpu.memory_space<vmem>>
    %dma_wait3A_866 = arith.constant 0 : i32
    %dma_wait3A_867 = tpu.memref_slice %arg4[%dma_wait3A_866] : memref<30522xi32, #tpu.memory_space<hbm>> -> memref<30522xi32, #tpu.memory_space<hbm>>
    tpu.wait_indirect_dma semaphore(%arg12 : memref<!tpu.dma_semaphore, #tpu.memory_space<semaphore_mem>>) src(%dma_wait3A_867 : memref<30522xi32, #tpu.memory_space<hbm>>) dst(%dma_wait3A_862 : memref<72xi32, #tpu.memory_space<vmem>>)
    %dma_wait3A_868 = arith.constant 11 : i32
    %dma_wait3A_869 = arith.constant 11 : i32
    %dma_wait3A_870 = arith.constant 0 : i32
    %dma_wait3A_871 = tpu.memref_slice %arg9[%dma_wait3A_869, %dma_wait3A_870] : memref<32x200xi32, #tpu.memory_space<vmem>> -> memref<1x128xi32, #tpu.memory_space<vmem>>
    %dma_wait3A_872 = tpu.memref_squeeze %dma_wait3A_871 : memref<1x128xi32, #tpu.memory_space<vmem>> -> memref<128xi32, #tpu.memory_space<vmem>>
    %dma_wait3A_873 = arith.constant 0 : i32
    %dma_wait3A_874 = tpu.memref_slice %arg7[%dma_wait3A_868, %dma_wait3A_873] : memref<32x200xi32, #tpu.memory_space<vmem>> -> memref<1x128xi32, #tpu.memory_space<vmem>>
    %dma_wait3A_875 = tpu.memref_squeeze %dma_wait3A_874 : memref<1x128xi32, #tpu.memory_space<vmem>> -> memref<128xi32, #tpu.memory_space<vmem>>
    %dma_wait3A_876 = arith.constant 0 : i32
    %dma_wait3A_877 = tpu.memref_slice %arg4[%dma_wait3A_876] : memref<30522xi32, #tpu.memory_space<hbm>> -> memref<30522xi32, #tpu.memory_space<hbm>>
    tpu.wait_indirect_dma semaphore(%arg12 : memref<!tpu.dma_semaphore, #tpu.memory_space<semaphore_mem>>) src(%dma_wait3A_877 : memref<30522xi32, #tpu.memory_space<hbm>>) dst(%dma_wait3A_872 : memref<128xi32, #tpu.memory_space<vmem>>)
    %dma_wait3A_878 = arith.constant 11 : i32
    %dma_wait3A_879 = arith.constant 11 : i32
    %dma_wait3A_880 = arith.constant 128 : i32
    %dma_wait3A_881 = tpu.memref_slice %arg9[%dma_wait3A_879, %dma_wait3A_880] : memref<32x200xi32, #tpu.memory_space<vmem>> -> memref<1x72xi32, #tpu.memory_space<vmem>>
    %dma_wait3A_882 = tpu.memref_squeeze %dma_wait3A_881 : memref<1x72xi32, #tpu.memory_space<vmem>> -> memref<72xi32, #tpu.memory_space<vmem>>
    %dma_wait3A_883 = arith.constant 128 : i32
    %dma_wait3A_884 = tpu.memref_slice %arg7[%dma_wait3A_878, %dma_wait3A_883] : memref<32x200xi32, #tpu.memory_space<vmem>> -> memref<1x72xi32, #tpu.memory_space<vmem>>
    %dma_wait3A_885 = tpu.memref_squeeze %dma_wait3A_884 : memref<1x72xi32, #tpu.memory_space<vmem>> -> memref<72xi32, #tpu.memory_space<vmem>>
    %dma_wait3A_886 = arith.constant 0 : i32
    %dma_wait3A_887 = tpu.memref_slice %arg4[%dma_wait3A_886] : memref<30522xi32, #tpu.memory_space<hbm>> -> memref<30522xi32, #tpu.memory_space<hbm>>
    tpu.wait_indirect_dma semaphore(%arg12 : memref<!tpu.dma_semaphore, #tpu.memory_space<semaphore_mem>>) src(%dma_wait3A_887 : memref<30522xi32, #tpu.memory_space<hbm>>) dst(%dma_wait3A_882 : memref<72xi32, #tpu.memory_space<vmem>>)
    %dma_wait3A_888 = arith.constant 12 : i32
    %dma_wait3A_889 = arith.constant 12 : i32
    %dma_wait3A_890 = arith.constant 0 : i32
    %dma_wait3A_891 = tpu.memref_slice %arg9[%dma_wait3A_889, %dma_wait3A_890] : memref<32x200xi32, #tpu.memory_space<vmem>> -> memref<1x128xi32, #tpu.memory_space<vmem>>
    %dma_wait3A_892 = tpu.memref_squeeze %dma_wait3A_891 : memref<1x128xi32, #tpu.memory_space<vmem>> -> memref<128xi32, #tpu.memory_space<vmem>>
    %dma_wait3A_893 = arith.constant 0 : i32
    %dma_wait3A_894 = tpu.memref_slice %arg7[%dma_wait3A_888, %dma_wait3A_893] : memref<32x200xi32, #tpu.memory_space<vmem>> -> memref<1x128xi32, #tpu.memory_space<vmem>>
    %dma_wait3A_895 = tpu.memref_squeeze %dma_wait3A_894 : memref<1x128xi32, #tpu.memory_space<vmem>> -> memref<128xi32, #tpu.memory_space<vmem>>
    %dma_wait3A_896 = arith.constant 0 : i32
    %dma_wait3A_897 = tpu.memref_slice %arg4[%dma_wait3A_896] : memref<30522xi32, #tpu.memory_space<hbm>> -> memref<30522xi32, #tpu.memory_space<hbm>>
    tpu.wait_indirect_dma semaphore(%arg12 : memref<!tpu.dma_semaphore, #tpu.memory_space<semaphore_mem>>) src(%dma_wait3A_897 : memref<30522xi32, #tpu.memory_space<hbm>>) dst(%dma_wait3A_892 : memref<128xi32, #tpu.memory_space<vmem>>)
    %dma_wait3A_898 = arith.constant 12 : i32
    %dma_wait3A_899 = arith.constant 12 : i32
    %dma_wait3A_900 = arith.constant 128 : i32
    %dma_wait3A_901 = tpu.memref_slice %arg9[%dma_wait3A_899, %dma_wait3A_900] : memref<32x200xi32, #tpu.memory_space<vmem>> -> memref<1x72xi32, #tpu.memory_space<vmem>>
    %dma_wait3A_902 = tpu.memref_squeeze %dma_wait3A_901 : memref<1x72xi32, #tpu.memory_space<vmem>> -> memref<72xi32, #tpu.memory_space<vmem>>
    %dma_wait3A_903 = arith.constant 128 : i32
    %dma_wait3A_904 = tpu.memref_slice %arg7[%dma_wait3A_898, %dma_wait3A_903] : memref<32x200xi32, #tpu.memory_space<vmem>> -> memref<1x72xi32, #tpu.memory_space<vmem>>
    %dma_wait3A_905 = tpu.memref_squeeze %dma_wait3A_904 : memref<1x72xi32, #tpu.memory_space<vmem>> -> memref<72xi32, #tpu.memory_space<vmem>>
    %dma_wait3A_906 = arith.constant 0 : i32
    %dma_wait3A_907 = tpu.memref_slice %arg4[%dma_wait3A_906] : memref<30522xi32, #tpu.memory_space<hbm>> -> memref<30522xi32, #tpu.memory_space<hbm>>
    tpu.wait_indirect_dma semaphore(%arg12 : memref<!tpu.dma_semaphore, #tpu.memory_space<semaphore_mem>>) src(%dma_wait3A_907 : memref<30522xi32, #tpu.memory_space<hbm>>) dst(%dma_wait3A_902 : memref<72xi32, #tpu.memory_space<vmem>>)
    %dma_wait3A_908 = arith.constant 13 : i32
    %dma_wait3A_909 = arith.constant 13 : i32
    %dma_wait3A_910 = arith.constant 0 : i32
    %dma_wait3A_911 = tpu.memref_slice %arg9[%dma_wait3A_909, %dma_wait3A_910] : memref<32x200xi32, #tpu.memory_space<vmem>> -> memref<1x128xi32, #tpu.memory_space<vmem>>
    %dma_wait3A_912 = tpu.memref_squeeze %dma_wait3A_911 : memref<1x128xi32, #tpu.memory_space<vmem>> -> memref<128xi32, #tpu.memory_space<vmem>>
    %dma_wait3A_913 = arith.constant 0 : i32
    %dma_wait3A_914 = tpu.memref_slice %arg7[%dma_wait3A_908, %dma_wait3A_913] : memref<32x200xi32, #tpu.memory_space<vmem>> -> memref<1x128xi32, #tpu.memory_space<vmem>>
    %dma_wait3A_915 = tpu.memref_squeeze %dma_wait3A_914 : memref<1x128xi32, #tpu.memory_space<vmem>> -> memref<128xi32, #tpu.memory_space<vmem>>
    %dma_wait3A_916 = arith.constant 0 : i32
    %dma_wait3A_917 = tpu.memref_slice %arg4[%dma_wait3A_916] : memref<30522xi32, #tpu.memory_space<hbm>> -> memref<30522xi32, #tpu.memory_space<hbm>>
    tpu.wait_indirect_dma semaphore(%arg12 : memref<!tpu.dma_semaphore, #tpu.memory_space<semaphore_mem>>) src(%dma_wait3A_917 : memref<30522xi32, #tpu.memory_space<hbm>>) dst(%dma_wait3A_912 : memref<128xi32, #tpu.memory_space<vmem>>)
    %dma_wait3A_918 = arith.constant 13 : i32
    %dma_wait3A_919 = arith.constant 13 : i32
    %dma_wait3A_920 = arith.constant 128 : i32
    %dma_wait3A_921 = tpu.memref_slice %arg9[%dma_wait3A_919, %dma_wait3A_920] : memref<32x200xi32, #tpu.memory_space<vmem>> -> memref<1x72xi32, #tpu.memory_space<vmem>>
    %dma_wait3A_922 = tpu.memref_squeeze %dma_wait3A_921 : memref<1x72xi32, #tpu.memory_space<vmem>> -> memref<72xi32, #tpu.memory_space<vmem>>
    %dma_wait3A_923 = arith.constant 128 : i32
    %dma_wait3A_924 = tpu.memref_slice %arg7[%dma_wait3A_918, %dma_wait3A_923] : memref<32x200xi32, #tpu.memory_space<vmem>> -> memref<1x72xi32, #tpu.memory_space<vmem>>
    %dma_wait3A_925 = tpu.memref_squeeze %dma_wait3A_924 : memref<1x72xi32, #tpu.memory_space<vmem>> -> memref<72xi32, #tpu.memory_space<vmem>>
    %dma_wait3A_926 = arith.constant 0 : i32
    %dma_wait3A_927 = tpu.memref_slice %arg4[%dma_wait3A_926] : memref<30522xi32, #tpu.memory_space<hbm>> -> memref<30522xi32, #tpu.memory_space<hbm>>
    tpu.wait_indirect_dma semaphore(%arg12 : memref<!tpu.dma_semaphore, #tpu.memory_space<semaphore_mem>>) src(%dma_wait3A_927 : memref<30522xi32, #tpu.memory_space<hbm>>) dst(%dma_wait3A_922 : memref<72xi32, #tpu.memory_space<vmem>>)
    %dma_wait3A_928 = arith.constant 14 : i32
    %dma_wait3A_929 = arith.constant 14 : i32
    %dma_wait3A_930 = arith.constant 0 : i32
    %dma_wait3A_931 = tpu.memref_slice %arg9[%dma_wait3A_929, %dma_wait3A_930] : memref<32x200xi32, #tpu.memory_space<vmem>> -> memref<1x128xi32, #tpu.memory_space<vmem>>
    %dma_wait3A_932 = tpu.memref_squeeze %dma_wait3A_931 : memref<1x128xi32, #tpu.memory_space<vmem>> -> memref<128xi32, #tpu.memory_space<vmem>>
    %dma_wait3A_933 = arith.constant 0 : i32
    %dma_wait3A_934 = tpu.memref_slice %arg7[%dma_wait3A_928, %dma_wait3A_933] : memref<32x200xi32, #tpu.memory_space<vmem>> -> memref<1x128xi32, #tpu.memory_space<vmem>>
    %dma_wait3A_935 = tpu.memref_squeeze %dma_wait3A_934 : memref<1x128xi32, #tpu.memory_space<vmem>> -> memref<128xi32, #tpu.memory_space<vmem>>
    %dma_wait3A_936 = arith.constant 0 : i32
    %dma_wait3A_937 = tpu.memref_slice %arg4[%dma_wait3A_936] : memref<30522xi32, #tpu.memory_space<hbm>> -> memref<30522xi32, #tpu.memory_space<hbm>>
    tpu.wait_indirect_dma semaphore(%arg12 : memref<!tpu.dma_semaphore, #tpu.memory_space<semaphore_mem>>) src(%dma_wait3A_937 : memref<30522xi32, #tpu.memory_space<hbm>>) dst(%dma_wait3A_932 : memref<128xi32, #tpu.memory_space<vmem>>)
    %dma_wait3A_938 = arith.constant 14 : i32
    %dma_wait3A_939 = arith.constant 14 : i32
    %dma_wait3A_940 = arith.constant 128 : i32
    %dma_wait3A_941 = tpu.memref_slice %arg9[%dma_wait3A_939, %dma_wait3A_940] : memref<32x200xi32, #tpu.memory_space<vmem>> -> memref<1x72xi32, #tpu.memory_space<vmem>>
    %dma_wait3A_942 = tpu.memref_squeeze %dma_wait3A_941 : memref<1x72xi32, #tpu.memory_space<vmem>> -> memref<72xi32, #tpu.memory_space<vmem>>
    %dma_wait3A_943 = arith.constant 128 : i32
    %dma_wait3A_944 = tpu.memref_slice %arg7[%dma_wait3A_938, %dma_wait3A_943] : memref<32x200xi32, #tpu.memory_space<vmem>> -> memref<1x72xi32, #tpu.memory_space<vmem>>
    %dma_wait3A_945 = tpu.memref_squeeze %dma_wait3A_944 : memref<1x72xi32, #tpu.memory_space<vmem>> -> memref<72xi32, #tpu.memory_space<vmem>>
    %dma_wait3A_946 = arith.constant 0 : i32
    %dma_wait3A_947 = tpu.memref_slice %arg4[%dma_wait3A_946] : memref<30522xi32, #tpu.memory_space<hbm>> -> memref<30522xi32, #tpu.memory_space<hbm>>
    tpu.wait_indirect_dma semaphore(%arg12 : memref<!tpu.dma_semaphore, #tpu.memory_space<semaphore_mem>>) src(%dma_wait3A_947 : memref<30522xi32, #tpu.memory_space<hbm>>) dst(%dma_wait3A_942 : memref<72xi32, #tpu.memory_space<vmem>>)
    %dma_wait3A_948 = arith.constant 15 : i32
    %dma_wait3A_949 = arith.constant 15 : i32
    %dma_wait3A_950 = arith.constant 0 : i32
    %dma_wait3A_951 = tpu.memref_slice %arg9[%dma_wait3A_949, %dma_wait3A_950] : memref<32x200xi32, #tpu.memory_space<vmem>> -> memref<1x128xi32, #tpu.memory_space<vmem>>
    %dma_wait3A_952 = tpu.memref_squeeze %dma_wait3A_951 : memref<1x128xi32, #tpu.memory_space<vmem>> -> memref<128xi32, #tpu.memory_space<vmem>>
    %dma_wait3A_953 = arith.constant 0 : i32
    %dma_wait3A_954 = tpu.memref_slice %arg7[%dma_wait3A_948, %dma_wait3A_953] : memref<32x200xi32, #tpu.memory_space<vmem>> -> memref<1x128xi32, #tpu.memory_space<vmem>>
    %dma_wait3A_955 = tpu.memref_squeeze %dma_wait3A_954 : memref<1x128xi32, #tpu.memory_space<vmem>> -> memref<128xi32, #tpu.memory_space<vmem>>
    %dma_wait3A_956 = arith.constant 0 : i32
    %dma_wait3A_957 = tpu.memref_slice %arg4[%dma_wait3A_956] : memref<30522xi32, #tpu.memory_space<hbm>> -> memref<30522xi32, #tpu.memory_space<hbm>>
    tpu.wait_indirect_dma semaphore(%arg12 : memref<!tpu.dma_semaphore, #tpu.memory_space<semaphore_mem>>) src(%dma_wait3A_957 : memref<30522xi32, #tpu.memory_space<hbm>>) dst(%dma_wait3A_952 : memref<128xi32, #tpu.memory_space<vmem>>)
    %dma_wait3A_958 = arith.constant 15 : i32
    %dma_wait3A_959 = arith.constant 15 : i32
    %dma_wait3A_960 = arith.constant 128 : i32
    %dma_wait3A_961 = tpu.memref_slice %arg9[%dma_wait3A_959, %dma_wait3A_960] : memref<32x200xi32, #tpu.memory_space<vmem>> -> memref<1x72xi32, #tpu.memory_space<vmem>>
    %dma_wait3A_962 = tpu.memref_squeeze %dma_wait3A_961 : memref<1x72xi32, #tpu.memory_space<vmem>> -> memref<72xi32, #tpu.memory_space<vmem>>
    %dma_wait3A_963 = arith.constant 128 : i32
    %dma_wait3A_964 = tpu.memref_slice %arg7[%dma_wait3A_958, %dma_wait3A_963] : memref<32x200xi32, #tpu.memory_space<vmem>> -> memref<1x72xi32, #tpu.memory_space<vmem>>
    %dma_wait3A_965 = tpu.memref_squeeze %dma_wait3A_964 : memref<1x72xi32, #tpu.memory_space<vmem>> -> memref<72xi32, #tpu.memory_space<vmem>>
    %dma_wait3A_966 = arith.constant 0 : i32
    %dma_wait3A_967 = tpu.memref_slice %arg4[%dma_wait3A_966] : memref<30522xi32, #tpu.memory_space<hbm>> -> memref<30522xi32, #tpu.memory_space<hbm>>
    tpu.wait_indirect_dma semaphore(%arg12 : memref<!tpu.dma_semaphore, #tpu.memory_space<semaphore_mem>>) src(%dma_wait3A_967 : memref<30522xi32, #tpu.memory_space<hbm>>) dst(%dma_wait3A_962 : memref<72xi32, #tpu.memory_space<vmem>>)
    %scan3A = arith.constant 0 : i32
    %scan3A_968 = arith.constant 0 : i32
    %scan3A_969 = arith.constant 2 : i32
    %scan3A_970 = arith.addi %scan3A_968, %scan3A_969 : i32
    %scan3A_971 = arith.constant 1 : i32
    %scan3A_972 = scf.for %scan3A_1305 = %scan3A_968 to %scan3A_970 step %scan3A_971 iter_args(%scan3A_1306 = %scan3A) -> (i32)  : i32 {
      %mul3A_1307 = arith.constant 8 : i32
      %mul3A_1308 = arith.muli %scan3A_1305, %mul3A_1307 : i32
      %add3A_1309 = arith.constant 0 : i32
      %add3A_1310 = arith.addi %mul3A_1308, %add3A_1309 : i32
      %scan3A_1311 = arith.constant 0 : i32
      %scan3A_1312 = arith.constant 12 : i32
      %scan3A_1313 = arith.addi %scan3A_1311, %scan3A_1312 : i32
      %scan3A_1314 = arith.constant 1 : i32
      %scan3A_1315:2 = scf.for %scan3A_2109 = %scan3A_1311 to %scan3A_1313 step %scan3A_1314 iter_args(%scan3A_2110 = %broadcast_in_dim3A_644, %scan3A_2111 = %broadcast_in_dim3A_644) -> (vector<16xf32>, vector<16xf32>)  : i32 {
        %mul3A_2112 = arith.constant 16 : i32
        %mul3A_2113 = arith.muli %scan3A_2109, %mul3A_2112 : i32
        %get3A_2114 = arith.index_cast %add3A_1310 : i32 to index
        %get3A_2115 = arith.index_cast %mul3A_2113 : i32 to index
        %get3A_2116 = tpu.vector_load %arg8[%get3A_2114, %get3A_2115] {strides = array<i32>} : memref<32x200xf32, #tpu.memory_space<vmem>>, vector<1x16xf32>,
        %get3A_2117 = vector.shape_cast %get3A_2116 : vector<1x16xf32> to vector<16xf32>
        %get3A_2118 = arith.index_cast %add3A_1310 : i32 to index
        %get3A_2119 = arith.index_cast %mul3A_2113 : i32 to index
        %get3A_2120 = tpu.vector_load %arg9[%get3A_2118, %get3A_2119] {strides = array<i32>} : memref<32x200xi32, #tpu.memory_space<vmem>>, vector<1x16xi32>,
        %get3A_2121 = vector.shape_cast %get3A_2120 : vector<1x16xi32> to vector<16xi32>
        %shift_left3A_2122 = arith.constant 16 : i32
        %shift_left3A_2123 = vector.broadcast %shift_left3A_2122 : i32 to vector<16xi32>
        %shift_left3A_2124 = arith.shli %get3A_2121, %shift_left3A_2123 : vector<16xi32>
        %bitcast_convert_type3A_2125 = tpu.bitcast %shift_left3A_2124 : vector<16xi32> -> vector<16xf32>
        %and3A_2126 = arith.constant -65536 : i32
        %and3A_2127 = vector.broadcast %and3A_2126 : i32 to vector<16xi32>
        %and3A_2128 = arith.andi %get3A_2121, %and3A_2127 : vector<16xi32>
        %bitcast_convert_type3A_2129 = tpu.bitcast %and3A_2128 : vector<16xi32> -> vector<16xf32>
        %mul3A_2130 = arith.mulf %bitcast_convert_type3A_2125, %get3A_2117 : vector<16xf32>
        %add3A_2131 = arith.addf %scan3A_2110, %mul3A_2130 : vector<16xf32>
        %mul3A_2132 = arith.mulf %bitcast_convert_type3A_2129, %get3A_2117 : vector<16xf32>
        %add3A_2133 = arith.addf %scan3A_2111, %mul3A_2132 : vector<16xf32>
        scf.yield %add3A_2131, %add3A_2133 : vector<16xf32>, vector<16xf32>
      }
      %scan3A_1316 = arith.constant 12 : i32
      %get3A_1317 = arith.index_cast %add3A_1310 : i32 to index
      %get3A_1318 = arith.constant 184 : index
      %get3A_1319 = tpu.vector_load %arg8[%get3A_1317, %get3A_1318] {strides = array<i32>} : memref<32x200xf32, #tpu.memory_space<vmem>>, vector<1x16xf32>,
      %get3A_1320 = vector.shape_cast %get3A_1319 : vector<1x16xf32> to vector<16xf32>
      %lt3A = arith.constant 8 : i32
      %lt3A_1321 = vector.broadcast %lt3A : i32 to vector<16xi32>
      %lt3A_1322 = arith.cmpi slt, %iota3A, %lt3A_1321 : vector<16xi32>
      %jit3A = arith.constant 0.000000e+00 : f32
      %broadcast_in_dim3A_1323 = vector.broadcast %jit3A : f32 to vector<16xf32>
      %select_n3A = arith.select %lt3A_1322, %broadcast_in_dim3A_1323, %get3A_1320 : vector<16xi1>, vector<16xf32>
      %get3A_1324 = arith.index_cast %add3A_1310 : i32 to index
      %get3A_1325 = arith.constant 184 : index
      %get3A_1326 = tpu.vector_load %arg9[%get3A_1324, %get3A_1325] {strides = array<i32>} : memref<32x200xi32, #tpu.memory_space<vmem>>, vector<1x16xi32>,
      %get3A_1327 = vector.shape_cast %get3A_1326 : vector<1x16xi32> to vector<16xi32>
      %shift_left3A = arith.constant 16 : i32
      %shift_left3A_1328 = vector.broadcast %shift_left3A : i32 to vector<16xi32>
      %shift_left3A_1329 = arith.shli %get3A_1327, %shift_left3A_1328 : vector<16xi32>
      %bitcast_convert_type3A = tpu.bitcast %shift_left3A_1329 : vector<16xi32> -> vector<16xf32>
      %and3A_1330 = arith.constant -65536 : i32
      %and3A_1331 = vector.broadcast %and3A_1330 : i32 to vector<16xi32>
      %and3A_1332 = arith.andi %get3A_1327, %and3A_1331 : vector<16xi32>
      %bitcast_convert_type3A_1333 = tpu.bitcast %and3A_1332 : vector<16xi32> -> vector<16xf32>
      %mul3A_1334 = arith.mulf %bitcast_convert_type3A, %select_n3A : vector<16xf32>
      %add3A_1335 = arith.addf %scan3A_1315#0, %mul3A_1334 : vector<16xf32>
      %mul3A_1336 = arith.mulf %bitcast_convert_type3A_1333, %select_n3A : vector<16xf32>
      %add3A_1337 = arith.addf %scan3A_1315#1, %mul3A_1336 : vector<16xf32>
      %xor3A = arith.constant 8 : i32
      %xor3A_1338 = vector.broadcast %xor3A : i32 to vector<16xi32>
      %xor3A_1339 = arith.xori %iota3A, %xor3A_1338 : vector<16xi32>
      %broadcast_in_dim3A_1340 = vector.shape_cast %xor3A_1339 : vector<16xi32> to vector<16x1xi32>
      %gather3A_1341 = vector.shape_cast %broadcast_in_dim3A_1340 : vector<16x1xi32> to vector<16xi32>
      %gather3A_1342 = tpu.dynamic_gather %add3A_1335[%gather3A_1341] in [0] : vector<16xf32>, vector<16xi32> -> vector<16xf32>
      %add3A_1343 = arith.addf %add3A_1335, %gather3A_1342 : vector<16xf32>
      %xor3A_1344 = arith.constant 4 : i32
      %xor3A_1345 = vector.broadcast %xor3A_1344 : i32 to vector<16xi32>
      %xor3A_1346 = arith.xori %iota3A, %xor3A_1345 : vector<16xi32>
      %broadcast_in_dim3A_1347 = vector.shape_cast %xor3A_1346 : vector<16xi32> to vector<16x1xi32>
      %gather3A_1348 = vector.shape_cast %broadcast_in_dim3A_1347 : vector<16x1xi32> to vector<16xi32>
      %gather3A_1349 = tpu.dynamic_gather %add3A_1343[%gather3A_1348] in [0] : vector<16xf32>, vector<16xi32> -> vector<16xf32>
      %add3A_1350 = arith.addf %add3A_1343, %gather3A_1349 : vector<16xf32>
      %xor3A_1351 = arith.constant 2 : i32
      %xor3A_1352 = vector.broadcast %xor3A_1351 : i32 to vector<16xi32>
      %xor3A_1353 = arith.xori %iota3A, %xor3A_1352 : vector<16xi32>
      %broadcast_in_dim3A_1354 = vector.shape_cast %xor3A_1353 : vector<16xi32> to vector<16x1xi32>
      %gather3A_1355 = vector.shape_cast %broadcast_in_dim3A_1354 : vector<16x1xi32> to vector<16xi32>
      %gather3A_1356 = tpu.dynamic_gather %add3A_1350[%gather3A_1355] in [0] : vector<16xf32>, vector<16xi32> -> vector<16xf32>
      %add3A_1357 = arith.addf %add3A_1350, %gather3A_1356 : vector<16xf32>
      %xor3A_1358 = arith.constant 1 : i32
      %xor3A_1359 = vector.broadcast %xor3A_1358 : i32 to vector<16xi32>
      %xor3A_1360 = arith.xori %iota3A, %xor3A_1359 : vector<16xi32>
      %broadcast_in_dim3A_1361 = vector.shape_cast %xor3A_1360 : vector<16xi32> to vector<16x1xi32>
      %gather3A_1362 = vector.shape_cast %broadcast_in_dim3A_1361 : vector<16x1xi32> to vector<16xi32>
      %gather3A_1363 = tpu.dynamic_gather %add3A_1357[%gather3A_1362] in [0] : vector<16xf32>, vector<16xi32> -> vector<16xf32>
      %add3A_1364 = arith.addf %add3A_1357, %gather3A_1363 : vector<16xf32>
      %xor3A_1365 = arith.constant 8 : i32
      %xor3A_1366 = vector.broadcast %xor3A_1365 : i32 to vector<16xi32>
      %xor3A_1367 = arith.xori %iota3A, %xor3A_1366 : vector<16xi32>
      %broadcast_in_dim3A_1368 = vector.shape_cast %xor3A_1367 : vector<16xi32> to vector<16x1xi32>
      %gather3A_1369 = vector.shape_cast %broadcast_in_dim3A_1368 : vector<16x1xi32> to vector<16xi32>
      %gather3A_1370 = tpu.dynamic_gather %add3A_1337[%gather3A_1369] in [0] : vector<16xf32>, vector<16xi32> -> vector<16xf32>
      %add3A_1371 = arith.addf %add3A_1337, %gather3A_1370 : vector<16xf32>
      %xor3A_1372 = arith.constant 4 : i32
      %xor3A_1373 = vector.broadcast %xor3A_1372 : i32 to vector<16xi32>
      %xor3A_1374 = arith.xori %iota3A, %xor3A_1373 : vector<16xi32>
      %broadcast_in_dim3A_1375 = vector.shape_cast %xor3A_1374 : vector<16xi32> to vector<16x1xi32>
      %gather3A_1376 = vector.shape_cast %broadcast_in_dim3A_1375 : vector<16x1xi32> to vector<16xi32>
      %gather3A_1377 = tpu.dynamic_gather %add3A_1371[%gather3A_1376] in [0] : vector<16xf32>, vector<16xi32> -> vector<16xf32>
      %add3A_1378 = arith.addf %add3A_1371, %gather3A_1377 : vector<16xf32>
      %xor3A_1379 = arith.constant 2 : i32
      %xor3A_1380 = vector.broadcast %xor3A_1379 : i32 to vector<16xi32>
      %xor3A_1381 = arith.xori %iota3A, %xor3A_1380 : vector<16xi32>
      %broadcast_in_dim3A_1382 = vector.shape_cast %xor3A_1381 : vector<16xi32> to vector<16x1xi32>
      %gather3A_1383 = vector.shape_cast %broadcast_in_dim3A_1382 : vector<16x1xi32> to vector<16xi32>
      %gather3A_1384 = tpu.dynamic_gather %add3A_1378[%gather3A_1383] in [0] : vector<16xf32>, vector<16xi32> -> vector<16xf32>
      %add3A_1385 = arith.addf %add3A_1378, %gather3A_1384 : vector<16xf32>
      %xor3A_1386 = arith.constant 1 : i32
      %xor3A_1387 = vector.broadcast %xor3A_1386 : i32 to vector<16xi32>
      %xor3A_1388 = arith.xori %iota3A, %xor3A_1387 : vector<16xi32>
      %broadcast_in_dim3A_1389 = vector.shape_cast %xor3A_1388 : vector<16xi32> to vector<16x1xi32>
      %gather3A_1390 = vector.shape_cast %broadcast_in_dim3A_1389 : vector<16x1xi32> to vector<16xi32>
      %gather3A_1391 = tpu.dynamic_gather %add3A_1385[%gather3A_1390] in [0] : vector<16xf32>, vector<16xi32> -> vector<16xf32>
      %add3A_1392 = arith.addf %add3A_1385, %gather3A_1391 : vector<16xf32>
      %eq3A = arith.constant 0 : i32
      %eq3A_1393 = vector.broadcast %eq3A : i32 to vector<16xi32>
      %eq3A_1394 = arith.cmpi eq, %iota3A, %eq3A_1393 : vector<16xi32>
      %select_n3A_1395 = arith.select %eq3A_1394, %add3A_1364, %broadcast_in_dim3A_644 : vector<16xi1>, vector<16xf32>
      %eq3A_1396 = arith.constant 1 : i32
      %eq3A_1397 = vector.broadcast %eq3A_1396 : i32 to vector<16xi32>
      %eq3A_1398 = arith.cmpi eq, %iota3A, %eq3A_1397 : vector<16xi32>
      %select_n3A_1399 = arith.select %eq3A_1398, %add3A_1392, %select_n3A_1395 : vector<16xi1>, vector<16xf32>
      %mul3A_1400 = arith.constant 8 : i32
      %mul3A_1401 = arith.muli %scan3A_1305, %mul3A_1400 : i32
      %add3A_1402 = arith.constant 1 : i32
      %add3A_1403 = arith.addi %mul3A_1401, %add3A_1402 : i32
      %scan3A_1404 = arith.constant 0 : i32
      %scan3A_1405 = arith.constant 12 : i32
      %scan3A_1406 = arith.addi %scan3A_1404, %scan3A_1405 : i32
      %scan3A_1407 = arith.constant 1 : i32
      %scan3A_1408:2 = scf.for %scan3A_2109 = %scan3A_1404 to %scan3A_1406 step %scan3A_1407 iter_args(%scan3A_2110 = %broadcast_in_dim3A_644, %scan3A_2111 = %broadcast_in_dim3A_644) -> (vector<16xf32>, vector<16xf32>)  : i32 {
        %mul3A_2112 = arith.constant 16 : i32
        %mul3A_2113 = arith.muli %scan3A_2109, %mul3A_2112 : i32
        %get3A_2114 = arith.index_cast %add3A_1403 : i32 to index
        %get3A_2115 = arith.index_cast %mul3A_2113 : i32 to index
        %get3A_2116 = tpu.vector_load %arg8[%get3A_2114, %get3A_2115] {strides = array<i32>} : memref<32x200xf32, #tpu.memory_space<vmem>>, vector<1x16xf32>,
        %get3A_2117 = vector.shape_cast %get3A_2116 : vector<1x16xf32> to vector<16xf32>
        %get3A_2118 = arith.index_cast %add3A_1403 : i32 to index
        %get3A_2119 = arith.index_cast %mul3A_2113 : i32 to index
        %get3A_2120 = tpu.vector_load %arg9[%get3A_2118, %get3A_2119] {strides = array<i32>} : memref<32x200xi32, #tpu.memory_space<vmem>>, vector<1x16xi32>,
        %get3A_2121 = vector.shape_cast %get3A_2120 : vector<1x16xi32> to vector<16xi32>
        %shift_left3A_2122 = arith.constant 16 : i32
        %shift_left3A_2123 = vector.broadcast %shift_left3A_2122 : i32 to vector<16xi32>
        %shift_left3A_2124 = arith.shli %get3A_2121, %shift_left3A_2123 : vector<16xi32>
        %bitcast_convert_type3A_2125 = tpu.bitcast %shift_left3A_2124 : vector<16xi32> -> vector<16xf32>
        %and3A_2126 = arith.constant -65536 : i32
        %and3A_2127 = vector.broadcast %and3A_2126 : i32 to vector<16xi32>
        %and3A_2128 = arith.andi %get3A_2121, %and3A_2127 : vector<16xi32>
        %bitcast_convert_type3A_2129 = tpu.bitcast %and3A_2128 : vector<16xi32> -> vector<16xf32>
        %mul3A_2130 = arith.mulf %bitcast_convert_type3A_2125, %get3A_2117 : vector<16xf32>
        %add3A_2131 = arith.addf %scan3A_2110, %mul3A_2130 : vector<16xf32>
        %mul3A_2132 = arith.mulf %bitcast_convert_type3A_2129, %get3A_2117 : vector<16xf32>
        %add3A_2133 = arith.addf %scan3A_2111, %mul3A_2132 : vector<16xf32>
        scf.yield %add3A_2131, %add3A_2133 : vector<16xf32>, vector<16xf32>
      }
      %scan3A_1409 = arith.constant 12 : i32
      %get3A_1410 = arith.index_cast %add3A_1403 : i32 to index
      %get3A_1411 = arith.constant 184 : index
      %get3A_1412 = tpu.vector_load %arg8[%get3A_1410, %get3A_1411] {strides = array<i32>} : memref<32x200xf32, #tpu.memory_space<vmem>>, vector<1x16xf32>,
      %get3A_1413 = vector.shape_cast %get3A_1412 : vector<1x16xf32> to vector<16xf32>
      %lt3A_1414 = arith.constant 8 : i32
      %lt3A_1415 = vector.broadcast %lt3A_1414 : i32 to vector<16xi32>
      %lt3A_1416 = arith.cmpi slt, %iota3A, %lt3A_1415 : vector<16xi32>
      %jit3A_1417 = arith.constant 0.000000e+00 : f32
      %broadcast_in_dim3A_1418 = vector.broadcast %jit3A_1417 : f32 to vector<16xf32>
      %select_n3A_1419 = arith.select %lt3A_1416, %broadcast_in_dim3A_1418, %get3A_1413 : vector<16xi1>, vector<16xf32>
      %get3A_1420 = arith.index_cast %add3A_1403 : i32 to index
      %get3A_1421 = arith.constant 184 : index
      %get3A_1422 = tpu.vector_load %arg9[%get3A_1420, %get3A_1421] {strides = array<i32>} : memref<32x200xi32, #tpu.memory_space<vmem>>, vector<1x16xi32>,
      %get3A_1423 = vector.shape_cast %get3A_1422 : vector<1x16xi32> to vector<16xi32>
      %shift_left3A_1424 = arith.constant 16 : i32
      %shift_left3A_1425 = vector.broadcast %shift_left3A_1424 : i32 to vector<16xi32>
      %shift_left3A_1426 = arith.shli %get3A_1423, %shift_left3A_1425 : vector<16xi32>
      %bitcast_convert_type3A_1427 = tpu.bitcast %shift_left3A_1426 : vector<16xi32> -> vector<16xf32>
      %and3A_1428 = arith.constant -65536 : i32
      %and3A_1429 = vector.broadcast %and3A_1428 : i32 to vector<16xi32>
      %and3A_1430 = arith.andi %get3A_1423, %and3A_1429 : vector<16xi32>
      %bitcast_convert_type3A_1431 = tpu.bitcast %and3A_1430 : vector<16xi32> -> vector<16xf32>
      %mul3A_1432 = arith.mulf %bitcast_convert_type3A_1427, %select_n3A_1419 : vector<16xf32>
      %add3A_1433 = arith.addf %scan3A_1408#0, %mul3A_1432 : vector<16xf32>
      %mul3A_1434 = arith.mulf %bitcast_convert_type3A_1431, %select_n3A_1419 : vector<16xf32>
      %add3A_1435 = arith.addf %scan3A_1408#1, %mul3A_1434 : vector<16xf32>
      %xor3A_1436 = arith.constant 8 : i32
      %xor3A_1437 = vector.broadcast %xor3A_1436 : i32 to vector<16xi32>
      %xor3A_1438 = arith.xori %iota3A, %xor3A_1437 : vector<16xi32>
      %broadcast_in_dim3A_1439 = vector.shape_cast %xor3A_1438 : vector<16xi32> to vector<16x1xi32>
      %gather3A_1440 = vector.shape_cast %broadcast_in_dim3A_1439 : vector<16x1xi32> to vector<16xi32>
      %gather3A_1441 = tpu.dynamic_gather %add3A_1433[%gather3A_1440] in [0] : vector<16xf32>, vector<16xi32> -> vector<16xf32>
      %add3A_1442 = arith.addf %add3A_1433, %gather3A_1441 : vector<16xf32>
      %xor3A_1443 = arith.constant 4 : i32
      %xor3A_1444 = vector.broadcast %xor3A_1443 : i32 to vector<16xi32>
      %xor3A_1445 = arith.xori %iota3A, %xor3A_1444 : vector<16xi32>
      %broadcast_in_dim3A_1446 = vector.shape_cast %xor3A_1445 : vector<16xi32> to vector<16x1xi32>
      %gather3A_1447 = vector.shape_cast %broadcast_in_dim3A_1446 : vector<16x1xi32> to vector<16xi32>
      %gather3A_1448 = tpu.dynamic_gather %add3A_1442[%gather3A_1447] in [0] : vector<16xf32>, vector<16xi32> -> vector<16xf32>
      %add3A_1449 = arith.addf %add3A_1442, %gather3A_1448 : vector<16xf32>
      %xor3A_1450 = arith.constant 2 : i32
      %xor3A_1451 = vector.broadcast %xor3A_1450 : i32 to vector<16xi32>
      %xor3A_1452 = arith.xori %iota3A, %xor3A_1451 : vector<16xi32>
      %broadcast_in_dim3A_1453 = vector.shape_cast %xor3A_1452 : vector<16xi32> to vector<16x1xi32>
      %gather3A_1454 = vector.shape_cast %broadcast_in_dim3A_1453 : vector<16x1xi32> to vector<16xi32>
      %gather3A_1455 = tpu.dynamic_gather %add3A_1449[%gather3A_1454] in [0] : vector<16xf32>, vector<16xi32> -> vector<16xf32>
      %add3A_1456 = arith.addf %add3A_1449, %gather3A_1455 : vector<16xf32>
      %xor3A_1457 = arith.constant 1 : i32
      %xor3A_1458 = vector.broadcast %xor3A_1457 : i32 to vector<16xi32>
      %xor3A_1459 = arith.xori %iota3A, %xor3A_1458 : vector<16xi32>
      %broadcast_in_dim3A_1460 = vector.shape_cast %xor3A_1459 : vector<16xi32> to vector<16x1xi32>
      %gather3A_1461 = vector.shape_cast %broadcast_in_dim3A_1460 : vector<16x1xi32> to vector<16xi32>
      %gather3A_1462 = tpu.dynamic_gather %add3A_1456[%gather3A_1461] in [0] : vector<16xf32>, vector<16xi32> -> vector<16xf32>
      %add3A_1463 = arith.addf %add3A_1456, %gather3A_1462 : vector<16xf32>
      %xor3A_1464 = arith.constant 8 : i32
      %xor3A_1465 = vector.broadcast %xor3A_1464 : i32 to vector<16xi32>
      %xor3A_1466 = arith.xori %iota3A, %xor3A_1465 : vector<16xi32>
      %broadcast_in_dim3A_1467 = vector.shape_cast %xor3A_1466 : vector<16xi32> to vector<16x1xi32>
      %gather3A_1468 = vector.shape_cast %broadcast_in_dim3A_1467 : vector<16x1xi32> to vector<16xi32>
      %gather3A_1469 = tpu.dynamic_gather %add3A_1435[%gather3A_1468] in [0] : vector<16xf32>, vector<16xi32> -> vector<16xf32>
      %add3A_1470 = arith.addf %add3A_1435, %gather3A_1469 : vector<16xf32>
      %xor3A_1471 = arith.constant 4 : i32
      %xor3A_1472 = vector.broadcast %xor3A_1471 : i32 to vector<16xi32>
      %xor3A_1473 = arith.xori %iota3A, %xor3A_1472 : vector<16xi32>
      %broadcast_in_dim3A_1474 = vector.shape_cast %xor3A_1473 : vector<16xi32> to vector<16x1xi32>
      %gather3A_1475 = vector.shape_cast %broadcast_in_dim3A_1474 : vector<16x1xi32> to vector<16xi32>
      %gather3A_1476 = tpu.dynamic_gather %add3A_1470[%gather3A_1475] in [0] : vector<16xf32>, vector<16xi32> -> vector<16xf32>
      %add3A_1477 = arith.addf %add3A_1470, %gather3A_1476 : vector<16xf32>
      %xor3A_1478 = arith.constant 2 : i32
      %xor3A_1479 = vector.broadcast %xor3A_1478 : i32 to vector<16xi32>
      %xor3A_1480 = arith.xori %iota3A, %xor3A_1479 : vector<16xi32>
      %broadcast_in_dim3A_1481 = vector.shape_cast %xor3A_1480 : vector<16xi32> to vector<16x1xi32>
      %gather3A_1482 = vector.shape_cast %broadcast_in_dim3A_1481 : vector<16x1xi32> to vector<16xi32>
      %gather3A_1483 = tpu.dynamic_gather %add3A_1477[%gather3A_1482] in [0] : vector<16xf32>, vector<16xi32> -> vector<16xf32>
      %add3A_1484 = arith.addf %add3A_1477, %gather3A_1483 : vector<16xf32>
      %xor3A_1485 = arith.constant 1 : i32
      %xor3A_1486 = vector.broadcast %xor3A_1485 : i32 to vector<16xi32>
      %xor3A_1487 = arith.xori %iota3A, %xor3A_1486 : vector<16xi32>
      %broadcast_in_dim3A_1488 = vector.shape_cast %xor3A_1487 : vector<16xi32> to vector<16x1xi32>
      %gather3A_1489 = vector.shape_cast %broadcast_in_dim3A_1488 : vector<16x1xi32> to vector<16xi32>
      %gather3A_1490 = tpu.dynamic_gather %add3A_1484[%gather3A_1489] in [0] : vector<16xf32>, vector<16xi32> -> vector<16xf32>
      %add3A_1491 = arith.addf %add3A_1484, %gather3A_1490 : vector<16xf32>
      %eq3A_1492 = arith.constant 2 : i32
      %eq3A_1493 = vector.broadcast %eq3A_1492 : i32 to vector<16xi32>
      %eq3A_1494 = arith.cmpi eq, %iota3A, %eq3A_1493 : vector<16xi32>
      %select_n3A_1495 = arith.select %eq3A_1494, %add3A_1463, %select_n3A_1399 : vector<16xi1>, vector<16xf32>
      %eq3A_1496 = arith.constant 3 : i32
      %eq3A_1497 = vector.broadcast %eq3A_1496 : i32 to vector<16xi32>
      %eq3A_1498 = arith.cmpi eq, %iota3A, %eq3A_1497 : vector<16xi32>
      %select_n3A_1499 = arith.select %eq3A_1498, %add3A_1491, %select_n3A_1495 : vector<16xi1>, vector<16xf32>
      %mul3A_1500 = arith.constant 8 : i32
      %mul3A_1501 = arith.muli %scan3A_1305, %mul3A_1500 : i32
      %add3A_1502 = arith.constant 2 : i32
      %add3A_1503 = arith.addi %mul3A_1501, %add3A_1502 : i32
      %scan3A_1504 = arith.constant 0 : i32
      %scan3A_1505 = arith.constant 12 : i32
      %scan3A_1506 = arith.addi %scan3A_1504, %scan3A_1505 : i32
      %scan3A_1507 = arith.constant 1 : i32
      %scan3A_1508:2 = scf.for %scan3A_2109 = %scan3A_1504 to %scan3A_1506 step %scan3A_1507 iter_args(%scan3A_2110 = %broadcast_in_dim3A_644, %scan3A_2111 = %broadcast_in_dim3A_644) -> (vector<16xf32>, vector<16xf32>)  : i32 {
        %mul3A_2112 = arith.constant 16 : i32
        %mul3A_2113 = arith.muli %scan3A_2109, %mul3A_2112 : i32
        %get3A_2114 = arith.index_cast %add3A_1503 : i32 to index
        %get3A_2115 = arith.index_cast %mul3A_2113 : i32 to index
        %get3A_2116 = tpu.vector_load %arg8[%get3A_2114, %get3A_2115] {strides = array<i32>} : memref<32x200xf32, #tpu.memory_space<vmem>>, vector<1x16xf32>,
        %get3A_2117 = vector.shape_cast %get3A_2116 : vector<1x16xf32> to vector<16xf32>
        %get3A_2118 = arith.index_cast %add3A_1503 : i32 to index
        %get3A_2119 = arith.index_cast %mul3A_2113 : i32 to index
        %get3A_2120 = tpu.vector_load %arg9[%get3A_2118, %get3A_2119] {strides = array<i32>} : memref<32x200xi32, #tpu.memory_space<vmem>>, vector<1x16xi32>,
        %get3A_2121 = vector.shape_cast %get3A_2120 : vector<1x16xi32> to vector<16xi32>
        %shift_left3A_2122 = arith.constant 16 : i32
        %shift_left3A_2123 = vector.broadcast %shift_left3A_2122 : i32 to vector<16xi32>
        %shift_left3A_2124 = arith.shli %get3A_2121, %shift_left3A_2123 : vector<16xi32>
        %bitcast_convert_type3A_2125 = tpu.bitcast %shift_left3A_2124 : vector<16xi32> -> vector<16xf32>
        %and3A_2126 = arith.constant -65536 : i32
        %and3A_2127 = vector.broadcast %and3A_2126 : i32 to vector<16xi32>
        %and3A_2128 = arith.andi %get3A_2121, %and3A_2127 : vector<16xi32>
        %bitcast_convert_type3A_2129 = tpu.bitcast %and3A_2128 : vector<16xi32> -> vector<16xf32>
        %mul3A_2130 = arith.mulf %bitcast_convert_type3A_2125, %get3A_2117 : vector<16xf32>
        %add3A_2131 = arith.addf %scan3A_2110, %mul3A_2130 : vector<16xf32>
        %mul3A_2132 = arith.mulf %bitcast_convert_type3A_2129, %get3A_2117 : vector<16xf32>
        %add3A_2133 = arith.addf %scan3A_2111, %mul3A_2132 : vector<16xf32>
        scf.yield %add3A_2131, %add3A_2133 : vector<16xf32>, vector<16xf32>
      }
      %scan3A_1509 = arith.constant 12 : i32
      %get3A_1510 = arith.index_cast %add3A_1503 : i32 to index
      %get3A_1511 = arith.constant 184 : index
      %get3A_1512 = tpu.vector_load %arg8[%get3A_1510, %get3A_1511] {strides = array<i32>} : memref<32x200xf32, #tpu.memory_space<vmem>>, vector<1x16xf32>,
      %get3A_1513 = vector.shape_cast %get3A_1512 : vector<1x16xf32> to vector<16xf32>
      %lt3A_1514 = arith.constant 8 : i32
      %lt3A_1515 = vector.broadcast %lt3A_1514 : i32 to vector<16xi32>
      %lt3A_1516 = arith.cmpi slt, %iota3A, %lt3A_1515 : vector<16xi32>
      %jit3A_1517 = arith.constant 0.000000e+00 : f32
      %broadcast_in_dim3A_1518 = vector.broadcast %jit3A_1517 : f32 to vector<16xf32>
      %select_n3A_1519 = arith.select %lt3A_1516, %broadcast_in_dim3A_1518, %get3A_1513 : vector<16xi1>, vector<16xf32>
      %get3A_1520 = arith.index_cast %add3A_1503 : i32 to index
      %get3A_1521 = arith.constant 184 : index
      %get3A_1522 = tpu.vector_load %arg9[%get3A_1520, %get3A_1521] {strides = array<i32>} : memref<32x200xi32, #tpu.memory_space<vmem>>, vector<1x16xi32>,
      %get3A_1523 = vector.shape_cast %get3A_1522 : vector<1x16xi32> to vector<16xi32>
      %shift_left3A_1524 = arith.constant 16 : i32
      %shift_left3A_1525 = vector.broadcast %shift_left3A_1524 : i32 to vector<16xi32>
      %shift_left3A_1526 = arith.shli %get3A_1523, %shift_left3A_1525 : vector<16xi32>
      %bitcast_convert_type3A_1527 = tpu.bitcast %shift_left3A_1526 : vector<16xi32> -> vector<16xf32>
      %and3A_1528 = arith.constant -65536 : i32
      %and3A_1529 = vector.broadcast %and3A_1528 : i32 to vector<16xi32>
      %and3A_1530 = arith.andi %get3A_1523, %and3A_1529 : vector<16xi32>
      %bitcast_convert_type3A_1531 = tpu.bitcast %and3A_1530 : vector<16xi32> -> vector<16xf32>
      %mul3A_1532 = arith.mulf %bitcast_convert_type3A_1527, %select_n3A_1519 : vector<16xf32>
      %add3A_1533 = arith.addf %scan3A_1508#0, %mul3A_1532 : vector<16xf32>
      %mul3A_1534 = arith.mulf %bitcast_convert_type3A_1531, %select_n3A_1519 : vector<16xf32>
      %add3A_1535 = arith.addf %scan3A_1508#1, %mul3A_1534 : vector<16xf32>
      %xor3A_1536 = arith.constant 8 : i32
      %xor3A_1537 = vector.broadcast %xor3A_1536 : i32 to vector<16xi32>
      %xor3A_1538 = arith.xori %iota3A, %xor3A_1537 : vector<16xi32>
      %broadcast_in_dim3A_1539 = vector.shape_cast %xor3A_1538 : vector<16xi32> to vector<16x1xi32>
      %gather3A_1540 = vector.shape_cast %broadcast_in_dim3A_1539 : vector<16x1xi32> to vector<16xi32>
      %gather3A_1541 = tpu.dynamic_gather %add3A_1533[%gather3A_1540] in [0] : vector<16xf32>, vector<16xi32> -> vector<16xf32>
      %add3A_1542 = arith.addf %add3A_1533, %gather3A_1541 : vector<16xf32>
      %xor3A_1543 = arith.constant 4 : i32
      %xor3A_1544 = vector.broadcast %xor3A_1543 : i32 to vector<16xi32>
      %xor3A_1545 = arith.xori %iota3A, %xor3A_1544 : vector<16xi32>
      %broadcast_in_dim3A_1546 = vector.shape_cast %xor3A_1545 : vector<16xi32> to vector<16x1xi32>
      %gather3A_1547 = vector.shape_cast %broadcast_in_dim3A_1546 : vector<16x1xi32> to vector<16xi32>
      %gather3A_1548 = tpu.dynamic_gather %add3A_1542[%gather3A_1547] in [0] : vector<16xf32>, vector<16xi32> -> vector<16xf32>
      %add3A_1549 = arith.addf %add3A_1542, %gather3A_1548 : vector<16xf32>
      %xor3A_1550 = arith.constant 2 : i32
      %xor3A_1551 = vector.broadcast %xor3A_1550 : i32 to vector<16xi32>
      %xor3A_1552 = arith.xori %iota3A, %xor3A_1551 : vector<16xi32>
      %broadcast_in_dim3A_1553 = vector.shape_cast %xor3A_1552 : vector<16xi32> to vector<16x1xi32>
      %gather3A_1554 = vector.shape_cast %broadcast_in_dim3A_1553 : vector<16x1xi32> to vector<16xi32>
      %gather3A_1555 = tpu.dynamic_gather %add3A_1549[%gather3A_1554] in [0] : vector<16xf32>, vector<16xi32> -> vector<16xf32>
      %add3A_1556 = arith.addf %add3A_1549, %gather3A_1555 : vector<16xf32>
      %xor3A_1557 = arith.constant 1 : i32
      %xor3A_1558 = vector.broadcast %xor3A_1557 : i32 to vector<16xi32>
      %xor3A_1559 = arith.xori %iota3A, %xor3A_1558 : vector<16xi32>
      %broadcast_in_dim3A_1560 = vector.shape_cast %xor3A_1559 : vector<16xi32> to vector<16x1xi32>
      %gather3A_1561 = vector.shape_cast %broadcast_in_dim3A_1560 : vector<16x1xi32> to vector<16xi32>
      %gather3A_1562 = tpu.dynamic_gather %add3A_1556[%gather3A_1561] in [0] : vector<16xf32>, vector<16xi32> -> vector<16xf32>
      %add3A_1563 = arith.addf %add3A_1556, %gather3A_1562 : vector<16xf32>
      %xor3A_1564 = arith.constant 8 : i32
      %xor3A_1565 = vector.broadcast %xor3A_1564 : i32 to vector<16xi32>
      %xor3A_1566 = arith.xori %iota3A, %xor3A_1565 : vector<16xi32>
      %broadcast_in_dim3A_1567 = vector.shape_cast %xor3A_1566 : vector<16xi32> to vector<16x1xi32>
      %gather3A_1568 = vector.shape_cast %broadcast_in_dim3A_1567 : vector<16x1xi32> to vector<16xi32>
      %gather3A_1569 = tpu.dynamic_gather %add3A_1535[%gather3A_1568] in [0] : vector<16xf32>, vector<16xi32> -> vector<16xf32>
      %add3A_1570 = arith.addf %add3A_1535, %gather3A_1569 : vector<16xf32>
      %xor3A_1571 = arith.constant 4 : i32
      %xor3A_1572 = vector.broadcast %xor3A_1571 : i32 to vector<16xi32>
      %xor3A_1573 = arith.xori %iota3A, %xor3A_1572 : vector<16xi32>
      %broadcast_in_dim3A_1574 = vector.shape_cast %xor3A_1573 : vector<16xi32> to vector<16x1xi32>
      %gather3A_1575 = vector.shape_cast %broadcast_in_dim3A_1574 : vector<16x1xi32> to vector<16xi32>
      %gather3A_1576 = tpu.dynamic_gather %add3A_1570[%gather3A_1575] in [0] : vector<16xf32>, vector<16xi32> -> vector<16xf32>
      %add3A_1577 = arith.addf %add3A_1570, %gather3A_1576 : vector<16xf32>
      %xor3A_1578 = arith.constant 2 : i32
      %xor3A_1579 = vector.broadcast %xor3A_1578 : i32 to vector<16xi32>
      %xor3A_1580 = arith.xori %iota3A, %xor3A_1579 : vector<16xi32>
      %broadcast_in_dim3A_1581 = vector.shape_cast %xor3A_1580 : vector<16xi32> to vector<16x1xi32>
      %gather3A_1582 = vector.shape_cast %broadcast_in_dim3A_1581 : vector<16x1xi32> to vector<16xi32>
      %gather3A_1583 = tpu.dynamic_gather %add3A_1577[%gather3A_1582] in [0] : vector<16xf32>, vector<16xi32> -> vector<16xf32>
      %add3A_1584 = arith.addf %add3A_1577, %gather3A_1583 : vector<16xf32>
      %xor3A_1585 = arith.constant 1 : i32
      %xor3A_1586 = vector.broadcast %xor3A_1585 : i32 to vector<16xi32>
      %xor3A_1587 = arith.xori %iota3A, %xor3A_1586 : vector<16xi32>
      %broadcast_in_dim3A_1588 = vector.shape_cast %xor3A_1587 : vector<16xi32> to vector<16x1xi32>
      %gather3A_1589 = vector.shape_cast %broadcast_in_dim3A_1588 : vector<16x1xi32> to vector<16xi32>
      %gather3A_1590 = tpu.dynamic_gather %add3A_1584[%gather3A_1589] in [0] : vector<16xf32>, vector<16xi32> -> vector<16xf32>
      %add3A_1591 = arith.addf %add3A_1584, %gather3A_1590 : vector<16xf32>
      %eq3A_1592 = arith.constant 4 : i32
      %eq3A_1593 = vector.broadcast %eq3A_1592 : i32 to vector<16xi32>
      %eq3A_1594 = arith.cmpi eq, %iota3A, %eq3A_1593 : vector<16xi32>
      %select_n3A_1595 = arith.select %eq3A_1594, %add3A_1563, %select_n3A_1499 : vector<16xi1>, vector<16xf32>
      %eq3A_1596 = arith.constant 5 : i32
      %eq3A_1597 = vector.broadcast %eq3A_1596 : i32 to vector<16xi32>
      %eq3A_1598 = arith.cmpi eq, %iota3A, %eq3A_1597 : vector<16xi32>
      %select_n3A_1599 = arith.select %eq3A_1598, %add3A_1591, %select_n3A_1595 : vector<16xi1>, vector<16xf32>
      %mul3A_1600 = arith.constant 8 : i32
      %mul3A_1601 = arith.muli %scan3A_1305, %mul3A_1600 : i32
      %add3A_1602 = arith.constant 3 : i32
      %add3A_1603 = arith.addi %mul3A_1601, %add3A_1602 : i32
      %scan3A_1604 = arith.constant 0 : i32
      %scan3A_1605 = arith.constant 12 : i32
      %scan3A_1606 = arith.addi %scan3A_1604, %scan3A_1605 : i32
      %scan3A_1607 = arith.constant 1 : i32
      %scan3A_1608:2 = scf.for %scan3A_2109 = %scan3A_1604 to %scan3A_1606 step %scan3A_1607 iter_args(%scan3A_2110 = %broadcast_in_dim3A_644, %scan3A_2111 = %broadcast_in_dim3A_644) -> (vector<16xf32>, vector<16xf32>)  : i32 {
        %mul3A_2112 = arith.constant 16 : i32
        %mul3A_2113 = arith.muli %scan3A_2109, %mul3A_2112 : i32
        %get3A_2114 = arith.index_cast %add3A_1603 : i32 to index
        %get3A_2115 = arith.index_cast %mul3A_2113 : i32 to index
        %get3A_2116 = tpu.vector_load %arg8[%get3A_2114, %get3A_2115] {strides = array<i32>} : memref<32x200xf32, #tpu.memory_space<vmem>>, vector<1x16xf32>,
        %get3A_2117 = vector.shape_cast %get3A_2116 : vector<1x16xf32> to vector<16xf32>
        %get3A_2118 = arith.index_cast %add3A_1603 : i32 to index
        %get3A_2119 = arith.index_cast %mul3A_2113 : i32 to index
        %get3A_2120 = tpu.vector_load %arg9[%get3A_2118, %get3A_2119] {strides = array<i32>} : memref<32x200xi32, #tpu.memory_space<vmem>>, vector<1x16xi32>,
        %get3A_2121 = vector.shape_cast %get3A_2120 : vector<1x16xi32> to vector<16xi32>
        %shift_left3A_2122 = arith.constant 16 : i32
        %shift_left3A_2123 = vector.broadcast %shift_left3A_2122 : i32 to vector<16xi32>
        %shift_left3A_2124 = arith.shli %get3A_2121, %shift_left3A_2123 : vector<16xi32>
        %bitcast_convert_type3A_2125 = tpu.bitcast %shift_left3A_2124 : vector<16xi32> -> vector<16xf32>
        %and3A_2126 = arith.constant -65536 : i32
        %and3A_2127 = vector.broadcast %and3A_2126 : i32 to vector<16xi32>
        %and3A_2128 = arith.andi %get3A_2121, %and3A_2127 : vector<16xi32>
        %bitcast_convert_type3A_2129 = tpu.bitcast %and3A_2128 : vector<16xi32> -> vector<16xf32>
        %mul3A_2130 = arith.mulf %bitcast_convert_type3A_2125, %get3A_2117 : vector<16xf32>
        %add3A_2131 = arith.addf %scan3A_2110, %mul3A_2130 : vector<16xf32>
        %mul3A_2132 = arith.mulf %bitcast_convert_type3A_2129, %get3A_2117 : vector<16xf32>
        %add3A_2133 = arith.addf %scan3A_2111, %mul3A_2132 : vector<16xf32>
        scf.yield %add3A_2131, %add3A_2133 : vector<16xf32>, vector<16xf32>
      }
      %scan3A_1609 = arith.constant 12 : i32
      %get3A_1610 = arith.index_cast %add3A_1603 : i32 to index
      %get3A_1611 = arith.constant 184 : index
      %get3A_1612 = tpu.vector_load %arg8[%get3A_1610, %get3A_1611] {strides = array<i32>} : memref<32x200xf32, #tpu.memory_space<vmem>>, vector<1x16xf32>,
      %get3A_1613 = vector.shape_cast %get3A_1612 : vector<1x16xf32> to vector<16xf32>
      %lt3A_1614 = arith.constant 8 : i32
      %lt3A_1615 = vector.broadcast %lt3A_1614 : i32 to vector<16xi32>
      %lt3A_1616 = arith.cmpi slt, %iota3A, %lt3A_1615 : vector<16xi32>
      %jit3A_1617 = arith.constant 0.000000e+00 : f32
      %broadcast_in_dim3A_1618 = vector.broadcast %jit3A_1617 : f32 to vector<16xf32>
      %select_n3A_1619 = arith.select %lt3A_1616, %broadcast_in_dim3A_1618, %get3A_1613 : vector<16xi1>, vector<16xf32>
      %get3A_1620 = arith.index_cast %add3A_1603 : i32 to index
      %get3A_1621 = arith.constant 184 : index
      %get3A_1622 = tpu.vector_load %arg9[%get3A_1620, %get3A_1621] {strides = array<i32>} : memref<32x200xi32, #tpu.memory_space<vmem>>, vector<1x16xi32>,
      %get3A_1623 = vector.shape_cast %get3A_1622 : vector<1x16xi32> to vector<16xi32>
      %shift_left3A_1624 = arith.constant 16 : i32
      %shift_left3A_1625 = vector.broadcast %shift_left3A_1624 : i32 to vector<16xi32>
      %shift_left3A_1626 = arith.shli %get3A_1623, %shift_left3A_1625 : vector<16xi32>
      %bitcast_convert_type3A_1627 = tpu.bitcast %shift_left3A_1626 : vector<16xi32> -> vector<16xf32>
      %and3A_1628 = arith.constant -65536 : i32
      %and3A_1629 = vector.broadcast %and3A_1628 : i32 to vector<16xi32>
      %and3A_1630 = arith.andi %get3A_1623, %and3A_1629 : vector<16xi32>
      %bitcast_convert_type3A_1631 = tpu.bitcast %and3A_1630 : vector<16xi32> -> vector<16xf32>
      %mul3A_1632 = arith.mulf %bitcast_convert_type3A_1627, %select_n3A_1619 : vector<16xf32>
      %add3A_1633 = arith.addf %scan3A_1608#0, %mul3A_1632 : vector<16xf32>
      %mul3A_1634 = arith.mulf %bitcast_convert_type3A_1631, %select_n3A_1619 : vector<16xf32>
      %add3A_1635 = arith.addf %scan3A_1608#1, %mul3A_1634 : vector<16xf32>
      %xor3A_1636 = arith.constant 8 : i32
      %xor3A_1637 = vector.broadcast %xor3A_1636 : i32 to vector<16xi32>
      %xor3A_1638 = arith.xori %iota3A, %xor3A_1637 : vector<16xi32>
      %broadcast_in_dim3A_1639 = vector.shape_cast %xor3A_1638 : vector<16xi32> to vector<16x1xi32>
      %gather3A_1640 = vector.shape_cast %broadcast_in_dim3A_1639 : vector<16x1xi32> to vector<16xi32>
      %gather3A_1641 = tpu.dynamic_gather %add3A_1633[%gather3A_1640] in [0] : vector<16xf32>, vector<16xi32> -> vector<16xf32>
      %add3A_1642 = arith.addf %add3A_1633, %gather3A_1641 : vector<16xf32>
      %xor3A_1643 = arith.constant 4 : i32
      %xor3A_1644 = vector.broadcast %xor3A_1643 : i32 to vector<16xi32>
      %xor3A_1645 = arith.xori %iota3A, %xor3A_1644 : vector<16xi32>
      %broadcast_in_dim3A_1646 = vector.shape_cast %xor3A_1645 : vector<16xi32> to vector<16x1xi32>
      %gather3A_1647 = vector.shape_cast %broadcast_in_dim3A_1646 : vector<16x1xi32> to vector<16xi32>
      %gather3A_1648 = tpu.dynamic_gather %add3A_1642[%gather3A_1647] in [0] : vector<16xf32>, vector<16xi32> -> vector<16xf32>
      %add3A_1649 = arith.addf %add3A_1642, %gather3A_1648 : vector<16xf32>
      %xor3A_1650 = arith.constant 2 : i32
      %xor3A_1651 = vector.broadcast %xor3A_1650 : i32 to vector<16xi32>
      %xor3A_1652 = arith.xori %iota3A, %xor3A_1651 : vector<16xi32>
      %broadcast_in_dim3A_1653 = vector.shape_cast %xor3A_1652 : vector<16xi32> to vector<16x1xi32>
      %gather3A_1654 = vector.shape_cast %broadcast_in_dim3A_1653 : vector<16x1xi32> to vector<16xi32>
      %gather3A_1655 = tpu.dynamic_gather %add3A_1649[%gather3A_1654] in [0] : vector<16xf32>, vector<16xi32> -> vector<16xf32>
      %add3A_1656 = arith.addf %add3A_1649, %gather3A_1655 : vector<16xf32>
      %xor3A_1657 = arith.constant 1 : i32
      %xor3A_1658 = vector.broadcast %xor3A_1657 : i32 to vector<16xi32>
      %xor3A_1659 = arith.xori %iota3A, %xor3A_1658 : vector<16xi32>
      %broadcast_in_dim3A_1660 = vector.shape_cast %xor3A_1659 : vector<16xi32> to vector<16x1xi32>
      %gather3A_1661 = vector.shape_cast %broadcast_in_dim3A_1660 : vector<16x1xi32> to vector<16xi32>
      %gather3A_1662 = tpu.dynamic_gather %add3A_1656[%gather3A_1661] in [0] : vector<16xf32>, vector<16xi32> -> vector<16xf32>
      %add3A_1663 = arith.addf %add3A_1656, %gather3A_1662 : vector<16xf32>
      %xor3A_1664 = arith.constant 8 : i32
      %xor3A_1665 = vector.broadcast %xor3A_1664 : i32 to vector<16xi32>
      %xor3A_1666 = arith.xori %iota3A, %xor3A_1665 : vector<16xi32>
      %broadcast_in_dim3A_1667 = vector.shape_cast %xor3A_1666 : vector<16xi32> to vector<16x1xi32>
      %gather3A_1668 = vector.shape_cast %broadcast_in_dim3A_1667 : vector<16x1xi32> to vector<16xi32>
      %gather3A_1669 = tpu.dynamic_gather %add3A_1635[%gather3A_1668] in [0] : vector<16xf32>, vector<16xi32> -> vector<16xf32>
      %add3A_1670 = arith.addf %add3A_1635, %gather3A_1669 : vector<16xf32>
      %xor3A_1671 = arith.constant 4 : i32
      %xor3A_1672 = vector.broadcast %xor3A_1671 : i32 to vector<16xi32>
      %xor3A_1673 = arith.xori %iota3A, %xor3A_1672 : vector<16xi32>
      %broadcast_in_dim3A_1674 = vector.shape_cast %xor3A_1673 : vector<16xi32> to vector<16x1xi32>
      %gather3A_1675 = vector.shape_cast %broadcast_in_dim3A_1674 : vector<16x1xi32> to vector<16xi32>
      %gather3A_1676 = tpu.dynamic_gather %add3A_1670[%gather3A_1675] in [0] : vector<16xf32>, vector<16xi32> -> vector<16xf32>
      %add3A_1677 = arith.addf %add3A_1670, %gather3A_1676 : vector<16xf32>
      %xor3A_1678 = arith.constant 2 : i32
      %xor3A_1679 = vector.broadcast %xor3A_1678 : i32 to vector<16xi32>
      %xor3A_1680 = arith.xori %iota3A, %xor3A_1679 : vector<16xi32>
      %broadcast_in_dim3A_1681 = vector.shape_cast %xor3A_1680 : vector<16xi32> to vector<16x1xi32>
      %gather3A_1682 = vector.shape_cast %broadcast_in_dim3A_1681 : vector<16x1xi32> to vector<16xi32>
      %gather3A_1683 = tpu.dynamic_gather %add3A_1677[%gather3A_1682] in [0] : vector<16xf32>, vector<16xi32> -> vector<16xf32>
      %add3A_1684 = arith.addf %add3A_1677, %gather3A_1683 : vector<16xf32>
      %xor3A_1685 = arith.constant 1 : i32
      %xor3A_1686 = vector.broadcast %xor3A_1685 : i32 to vector<16xi32>
      %xor3A_1687 = arith.xori %iota3A, %xor3A_1686 : vector<16xi32>
      %broadcast_in_dim3A_1688 = vector.shape_cast %xor3A_1687 : vector<16xi32> to vector<16x1xi32>
      %gather3A_1689 = vector.shape_cast %broadcast_in_dim3A_1688 : vector<16x1xi32> to vector<16xi32>
      %gather3A_1690 = tpu.dynamic_gather %add3A_1684[%gather3A_1689] in [0] : vector<16xf32>, vector<16xi32> -> vector<16xf32>
      %add3A_1691 = arith.addf %add3A_1684, %gather3A_1690 : vector<16xf32>
      %eq3A_1692 = arith.constant 6 : i32
      %eq3A_1693 = vector.broadcast %eq3A_1692 : i32 to vector<16xi32>
      %eq3A_1694 = arith.cmpi eq, %iota3A, %eq3A_1693 : vector<16xi32>
      %select_n3A_1695 = arith.select %eq3A_1694, %add3A_1663, %select_n3A_1599 : vector<16xi1>, vector<16xf32>
      %eq3A_1696 = arith.constant 7 : i32
      %eq3A_1697 = vector.broadcast %eq3A_1696 : i32 to vector<16xi32>
      %eq3A_1698 = arith.cmpi eq, %iota3A, %eq3A_1697 : vector<16xi32>
      %select_n3A_1699 = arith.select %eq3A_1698, %add3A_1691, %select_n3A_1695 : vector<16xi1>, vector<16xf32>
      %mul3A_1700 = arith.constant 8 : i32
      %mul3A_1701 = arith.muli %scan3A_1305, %mul3A_1700 : i32
      %add3A_1702 = arith.constant 4 : i32
      %add3A_1703 = arith.addi %mul3A_1701, %add3A_1702 : i32
      %scan3A_1704 = arith.constant 0 : i32
      %scan3A_1705 = arith.constant 12 : i32
      %scan3A_1706 = arith.addi %scan3A_1704, %scan3A_1705 : i32
      %scan3A_1707 = arith.constant 1 : i32
      %scan3A_1708:2 = scf.for %scan3A_2109 = %scan3A_1704 to %scan3A_1706 step %scan3A_1707 iter_args(%scan3A_2110 = %broadcast_in_dim3A_644, %scan3A_2111 = %broadcast_in_dim3A_644) -> (vector<16xf32>, vector<16xf32>)  : i32 {
        %mul3A_2112 = arith.constant 16 : i32
        %mul3A_2113 = arith.muli %scan3A_2109, %mul3A_2112 : i32
        %get3A_2114 = arith.index_cast %add3A_1703 : i32 to index
        %get3A_2115 = arith.index_cast %mul3A_2113 : i32 to index
        %get3A_2116 = tpu.vector_load %arg8[%get3A_2114, %get3A_2115] {strides = array<i32>} : memref<32x200xf32, #tpu.memory_space<vmem>>, vector<1x16xf32>,
        %get3A_2117 = vector.shape_cast %get3A_2116 : vector<1x16xf32> to vector<16xf32>
        %get3A_2118 = arith.index_cast %add3A_1703 : i32 to index
        %get3A_2119 = arith.index_cast %mul3A_2113 : i32 to index
        %get3A_2120 = tpu.vector_load %arg9[%get3A_2118, %get3A_2119] {strides = array<i32>} : memref<32x200xi32, #tpu.memory_space<vmem>>, vector<1x16xi32>,
        %get3A_2121 = vector.shape_cast %get3A_2120 : vector<1x16xi32> to vector<16xi32>
        %shift_left3A_2122 = arith.constant 16 : i32
        %shift_left3A_2123 = vector.broadcast %shift_left3A_2122 : i32 to vector<16xi32>
        %shift_left3A_2124 = arith.shli %get3A_2121, %shift_left3A_2123 : vector<16xi32>
        %bitcast_convert_type3A_2125 = tpu.bitcast %shift_left3A_2124 : vector<16xi32> -> vector<16xf32>
        %and3A_2126 = arith.constant -65536 : i32
        %and3A_2127 = vector.broadcast %and3A_2126 : i32 to vector<16xi32>
        %and3A_2128 = arith.andi %get3A_2121, %and3A_2127 : vector<16xi32>
        %bitcast_convert_type3A_2129 = tpu.bitcast %and3A_2128 : vector<16xi32> -> vector<16xf32>
        %mul3A_2130 = arith.mulf %bitcast_convert_type3A_2125, %get3A_2117 : vector<16xf32>
        %add3A_2131 = arith.addf %scan3A_2110, %mul3A_2130 : vector<16xf32>
        %mul3A_2132 = arith.mulf %bitcast_convert_type3A_2129, %get3A_2117 : vector<16xf32>
        %add3A_2133 = arith.addf %scan3A_2111, %mul3A_2132 : vector<16xf32>
        scf.yield %add3A_2131, %add3A_2133 : vector<16xf32>, vector<16xf32>
      }
      %scan3A_1709 = arith.constant 12 : i32
      %get3A_1710 = arith.index_cast %add3A_1703 : i32 to index
      %get3A_1711 = arith.constant 184 : index
      %get3A_1712 = tpu.vector_load %arg8[%get3A_1710, %get3A_1711] {strides = array<i32>} : memref<32x200xf32, #tpu.memory_space<vmem>>, vector<1x16xf32>,
      %get3A_1713 = vector.shape_cast %get3A_1712 : vector<1x16xf32> to vector<16xf32>
      %lt3A_1714 = arith.constant 8 : i32
      %lt3A_1715 = vector.broadcast %lt3A_1714 : i32 to vector<16xi32>
      %lt3A_1716 = arith.cmpi slt, %iota3A, %lt3A_1715 : vector<16xi32>
      %jit3A_1717 = arith.constant 0.000000e+00 : f32
      %broadcast_in_dim3A_1718 = vector.broadcast %jit3A_1717 : f32 to vector<16xf32>
      %select_n3A_1719 = arith.select %lt3A_1716, %broadcast_in_dim3A_1718, %get3A_1713 : vector<16xi1>, vector<16xf32>
      %get3A_1720 = arith.index_cast %add3A_1703 : i32 to index
      %get3A_1721 = arith.constant 184 : index
      %get3A_1722 = tpu.vector_load %arg9[%get3A_1720, %get3A_1721] {strides = array<i32>} : memref<32x200xi32, #tpu.memory_space<vmem>>, vector<1x16xi32>,
      %get3A_1723 = vector.shape_cast %get3A_1722 : vector<1x16xi32> to vector<16xi32>
      %shift_left3A_1724 = arith.constant 16 : i32
      %shift_left3A_1725 = vector.broadcast %shift_left3A_1724 : i32 to vector<16xi32>
      %shift_left3A_1726 = arith.shli %get3A_1723, %shift_left3A_1725 : vector<16xi32>
      %bitcast_convert_type3A_1727 = tpu.bitcast %shift_left3A_1726 : vector<16xi32> -> vector<16xf32>
      %and3A_1728 = arith.constant -65536 : i32
      %and3A_1729 = vector.broadcast %and3A_1728 : i32 to vector<16xi32>
      %and3A_1730 = arith.andi %get3A_1723, %and3A_1729 : vector<16xi32>
      %bitcast_convert_type3A_1731 = tpu.bitcast %and3A_1730 : vector<16xi32> -> vector<16xf32>
      %mul3A_1732 = arith.mulf %bitcast_convert_type3A_1727, %select_n3A_1719 : vector<16xf32>
      %add3A_1733 = arith.addf %scan3A_1708#0, %mul3A_1732 : vector<16xf32>
      %mul3A_1734 = arith.mulf %bitcast_convert_type3A_1731, %select_n3A_1719 : vector<16xf32>
      %add3A_1735 = arith.addf %scan3A_1708#1, %mul3A_1734 : vector<16xf32>
      %xor3A_1736 = arith.constant 8 : i32
      %xor3A_1737 = vector.broadcast %xor3A_1736 : i32 to vector<16xi32>
      %xor3A_1738 = arith.xori %iota3A, %xor3A_1737 : vector<16xi32>
      %broadcast_in_dim3A_1739 = vector.shape_cast %xor3A_1738 : vector<16xi32> to vector<16x1xi32>
      %gather3A_1740 = vector.shape_cast %broadcast_in_dim3A_1739 : vector<16x1xi32> to vector<16xi32>
      %gather3A_1741 = tpu.dynamic_gather %add3A_1733[%gather3A_1740] in [0] : vector<16xf32>, vector<16xi32> -> vector<16xf32>
      %add3A_1742 = arith.addf %add3A_1733, %gather3A_1741 : vector<16xf32>
      %xor3A_1743 = arith.constant 4 : i32
      %xor3A_1744 = vector.broadcast %xor3A_1743 : i32 to vector<16xi32>
      %xor3A_1745 = arith.xori %iota3A, %xor3A_1744 : vector<16xi32>
      %broadcast_in_dim3A_1746 = vector.shape_cast %xor3A_1745 : vector<16xi32> to vector<16x1xi32>
      %gather3A_1747 = vector.shape_cast %broadcast_in_dim3A_1746 : vector<16x1xi32> to vector<16xi32>
      %gather3A_1748 = tpu.dynamic_gather %add3A_1742[%gather3A_1747] in [0] : vector<16xf32>, vector<16xi32> -> vector<16xf32>
      %add3A_1749 = arith.addf %add3A_1742, %gather3A_1748 : vector<16xf32>
      %xor3A_1750 = arith.constant 2 : i32
      %xor3A_1751 = vector.broadcast %xor3A_1750 : i32 to vector<16xi32>
      %xor3A_1752 = arith.xori %iota3A, %xor3A_1751 : vector<16xi32>
      %broadcast_in_dim3A_1753 = vector.shape_cast %xor3A_1752 : vector<16xi32> to vector<16x1xi32>
      %gather3A_1754 = vector.shape_cast %broadcast_in_dim3A_1753 : vector<16x1xi32> to vector<16xi32>
      %gather3A_1755 = tpu.dynamic_gather %add3A_1749[%gather3A_1754] in [0] : vector<16xf32>, vector<16xi32> -> vector<16xf32>
      %add3A_1756 = arith.addf %add3A_1749, %gather3A_1755 : vector<16xf32>
      %xor3A_1757 = arith.constant 1 : i32
      %xor3A_1758 = vector.broadcast %xor3A_1757 : i32 to vector<16xi32>
      %xor3A_1759 = arith.xori %iota3A, %xor3A_1758 : vector<16xi32>
      %broadcast_in_dim3A_1760 = vector.shape_cast %xor3A_1759 : vector<16xi32> to vector<16x1xi32>
      %gather3A_1761 = vector.shape_cast %broadcast_in_dim3A_1760 : vector<16x1xi32> to vector<16xi32>
      %gather3A_1762 = tpu.dynamic_gather %add3A_1756[%gather3A_1761] in [0] : vector<16xf32>, vector<16xi32> -> vector<16xf32>
      %add3A_1763 = arith.addf %add3A_1756, %gather3A_1762 : vector<16xf32>
      %xor3A_1764 = arith.constant 8 : i32
      %xor3A_1765 = vector.broadcast %xor3A_1764 : i32 to vector<16xi32>
      %xor3A_1766 = arith.xori %iota3A, %xor3A_1765 : vector<16xi32>
      %broadcast_in_dim3A_1767 = vector.shape_cast %xor3A_1766 : vector<16xi32> to vector<16x1xi32>
      %gather3A_1768 = vector.shape_cast %broadcast_in_dim3A_1767 : vector<16x1xi32> to vector<16xi32>
      %gather3A_1769 = tpu.dynamic_gather %add3A_1735[%gather3A_1768] in [0] : vector<16xf32>, vector<16xi32> -> vector<16xf32>
      %add3A_1770 = arith.addf %add3A_1735, %gather3A_1769 : vector<16xf32>
      %xor3A_1771 = arith.constant 4 : i32
      %xor3A_1772 = vector.broadcast %xor3A_1771 : i32 to vector<16xi32>
      %xor3A_1773 = arith.xori %iota3A, %xor3A_1772 : vector<16xi32>
      %broadcast_in_dim3A_1774 = vector.shape_cast %xor3A_1773 : vector<16xi32> to vector<16x1xi32>
      %gather3A_1775 = vector.shape_cast %broadcast_in_dim3A_1774 : vector<16x1xi32> to vector<16xi32>
      %gather3A_1776 = tpu.dynamic_gather %add3A_1770[%gather3A_1775] in [0] : vector<16xf32>, vector<16xi32> -> vector<16xf32>
      %add3A_1777 = arith.addf %add3A_1770, %gather3A_1776 : vector<16xf32>
      %xor3A_1778 = arith.constant 2 : i32
      %xor3A_1779 = vector.broadcast %xor3A_1778 : i32 to vector<16xi32>
      %xor3A_1780 = arith.xori %iota3A, %xor3A_1779 : vector<16xi32>
      %broadcast_in_dim3A_1781 = vector.shape_cast %xor3A_1780 : vector<16xi32> to vector<16x1xi32>
      %gather3A_1782 = vector.shape_cast %broadcast_in_dim3A_1781 : vector<16x1xi32> to vector<16xi32>
      %gather3A_1783 = tpu.dynamic_gather %add3A_1777[%gather3A_1782] in [0] : vector<16xf32>, vector<16xi32> -> vector<16xf32>
      %add3A_1784 = arith.addf %add3A_1777, %gather3A_1783 : vector<16xf32>
      %xor3A_1785 = arith.constant 1 : i32
      %xor3A_1786 = vector.broadcast %xor3A_1785 : i32 to vector<16xi32>
      %xor3A_1787 = arith.xori %iota3A, %xor3A_1786 : vector<16xi32>
      %broadcast_in_dim3A_1788 = vector.shape_cast %xor3A_1787 : vector<16xi32> to vector<16x1xi32>
      %gather3A_1789 = vector.shape_cast %broadcast_in_dim3A_1788 : vector<16x1xi32> to vector<16xi32>
      %gather3A_1790 = tpu.dynamic_gather %add3A_1784[%gather3A_1789] in [0] : vector<16xf32>, vector<16xi32> -> vector<16xf32>
      %add3A_1791 = arith.addf %add3A_1784, %gather3A_1790 : vector<16xf32>
      %eq3A_1792 = arith.constant 8 : i32
      %eq3A_1793 = vector.broadcast %eq3A_1792 : i32 to vector<16xi32>
      %eq3A_1794 = arith.cmpi eq, %iota3A, %eq3A_1793 : vector<16xi32>
      %select_n3A_1795 = arith.select %eq3A_1794, %add3A_1763, %select_n3A_1699 : vector<16xi1>, vector<16xf32>
      %eq3A_1796 = arith.constant 9 : i32
      %eq3A_1797 = vector.broadcast %eq3A_1796 : i32 to vector<16xi32>
      %eq3A_1798 = arith.cmpi eq, %iota3A, %eq3A_1797 : vector<16xi32>
      %select_n3A_1799 = arith.select %eq3A_1798, %add3A_1791, %select_n3A_1795 : vector<16xi1>, vector<16xf32>
      %mul3A_1800 = arith.constant 8 : i32
      %mul3A_1801 = arith.muli %scan3A_1305, %mul3A_1800 : i32
      %add3A_1802 = arith.constant 5 : i32
      %add3A_1803 = arith.addi %mul3A_1801, %add3A_1802 : i32
      %scan3A_1804 = arith.constant 0 : i32
      %scan3A_1805 = arith.constant 12 : i32
      %scan3A_1806 = arith.addi %scan3A_1804, %scan3A_1805 : i32
      %scan3A_1807 = arith.constant 1 : i32
      %scan3A_1808:2 = scf.for %scan3A_2109 = %scan3A_1804 to %scan3A_1806 step %scan3A_1807 iter_args(%scan3A_2110 = %broadcast_in_dim3A_644, %scan3A_2111 = %broadcast_in_dim3A_644) -> (vector<16xf32>, vector<16xf32>)  : i32 {
        %mul3A_2112 = arith.constant 16 : i32
        %mul3A_2113 = arith.muli %scan3A_2109, %mul3A_2112 : i32
        %get3A_2114 = arith.index_cast %add3A_1803 : i32 to index
        %get3A_2115 = arith.index_cast %mul3A_2113 : i32 to index
        %get3A_2116 = tpu.vector_load %arg8[%get3A_2114, %get3A_2115] {strides = array<i32>} : memref<32x200xf32, #tpu.memory_space<vmem>>, vector<1x16xf32>,
        %get3A_2117 = vector.shape_cast %get3A_2116 : vector<1x16xf32> to vector<16xf32>
        %get3A_2118 = arith.index_cast %add3A_1803 : i32 to index
        %get3A_2119 = arith.index_cast %mul3A_2113 : i32 to index
        %get3A_2120 = tpu.vector_load %arg9[%get3A_2118, %get3A_2119] {strides = array<i32>} : memref<32x200xi32, #tpu.memory_space<vmem>>, vector<1x16xi32>,
        %get3A_2121 = vector.shape_cast %get3A_2120 : vector<1x16xi32> to vector<16xi32>
        %shift_left3A_2122 = arith.constant 16 : i32
        %shift_left3A_2123 = vector.broadcast %shift_left3A_2122 : i32 to vector<16xi32>
        %shift_left3A_2124 = arith.shli %get3A_2121, %shift_left3A_2123 : vector<16xi32>
        %bitcast_convert_type3A_2125 = tpu.bitcast %shift_left3A_2124 : vector<16xi32> -> vector<16xf32>
        %and3A_2126 = arith.constant -65536 : i32
        %and3A_2127 = vector.broadcast %and3A_2126 : i32 to vector<16xi32>
        %and3A_2128 = arith.andi %get3A_2121, %and3A_2127 : vector<16xi32>
        %bitcast_convert_type3A_2129 = tpu.bitcast %and3A_2128 : vector<16xi32> -> vector<16xf32>
        %mul3A_2130 = arith.mulf %bitcast_convert_type3A_2125, %get3A_2117 : vector<16xf32>
        %add3A_2131 = arith.addf %scan3A_2110, %mul3A_2130 : vector<16xf32>
        %mul3A_2132 = arith.mulf %bitcast_convert_type3A_2129, %get3A_2117 : vector<16xf32>
        %add3A_2133 = arith.addf %scan3A_2111, %mul3A_2132 : vector<16xf32>
        scf.yield %add3A_2131, %add3A_2133 : vector<16xf32>, vector<16xf32>
      }
      %scan3A_1809 = arith.constant 12 : i32
      %get3A_1810 = arith.index_cast %add3A_1803 : i32 to index
      %get3A_1811 = arith.constant 184 : index
      %get3A_1812 = tpu.vector_load %arg8[%get3A_1810, %get3A_1811] {strides = array<i32>} : memref<32x200xf32, #tpu.memory_space<vmem>>, vector<1x16xf32>,
      %get3A_1813 = vector.shape_cast %get3A_1812 : vector<1x16xf32> to vector<16xf32>
      %lt3A_1814 = arith.constant 8 : i32
      %lt3A_1815 = vector.broadcast %lt3A_1814 : i32 to vector<16xi32>
      %lt3A_1816 = arith.cmpi slt, %iota3A, %lt3A_1815 : vector<16xi32>
      %jit3A_1817 = arith.constant 0.000000e+00 : f32
      %broadcast_in_dim3A_1818 = vector.broadcast %jit3A_1817 : f32 to vector<16xf32>
      %select_n3A_1819 = arith.select %lt3A_1816, %broadcast_in_dim3A_1818, %get3A_1813 : vector<16xi1>, vector<16xf32>
      %get3A_1820 = arith.index_cast %add3A_1803 : i32 to index
      %get3A_1821 = arith.constant 184 : index
      %get3A_1822 = tpu.vector_load %arg9[%get3A_1820, %get3A_1821] {strides = array<i32>} : memref<32x200xi32, #tpu.memory_space<vmem>>, vector<1x16xi32>,
      %get3A_1823 = vector.shape_cast %get3A_1822 : vector<1x16xi32> to vector<16xi32>
      %shift_left3A_1824 = arith.constant 16 : i32
      %shift_left3A_1825 = vector.broadcast %shift_left3A_1824 : i32 to vector<16xi32>
      %shift_left3A_1826 = arith.shli %get3A_1823, %shift_left3A_1825 : vector<16xi32>
      %bitcast_convert_type3A_1827 = tpu.bitcast %shift_left3A_1826 : vector<16xi32> -> vector<16xf32>
      %and3A_1828 = arith.constant -65536 : i32
      %and3A_1829 = vector.broadcast %and3A_1828 : i32 to vector<16xi32>
      %and3A_1830 = arith.andi %get3A_1823, %and3A_1829 : vector<16xi32>
      %bitcast_convert_type3A_1831 = tpu.bitcast %and3A_1830 : vector<16xi32> -> vector<16xf32>
      %mul3A_1832 = arith.mulf %bitcast_convert_type3A_1827, %select_n3A_1819 : vector<16xf32>
      %add3A_1833 = arith.addf %scan3A_1808#0, %mul3A_1832 : vector<16xf32>
      %mul3A_1834 = arith.mulf %bitcast_convert_type3A_1831, %select_n3A_1819 : vector<16xf32>
      %add3A_1835 = arith.addf %scan3A_1808#1, %mul3A_1834 : vector<16xf32>
      %xor3A_1836 = arith.constant 8 : i32
      %xor3A_1837 = vector.broadcast %xor3A_1836 : i32 to vector<16xi32>
      %xor3A_1838 = arith.xori %iota3A, %xor3A_1837 : vector<16xi32>
      %broadcast_in_dim3A_1839 = vector.shape_cast %xor3A_1838 : vector<16xi32> to vector<16x1xi32>
      %gather3A_1840 = vector.shape_cast %broadcast_in_dim3A_1839 : vector<16x1xi32> to vector<16xi32>
      %gather3A_1841 = tpu.dynamic_gather %add3A_1833[%gather3A_1840] in [0] : vector<16xf32>, vector<16xi32> -> vector<16xf32>
      %add3A_1842 = arith.addf %add3A_1833, %gather3A_1841 : vector<16xf32>
      %xor3A_1843 = arith.constant 4 : i32
      %xor3A_1844 = vector.broadcast %xor3A_1843 : i32 to vector<16xi32>
      %xor3A_1845 = arith.xori %iota3A, %xor3A_1844 : vector<16xi32>
      %broadcast_in_dim3A_1846 = vector.shape_cast %xor3A_1845 : vector<16xi32> to vector<16x1xi32>
      %gather3A_1847 = vector.shape_cast %broadcast_in_dim3A_1846 : vector<16x1xi32> to vector<16xi32>
      %gather3A_1848 = tpu.dynamic_gather %add3A_1842[%gather3A_1847] in [0] : vector<16xf32>, vector<16xi32> -> vector<16xf32>
      %add3A_1849 = arith.addf %add3A_1842, %gather3A_1848 : vector<16xf32>
      %xor3A_1850 = arith.constant 2 : i32
      %xor3A_1851 = vector.broadcast %xor3A_1850 : i32 to vector<16xi32>
      %xor3A_1852 = arith.xori %iota3A, %xor3A_1851 : vector<16xi32>
      %broadcast_in_dim3A_1853 = vector.shape_cast %xor3A_1852 : vector<16xi32> to vector<16x1xi32>
      %gather3A_1854 = vector.shape_cast %broadcast_in_dim3A_1853 : vector<16x1xi32> to vector<16xi32>
      %gather3A_1855 = tpu.dynamic_gather %add3A_1849[%gather3A_1854] in [0] : vector<16xf32>, vector<16xi32> -> vector<16xf32>
      %add3A_1856 = arith.addf %add3A_1849, %gather3A_1855 : vector<16xf32>
      %xor3A_1857 = arith.constant 1 : i32
      %xor3A_1858 = vector.broadcast %xor3A_1857 : i32 to vector<16xi32>
      %xor3A_1859 = arith.xori %iota3A, %xor3A_1858 : vector<16xi32>
      %broadcast_in_dim3A_1860 = vector.shape_cast %xor3A_1859 : vector<16xi32> to vector<16x1xi32>
      %gather3A_1861 = vector.shape_cast %broadcast_in_dim3A_1860 : vector<16x1xi32> to vector<16xi32>
      %gather3A_1862 = tpu.dynamic_gather %add3A_1856[%gather3A_1861] in [0] : vector<16xf32>, vector<16xi32> -> vector<16xf32>
      %add3A_1863 = arith.addf %add3A_1856, %gather3A_1862 : vector<16xf32>
      %xor3A_1864 = arith.constant 8 : i32
      %xor3A_1865 = vector.broadcast %xor3A_1864 : i32 to vector<16xi32>
      %xor3A_1866 = arith.xori %iota3A, %xor3A_1865 : vector<16xi32>
      %broadcast_in_dim3A_1867 = vector.shape_cast %xor3A_1866 : vector<16xi32> to vector<16x1xi32>
      %gather3A_1868 = vector.shape_cast %broadcast_in_dim3A_1867 : vector<16x1xi32> to vector<16xi32>
      %gather3A_1869 = tpu.dynamic_gather %add3A_1835[%gather3A_1868] in [0] : vector<16xf32>, vector<16xi32> -> vector<16xf32>
      %add3A_1870 = arith.addf %add3A_1835, %gather3A_1869 : vector<16xf32>
      %xor3A_1871 = arith.constant 4 : i32
      %xor3A_1872 = vector.broadcast %xor3A_1871 : i32 to vector<16xi32>
      %xor3A_1873 = arith.xori %iota3A, %xor3A_1872 : vector<16xi32>
      %broadcast_in_dim3A_1874 = vector.shape_cast %xor3A_1873 : vector<16xi32> to vector<16x1xi32>
      %gather3A_1875 = vector.shape_cast %broadcast_in_dim3A_1874 : vector<16x1xi32> to vector<16xi32>
      %gather3A_1876 = tpu.dynamic_gather %add3A_1870[%gather3A_1875] in [0] : vector<16xf32>, vector<16xi32> -> vector<16xf32>
      %add3A_1877 = arith.addf %add3A_1870, %gather3A_1876 : vector<16xf32>
      %xor3A_1878 = arith.constant 2 : i32
      %xor3A_1879 = vector.broadcast %xor3A_1878 : i32 to vector<16xi32>
      %xor3A_1880 = arith.xori %iota3A, %xor3A_1879 : vector<16xi32>
      %broadcast_in_dim3A_1881 = vector.shape_cast %xor3A_1880 : vector<16xi32> to vector<16x1xi32>
      %gather3A_1882 = vector.shape_cast %broadcast_in_dim3A_1881 : vector<16x1xi32> to vector<16xi32>
      %gather3A_1883 = tpu.dynamic_gather %add3A_1877[%gather3A_1882] in [0] : vector<16xf32>, vector<16xi32> -> vector<16xf32>
      %add3A_1884 = arith.addf %add3A_1877, %gather3A_1883 : vector<16xf32>
      %xor3A_1885 = arith.constant 1 : i32
      %xor3A_1886 = vector.broadcast %xor3A_1885 : i32 to vector<16xi32>
      %xor3A_1887 = arith.xori %iota3A, %xor3A_1886 : vector<16xi32>
      %broadcast_in_dim3A_1888 = vector.shape_cast %xor3A_1887 : vector<16xi32> to vector<16x1xi32>
      %gather3A_1889 = vector.shape_cast %broadcast_in_dim3A_1888 : vector<16x1xi32> to vector<16xi32>
      %gather3A_1890 = tpu.dynamic_gather %add3A_1884[%gather3A_1889] in [0] : vector<16xf32>, vector<16xi32> -> vector<16xf32>
      %add3A_1891 = arith.addf %add3A_1884, %gather3A_1890 : vector<16xf32>
      %eq3A_1892 = arith.constant 10 : i32
      %eq3A_1893 = vector.broadcast %eq3A_1892 : i32 to vector<16xi32>
      %eq3A_1894 = arith.cmpi eq, %iota3A, %eq3A_1893 : vector<16xi32>
      %select_n3A_1895 = arith.select %eq3A_1894, %add3A_1863, %select_n3A_1799 : vector<16xi1>, vector<16xf32>
      %eq3A_1896 = arith.constant 11 : i32
      %eq3A_1897 = vector.broadcast %eq3A_1896 : i32 to vector<16xi32>
      %eq3A_1898 = arith.cmpi eq, %iota3A, %eq3A_1897 : vector<16xi32>
      %select_n3A_1899 = arith.select %eq3A_1898, %add3A_1891, %select_n3A_1895 : vector<16xi1>, vector<16xf32>
      %mul3A_1900 = arith.constant 8 : i32
      %mul3A_1901 = arith.muli %scan3A_1305, %mul3A_1900 : i32
      %add3A_1902 = arith.constant 6 : i32
      %add3A_1903 = arith.addi %mul3A_1901, %add3A_1902 : i32
      %scan3A_1904 = arith.constant 0 : i32
      %scan3A_1905 = arith.constant 12 : i32
      %scan3A_1906 = arith.addi %scan3A_1904, %scan3A_1905 : i32
      %scan3A_1907 = arith.constant 1 : i32
      %scan3A_1908:2 = scf.for %scan3A_2109 = %scan3A_1904 to %scan3A_1906 step %scan3A_1907 iter_args(%scan3A_2110 = %broadcast_in_dim3A_644, %scan3A_2111 = %broadcast_in_dim3A_644) -> (vector<16xf32>, vector<16xf32>)  : i32 {
        %mul3A_2112 = arith.constant 16 : i32
        %mul3A_2113 = arith.muli %scan3A_2109, %mul3A_2112 : i32
        %get3A_2114 = arith.index_cast %add3A_1903 : i32 to index
        %get3A_2115 = arith.index_cast %mul3A_2113 : i32 to index
        %get3A_2116 = tpu.vector_load %arg8[%get3A_2114, %get3A_2115] {strides = array<i32>} : memref<32x200xf32, #tpu.memory_space<vmem>>, vector<1x16xf32>,
        %get3A_2117 = vector.shape_cast %get3A_2116 : vector<1x16xf32> to vector<16xf32>
        %get3A_2118 = arith.index_cast %add3A_1903 : i32 to index
        %get3A_2119 = arith.index_cast %mul3A_2113 : i32 to index
        %get3A_2120 = tpu.vector_load %arg9[%get3A_2118, %get3A_2119] {strides = array<i32>} : memref<32x200xi32, #tpu.memory_space<vmem>>, vector<1x16xi32>,
        %get3A_2121 = vector.shape_cast %get3A_2120 : vector<1x16xi32> to vector<16xi32>
        %shift_left3A_2122 = arith.constant 16 : i32
        %shift_left3A_2123 = vector.broadcast %shift_left3A_2122 : i32 to vector<16xi32>
        %shift_left3A_2124 = arith.shli %get3A_2121, %shift_left3A_2123 : vector<16xi32>
        %bitcast_convert_type3A_2125 = tpu.bitcast %shift_left3A_2124 : vector<16xi32> -> vector<16xf32>
        %and3A_2126 = arith.constant -65536 : i32
        %and3A_2127 = vector.broadcast %and3A_2126 : i32 to vector<16xi32>
        %and3A_2128 = arith.andi %get3A_2121, %and3A_2127 : vector<16xi32>
        %bitcast_convert_type3A_2129 = tpu.bitcast %and3A_2128 : vector<16xi32> -> vector<16xf32>
        %mul3A_2130 = arith.mulf %bitcast_convert_type3A_2125, %get3A_2117 : vector<16xf32>
        %add3A_2131 = arith.addf %scan3A_2110, %mul3A_2130 : vector<16xf32>
        %mul3A_2132 = arith.mulf %bitcast_convert_type3A_2129, %get3A_2117 : vector<16xf32>
        %add3A_2133 = arith.addf %scan3A_2111, %mul3A_2132 : vector<16xf32>
        scf.yield %add3A_2131, %add3A_2133 : vector<16xf32>, vector<16xf32>
      }
      %scan3A_1909 = arith.constant 12 : i32
      %get3A_1910 = arith.index_cast %add3A_1903 : i32 to index
      %get3A_1911 = arith.constant 184 : index
      %get3A_1912 = tpu.vector_load %arg8[%get3A_1910, %get3A_1911] {strides = array<i32>} : memref<32x200xf32, #tpu.memory_space<vmem>>, vector<1x16xf32>,
      %get3A_1913 = vector.shape_cast %get3A_1912 : vector<1x16xf32> to vector<16xf32>
      %lt3A_1914 = arith.constant 8 : i32
      %lt3A_1915 = vector.broadcast %lt3A_1914 : i32 to vector<16xi32>
      %lt3A_1916 = arith.cmpi slt, %iota3A, %lt3A_1915 : vector<16xi32>
      %jit3A_1917 = arith.constant 0.000000e+00 : f32
      %broadcast_in_dim3A_1918 = vector.broadcast %jit3A_1917 : f32 to vector<16xf32>
      %select_n3A_1919 = arith.select %lt3A_1916, %broadcast_in_dim3A_1918, %get3A_1913 : vector<16xi1>, vector<16xf32>
      %get3A_1920 = arith.index_cast %add3A_1903 : i32 to index
      %get3A_1921 = arith.constant 184 : index
      %get3A_1922 = tpu.vector_load %arg9[%get3A_1920, %get3A_1921] {strides = array<i32>} : memref<32x200xi32, #tpu.memory_space<vmem>>, vector<1x16xi32>,
      %get3A_1923 = vector.shape_cast %get3A_1922 : vector<1x16xi32> to vector<16xi32>
      %shift_left3A_1924 = arith.constant 16 : i32
      %shift_left3A_1925 = vector.broadcast %shift_left3A_1924 : i32 to vector<16xi32>
      %shift_left3A_1926 = arith.shli %get3A_1923, %shift_left3A_1925 : vector<16xi32>
      %bitcast_convert_type3A_1927 = tpu.bitcast %shift_left3A_1926 : vector<16xi32> -> vector<16xf32>
      %and3A_1928 = arith.constant -65536 : i32
      %and3A_1929 = vector.broadcast %and3A_1928 : i32 to vector<16xi32>
      %and3A_1930 = arith.andi %get3A_1923, %and3A_1929 : vector<16xi32>
      %bitcast_convert_type3A_1931 = tpu.bitcast %and3A_1930 : vector<16xi32> -> vector<16xf32>
      %mul3A_1932 = arith.mulf %bitcast_convert_type3A_1927, %select_n3A_1919 : vector<16xf32>
      %add3A_1933 = arith.addf %scan3A_1908#0, %mul3A_1932 : vector<16xf32>
      %mul3A_1934 = arith.mulf %bitcast_convert_type3A_1931, %select_n3A_1919 : vector<16xf32>
      %add3A_1935 = arith.addf %scan3A_1908#1, %mul3A_1934 : vector<16xf32>
      %xor3A_1936 = arith.constant 8 : i32
      %xor3A_1937 = vector.broadcast %xor3A_1936 : i32 to vector<16xi32>
      %xor3A_1938 = arith.xori %iota3A, %xor3A_1937 : vector<16xi32>
      %broadcast_in_dim3A_1939 = vector.shape_cast %xor3A_1938 : vector<16xi32> to vector<16x1xi32>
      %gather3A_1940 = vector.shape_cast %broadcast_in_dim3A_1939 : vector<16x1xi32> to vector<16xi32>
      %gather3A_1941 = tpu.dynamic_gather %add3A_1933[%gather3A_1940] in [0] : vector<16xf32>, vector<16xi32> -> vector<16xf32>
      %add3A_1942 = arith.addf %add3A_1933, %gather3A_1941 : vector<16xf32>
      %xor3A_1943 = arith.constant 4 : i32
      %xor3A_1944 = vector.broadcast %xor3A_1943 : i32 to vector<16xi32>
      %xor3A_1945 = arith.xori %iota3A, %xor3A_1944 : vector<16xi32>
      %broadcast_in_dim3A_1946 = vector.shape_cast %xor3A_1945 : vector<16xi32> to vector<16x1xi32>
      %gather3A_1947 = vector.shape_cast %broadcast_in_dim3A_1946 : vector<16x1xi32> to vector<16xi32>
      %gather3A_1948 = tpu.dynamic_gather %add3A_1942[%gather3A_1947] in [0] : vector<16xf32>, vector<16xi32> -> vector<16xf32>
      %add3A_1949 = arith.addf %add3A_1942, %gather3A_1948 : vector<16xf32>
      %xor3A_1950 = arith.constant 2 : i32
      %xor3A_1951 = vector.broadcast %xor3A_1950 : i32 to vector<16xi32>
      %xor3A_1952 = arith.xori %iota3A, %xor3A_1951 : vector<16xi32>
      %broadcast_in_dim3A_1953 = vector.shape_cast %xor3A_1952 : vector<16xi32> to vector<16x1xi32>
      %gather3A_1954 = vector.shape_cast %broadcast_in_dim3A_1953 : vector<16x1xi32> to vector<16xi32>
      %gather3A_1955 = tpu.dynamic_gather %add3A_1949[%gather3A_1954] in [0] : vector<16xf32>, vector<16xi32> -> vector<16xf32>
      %add3A_1956 = arith.addf %add3A_1949, %gather3A_1955 : vector<16xf32>
      %xor3A_1957 = arith.constant 1 : i32
      %xor3A_1958 = vector.broadcast %xor3A_1957 : i32 to vector<16xi32>
      %xor3A_1959 = arith.xori %iota3A, %xor3A_1958 : vector<16xi32>
      %broadcast_in_dim3A_1960 = vector.shape_cast %xor3A_1959 : vector<16xi32> to vector<16x1xi32>
      %gather3A_1961 = vector.shape_cast %broadcast_in_dim3A_1960 : vector<16x1xi32> to vector<16xi32>
      %gather3A_1962 = tpu.dynamic_gather %add3A_1956[%gather3A_1961] in [0] : vector<16xf32>, vector<16xi32> -> vector<16xf32>
      %add3A_1963 = arith.addf %add3A_1956, %gather3A_1962 : vector<16xf32>
      %xor3A_1964 = arith.constant 8 : i32
      %xor3A_1965 = vector.broadcast %xor3A_1964 : i32 to vector<16xi32>
      %xor3A_1966 = arith.xori %iota3A, %xor3A_1965 : vector<16xi32>
      %broadcast_in_dim3A_1967 = vector.shape_cast %xor3A_1966 : vector<16xi32> to vector<16x1xi32>
      %gather3A_1968 = vector.shape_cast %broadcast_in_dim3A_1967 : vector<16x1xi32> to vector<16xi32>
      %gather3A_1969 = tpu.dynamic_gather %add3A_1935[%gather3A_1968] in [0] : vector<16xf32>, vector<16xi32> -> vector<16xf32>
      %add3A_1970 = arith.addf %add3A_1935, %gather3A_1969 : vector<16xf32>
      %xor3A_1971 = arith.constant 4 : i32
      %xor3A_1972 = vector.broadcast %xor3A_1971 : i32 to vector<16xi32>
      %xor3A_1973 = arith.xori %iota3A, %xor3A_1972 : vector<16xi32>
      %broadcast_in_dim3A_1974 = vector.shape_cast %xor3A_1973 : vector<16xi32> to vector<16x1xi32>
      %gather3A_1975 = vector.shape_cast %broadcast_in_dim3A_1974 : vector<16x1xi32> to vector<16xi32>
      %gather3A_1976 = tpu.dynamic_gather %add3A_1970[%gather3A_1975] in [0] : vector<16xf32>, vector<16xi32> -> vector<16xf32>
      %add3A_1977 = arith.addf %add3A_1970, %gather3A_1976 : vector<16xf32>
      %xor3A_1978 = arith.constant 2 : i32
      %xor3A_1979 = vector.broadcast %xor3A_1978 : i32 to vector<16xi32>
      %xor3A_1980 = arith.xori %iota3A, %xor3A_1979 : vector<16xi32>
      %broadcast_in_dim3A_1981 = vector.shape_cast %xor3A_1980 : vector<16xi32> to vector<16x1xi32>
      %gather3A_1982 = vector.shape_cast %broadcast_in_dim3A_1981 : vector<16x1xi32> to vector<16xi32>
      %gather3A_1983 = tpu.dynamic_gather %add3A_1977[%gather3A_1982] in [0] : vector<16xf32>, vector<16xi32> -> vector<16xf32>
      %add3A_1984 = arith.addf %add3A_1977, %gather3A_1983 : vector<16xf32>
      %xor3A_1985 = arith.constant 1 : i32
      %xor3A_1986 = vector.broadcast %xor3A_1985 : i32 to vector<16xi32>
      %xor3A_1987 = arith.xori %iota3A, %xor3A_1986 : vector<16xi32>
      %broadcast_in_dim3A_1988 = vector.shape_cast %xor3A_1987 : vector<16xi32> to vector<16x1xi32>
      %gather3A_1989 = vector.shape_cast %broadcast_in_dim3A_1988 : vector<16x1xi32> to vector<16xi32>
      %gather3A_1990 = tpu.dynamic_gather %add3A_1984[%gather3A_1989] in [0] : vector<16xf32>, vector<16xi32> -> vector<16xf32>
      %add3A_1991 = arith.addf %add3A_1984, %gather3A_1990 : vector<16xf32>
      %eq3A_1992 = arith.constant 12 : i32
      %eq3A_1993 = vector.broadcast %eq3A_1992 : i32 to vector<16xi32>
      %eq3A_1994 = arith.cmpi eq, %iota3A, %eq3A_1993 : vector<16xi32>
      %select_n3A_1995 = arith.select %eq3A_1994, %add3A_1963, %select_n3A_1899 : vector<16xi1>, vector<16xf32>
      %eq3A_1996 = arith.constant 13 : i32
      %eq3A_1997 = vector.broadcast %eq3A_1996 : i32 to vector<16xi32>
      %eq3A_1998 = arith.cmpi eq, %iota3A, %eq3A_1997 : vector<16xi32>
      %select_n3A_1999 = arith.select %eq3A_1998, %add3A_1991, %select_n3A_1995 : vector<16xi1>, vector<16xf32>
      %mul3A_2000 = arith.constant 8 : i32
      %mul3A_2001 = arith.muli %scan3A_1305, %mul3A_2000 : i32
      %add3A_2002 = arith.constant 7 : i32
      %add3A_2003 = arith.addi %mul3A_2001, %add3A_2002 : i32
      %scan3A_2004 = arith.constant 0 : i32
      %scan3A_2005 = arith.constant 12 : i32
      %scan3A_2006 = arith.addi %scan3A_2004, %scan3A_2005 : i32
      %scan3A_2007 = arith.constant 1 : i32
      %scan3A_2008:2 = scf.for %scan3A_2109 = %scan3A_2004 to %scan3A_2006 step %scan3A_2007 iter_args(%scan3A_2110 = %broadcast_in_dim3A_644, %scan3A_2111 = %broadcast_in_dim3A_644) -> (vector<16xf32>, vector<16xf32>)  : i32 {
        %mul3A_2112 = arith.constant 16 : i32
        %mul3A_2113 = arith.muli %scan3A_2109, %mul3A_2112 : i32
        %get3A_2114 = arith.index_cast %add3A_2003 : i32 to index
        %get3A_2115 = arith.index_cast %mul3A_2113 : i32 to index
        %get3A_2116 = tpu.vector_load %arg8[%get3A_2114, %get3A_2115] {strides = array<i32>} : memref<32x200xf32, #tpu.memory_space<vmem>>, vector<1x16xf32>,
        %get3A_2117 = vector.shape_cast %get3A_2116 : vector<1x16xf32> to vector<16xf32>
        %get3A_2118 = arith.index_cast %add3A_2003 : i32 to index
        %get3A_2119 = arith.index_cast %mul3A_2113 : i32 to index
        %get3A_2120 = tpu.vector_load %arg9[%get3A_2118, %get3A_2119] {strides = array<i32>} : memref<32x200xi32, #tpu.memory_space<vmem>>, vector<1x16xi32>,
        %get3A_2121 = vector.shape_cast %get3A_2120 : vector<1x16xi32> to vector<16xi32>
        %shift_left3A_2122 = arith.constant 16 : i32
        %shift_left3A_2123 = vector.broadcast %shift_left3A_2122 : i32 to vector<16xi32>
        %shift_left3A_2124 = arith.shli %get3A_2121, %shift_left3A_2123 : vector<16xi32>
        %bitcast_convert_type3A_2125 = tpu.bitcast %shift_left3A_2124 : vector<16xi32> -> vector<16xf32>
        %and3A_2126 = arith.constant -65536 : i32
        %and3A_2127 = vector.broadcast %and3A_2126 : i32 to vector<16xi32>
        %and3A_2128 = arith.andi %get3A_2121, %and3A_2127 : vector<16xi32>
        %bitcast_convert_type3A_2129 = tpu.bitcast %and3A_2128 : vector<16xi32> -> vector<16xf32>
        %mul3A_2130 = arith.mulf %bitcast_convert_type3A_2125, %get3A_2117 : vector<16xf32>
        %add3A_2131 = arith.addf %scan3A_2110, %mul3A_2130 : vector<16xf32>
        %mul3A_2132 = arith.mulf %bitcast_convert_type3A_2129, %get3A_2117 : vector<16xf32>
        %add3A_2133 = arith.addf %scan3A_2111, %mul3A_2132 : vector<16xf32>
        scf.yield %add3A_2131, %add3A_2133 : vector<16xf32>, vector<16xf32>
      }
      %scan3A_2009 = arith.constant 12 : i32
      %get3A_2010 = arith.index_cast %add3A_2003 : i32 to index
      %get3A_2011 = arith.constant 184 : index
      %get3A_2012 = tpu.vector_load %arg8[%get3A_2010, %get3A_2011] {strides = array<i32>} : memref<32x200xf32, #tpu.memory_space<vmem>>, vector<1x16xf32>,
      %get3A_2013 = vector.shape_cast %get3A_2012 : vector<1x16xf32> to vector<16xf32>
      %lt3A_2014 = arith.constant 8 : i32
      %lt3A_2015 = vector.broadcast %lt3A_2014 : i32 to vector<16xi32>
      %lt3A_2016 = arith.cmpi slt, %iota3A, %lt3A_2015 : vector<16xi32>
      %jit3A_2017 = arith.constant 0.000000e+00 : f32
      %broadcast_in_dim3A_2018 = vector.broadcast %jit3A_2017 : f32 to vector<16xf32>
      %select_n3A_2019 = arith.select %lt3A_2016, %broadcast_in_dim3A_2018, %get3A_2013 : vector<16xi1>, vector<16xf32>
      %get3A_2020 = arith.index_cast %add3A_2003 : i32 to index
      %get3A_2021 = arith.constant 184 : index
      %get3A_2022 = tpu.vector_load %arg9[%get3A_2020, %get3A_2021] {strides = array<i32>} : memref<32x200xi32, #tpu.memory_space<vmem>>, vector<1x16xi32>,
      %get3A_2023 = vector.shape_cast %get3A_2022 : vector<1x16xi32> to vector<16xi32>
      %shift_left3A_2024 = arith.constant 16 : i32
      %shift_left3A_2025 = vector.broadcast %shift_left3A_2024 : i32 to vector<16xi32>
      %shift_left3A_2026 = arith.shli %get3A_2023, %shift_left3A_2025 : vector<16xi32>
      %bitcast_convert_type3A_2027 = tpu.bitcast %shift_left3A_2026 : vector<16xi32> -> vector<16xf32>
      %and3A_2028 = arith.constant -65536 : i32
      %and3A_2029 = vector.broadcast %and3A_2028 : i32 to vector<16xi32>
      %and3A_2030 = arith.andi %get3A_2023, %and3A_2029 : vector<16xi32>
      %bitcast_convert_type3A_2031 = tpu.bitcast %and3A_2030 : vector<16xi32> -> vector<16xf32>
      %mul3A_2032 = arith.mulf %bitcast_convert_type3A_2027, %select_n3A_2019 : vector<16xf32>
      %add3A_2033 = arith.addf %scan3A_2008#0, %mul3A_2032 : vector<16xf32>
      %mul3A_2034 = arith.mulf %bitcast_convert_type3A_2031, %select_n3A_2019 : vector<16xf32>
      %add3A_2035 = arith.addf %scan3A_2008#1, %mul3A_2034 : vector<16xf32>
      %xor3A_2036 = arith.constant 8 : i32
      %xor3A_2037 = vector.broadcast %xor3A_2036 : i32 to vector<16xi32>
      %xor3A_2038 = arith.xori %iota3A, %xor3A_2037 : vector<16xi32>
      %broadcast_in_dim3A_2039 = vector.shape_cast %xor3A_2038 : vector<16xi32> to vector<16x1xi32>
      %gather3A_2040 = vector.shape_cast %broadcast_in_dim3A_2039 : vector<16x1xi32> to vector<16xi32>
      %gather3A_2041 = tpu.dynamic_gather %add3A_2033[%gather3A_2040] in [0] : vector<16xf32>, vector<16xi32> -> vector<16xf32>
      %add3A_2042 = arith.addf %add3A_2033, %gather3A_2041 : vector<16xf32>
      %xor3A_2043 = arith.constant 4 : i32
      %xor3A_2044 = vector.broadcast %xor3A_2043 : i32 to vector<16xi32>
      %xor3A_2045 = arith.xori %iota3A, %xor3A_2044 : vector<16xi32>
      %broadcast_in_dim3A_2046 = vector.shape_cast %xor3A_2045 : vector<16xi32> to vector<16x1xi32>
      %gather3A_2047 = vector.shape_cast %broadcast_in_dim3A_2046 : vector<16x1xi32> to vector<16xi32>
      %gather3A_2048 = tpu.dynamic_gather %add3A_2042[%gather3A_2047] in [0] : vector<16xf32>, vector<16xi32> -> vector<16xf32>
      %add3A_2049 = arith.addf %add3A_2042, %gather3A_2048 : vector<16xf32>
      %xor3A_2050 = arith.constant 2 : i32
      %xor3A_2051 = vector.broadcast %xor3A_2050 : i32 to vector<16xi32>
      %xor3A_2052 = arith.xori %iota3A, %xor3A_2051 : vector<16xi32>
      %broadcast_in_dim3A_2053 = vector.shape_cast %xor3A_2052 : vector<16xi32> to vector<16x1xi32>
      %gather3A_2054 = vector.shape_cast %broadcast_in_dim3A_2053 : vector<16x1xi32> to vector<16xi32>
      %gather3A_2055 = tpu.dynamic_gather %add3A_2049[%gather3A_2054] in [0] : vector<16xf32>, vector<16xi32> -> vector<16xf32>
      %add3A_2056 = arith.addf %add3A_2049, %gather3A_2055 : vector<16xf32>
      %xor3A_2057 = arith.constant 1 : i32
      %xor3A_2058 = vector.broadcast %xor3A_2057 : i32 to vector<16xi32>
      %xor3A_2059 = arith.xori %iota3A, %xor3A_2058 : vector<16xi32>
      %broadcast_in_dim3A_2060 = vector.shape_cast %xor3A_2059 : vector<16xi32> to vector<16x1xi32>
      %gather3A_2061 = vector.shape_cast %broadcast_in_dim3A_2060 : vector<16x1xi32> to vector<16xi32>
      %gather3A_2062 = tpu.dynamic_gather %add3A_2056[%gather3A_2061] in [0] : vector<16xf32>, vector<16xi32> -> vector<16xf32>
      %add3A_2063 = arith.addf %add3A_2056, %gather3A_2062 : vector<16xf32>
      %xor3A_2064 = arith.constant 8 : i32
      %xor3A_2065 = vector.broadcast %xor3A_2064 : i32 to vector<16xi32>
      %xor3A_2066 = arith.xori %iota3A, %xor3A_2065 : vector<16xi32>
      %broadcast_in_dim3A_2067 = vector.shape_cast %xor3A_2066 : vector<16xi32> to vector<16x1xi32>
      %gather3A_2068 = vector.shape_cast %broadcast_in_dim3A_2067 : vector<16x1xi32> to vector<16xi32>
      %gather3A_2069 = tpu.dynamic_gather %add3A_2035[%gather3A_2068] in [0] : vector<16xf32>, vector<16xi32> -> vector<16xf32>
      %add3A_2070 = arith.addf %add3A_2035, %gather3A_2069 : vector<16xf32>
      %xor3A_2071 = arith.constant 4 : i32
      %xor3A_2072 = vector.broadcast %xor3A_2071 : i32 to vector<16xi32>
      %xor3A_2073 = arith.xori %iota3A, %xor3A_2072 : vector<16xi32>
      %broadcast_in_dim3A_2074 = vector.shape_cast %xor3A_2073 : vector<16xi32> to vector<16x1xi32>
      %gather3A_2075 = vector.shape_cast %broadcast_in_dim3A_2074 : vector<16x1xi32> to vector<16xi32>
      %gather3A_2076 = tpu.dynamic_gather %add3A_2070[%gather3A_2075] in [0] : vector<16xf32>, vector<16xi32> -> vector<16xf32>
      %add3A_2077 = arith.addf %add3A_2070, %gather3A_2076 : vector<16xf32>
      %xor3A_2078 = arith.constant 2 : i32
      %xor3A_2079 = vector.broadcast %xor3A_2078 : i32 to vector<16xi32>
      %xor3A_2080 = arith.xori %iota3A, %xor3A_2079 : vector<16xi32>
      %broadcast_in_dim3A_2081 = vector.shape_cast %xor3A_2080 : vector<16xi32> to vector<16x1xi32>
      %gather3A_2082 = vector.shape_cast %broadcast_in_dim3A_2081 : vector<16x1xi32> to vector<16xi32>
      %gather3A_2083 = tpu.dynamic_gather %add3A_2077[%gather3A_2082] in [0] : vector<16xf32>, vector<16xi32> -> vector<16xf32>
      %add3A_2084 = arith.addf %add3A_2077, %gather3A_2083 : vector<16xf32>
      %xor3A_2085 = arith.constant 1 : i32
      %xor3A_2086 = vector.broadcast %xor3A_2085 : i32 to vector<16xi32>
      %xor3A_2087 = arith.xori %iota3A, %xor3A_2086 : vector<16xi32>
      %broadcast_in_dim3A_2088 = vector.shape_cast %xor3A_2087 : vector<16xi32> to vector<16x1xi32>
      %gather3A_2089 = vector.shape_cast %broadcast_in_dim3A_2088 : vector<16x1xi32> to vector<16xi32>
      %gather3A_2090 = tpu.dynamic_gather %add3A_2084[%gather3A_2089] in [0] : vector<16xf32>, vector<16xi32> -> vector<16xf32>
      %add3A_2091 = arith.addf %add3A_2084, %gather3A_2090 : vector<16xf32>
      %eq3A_2092 = arith.constant 14 : i32
      %eq3A_2093 = vector.broadcast %eq3A_2092 : i32 to vector<16xi32>
      %eq3A_2094 = arith.cmpi eq, %iota3A, %eq3A_2093 : vector<16xi32>
      %select_n3A_2095 = arith.select %eq3A_2094, %add3A_2063, %select_n3A_1999 : vector<16xi1>, vector<16xf32>
      %eq3A_2096 = arith.constant 15 : i32
      %eq3A_2097 = vector.broadcast %eq3A_2096 : i32 to vector<16xi32>
      %eq3A_2098 = arith.cmpi eq, %iota3A, %eq3A_2097 : vector<16xi32>
      %select_n3A_2099 = arith.select %eq3A_2098, %add3A_2091, %select_n3A_2095 : vector<16xi1>, vector<16xf32>
      %div3A = arith.constant 2.000000e+02 : f32
      %div3A_2100 = vector.broadcast %div3A : f32 to vector<16xf32>
      %div3A_2101 = arith.divf %select_n3A_2099, %div3A_2100 : vector<16xf32>
      %add3A_2102 = arith.addf %div3A_2101, %gather3A_648 : vector<16xf32>
      %mul3A_2103 = arith.constant 16 : i32
      %mul3A_2104 = arith.muli %scan3A_1305, %mul3A_2103 : i32
      %swap3A = arith.index_cast %mul3A_2104 : i32 to index
      %swap3A_2105 = tpu.vector_load %arg11[%swap3A] {strides = array<i32>} : memref<64xf32, #tpu.memory_space<vmem>>, vector<16xf32>,
      %swap3A_2106 = vector.shape_cast %swap3A_2105 : vector<16xf32> to vector<16xf32>
      %swap3A_2107 = vector.shape_cast %add3A_2102 : vector<16xf32> to vector<16xf32>
      tpu.vector_store %arg11[%swap3A], %swap3A_2107 {strides = array<i32>} : memref<64xf32, #tpu.memory_space<vmem>>, vector<16xf32>,
      %scan3A_2108 = arith.constant 0 : i32
      scf.yield %scan3A_2108 : i32
    }
    %scan3A_973 = arith.constant 2 : i32
    %dma_wait3A_974 = arith.constant 16 : i32
    %dma_wait3A_975 = arith.constant 16 : i32
    %dma_wait3A_976 = arith.constant 0 : i32
    %dma_wait3A_977 = tpu.memref_slice %arg9[%dma_wait3A_975, %dma_wait3A_976] : memref<32x200xi32, #tpu.memory_space<vmem>> -> memref<1x128xi32, #tpu.memory_space<vmem>>
    %dma_wait3A_978 = tpu.memref_squeeze %dma_wait3A_977 : memref<1x128xi32, #tpu.memory_space<vmem>> -> memref<128xi32, #tpu.memory_space<vmem>>
    %dma_wait3A_979 = arith.constant 0 : i32
    %dma_wait3A_980 = tpu.memref_slice %arg7[%dma_wait3A_974, %dma_wait3A_979] : memref<32x200xi32, #tpu.memory_space<vmem>> -> memref<1x128xi32, #tpu.memory_space<vmem>>
    %dma_wait3A_981 = tpu.memref_squeeze %dma_wait3A_980 : memref<1x128xi32, #tpu.memory_space<vmem>> -> memref<128xi32, #tpu.memory_space<vmem>>
    %dma_wait3A_982 = arith.constant 0 : i32
    %dma_wait3A_983 = tpu.memref_slice %arg4[%dma_wait3A_982] : memref<30522xi32, #tpu.memory_space<hbm>> -> memref<30522xi32, #tpu.memory_space<hbm>>
    tpu.wait_indirect_dma semaphore(%arg13 : memref<!tpu.dma_semaphore, #tpu.memory_space<semaphore_mem>>) src(%dma_wait3A_983 : memref<30522xi32, #tpu.memory_space<hbm>>) dst(%dma_wait3A_978 : memref<128xi32, #tpu.memory_space<vmem>>)
    %dma_wait3A_984 = arith.constant 16 : i32
    %dma_wait3A_985 = arith.constant 16 : i32
    %dma_wait3A_986 = arith.constant 128 : i32
    %dma_wait3A_987 = tpu.memref_slice %arg9[%dma_wait3A_985, %dma_wait3A_986] : memref<32x200xi32, #tpu.memory_space<vmem>> -> memref<1x72xi32, #tpu.memory_space<vmem>>
    %dma_wait3A_988 = tpu.memref_squeeze %dma_wait3A_987 : memref<1x72xi32, #tpu.memory_space<vmem>> -> memref<72xi32, #tpu.memory_space<vmem>>
    %dma_wait3A_989 = arith.constant 128 : i32
    %dma_wait3A_990 = tpu.memref_slice %arg7[%dma_wait3A_984, %dma_wait3A_989] : memref<32x200xi32, #tpu.memory_space<vmem>> -> memref<1x72xi32, #tpu.memory_space<vmem>>
    %dma_wait3A_991 = tpu.memref_squeeze %dma_wait3A_990 : memref<1x72xi32, #tpu.memory_space<vmem>> -> memref<72xi32, #tpu.memory_space<vmem>>
    %dma_wait3A_992 = arith.constant 0 : i32
    %dma_wait3A_993 = tpu.memref_slice %arg4[%dma_wait3A_992] : memref<30522xi32, #tpu.memory_space<hbm>> -> memref<30522xi32, #tpu.memory_space<hbm>>
    tpu.wait_indirect_dma semaphore(%arg13 : memref<!tpu.dma_semaphore, #tpu.memory_space<semaphore_mem>>) src(%dma_wait3A_993 : memref<30522xi32, #tpu.memory_space<hbm>>) dst(%dma_wait3A_988 : memref<72xi32, #tpu.memory_space<vmem>>)
    %dma_wait3A_994 = arith.constant 17 : i32
    %dma_wait3A_995 = arith.constant 17 : i32
    %dma_wait3A_996 = arith.constant 0 : i32
    %dma_wait3A_997 = tpu.memref_slice %arg9[%dma_wait3A_995, %dma_wait3A_996] : memref<32x200xi32, #tpu.memory_space<vmem>> -> memref<1x128xi32, #tpu.memory_space<vmem>>
    %dma_wait3A_998 = tpu.memref_squeeze %dma_wait3A_997 : memref<1x128xi32, #tpu.memory_space<vmem>> -> memref<128xi32, #tpu.memory_space<vmem>>
    %dma_wait3A_999 = arith.constant 0 : i32
    %dma_wait3A_1000 = tpu.memref_slice %arg7[%dma_wait3A_994, %dma_wait3A_999] : memref<32x200xi32, #tpu.memory_space<vmem>> -> memref<1x128xi32, #tpu.memory_space<vmem>>
    %dma_wait3A_1001 = tpu.memref_squeeze %dma_wait3A_1000 : memref<1x128xi32, #tpu.memory_space<vmem>> -> memref<128xi32, #tpu.memory_space<vmem>>
    %dma_wait3A_1002 = arith.constant 0 : i32
    %dma_wait3A_1003 = tpu.memref_slice %arg4[%dma_wait3A_1002] : memref<30522xi32, #tpu.memory_space<hbm>> -> memref<30522xi32, #tpu.memory_space<hbm>>
    tpu.wait_indirect_dma semaphore(%arg13 : memref<!tpu.dma_semaphore, #tpu.memory_space<semaphore_mem>>) src(%dma_wait3A_1003 : memref<30522xi32, #tpu.memory_space<hbm>>) dst(%dma_wait3A_998 : memref<128xi32, #tpu.memory_space<vmem>>)
    %dma_wait3A_1004 = arith.constant 17 : i32
    %dma_wait3A_1005 = arith.constant 17 : i32
    %dma_wait3A_1006 = arith.constant 128 : i32
    %dma_wait3A_1007 = tpu.memref_slice %arg9[%dma_wait3A_1005, %dma_wait3A_1006] : memref<32x200xi32, #tpu.memory_space<vmem>> -> memref<1x72xi32, #tpu.memory_space<vmem>>
    %dma_wait3A_1008 = tpu.memref_squeeze %dma_wait3A_1007 : memref<1x72xi32, #tpu.memory_space<vmem>> -> memref<72xi32, #tpu.memory_space<vmem>>
    %dma_wait3A_1009 = arith.constant 128 : i32
    %dma_wait3A_1010 = tpu.memref_slice %arg7[%dma_wait3A_1004, %dma_wait3A_1009] : memref<32x200xi32, #tpu.memory_space<vmem>> -> memref<1x72xi32, #tpu.memory_space<vmem>>
    %dma_wait3A_1011 = tpu.memref_squeeze %dma_wait3A_1010 : memref<1x72xi32, #tpu.memory_space<vmem>> -> memref<72xi32, #tpu.memory_space<vmem>>
    %dma_wait3A_1012 = arith.constant 0 : i32
    %dma_wait3A_1013 = tpu.memref_slice %arg4[%dma_wait3A_1012] : memref<30522xi32, #tpu.memory_space<hbm>> -> memref<30522xi32, #tpu.memory_space<hbm>>
    tpu.wait_indirect_dma semaphore(%arg13 : memref<!tpu.dma_semaphore, #tpu.memory_space<semaphore_mem>>) src(%dma_wait3A_1013 : memref<30522xi32, #tpu.memory_space<hbm>>) dst(%dma_wait3A_1008 : memref<72xi32, #tpu.memory_space<vmem>>)
    %dma_wait3A_1014 = arith.constant 18 : i32
    %dma_wait3A_1015 = arith.constant 18 : i32
    %dma_wait3A_1016 = arith.constant 0 : i32
    %dma_wait3A_1017 = tpu.memref_slice %arg9[%dma_wait3A_1015, %dma_wait3A_1016] : memref<32x200xi32, #tpu.memory_space<vmem>> -> memref<1x128xi32, #tpu.memory_space<vmem>>
    %dma_wait3A_1018 = tpu.memref_squeeze %dma_wait3A_1017 : memref<1x128xi32, #tpu.memory_space<vmem>> -> memref<128xi32, #tpu.memory_space<vmem>>
    %dma_wait3A_1019 = arith.constant 0 : i32
    %dma_wait3A_1020 = tpu.memref_slice %arg7[%dma_wait3A_1014, %dma_wait3A_1019] : memref<32x200xi32, #tpu.memory_space<vmem>> -> memref<1x128xi32, #tpu.memory_space<vmem>>
    %dma_wait3A_1021 = tpu.memref_squeeze %dma_wait3A_1020 : memref<1x128xi32, #tpu.memory_space<vmem>> -> memref<128xi32, #tpu.memory_space<vmem>>
    %dma_wait3A_1022 = arith.constant 0 : i32
    %dma_wait3A_1023 = tpu.memref_slice %arg4[%dma_wait3A_1022] : memref<30522xi32, #tpu.memory_space<hbm>> -> memref<30522xi32, #tpu.memory_space<hbm>>
    tpu.wait_indirect_dma semaphore(%arg13 : memref<!tpu.dma_semaphore, #tpu.memory_space<semaphore_mem>>) src(%dma_wait3A_1023 : memref<30522xi32, #tpu.memory_space<hbm>>) dst(%dma_wait3A_1018 : memref<128xi32, #tpu.memory_space<vmem>>)
    %dma_wait3A_1024 = arith.constant 18 : i32
    %dma_wait3A_1025 = arith.constant 18 : i32
    %dma_wait3A_1026 = arith.constant 128 : i32
    %dma_wait3A_1027 = tpu.memref_slice %arg9[%dma_wait3A_1025, %dma_wait3A_1026] : memref<32x200xi32, #tpu.memory_space<vmem>> -> memref<1x72xi32, #tpu.memory_space<vmem>>
    %dma_wait3A_1028 = tpu.memref_squeeze %dma_wait3A_1027 : memref<1x72xi32, #tpu.memory_space<vmem>> -> memref<72xi32, #tpu.memory_space<vmem>>
    %dma_wait3A_1029 = arith.constant 128 : i32
    %dma_wait3A_1030 = tpu.memref_slice %arg7[%dma_wait3A_1024, %dma_wait3A_1029] : memref<32x200xi32, #tpu.memory_space<vmem>> -> memref<1x72xi32, #tpu.memory_space<vmem>>
    %dma_wait3A_1031 = tpu.memref_squeeze %dma_wait3A_1030 : memref<1x72xi32, #tpu.memory_space<vmem>> -> memref<72xi32, #tpu.memory_space<vmem>>
    %dma_wait3A_1032 = arith.constant 0 : i32
    %dma_wait3A_1033 = tpu.memref_slice %arg4[%dma_wait3A_1032] : memref<30522xi32, #tpu.memory_space<hbm>> -> memref<30522xi32, #tpu.memory_space<hbm>>
    tpu.wait_indirect_dma semaphore(%arg13 : memref<!tpu.dma_semaphore, #tpu.memory_space<semaphore_mem>>) src(%dma_wait3A_1033 : memref<30522xi32, #tpu.memory_space<hbm>>) dst(%dma_wait3A_1028 : memref<72xi32, #tpu.memory_space<vmem>>)
    %dma_wait3A_1034 = arith.constant 19 : i32
    %dma_wait3A_1035 = arith.constant 19 : i32
    %dma_wait3A_1036 = arith.constant 0 : i32
    %dma_wait3A_1037 = tpu.memref_slice %arg9[%dma_wait3A_1035, %dma_wait3A_1036] : memref<32x200xi32, #tpu.memory_space<vmem>> -> memref<1x128xi32, #tpu.memory_space<vmem>>
    %dma_wait3A_1038 = tpu.memref_squeeze %dma_wait3A_1037 : memref<1x128xi32, #tpu.memory_space<vmem>> -> memref<128xi32, #tpu.memory_space<vmem>>
    %dma_wait3A_1039 = arith.constant 0 : i32
    %dma_wait3A_1040 = tpu.memref_slice %arg7[%dma_wait3A_1034, %dma_wait3A_1039] : memref<32x200xi32, #tpu.memory_space<vmem>> -> memref<1x128xi32, #tpu.memory_space<vmem>>
    %dma_wait3A_1041 = tpu.memref_squeeze %dma_wait3A_1040 : memref<1x128xi32, #tpu.memory_space<vmem>> -> memref<128xi32, #tpu.memory_space<vmem>>
    %dma_wait3A_1042 = arith.constant 0 : i32
    %dma_wait3A_1043 = tpu.memref_slice %arg4[%dma_wait3A_1042] : memref<30522xi32, #tpu.memory_space<hbm>> -> memref<30522xi32, #tpu.memory_space<hbm>>
    tpu.wait_indirect_dma semaphore(%arg13 : memref<!tpu.dma_semaphore, #tpu.memory_space<semaphore_mem>>) src(%dma_wait3A_1043 : memref<30522xi32, #tpu.memory_space<hbm>>) dst(%dma_wait3A_1038 : memref<128xi32, #tpu.memory_space<vmem>>)
    %dma_wait3A_1044 = arith.constant 19 : i32
    %dma_wait3A_1045 = arith.constant 19 : i32
    %dma_wait3A_1046 = arith.constant 128 : i32
    %dma_wait3A_1047 = tpu.memref_slice %arg9[%dma_wait3A_1045, %dma_wait3A_1046] : memref<32x200xi32, #tpu.memory_space<vmem>> -> memref<1x72xi32, #tpu.memory_space<vmem>>
    %dma_wait3A_1048 = tpu.memref_squeeze %dma_wait3A_1047 : memref<1x72xi32, #tpu.memory_space<vmem>> -> memref<72xi32, #tpu.memory_space<vmem>>
    %dma_wait3A_1049 = arith.constant 128 : i32
    %dma_wait3A_1050 = tpu.memref_slice %arg7[%dma_wait3A_1044, %dma_wait3A_1049] : memref<32x200xi32, #tpu.memory_space<vmem>> -> memref<1x72xi32, #tpu.memory_space<vmem>>
    %dma_wait3A_1051 = tpu.memref_squeeze %dma_wait3A_1050 : memref<1x72xi32, #tpu.memory_space<vmem>> -> memref<72xi32, #tpu.memory_space<vmem>>
    %dma_wait3A_1052 = arith.constant 0 : i32
    %dma_wait3A_1053 = tpu.memref_slice %arg4[%dma_wait3A_1052] : memref<30522xi32, #tpu.memory_space<hbm>> -> memref<30522xi32, #tpu.memory_space<hbm>>
    tpu.wait_indirect_dma semaphore(%arg13 : memref<!tpu.dma_semaphore, #tpu.memory_space<semaphore_mem>>) src(%dma_wait3A_1053 : memref<30522xi32, #tpu.memory_space<hbm>>) dst(%dma_wait3A_1048 : memref<72xi32, #tpu.memory_space<vmem>>)
    %dma_wait3A_1054 = arith.constant 20 : i32
    %dma_wait3A_1055 = arith.constant 20 : i32
    %dma_wait3A_1056 = arith.constant 0 : i32
    %dma_wait3A_1057 = tpu.memref_slice %arg9[%dma_wait3A_1055, %dma_wait3A_1056] : memref<32x200xi32, #tpu.memory_space<vmem>> -> memref<1x128xi32, #tpu.memory_space<vmem>>
    %dma_wait3A_1058 = tpu.memref_squeeze %dma_wait3A_1057 : memref<1x128xi32, #tpu.memory_space<vmem>> -> memref<128xi32, #tpu.memory_space<vmem>>
    %dma_wait3A_1059 = arith.constant 0 : i32
    %dma_wait3A_1060 = tpu.memref_slice %arg7[%dma_wait3A_1054, %dma_wait3A_1059] : memref<32x200xi32, #tpu.memory_space<vmem>> -> memref<1x128xi32, #tpu.memory_space<vmem>>
    %dma_wait3A_1061 = tpu.memref_squeeze %dma_wait3A_1060 : memref<1x128xi32, #tpu.memory_space<vmem>> -> memref<128xi32, #tpu.memory_space<vmem>>
    %dma_wait3A_1062 = arith.constant 0 : i32
    %dma_wait3A_1063 = tpu.memref_slice %arg4[%dma_wait3A_1062] : memref<30522xi32, #tpu.memory_space<hbm>> -> memref<30522xi32, #tpu.memory_space<hbm>>
    tpu.wait_indirect_dma semaphore(%arg13 : memref<!tpu.dma_semaphore, #tpu.memory_space<semaphore_mem>>) src(%dma_wait3A_1063 : memref<30522xi32, #tpu.memory_space<hbm>>) dst(%dma_wait3A_1058 : memref<128xi32, #tpu.memory_space<vmem>>)
    %dma_wait3A_1064 = arith.constant 20 : i32
    %dma_wait3A_1065 = arith.constant 20 : i32
    %dma_wait3A_1066 = arith.constant 128 : i32
    %dma_wait3A_1067 = tpu.memref_slice %arg9[%dma_wait3A_1065, %dma_wait3A_1066] : memref<32x200xi32, #tpu.memory_space<vmem>> -> memref<1x72xi32, #tpu.memory_space<vmem>>
    %dma_wait3A_1068 = tpu.memref_squeeze %dma_wait3A_1067 : memref<1x72xi32, #tpu.memory_space<vmem>> -> memref<72xi32, #tpu.memory_space<vmem>>
    %dma_wait3A_1069 = arith.constant 128 : i32
    %dma_wait3A_1070 = tpu.memref_slice %arg7[%dma_wait3A_1064, %dma_wait3A_1069] : memref<32x200xi32, #tpu.memory_space<vmem>> -> memref<1x72xi32, #tpu.memory_space<vmem>>
    %dma_wait3A_1071 = tpu.memref_squeeze %dma_wait3A_1070 : memref<1x72xi32, #tpu.memory_space<vmem>> -> memref<72xi32, #tpu.memory_space<vmem>>
    %dma_wait3A_1072 = arith.constant 0 : i32
    %dma_wait3A_1073 = tpu.memref_slice %arg4[%dma_wait3A_1072] : memref<30522xi32, #tpu.memory_space<hbm>> -> memref<30522xi32, #tpu.memory_space<hbm>>
    tpu.wait_indirect_dma semaphore(%arg13 : memref<!tpu.dma_semaphore, #tpu.memory_space<semaphore_mem>>) src(%dma_wait3A_1073 : memref<30522xi32, #tpu.memory_space<hbm>>) dst(%dma_wait3A_1068 : memref<72xi32, #tpu.memory_space<vmem>>)
    %dma_wait3A_1074 = arith.constant 21 : i32
    %dma_wait3A_1075 = arith.constant 21 : i32
    %dma_wait3A_1076 = arith.constant 0 : i32
    %dma_wait3A_1077 = tpu.memref_slice %arg9[%dma_wait3A_1075, %dma_wait3A_1076] : memref<32x200xi32, #tpu.memory_space<vmem>> -> memref<1x128xi32, #tpu.memory_space<vmem>>
    %dma_wait3A_1078 = tpu.memref_squeeze %dma_wait3A_1077 : memref<1x128xi32, #tpu.memory_space<vmem>> -> memref<128xi32, #tpu.memory_space<vmem>>
    %dma_wait3A_1079 = arith.constant 0 : i32
    %dma_wait3A_1080 = tpu.memref_slice %arg7[%dma_wait3A_1074, %dma_wait3A_1079] : memref<32x200xi32, #tpu.memory_space<vmem>> -> memref<1x128xi32, #tpu.memory_space<vmem>>
    %dma_wait3A_1081 = tpu.memref_squeeze %dma_wait3A_1080 : memref<1x128xi32, #tpu.memory_space<vmem>> -> memref<128xi32, #tpu.memory_space<vmem>>
    %dma_wait3A_1082 = arith.constant 0 : i32
    %dma_wait3A_1083 = tpu.memref_slice %arg4[%dma_wait3A_1082] : memref<30522xi32, #tpu.memory_space<hbm>> -> memref<30522xi32, #tpu.memory_space<hbm>>
    tpu.wait_indirect_dma semaphore(%arg13 : memref<!tpu.dma_semaphore, #tpu.memory_space<semaphore_mem>>) src(%dma_wait3A_1083 : memref<30522xi32, #tpu.memory_space<hbm>>) dst(%dma_wait3A_1078 : memref<128xi32, #tpu.memory_space<vmem>>)
    %dma_wait3A_1084 = arith.constant 21 : i32
    %dma_wait3A_1085 = arith.constant 21 : i32
    %dma_wait3A_1086 = arith.constant 128 : i32
    %dma_wait3A_1087 = tpu.memref_slice %arg9[%dma_wait3A_1085, %dma_wait3A_1086] : memref<32x200xi32, #tpu.memory_space<vmem>> -> memref<1x72xi32, #tpu.memory_space<vmem>>
    %dma_wait3A_1088 = tpu.memref_squeeze %dma_wait3A_1087 : memref<1x72xi32, #tpu.memory_space<vmem>> -> memref<72xi32, #tpu.memory_space<vmem>>
    %dma_wait3A_1089 = arith.constant 128 : i32
    %dma_wait3A_1090 = tpu.memref_slice %arg7[%dma_wait3A_1084, %dma_wait3A_1089] : memref<32x200xi32, #tpu.memory_space<vmem>> -> memref<1x72xi32, #tpu.memory_space<vmem>>
    %dma_wait3A_1091 = tpu.memref_squeeze %dma_wait3A_1090 : memref<1x72xi32, #tpu.memory_space<vmem>> -> memref<72xi32, #tpu.memory_space<vmem>>
    %dma_wait3A_1092 = arith.constant 0 : i32
    %dma_wait3A_1093 = tpu.memref_slice %arg4[%dma_wait3A_1092] : memref<30522xi32, #tpu.memory_space<hbm>> -> memref<30522xi32, #tpu.memory_space<hbm>>
    tpu.wait_indirect_dma semaphore(%arg13 : memref<!tpu.dma_semaphore, #tpu.memory_space<semaphore_mem>>) src(%dma_wait3A_1093 : memref<30522xi32, #tpu.memory_space<hbm>>) dst(%dma_wait3A_1088 : memref<72xi32, #tpu.memory_space<vmem>>)
    %dma_wait3A_1094 = arith.constant 22 : i32
    %dma_wait3A_1095 = arith.constant 22 : i32
    %dma_wait3A_1096 = arith.constant 0 : i32
    %dma_wait3A_1097 = tpu.memref_slice %arg9[%dma_wait3A_1095, %dma_wait3A_1096] : memref<32x200xi32, #tpu.memory_space<vmem>> -> memref<1x128xi32, #tpu.memory_space<vmem>>
    %dma_wait3A_1098 = tpu.memref_squeeze %dma_wait3A_1097 : memref<1x128xi32, #tpu.memory_space<vmem>> -> memref<128xi32, #tpu.memory_space<vmem>>
    %dma_wait3A_1099 = arith.constant 0 : i32
    %dma_wait3A_1100 = tpu.memref_slice %arg7[%dma_wait3A_1094, %dma_wait3A_1099] : memref<32x200xi32, #tpu.memory_space<vmem>> -> memref<1x128xi32, #tpu.memory_space<vmem>>
    %dma_wait3A_1101 = tpu.memref_squeeze %dma_wait3A_1100 : memref<1x128xi32, #tpu.memory_space<vmem>> -> memref<128xi32, #tpu.memory_space<vmem>>
    %dma_wait3A_1102 = arith.constant 0 : i32
    %dma_wait3A_1103 = tpu.memref_slice %arg4[%dma_wait3A_1102] : memref<30522xi32, #tpu.memory_space<hbm>> -> memref<30522xi32, #tpu.memory_space<hbm>>
    tpu.wait_indirect_dma semaphore(%arg13 : memref<!tpu.dma_semaphore, #tpu.memory_space<semaphore_mem>>) src(%dma_wait3A_1103 : memref<30522xi32, #tpu.memory_space<hbm>>) dst(%dma_wait3A_1098 : memref<128xi32, #tpu.memory_space<vmem>>)
    %dma_wait3A_1104 = arith.constant 22 : i32
    %dma_wait3A_1105 = arith.constant 22 : i32
    %dma_wait3A_1106 = arith.constant 128 : i32
    %dma_wait3A_1107 = tpu.memref_slice %arg9[%dma_wait3A_1105, %dma_wait3A_1106] : memref<32x200xi32, #tpu.memory_space<vmem>> -> memref<1x72xi32, #tpu.memory_space<vmem>>
    %dma_wait3A_1108 = tpu.memref_squeeze %dma_wait3A_1107 : memref<1x72xi32, #tpu.memory_space<vmem>> -> memref<72xi32, #tpu.memory_space<vmem>>
    %dma_wait3A_1109 = arith.constant 128 : i32
    %dma_wait3A_1110 = tpu.memref_slice %arg7[%dma_wait3A_1104, %dma_wait3A_1109] : memref<32x200xi32, #tpu.memory_space<vmem>> -> memref<1x72xi32, #tpu.memory_space<vmem>>
    %dma_wait3A_1111 = tpu.memref_squeeze %dma_wait3A_1110 : memref<1x72xi32, #tpu.memory_space<vmem>> -> memref<72xi32, #tpu.memory_space<vmem>>
    %dma_wait3A_1112 = arith.constant 0 : i32
    %dma_wait3A_1113 = tpu.memref_slice %arg4[%dma_wait3A_1112] : memref<30522xi32, #tpu.memory_space<hbm>> -> memref<30522xi32, #tpu.memory_space<hbm>>
    tpu.wait_indirect_dma semaphore(%arg13 : memref<!tpu.dma_semaphore, #tpu.memory_space<semaphore_mem>>) src(%dma_wait3A_1113 : memref<30522xi32, #tpu.memory_space<hbm>>) dst(%dma_wait3A_1108 : memref<72xi32, #tpu.memory_space<vmem>>)
    %dma_wait3A_1114 = arith.constant 23 : i32
    %dma_wait3A_1115 = arith.constant 23 : i32
    %dma_wait3A_1116 = arith.constant 0 : i32
    %dma_wait3A_1117 = tpu.memref_slice %arg9[%dma_wait3A_1115, %dma_wait3A_1116] : memref<32x200xi32, #tpu.memory_space<vmem>> -> memref<1x128xi32, #tpu.memory_space<vmem>>
    %dma_wait3A_1118 = tpu.memref_squeeze %dma_wait3A_1117 : memref<1x128xi32, #tpu.memory_space<vmem>> -> memref<128xi32, #tpu.memory_space<vmem>>
    %dma_wait3A_1119 = arith.constant 0 : i32
    %dma_wait3A_1120 = tpu.memref_slice %arg7[%dma_wait3A_1114, %dma_wait3A_1119] : memref<32x200xi32, #tpu.memory_space<vmem>> -> memref<1x128xi32, #tpu.memory_space<vmem>>
    %dma_wait3A_1121 = tpu.memref_squeeze %dma_wait3A_1120 : memref<1x128xi32, #tpu.memory_space<vmem>> -> memref<128xi32, #tpu.memory_space<vmem>>
    %dma_wait3A_1122 = arith.constant 0 : i32
    %dma_wait3A_1123 = tpu.memref_slice %arg4[%dma_wait3A_1122] : memref<30522xi32, #tpu.memory_space<hbm>> -> memref<30522xi32, #tpu.memory_space<hbm>>
    tpu.wait_indirect_dma semaphore(%arg13 : memref<!tpu.dma_semaphore, #tpu.memory_space<semaphore_mem>>) src(%dma_wait3A_1123 : memref<30522xi32, #tpu.memory_space<hbm>>) dst(%dma_wait3A_1118 : memref<128xi32, #tpu.memory_space<vmem>>)
    %dma_wait3A_1124 = arith.constant 23 : i32
    %dma_wait3A_1125 = arith.constant 23 : i32
    %dma_wait3A_1126 = arith.constant 128 : i32
    %dma_wait3A_1127 = tpu.memref_slice %arg9[%dma_wait3A_1125, %dma_wait3A_1126] : memref<32x200xi32, #tpu.memory_space<vmem>> -> memref<1x72xi32, #tpu.memory_space<vmem>>
    %dma_wait3A_1128 = tpu.memref_squeeze %dma_wait3A_1127 : memref<1x72xi32, #tpu.memory_space<vmem>> -> memref<72xi32, #tpu.memory_space<vmem>>
    %dma_wait3A_1129 = arith.constant 128 : i32
    %dma_wait3A_1130 = tpu.memref_slice %arg7[%dma_wait3A_1124, %dma_wait3A_1129] : memref<32x200xi32, #tpu.memory_space<vmem>> -> memref<1x72xi32, #tpu.memory_space<vmem>>
    %dma_wait3A_1131 = tpu.memref_squeeze %dma_wait3A_1130 : memref<1x72xi32, #tpu.memory_space<vmem>> -> memref<72xi32, #tpu.memory_space<vmem>>
    %dma_wait3A_1132 = arith.constant 0 : i32
    %dma_wait3A_1133 = tpu.memref_slice %arg4[%dma_wait3A_1132] : memref<30522xi32, #tpu.memory_space<hbm>> -> memref<30522xi32, #tpu.memory_space<hbm>>
    tpu.wait_indirect_dma semaphore(%arg13 : memref<!tpu.dma_semaphore, #tpu.memory_space<semaphore_mem>>) src(%dma_wait3A_1133 : memref<30522xi32, #tpu.memory_space<hbm>>) dst(%dma_wait3A_1128 : memref<72xi32, #tpu.memory_space<vmem>>)
    %dma_wait3A_1134 = arith.constant 24 : i32
    %dma_wait3A_1135 = arith.constant 24 : i32
    %dma_wait3A_1136 = arith.constant 0 : i32
    %dma_wait3A_1137 = tpu.memref_slice %arg9[%dma_wait3A_1135, %dma_wait3A_1136] : memref<32x200xi32, #tpu.memory_space<vmem>> -> memref<1x128xi32, #tpu.memory_space<vmem>>
    %dma_wait3A_1138 = tpu.memref_squeeze %dma_wait3A_1137 : memref<1x128xi32, #tpu.memory_space<vmem>> -> memref<128xi32, #tpu.memory_space<vmem>>
    %dma_wait3A_1139 = arith.constant 0 : i32
    %dma_wait3A_1140 = tpu.memref_slice %arg7[%dma_wait3A_1134, %dma_wait3A_1139] : memref<32x200xi32, #tpu.memory_space<vmem>> -> memref<1x128xi32, #tpu.memory_space<vmem>>
    %dma_wait3A_1141 = tpu.memref_squeeze %dma_wait3A_1140 : memref<1x128xi32, #tpu.memory_space<vmem>> -> memref<128xi32, #tpu.memory_space<vmem>>
    %dma_wait3A_1142 = arith.constant 0 : i32
    %dma_wait3A_1143 = tpu.memref_slice %arg4[%dma_wait3A_1142] : memref<30522xi32, #tpu.memory_space<hbm>> -> memref<30522xi32, #tpu.memory_space<hbm>>
    tpu.wait_indirect_dma semaphore(%arg13 : memref<!tpu.dma_semaphore, #tpu.memory_space<semaphore_mem>>) src(%dma_wait3A_1143 : memref<30522xi32, #tpu.memory_space<hbm>>) dst(%dma_wait3A_1138 : memref<128xi32, #tpu.memory_space<vmem>>)
    %dma_wait3A_1144 = arith.constant 24 : i32
    %dma_wait3A_1145 = arith.constant 24 : i32
    %dma_wait3A_1146 = arith.constant 128 : i32
    %dma_wait3A_1147 = tpu.memref_slice %arg9[%dma_wait3A_1145, %dma_wait3A_1146] : memref<32x200xi32, #tpu.memory_space<vmem>> -> memref<1x72xi32, #tpu.memory_space<vmem>>
    %dma_wait3A_1148 = tpu.memref_squeeze %dma_wait3A_1147 : memref<1x72xi32, #tpu.memory_space<vmem>> -> memref<72xi32, #tpu.memory_space<vmem>>
    %dma_wait3A_1149 = arith.constant 128 : i32
    %dma_wait3A_1150 = tpu.memref_slice %arg7[%dma_wait3A_1144, %dma_wait3A_1149] : memref<32x200xi32, #tpu.memory_space<vmem>> -> memref<1x72xi32, #tpu.memory_space<vmem>>
    %dma_wait3A_1151 = tpu.memref_squeeze %dma_wait3A_1150 : memref<1x72xi32, #tpu.memory_space<vmem>> -> memref<72xi32, #tpu.memory_space<vmem>>
    %dma_wait3A_1152 = arith.constant 0 : i32
    %dma_wait3A_1153 = tpu.memref_slice %arg4[%dma_wait3A_1152] : memref<30522xi32, #tpu.memory_space<hbm>> -> memref<30522xi32, #tpu.memory_space<hbm>>
    tpu.wait_indirect_dma semaphore(%arg13 : memref<!tpu.dma_semaphore, #tpu.memory_space<semaphore_mem>>) src(%dma_wait3A_1153 : memref<30522xi32, #tpu.memory_space<hbm>>) dst(%dma_wait3A_1148 : memref<72xi32, #tpu.memory_space<vmem>>)
    %dma_wait3A_1154 = arith.constant 25 : i32
    %dma_wait3A_1155 = arith.constant 25 : i32
    %dma_wait3A_1156 = arith.constant 0 : i32
    %dma_wait3A_1157 = tpu.memref_slice %arg9[%dma_wait3A_1155, %dma_wait3A_1156] : memref<32x200xi32, #tpu.memory_space<vmem>> -> memref<1x128xi32, #tpu.memory_space<vmem>>
    %dma_wait3A_1158 = tpu.memref_squeeze %dma_wait3A_1157 : memref<1x128xi32, #tpu.memory_space<vmem>> -> memref<128xi32, #tpu.memory_space<vmem>>
    %dma_wait3A_1159 = arith.constant 0 : i32
    %dma_wait3A_1160 = tpu.memref_slice %arg7[%dma_wait3A_1154, %dma_wait3A_1159] : memref<32x200xi32, #tpu.memory_space<vmem>> -> memref<1x128xi32, #tpu.memory_space<vmem>>
    %dma_wait3A_1161 = tpu.memref_squeeze %dma_wait3A_1160 : memref<1x128xi32, #tpu.memory_space<vmem>> -> memref<128xi32, #tpu.memory_space<vmem>>
    %dma_wait3A_1162 = arith.constant 0 : i32
    %dma_wait3A_1163 = tpu.memref_slice %arg4[%dma_wait3A_1162] : memref<30522xi32, #tpu.memory_space<hbm>> -> memref<30522xi32, #tpu.memory_space<hbm>>
    tpu.wait_indirect_dma semaphore(%arg13 : memref<!tpu.dma_semaphore, #tpu.memory_space<semaphore_mem>>) src(%dma_wait3A_1163 : memref<30522xi32, #tpu.memory_space<hbm>>) dst(%dma_wait3A_1158 : memref<128xi32, #tpu.memory_space<vmem>>)
    %dma_wait3A_1164 = arith.constant 25 : i32
    %dma_wait3A_1165 = arith.constant 25 : i32
    %dma_wait3A_1166 = arith.constant 128 : i32
    %dma_wait3A_1167 = tpu.memref_slice %arg9[%dma_wait3A_1165, %dma_wait3A_1166] : memref<32x200xi32, #tpu.memory_space<vmem>> -> memref<1x72xi32, #tpu.memory_space<vmem>>
    %dma_wait3A_1168 = tpu.memref_squeeze %dma_wait3A_1167 : memref<1x72xi32, #tpu.memory_space<vmem>> -> memref<72xi32, #tpu.memory_space<vmem>>
    %dma_wait3A_1169 = arith.constant 128 : i32
    %dma_wait3A_1170 = tpu.memref_slice %arg7[%dma_wait3A_1164, %dma_wait3A_1169] : memref<32x200xi32, #tpu.memory_space<vmem>> -> memref<1x72xi32, #tpu.memory_space<vmem>>
    %dma_wait3A_1171 = tpu.memref_squeeze %dma_wait3A_1170 : memref<1x72xi32, #tpu.memory_space<vmem>> -> memref<72xi32, #tpu.memory_space<vmem>>
    %dma_wait3A_1172 = arith.constant 0 : i32
    %dma_wait3A_1173 = tpu.memref_slice %arg4[%dma_wait3A_1172] : memref<30522xi32, #tpu.memory_space<hbm>> -> memref<30522xi32, #tpu.memory_space<hbm>>
    tpu.wait_indirect_dma semaphore(%arg13 : memref<!tpu.dma_semaphore, #tpu.memory_space<semaphore_mem>>) src(%dma_wait3A_1173 : memref<30522xi32, #tpu.memory_space<hbm>>) dst(%dma_wait3A_1168 : memref<72xi32, #tpu.memory_space<vmem>>)
    %dma_wait3A_1174 = arith.constant 26 : i32
    %dma_wait3A_1175 = arith.constant 26 : i32
    %dma_wait3A_1176 = arith.constant 0 : i32
    %dma_wait3A_1177 = tpu.memref_slice %arg9[%dma_wait3A_1175, %dma_wait3A_1176] : memref<32x200xi32, #tpu.memory_space<vmem>> -> memref<1x128xi32, #tpu.memory_space<vmem>>
    %dma_wait3A_1178 = tpu.memref_squeeze %dma_wait3A_1177 : memref<1x128xi32, #tpu.memory_space<vmem>> -> memref<128xi32, #tpu.memory_space<vmem>>
    %dma_wait3A_1179 = arith.constant 0 : i32
    %dma_wait3A_1180 = tpu.memref_slice %arg7[%dma_wait3A_1174, %dma_wait3A_1179] : memref<32x200xi32, #tpu.memory_space<vmem>> -> memref<1x128xi32, #tpu.memory_space<vmem>>
    %dma_wait3A_1181 = tpu.memref_squeeze %dma_wait3A_1180 : memref<1x128xi32, #tpu.memory_space<vmem>> -> memref<128xi32, #tpu.memory_space<vmem>>
    %dma_wait3A_1182 = arith.constant 0 : i32
    %dma_wait3A_1183 = tpu.memref_slice %arg4[%dma_wait3A_1182] : memref<30522xi32, #tpu.memory_space<hbm>> -> memref<30522xi32, #tpu.memory_space<hbm>>
    tpu.wait_indirect_dma semaphore(%arg13 : memref<!tpu.dma_semaphore, #tpu.memory_space<semaphore_mem>>) src(%dma_wait3A_1183 : memref<30522xi32, #tpu.memory_space<hbm>>) dst(%dma_wait3A_1178 : memref<128xi32, #tpu.memory_space<vmem>>)
    %dma_wait3A_1184 = arith.constant 26 : i32
    %dma_wait3A_1185 = arith.constant 26 : i32
    %dma_wait3A_1186 = arith.constant 128 : i32
    %dma_wait3A_1187 = tpu.memref_slice %arg9[%dma_wait3A_1185, %dma_wait3A_1186] : memref<32x200xi32, #tpu.memory_space<vmem>> -> memref<1x72xi32, #tpu.memory_space<vmem>>
    %dma_wait3A_1188 = tpu.memref_squeeze %dma_wait3A_1187 : memref<1x72xi32, #tpu.memory_space<vmem>> -> memref<72xi32, #tpu.memory_space<vmem>>
    %dma_wait3A_1189 = arith.constant 128 : i32
    %dma_wait3A_1190 = tpu.memref_slice %arg7[%dma_wait3A_1184, %dma_wait3A_1189] : memref<32x200xi32, #tpu.memory_space<vmem>> -> memref<1x72xi32, #tpu.memory_space<vmem>>
    %dma_wait3A_1191 = tpu.memref_squeeze %dma_wait3A_1190 : memref<1x72xi32, #tpu.memory_space<vmem>> -> memref<72xi32, #tpu.memory_space<vmem>>
    %dma_wait3A_1192 = arith.constant 0 : i32
    %dma_wait3A_1193 = tpu.memref_slice %arg4[%dma_wait3A_1192] : memref<30522xi32, #tpu.memory_space<hbm>> -> memref<30522xi32, #tpu.memory_space<hbm>>
    tpu.wait_indirect_dma semaphore(%arg13 : memref<!tpu.dma_semaphore, #tpu.memory_space<semaphore_mem>>) src(%dma_wait3A_1193 : memref<30522xi32, #tpu.memory_space<hbm>>) dst(%dma_wait3A_1188 : memref<72xi32, #tpu.memory_space<vmem>>)
    %dma_wait3A_1194 = arith.constant 27 : i32
    %dma_wait3A_1195 = arith.constant 27 : i32
    %dma_wait3A_1196 = arith.constant 0 : i32
    %dma_wait3A_1197 = tpu.memref_slice %arg9[%dma_wait3A_1195, %dma_wait3A_1196] : memref<32x200xi32, #tpu.memory_space<vmem>> -> memref<1x128xi32, #tpu.memory_space<vmem>>
    %dma_wait3A_1198 = tpu.memref_squeeze %dma_wait3A_1197 : memref<1x128xi32, #tpu.memory_space<vmem>> -> memref<128xi32, #tpu.memory_space<vmem>>
    %dma_wait3A_1199 = arith.constant 0 : i32
    %dma_wait3A_1200 = tpu.memref_slice %arg7[%dma_wait3A_1194, %dma_wait3A_1199] : memref<32x200xi32, #tpu.memory_space<vmem>> -> memref<1x128xi32, #tpu.memory_space<vmem>>
    %dma_wait3A_1201 = tpu.memref_squeeze %dma_wait3A_1200 : memref<1x128xi32, #tpu.memory_space<vmem>> -> memref<128xi32, #tpu.memory_space<vmem>>
    %dma_wait3A_1202 = arith.constant 0 : i32
    %dma_wait3A_1203 = tpu.memref_slice %arg4[%dma_wait3A_1202] : memref<30522xi32, #tpu.memory_space<hbm>> -> memref<30522xi32, #tpu.memory_space<hbm>>
    tpu.wait_indirect_dma semaphore(%arg13 : memref<!tpu.dma_semaphore, #tpu.memory_space<semaphore_mem>>) src(%dma_wait3A_1203 : memref<30522xi32, #tpu.memory_space<hbm>>) dst(%dma_wait3A_1198 : memref<128xi32, #tpu.memory_space<vmem>>)
    %dma_wait3A_1204 = arith.constant 27 : i32
    %dma_wait3A_1205 = arith.constant 27 : i32
    %dma_wait3A_1206 = arith.constant 128 : i32
    %dma_wait3A_1207 = tpu.memref_slice %arg9[%dma_wait3A_1205, %dma_wait3A_1206] : memref<32x200xi32, #tpu.memory_space<vmem>> -> memref<1x72xi32, #tpu.memory_space<vmem>>
    %dma_wait3A_1208 = tpu.memref_squeeze %dma_wait3A_1207 : memref<1x72xi32, #tpu.memory_space<vmem>> -> memref<72xi32, #tpu.memory_space<vmem>>
    %dma_wait3A_1209 = arith.constant 128 : i32
    %dma_wait3A_1210 = tpu.memref_slice %arg7[%dma_wait3A_1204, %dma_wait3A_1209] : memref<32x200xi32, #tpu.memory_space<vmem>> -> memref<1x72xi32, #tpu.memory_space<vmem>>
    %dma_wait3A_1211 = tpu.memref_squeeze %dma_wait3A_1210 : memref<1x72xi32, #tpu.memory_space<vmem>> -> memref<72xi32, #tpu.memory_space<vmem>>
    %dma_wait3A_1212 = arith.constant 0 : i32
    %dma_wait3A_1213 = tpu.memref_slice %arg4[%dma_wait3A_1212] : memref<30522xi32, #tpu.memory_space<hbm>> -> memref<30522xi32, #tpu.memory_space<hbm>>
    tpu.wait_indirect_dma semaphore(%arg13 : memref<!tpu.dma_semaphore, #tpu.memory_space<semaphore_mem>>) src(%dma_wait3A_1213 : memref<30522xi32, #tpu.memory_space<hbm>>) dst(%dma_wait3A_1208 : memref<72xi32, #tpu.memory_space<vmem>>)
    %dma_wait3A_1214 = arith.constant 28 : i32
    %dma_wait3A_1215 = arith.constant 28 : i32
    %dma_wait3A_1216 = arith.constant 0 : i32
    %dma_wait3A_1217 = tpu.memref_slice %arg9[%dma_wait3A_1215, %dma_wait3A_1216] : memref<32x200xi32, #tpu.memory_space<vmem>> -> memref<1x128xi32, #tpu.memory_space<vmem>>
    %dma_wait3A_1218 = tpu.memref_squeeze %dma_wait3A_1217 : memref<1x128xi32, #tpu.memory_space<vmem>> -> memref<128xi32, #tpu.memory_space<vmem>>
    %dma_wait3A_1219 = arith.constant 0 : i32
    %dma_wait3A_1220 = tpu.memref_slice %arg7[%dma_wait3A_1214, %dma_wait3A_1219] : memref<32x200xi32, #tpu.memory_space<vmem>> -> memref<1x128xi32, #tpu.memory_space<vmem>>
    %dma_wait3A_1221 = tpu.memref_squeeze %dma_wait3A_1220 : memref<1x128xi32, #tpu.memory_space<vmem>> -> memref<128xi32, #tpu.memory_space<vmem>>
    %dma_wait3A_1222 = arith.constant 0 : i32
    %dma_wait3A_1223 = tpu.memref_slice %arg4[%dma_wait3A_1222] : memref<30522xi32, #tpu.memory_space<hbm>> -> memref<30522xi32, #tpu.memory_space<hbm>>
    tpu.wait_indirect_dma semaphore(%arg13 : memref<!tpu.dma_semaphore, #tpu.memory_space<semaphore_mem>>) src(%dma_wait3A_1223 : memref<30522xi32, #tpu.memory_space<hbm>>) dst(%dma_wait3A_1218 : memref<128xi32, #tpu.memory_space<vmem>>)
    %dma_wait3A_1224 = arith.constant 28 : i32
    %dma_wait3A_1225 = arith.constant 28 : i32
    %dma_wait3A_1226 = arith.constant 128 : i32
    %dma_wait3A_1227 = tpu.memref_slice %arg9[%dma_wait3A_1225, %dma_wait3A_1226] : memref<32x200xi32, #tpu.memory_space<vmem>> -> memref<1x72xi32, #tpu.memory_space<vmem>>
    %dma_wait3A_1228 = tpu.memref_squeeze %dma_wait3A_1227 : memref<1x72xi32, #tpu.memory_space<vmem>> -> memref<72xi32, #tpu.memory_space<vmem>>
    %dma_wait3A_1229 = arith.constant 128 : i32
    %dma_wait3A_1230 = tpu.memref_slice %arg7[%dma_wait3A_1224, %dma_wait3A_1229] : memref<32x200xi32, #tpu.memory_space<vmem>> -> memref<1x72xi32, #tpu.memory_space<vmem>>
    %dma_wait3A_1231 = tpu.memref_squeeze %dma_wait3A_1230 : memref<1x72xi32, #tpu.memory_space<vmem>> -> memref<72xi32, #tpu.memory_space<vmem>>
    %dma_wait3A_1232 = arith.constant 0 : i32
    %dma_wait3A_1233 = tpu.memref_slice %arg4[%dma_wait3A_1232] : memref<30522xi32, #tpu.memory_space<hbm>> -> memref<30522xi32, #tpu.memory_space<hbm>>
    tpu.wait_indirect_dma semaphore(%arg13 : memref<!tpu.dma_semaphore, #tpu.memory_space<semaphore_mem>>) src(%dma_wait3A_1233 : memref<30522xi32, #tpu.memory_space<hbm>>) dst(%dma_wait3A_1228 : memref<72xi32, #tpu.memory_space<vmem>>)
    %dma_wait3A_1234 = arith.constant 29 : i32
    %dma_wait3A_1235 = arith.constant 29 : i32
    %dma_wait3A_1236 = arith.constant 0 : i32
    %dma_wait3A_1237 = tpu.memref_slice %arg9[%dma_wait3A_1235, %dma_wait3A_1236] : memref<32x200xi32, #tpu.memory_space<vmem>> -> memref<1x128xi32, #tpu.memory_space<vmem>>
    %dma_wait3A_1238 = tpu.memref_squeeze %dma_wait3A_1237 : memref<1x128xi32, #tpu.memory_space<vmem>> -> memref<128xi32, #tpu.memory_space<vmem>>
    %dma_wait3A_1239 = arith.constant 0 : i32
    %dma_wait3A_1240 = tpu.memref_slice %arg7[%dma_wait3A_1234, %dma_wait3A_1239] : memref<32x200xi32, #tpu.memory_space<vmem>> -> memref<1x128xi32, #tpu.memory_space<vmem>>
    %dma_wait3A_1241 = tpu.memref_squeeze %dma_wait3A_1240 : memref<1x128xi32, #tpu.memory_space<vmem>> -> memref<128xi32, #tpu.memory_space<vmem>>
    %dma_wait3A_1242 = arith.constant 0 : i32
    %dma_wait3A_1243 = tpu.memref_slice %arg4[%dma_wait3A_1242] : memref<30522xi32, #tpu.memory_space<hbm>> -> memref<30522xi32, #tpu.memory_space<hbm>>
    tpu.wait_indirect_dma semaphore(%arg13 : memref<!tpu.dma_semaphore, #tpu.memory_space<semaphore_mem>>) src(%dma_wait3A_1243 : memref<30522xi32, #tpu.memory_space<hbm>>) dst(%dma_wait3A_1238 : memref<128xi32, #tpu.memory_space<vmem>>)
    %dma_wait3A_1244 = arith.constant 29 : i32
    %dma_wait3A_1245 = arith.constant 29 : i32
    %dma_wait3A_1246 = arith.constant 128 : i32
    %dma_wait3A_1247 = tpu.memref_slice %arg9[%dma_wait3A_1245, %dma_wait3A_1246] : memref<32x200xi32, #tpu.memory_space<vmem>> -> memref<1x72xi32, #tpu.memory_space<vmem>>
    %dma_wait3A_1248 = tpu.memref_squeeze %dma_wait3A_1247 : memref<1x72xi32, #tpu.memory_space<vmem>> -> memref<72xi32, #tpu.memory_space<vmem>>
    %dma_wait3A_1249 = arith.constant 128 : i32
    %dma_wait3A_1250 = tpu.memref_slice %arg7[%dma_wait3A_1244, %dma_wait3A_1249] : memref<32x200xi32, #tpu.memory_space<vmem>> -> memref<1x72xi32, #tpu.memory_space<vmem>>
    %dma_wait3A_1251 = tpu.memref_squeeze %dma_wait3A_1250 : memref<1x72xi32, #tpu.memory_space<vmem>> -> memref<72xi32, #tpu.memory_space<vmem>>
    %dma_wait3A_1252 = arith.constant 0 : i32
    %dma_wait3A_1253 = tpu.memref_slice %arg4[%dma_wait3A_1252] : memref<30522xi32, #tpu.memory_space<hbm>> -> memref<30522xi32, #tpu.memory_space<hbm>>
    tpu.wait_indirect_dma semaphore(%arg13 : memref<!tpu.dma_semaphore, #tpu.memory_space<semaphore_mem>>) src(%dma_wait3A_1253 : memref<30522xi32, #tpu.memory_space<hbm>>) dst(%dma_wait3A_1248 : memref<72xi32, #tpu.memory_space<vmem>>)
    %dma_wait3A_1254 = arith.constant 30 : i32
    %dma_wait3A_1255 = arith.constant 30 : i32
    %dma_wait3A_1256 = arith.constant 0 : i32
    %dma_wait3A_1257 = tpu.memref_slice %arg9[%dma_wait3A_1255, %dma_wait3A_1256] : memref<32x200xi32, #tpu.memory_space<vmem>> -> memref<1x128xi32, #tpu.memory_space<vmem>>
    %dma_wait3A_1258 = tpu.memref_squeeze %dma_wait3A_1257 : memref<1x128xi32, #tpu.memory_space<vmem>> -> memref<128xi32, #tpu.memory_space<vmem>>
    %dma_wait3A_1259 = arith.constant 0 : i32
    %dma_wait3A_1260 = tpu.memref_slice %arg7[%dma_wait3A_1254, %dma_wait3A_1259] : memref<32x200xi32, #tpu.memory_space<vmem>> -> memref<1x128xi32, #tpu.memory_space<vmem>>
    %dma_wait3A_1261 = tpu.memref_squeeze %dma_wait3A_1260 : memref<1x128xi32, #tpu.memory_space<vmem>> -> memref<128xi32, #tpu.memory_space<vmem>>
    %dma_wait3A_1262 = arith.constant 0 : i32
    %dma_wait3A_1263 = tpu.memref_slice %arg4[%dma_wait3A_1262] : memref<30522xi32, #tpu.memory_space<hbm>> -> memref<30522xi32, #tpu.memory_space<hbm>>
    tpu.wait_indirect_dma semaphore(%arg13 : memref<!tpu.dma_semaphore, #tpu.memory_space<semaphore_mem>>) src(%dma_wait3A_1263 : memref<30522xi32, #tpu.memory_space<hbm>>) dst(%dma_wait3A_1258 : memref<128xi32, #tpu.memory_space<vmem>>)
    %dma_wait3A_1264 = arith.constant 30 : i32
    %dma_wait3A_1265 = arith.constant 30 : i32
    %dma_wait3A_1266 = arith.constant 128 : i32
    %dma_wait3A_1267 = tpu.memref_slice %arg9[%dma_wait3A_1265, %dma_wait3A_1266] : memref<32x200xi32, #tpu.memory_space<vmem>> -> memref<1x72xi32, #tpu.memory_space<vmem>>
    %dma_wait3A_1268 = tpu.memref_squeeze %dma_wait3A_1267 : memref<1x72xi32, #tpu.memory_space<vmem>> -> memref<72xi32, #tpu.memory_space<vmem>>
    %dma_wait3A_1269 = arith.constant 128 : i32
    %dma_wait3A_1270 = tpu.memref_slice %arg7[%dma_wait3A_1264, %dma_wait3A_1269] : memref<32x200xi32, #tpu.memory_space<vmem>> -> memref<1x72xi32, #tpu.memory_space<vmem>>
    %dma_wait3A_1271 = tpu.memref_squeeze %dma_wait3A_1270 : memref<1x72xi32, #tpu.memory_space<vmem>> -> memref<72xi32, #tpu.memory_space<vmem>>
    %dma_wait3A_1272 = arith.constant 0 : i32
    %dma_wait3A_1273 = tpu.memref_slice %arg4[%dma_wait3A_1272] : memref<30522xi32, #tpu.memory_space<hbm>> -> memref<30522xi32, #tpu.memory_space<hbm>>
    tpu.wait_indirect_dma semaphore(%arg13 : memref<!tpu.dma_semaphore, #tpu.memory_space<semaphore_mem>>) src(%dma_wait3A_1273 : memref<30522xi32, #tpu.memory_space<hbm>>) dst(%dma_wait3A_1268 : memref<72xi32, #tpu.memory_space<vmem>>)
    %dma_wait3A_1274 = arith.constant 31 : i32
    %dma_wait3A_1275 = arith.constant 31 : i32
    %dma_wait3A_1276 = arith.constant 0 : i32
    %dma_wait3A_1277 = tpu.memref_slice %arg9[%dma_wait3A_1275, %dma_wait3A_1276] : memref<32x200xi32, #tpu.memory_space<vmem>> -> memref<1x128xi32, #tpu.memory_space<vmem>>
    %dma_wait3A_1278 = tpu.memref_squeeze %dma_wait3A_1277 : memref<1x128xi32, #tpu.memory_space<vmem>> -> memref<128xi32, #tpu.memory_space<vmem>>
    %dma_wait3A_1279 = arith.constant 0 : i32
    %dma_wait3A_1280 = tpu.memref_slice %arg7[%dma_wait3A_1274, %dma_wait3A_1279] : memref<32x200xi32, #tpu.memory_space<vmem>> -> memref<1x128xi32, #tpu.memory_space<vmem>>
    %dma_wait3A_1281 = tpu.memref_squeeze %dma_wait3A_1280 : memref<1x128xi32, #tpu.memory_space<vmem>> -> memref<128xi32, #tpu.memory_space<vmem>>
    %dma_wait3A_1282 = arith.constant 0 : i32
    %dma_wait3A_1283 = tpu.memref_slice %arg4[%dma_wait3A_1282] : memref<30522xi32, #tpu.memory_space<hbm>> -> memref<30522xi32, #tpu.memory_space<hbm>>
    tpu.wait_indirect_dma semaphore(%arg13 : memref<!tpu.dma_semaphore, #tpu.memory_space<semaphore_mem>>) src(%dma_wait3A_1283 : memref<30522xi32, #tpu.memory_space<hbm>>) dst(%dma_wait3A_1278 : memref<128xi32, #tpu.memory_space<vmem>>)
    %dma_wait3A_1284 = arith.constant 31 : i32
    %dma_wait3A_1285 = arith.constant 31 : i32
    %dma_wait3A_1286 = arith.constant 128 : i32
    %dma_wait3A_1287 = tpu.memref_slice %arg9[%dma_wait3A_1285, %dma_wait3A_1286] : memref<32x200xi32, #tpu.memory_space<vmem>> -> memref<1x72xi32, #tpu.memory_space<vmem>>
    %dma_wait3A_1288 = tpu.memref_squeeze %dma_wait3A_1287 : memref<1x72xi32, #tpu.memory_space<vmem>> -> memref<72xi32, #tpu.memory_space<vmem>>
    %dma_wait3A_1289 = arith.constant 128 : i32
    %dma_wait3A_1290 = tpu.memref_slice %arg7[%dma_wait3A_1284, %dma_wait3A_1289] : memref<32x200xi32, #tpu.memory_space<vmem>> -> memref<1x72xi32, #tpu.memory_space<vmem>>
    %dma_wait3A_1291 = tpu.memref_squeeze %dma_wait3A_1290 : memref<1x72xi32, #tpu.memory_space<vmem>> -> memref<72xi32, #tpu.memory_space<vmem>>
    %dma_wait3A_1292 = arith.constant 0 : i32
    %dma_wait3A_1293 = tpu.memref_slice %arg4[%dma_wait3A_1292] : memref<30522xi32, #tpu.memory_space<hbm>> -> memref<30522xi32, #tpu.memory_space<hbm>>
    tpu.wait_indirect_dma semaphore(%arg13 : memref<!tpu.dma_semaphore, #tpu.memory_space<semaphore_mem>>) src(%dma_wait3A_1293 : memref<30522xi32, #tpu.memory_space<hbm>>) dst(%dma_wait3A_1288 : memref<72xi32, #tpu.memory_space<vmem>>)
    %scan3A_1294 = arith.constant 0 : i32
    %scan3A_1295 = arith.constant 2 : i32
    %scan3A_1296 = arith.constant 2 : i32
    %scan3A_1297 = arith.addi %scan3A_1295, %scan3A_1296 : i32
    %scan3A_1298 = arith.constant 1 : i32
    %scan3A_1299 = scf.for %scan3A_1305 = %scan3A_1295 to %scan3A_1297 step %scan3A_1298 iter_args(%scan3A_1306 = %scan3A_1294) -> (i32)  : i32 {
      %mul3A_1307 = arith.constant 8 : i32
      %mul3A_1308 = arith.muli %scan3A_1305, %mul3A_1307 : i32
      %add3A_1309 = arith.constant 0 : i32
      %add3A_1310 = arith.addi %mul3A_1308, %add3A_1309 : i32
      %scan3A_1311 = arith.constant 0 : i32
      %scan3A_1312 = arith.constant 12 : i32
      %scan3A_1313 = arith.addi %scan3A_1311, %scan3A_1312 : i32
      %scan3A_1314 = arith.constant 1 : i32
      %scan3A_1315:2 = scf.for %scan3A_2109 = %scan3A_1311 to %scan3A_1313 step %scan3A_1314 iter_args(%scan3A_2110 = %broadcast_in_dim3A_644, %scan3A_2111 = %broadcast_in_dim3A_644) -> (vector<16xf32>, vector<16xf32>)  : i32 {
        %mul3A_2112 = arith.constant 16 : i32
        %mul3A_2113 = arith.muli %scan3A_2109, %mul3A_2112 : i32
        %get3A_2114 = arith.index_cast %add3A_1310 : i32 to index
        %get3A_2115 = arith.index_cast %mul3A_2113 : i32 to index
        %get3A_2116 = tpu.vector_load %arg8[%get3A_2114, %get3A_2115] {strides = array<i32>} : memref<32x200xf32, #tpu.memory_space<vmem>>, vector<1x16xf32>,
        %get3A_2117 = vector.shape_cast %get3A_2116 : vector<1x16xf32> to vector<16xf32>
        %get3A_2118 = arith.index_cast %add3A_1310 : i32 to index
        %get3A_2119 = arith.index_cast %mul3A_2113 : i32 to index
        %get3A_2120 = tpu.vector_load %arg9[%get3A_2118, %get3A_2119] {strides = array<i32>} : memref<32x200xi32, #tpu.memory_space<vmem>>, vector<1x16xi32>,
        %get3A_2121 = vector.shape_cast %get3A_2120 : vector<1x16xi32> to vector<16xi32>
        %shift_left3A_2122 = arith.constant 16 : i32
        %shift_left3A_2123 = vector.broadcast %shift_left3A_2122 : i32 to vector<16xi32>
        %shift_left3A_2124 = arith.shli %get3A_2121, %shift_left3A_2123 : vector<16xi32>
        %bitcast_convert_type3A_2125 = tpu.bitcast %shift_left3A_2124 : vector<16xi32> -> vector<16xf32>
        %and3A_2126 = arith.constant -65536 : i32
        %and3A_2127 = vector.broadcast %and3A_2126 : i32 to vector<16xi32>
        %and3A_2128 = arith.andi %get3A_2121, %and3A_2127 : vector<16xi32>
        %bitcast_convert_type3A_2129 = tpu.bitcast %and3A_2128 : vector<16xi32> -> vector<16xf32>
        %mul3A_2130 = arith.mulf %bitcast_convert_type3A_2125, %get3A_2117 : vector<16xf32>
        %add3A_2131 = arith.addf %scan3A_2110, %mul3A_2130 : vector<16xf32>
        %mul3A_2132 = arith.mulf %bitcast_convert_type3A_2129, %get3A_2117 : vector<16xf32>
        %add3A_2133 = arith.addf %scan3A_2111, %mul3A_2132 : vector<16xf32>
        scf.yield %add3A_2131, %add3A_2133 : vector<16xf32>, vector<16xf32>
      }
      %scan3A_1316 = arith.constant 12 : i32
      %get3A_1317 = arith.index_cast %add3A_1310 : i32 to index
      %get3A_1318 = arith.constant 184 : index
      %get3A_1319 = tpu.vector_load %arg8[%get3A_1317, %get3A_1318] {strides = array<i32>} : memref<32x200xf32, #tpu.memory_space<vmem>>, vector<1x16xf32>,
      %get3A_1320 = vector.shape_cast %get3A_1319 : vector<1x16xf32> to vector<16xf32>
      %lt3A = arith.constant 8 : i32
      %lt3A_1321 = vector.broadcast %lt3A : i32 to vector<16xi32>
      %lt3A_1322 = arith.cmpi slt, %iota3A, %lt3A_1321 : vector<16xi32>
      %jit3A = arith.constant 0.000000e+00 : f32
      %broadcast_in_dim3A_1323 = vector.broadcast %jit3A : f32 to vector<16xf32>
      %select_n3A = arith.select %lt3A_1322, %broadcast_in_dim3A_1323, %get3A_1320 : vector<16xi1>, vector<16xf32>
      %get3A_1324 = arith.index_cast %add3A_1310 : i32 to index
      %get3A_1325 = arith.constant 184 : index
      %get3A_1326 = tpu.vector_load %arg9[%get3A_1324, %get3A_1325] {strides = array<i32>} : memref<32x200xi32, #tpu.memory_space<vmem>>, vector<1x16xi32>,
      %get3A_1327 = vector.shape_cast %get3A_1326 : vector<1x16xi32> to vector<16xi32>
      %shift_left3A = arith.constant 16 : i32
      %shift_left3A_1328 = vector.broadcast %shift_left3A : i32 to vector<16xi32>
      %shift_left3A_1329 = arith.shli %get3A_1327, %shift_left3A_1328 : vector<16xi32>
      %bitcast_convert_type3A = tpu.bitcast %shift_left3A_1329 : vector<16xi32> -> vector<16xf32>
      %and3A_1330 = arith.constant -65536 : i32
      %and3A_1331 = vector.broadcast %and3A_1330 : i32 to vector<16xi32>
      %and3A_1332 = arith.andi %get3A_1327, %and3A_1331 : vector<16xi32>
      %bitcast_convert_type3A_1333 = tpu.bitcast %and3A_1332 : vector<16xi32> -> vector<16xf32>
      %mul3A_1334 = arith.mulf %bitcast_convert_type3A, %select_n3A : vector<16xf32>
      %add3A_1335 = arith.addf %scan3A_1315#0, %mul3A_1334 : vector<16xf32>
      %mul3A_1336 = arith.mulf %bitcast_convert_type3A_1333, %select_n3A : vector<16xf32>
      %add3A_1337 = arith.addf %scan3A_1315#1, %mul3A_1336 : vector<16xf32>
      %xor3A = arith.constant 8 : i32
      %xor3A_1338 = vector.broadcast %xor3A : i32 to vector<16xi32>
      %xor3A_1339 = arith.xori %iota3A, %xor3A_1338 : vector<16xi32>
      %broadcast_in_dim3A_1340 = vector.shape_cast %xor3A_1339 : vector<16xi32> to vector<16x1xi32>
      %gather3A_1341 = vector.shape_cast %broadcast_in_dim3A_1340 : vector<16x1xi32> to vector<16xi32>
      %gather3A_1342 = tpu.dynamic_gather %add3A_1335[%gather3A_1341] in [0] : vector<16xf32>, vector<16xi32> -> vector<16xf32>
      %add3A_1343 = arith.addf %add3A_1335, %gather3A_1342 : vector<16xf32>
      %xor3A_1344 = arith.constant 4 : i32
      %xor3A_1345 = vector.broadcast %xor3A_1344 : i32 to vector<16xi32>
      %xor3A_1346 = arith.xori %iota3A, %xor3A_1345 : vector<16xi32>
      %broadcast_in_dim3A_1347 = vector.shape_cast %xor3A_1346 : vector<16xi32> to vector<16x1xi32>
      %gather3A_1348 = vector.shape_cast %broadcast_in_dim3A_1347 : vector<16x1xi32> to vector<16xi32>
      %gather3A_1349 = tpu.dynamic_gather %add3A_1343[%gather3A_1348] in [0] : vector<16xf32>, vector<16xi32> -> vector<16xf32>
      %add3A_1350 = arith.addf %add3A_1343, %gather3A_1349 : vector<16xf32>
      %xor3A_1351 = arith.constant 2 : i32
      %xor3A_1352 = vector.broadcast %xor3A_1351 : i32 to vector<16xi32>
      %xor3A_1353 = arith.xori %iota3A, %xor3A_1352 : vector<16xi32>
      %broadcast_in_dim3A_1354 = vector.shape_cast %xor3A_1353 : vector<16xi32> to vector<16x1xi32>
      %gather3A_1355 = vector.shape_cast %broadcast_in_dim3A_1354 : vector<16x1xi32> to vector<16xi32>
      %gather3A_1356 = tpu.dynamic_gather %add3A_1350[%gather3A_1355] in [0] : vector<16xf32>, vector<16xi32> -> vector<16xf32>
      %add3A_1357 = arith.addf %add3A_1350, %gather3A_1356 : vector<16xf32>
      %xor3A_1358 = arith.constant 1 : i32
      %xor3A_1359 = vector.broadcast %xor3A_1358 : i32 to vector<16xi32>
      %xor3A_1360 = arith.xori %iota3A, %xor3A_1359 : vector<16xi32>
      %broadcast_in_dim3A_1361 = vector.shape_cast %xor3A_1360 : vector<16xi32> to vector<16x1xi32>
      %gather3A_1362 = vector.shape_cast %broadcast_in_dim3A_1361 : vector<16x1xi32> to vector<16xi32>
      %gather3A_1363 = tpu.dynamic_gather %add3A_1357[%gather3A_1362] in [0] : vector<16xf32>, vector<16xi32> -> vector<16xf32>
      %add3A_1364 = arith.addf %add3A_1357, %gather3A_1363 : vector<16xf32>
      %xor3A_1365 = arith.constant 8 : i32
      %xor3A_1366 = vector.broadcast %xor3A_1365 : i32 to vector<16xi32>
      %xor3A_1367 = arith.xori %iota3A, %xor3A_1366 : vector<16xi32>
      %broadcast_in_dim3A_1368 = vector.shape_cast %xor3A_1367 : vector<16xi32> to vector<16x1xi32>
      %gather3A_1369 = vector.shape_cast %broadcast_in_dim3A_1368 : vector<16x1xi32> to vector<16xi32>
      %gather3A_1370 = tpu.dynamic_gather %add3A_1337[%gather3A_1369] in [0] : vector<16xf32>, vector<16xi32> -> vector<16xf32>
      %add3A_1371 = arith.addf %add3A_1337, %gather3A_1370 : vector<16xf32>
      %xor3A_1372 = arith.constant 4 : i32
      %xor3A_1373 = vector.broadcast %xor3A_1372 : i32 to vector<16xi32>
      %xor3A_1374 = arith.xori %iota3A, %xor3A_1373 : vector<16xi32>
      %broadcast_in_dim3A_1375 = vector.shape_cast %xor3A_1374 : vector<16xi32> to vector<16x1xi32>
      %gather3A_1376 = vector.shape_cast %broadcast_in_dim3A_1375 : vector<16x1xi32> to vector<16xi32>
      %gather3A_1377 = tpu.dynamic_gather %add3A_1371[%gather3A_1376] in [0] : vector<16xf32>, vector<16xi32> -> vector<16xf32>
      %add3A_1378 = arith.addf %add3A_1371, %gather3A_1377 : vector<16xf32>
      %xor3A_1379 = arith.constant 2 : i32
      %xor3A_1380 = vector.broadcast %xor3A_1379 : i32 to vector<16xi32>
      %xor3A_1381 = arith.xori %iota3A, %xor3A_1380 : vector<16xi32>
      %broadcast_in_dim3A_1382 = vector.shape_cast %xor3A_1381 : vector<16xi32> to vector<16x1xi32>
      %gather3A_1383 = vector.shape_cast %broadcast_in_dim3A_1382 : vector<16x1xi32> to vector<16xi32>
      %gather3A_1384 = tpu.dynamic_gather %add3A_1378[%gather3A_1383] in [0] : vector<16xf32>, vector<16xi32> -> vector<16xf32>
      %add3A_1385 = arith.addf %add3A_1378, %gather3A_1384 : vector<16xf32>
      %xor3A_1386 = arith.constant 1 : i32
      %xor3A_1387 = vector.broadcast %xor3A_1386 : i32 to vector<16xi32>
      %xor3A_1388 = arith.xori %iota3A, %xor3A_1387 : vector<16xi32>
      %broadcast_in_dim3A_1389 = vector.shape_cast %xor3A_1388 : vector<16xi32> to vector<16x1xi32>
      %gather3A_1390 = vector.shape_cast %broadcast_in_dim3A_1389 : vector<16x1xi32> to vector<16xi32>
      %gather3A_1391 = tpu.dynamic_gather %add3A_1385[%gather3A_1390] in [0] : vector<16xf32>, vector<16xi32> -> vector<16xf32>
      %add3A_1392 = arith.addf %add3A_1385, %gather3A_1391 : vector<16xf32>
      %eq3A = arith.constant 0 : i32
      %eq3A_1393 = vector.broadcast %eq3A : i32 to vector<16xi32>
      %eq3A_1394 = arith.cmpi eq, %iota3A, %eq3A_1393 : vector<16xi32>
      %select_n3A_1395 = arith.select %eq3A_1394, %add3A_1364, %broadcast_in_dim3A_644 : vector<16xi1>, vector<16xf32>
      %eq3A_1396 = arith.constant 1 : i32
      %eq3A_1397 = vector.broadcast %eq3A_1396 : i32 to vector<16xi32>
      %eq3A_1398 = arith.cmpi eq, %iota3A, %eq3A_1397 : vector<16xi32>
      %select_n3A_1399 = arith.select %eq3A_1398, %add3A_1392, %select_n3A_1395 : vector<16xi1>, vector<16xf32>
      %mul3A_1400 = arith.constant 8 : i32
      %mul3A_1401 = arith.muli %scan3A_1305, %mul3A_1400 : i32
      %add3A_1402 = arith.constant 1 : i32
      %add3A_1403 = arith.addi %mul3A_1401, %add3A_1402 : i32
      %scan3A_1404 = arith.constant 0 : i32
      %scan3A_1405 = arith.constant 12 : i32
      %scan3A_1406 = arith.addi %scan3A_1404, %scan3A_1405 : i32
      %scan3A_1407 = arith.constant 1 : i32
      %scan3A_1408:2 = scf.for %scan3A_2109 = %scan3A_1404 to %scan3A_1406 step %scan3A_1407 iter_args(%scan3A_2110 = %broadcast_in_dim3A_644, %scan3A_2111 = %broadcast_in_dim3A_644) -> (vector<16xf32>, vector<16xf32>)  : i32 {
        %mul3A_2112 = arith.constant 16 : i32
        %mul3A_2113 = arith.muli %scan3A_2109, %mul3A_2112 : i32
        %get3A_2114 = arith.index_cast %add3A_1403 : i32 to index
        %get3A_2115 = arith.index_cast %mul3A_2113 : i32 to index
        %get3A_2116 = tpu.vector_load %arg8[%get3A_2114, %get3A_2115] {strides = array<i32>} : memref<32x200xf32, #tpu.memory_space<vmem>>, vector<1x16xf32>,
        %get3A_2117 = vector.shape_cast %get3A_2116 : vector<1x16xf32> to vector<16xf32>
        %get3A_2118 = arith.index_cast %add3A_1403 : i32 to index
        %get3A_2119 = arith.index_cast %mul3A_2113 : i32 to index
        %get3A_2120 = tpu.vector_load %arg9[%get3A_2118, %get3A_2119] {strides = array<i32>} : memref<32x200xi32, #tpu.memory_space<vmem>>, vector<1x16xi32>,
        %get3A_2121 = vector.shape_cast %get3A_2120 : vector<1x16xi32> to vector<16xi32>
        %shift_left3A_2122 = arith.constant 16 : i32
        %shift_left3A_2123 = vector.broadcast %shift_left3A_2122 : i32 to vector<16xi32>
        %shift_left3A_2124 = arith.shli %get3A_2121, %shift_left3A_2123 : vector<16xi32>
        %bitcast_convert_type3A_2125 = tpu.bitcast %shift_left3A_2124 : vector<16xi32> -> vector<16xf32>
        %and3A_2126 = arith.constant -65536 : i32
        %and3A_2127 = vector.broadcast %and3A_2126 : i32 to vector<16xi32>
        %and3A_2128 = arith.andi %get3A_2121, %and3A_2127 : vector<16xi32>
        %bitcast_convert_type3A_2129 = tpu.bitcast %and3A_2128 : vector<16xi32> -> vector<16xf32>
        %mul3A_2130 = arith.mulf %bitcast_convert_type3A_2125, %get3A_2117 : vector<16xf32>
        %add3A_2131 = arith.addf %scan3A_2110, %mul3A_2130 : vector<16xf32>
        %mul3A_2132 = arith.mulf %bitcast_convert_type3A_2129, %get3A_2117 : vector<16xf32>
        %add3A_2133 = arith.addf %scan3A_2111, %mul3A_2132 : vector<16xf32>
        scf.yield %add3A_2131, %add3A_2133 : vector<16xf32>, vector<16xf32>
      }
      %scan3A_1409 = arith.constant 12 : i32
      %get3A_1410 = arith.index_cast %add3A_1403 : i32 to index
      %get3A_1411 = arith.constant 184 : index
      %get3A_1412 = tpu.vector_load %arg8[%get3A_1410, %get3A_1411] {strides = array<i32>} : memref<32x200xf32, #tpu.memory_space<vmem>>, vector<1x16xf32>,
      %get3A_1413 = vector.shape_cast %get3A_1412 : vector<1x16xf32> to vector<16xf32>
      %lt3A_1414 = arith.constant 8 : i32
      %lt3A_1415 = vector.broadcast %lt3A_1414 : i32 to vector<16xi32>
      %lt3A_1416 = arith.cmpi slt, %iota3A, %lt3A_1415 : vector<16xi32>
      %jit3A_1417 = arith.constant 0.000000e+00 : f32
      %broadcast_in_dim3A_1418 = vector.broadcast %jit3A_1417 : f32 to vector<16xf32>
      %select_n3A_1419 = arith.select %lt3A_1416, %broadcast_in_dim3A_1418, %get3A_1413 : vector<16xi1>, vector<16xf32>
      %get3A_1420 = arith.index_cast %add3A_1403 : i32 to index
      %get3A_1421 = arith.constant 184 : index
      %get3A_1422 = tpu.vector_load %arg9[%get3A_1420, %get3A_1421] {strides = array<i32>} : memref<32x200xi32, #tpu.memory_space<vmem>>, vector<1x16xi32>,
      %get3A_1423 = vector.shape_cast %get3A_1422 : vector<1x16xi32> to vector<16xi32>
      %shift_left3A_1424 = arith.constant 16 : i32
      %shift_left3A_1425 = vector.broadcast %shift_left3A_1424 : i32 to vector<16xi32>
      %shift_left3A_1426 = arith.shli %get3A_1423, %shift_left3A_1425 : vector<16xi32>
      %bitcast_convert_type3A_1427 = tpu.bitcast %shift_left3A_1426 : vector<16xi32> -> vector<16xf32>
      %and3A_1428 = arith.constant -65536 : i32
      %and3A_1429 = vector.broadcast %and3A_1428 : i32 to vector<16xi32>
      %and3A_1430 = arith.andi %get3A_1423, %and3A_1429 : vector<16xi32>
      %bitcast_convert_type3A_1431 = tpu.bitcast %and3A_1430 : vector<16xi32> -> vector<16xf32>
      %mul3A_1432 = arith.mulf %bitcast_convert_type3A_1427, %select_n3A_1419 : vector<16xf32>
      %add3A_1433 = arith.addf %scan3A_1408#0, %mul3A_1432 : vector<16xf32>
      %mul3A_1434 = arith.mulf %bitcast_convert_type3A_1431, %select_n3A_1419 : vector<16xf32>
      %add3A_1435 = arith.addf %scan3A_1408#1, %mul3A_1434 : vector<16xf32>
      %xor3A_1436 = arith.constant 8 : i32
      %xor3A_1437 = vector.broadcast %xor3A_1436 : i32 to vector<16xi32>
      %xor3A_1438 = arith.xori %iota3A, %xor3A_1437 : vector<16xi32>
      %broadcast_in_dim3A_1439 = vector.shape_cast %xor3A_1438 : vector<16xi32> to vector<16x1xi32>
      %gather3A_1440 = vector.shape_cast %broadcast_in_dim3A_1439 : vector<16x1xi32> to vector<16xi32>
      %gather3A_1441 = tpu.dynamic_gather %add3A_1433[%gather3A_1440] in [0] : vector<16xf32>, vector<16xi32> -> vector<16xf32>
      %add3A_1442 = arith.addf %add3A_1433, %gather3A_1441 : vector<16xf32>
      %xor3A_1443 = arith.constant 4 : i32
      %xor3A_1444 = vector.broadcast %xor3A_1443 : i32 to vector<16xi32>
      %xor3A_1445 = arith.xori %iota3A, %xor3A_1444 : vector<16xi32>
      %broadcast_in_dim3A_1446 = vector.shape_cast %xor3A_1445 : vector<16xi32> to vector<16x1xi32>
      %gather3A_1447 = vector.shape_cast %broadcast_in_dim3A_1446 : vector<16x1xi32> to vector<16xi32>
      %gather3A_1448 = tpu.dynamic_gather %add3A_1442[%gather3A_1447] in [0] : vector<16xf32>, vector<16xi32> -> vector<16xf32>
      %add3A_1449 = arith.addf %add3A_1442, %gather3A_1448 : vector<16xf32>
      %xor3A_1450 = arith.constant 2 : i32
      %xor3A_1451 = vector.broadcast %xor3A_1450 : i32 to vector<16xi32>
      %xor3A_1452 = arith.xori %iota3A, %xor3A_1451 : vector<16xi32>
      %broadcast_in_dim3A_1453 = vector.shape_cast %xor3A_1452 : vector<16xi32> to vector<16x1xi32>
      %gather3A_1454 = vector.shape_cast %broadcast_in_dim3A_1453 : vector<16x1xi32> to vector<16xi32>
      %gather3A_1455 = tpu.dynamic_gather %add3A_1449[%gather3A_1454] in [0] : vector<16xf32>, vector<16xi32> -> vector<16xf32>
      %add3A_1456 = arith.addf %add3A_1449, %gather3A_1455 : vector<16xf32>
      %xor3A_1457 = arith.constant 1 : i32
      %xor3A_1458 = vector.broadcast %xor3A_1457 : i32 to vector<16xi32>
      %xor3A_1459 = arith.xori %iota3A, %xor3A_1458 : vector<16xi32>
      %broadcast_in_dim3A_1460 = vector.shape_cast %xor3A_1459 : vector<16xi32> to vector<16x1xi32>
      %gather3A_1461 = vector.shape_cast %broadcast_in_dim3A_1460 : vector<16x1xi32> to vector<16xi32>
      %gather3A_1462 = tpu.dynamic_gather %add3A_1456[%gather3A_1461] in [0] : vector<16xf32>, vector<16xi32> -> vector<16xf32>
      %add3A_1463 = arith.addf %add3A_1456, %gather3A_1462 : vector<16xf32>
      %xor3A_1464 = arith.constant 8 : i32
      %xor3A_1465 = vector.broadcast %xor3A_1464 : i32 to vector<16xi32>
      %xor3A_1466 = arith.xori %iota3A, %xor3A_1465 : vector<16xi32>
      %broadcast_in_dim3A_1467 = vector.shape_cast %xor3A_1466 : vector<16xi32> to vector<16x1xi32>
      %gather3A_1468 = vector.shape_cast %broadcast_in_dim3A_1467 : vector<16x1xi32> to vector<16xi32>
      %gather3A_1469 = tpu.dynamic_gather %add3A_1435[%gather3A_1468] in [0] : vector<16xf32>, vector<16xi32> -> vector<16xf32>
      %add3A_1470 = arith.addf %add3A_1435, %gather3A_1469 : vector<16xf32>
      %xor3A_1471 = arith.constant 4 : i32
      %xor3A_1472 = vector.broadcast %xor3A_1471 : i32 to vector<16xi32>
      %xor3A_1473 = arith.xori %iota3A, %xor3A_1472 : vector<16xi32>
      %broadcast_in_dim3A_1474 = vector.shape_cast %xor3A_1473 : vector<16xi32> to vector<16x1xi32>
      %gather3A_1475 = vector.shape_cast %broadcast_in_dim3A_1474 : vector<16x1xi32> to vector<16xi32>
      %gather3A_1476 = tpu.dynamic_gather %add3A_1470[%gather3A_1475] in [0] : vector<16xf32>, vector<16xi32> -> vector<16xf32>
      %add3A_1477 = arith.addf %add3A_1470, %gather3A_1476 : vector<16xf32>
      %xor3A_1478 = arith.constant 2 : i32
      %xor3A_1479 = vector.broadcast %xor3A_1478 : i32 to vector<16xi32>
      %xor3A_1480 = arith.xori %iota3A, %xor3A_1479 : vector<16xi32>
      %broadcast_in_dim3A_1481 = vector.shape_cast %xor3A_1480 : vector<16xi32> to vector<16x1xi32>
      %gather3A_1482 = vector.shape_cast %broadcast_in_dim3A_1481 : vector<16x1xi32> to vector<16xi32>
      %gather3A_1483 = tpu.dynamic_gather %add3A_1477[%gather3A_1482] in [0] : vector<16xf32>, vector<16xi32> -> vector<16xf32>
      %add3A_1484 = arith.addf %add3A_1477, %gather3A_1483 : vector<16xf32>
      %xor3A_1485 = arith.constant 1 : i32
      %xor3A_1486 = vector.broadcast %xor3A_1485 : i32 to vector<16xi32>
      %xor3A_1487 = arith.xori %iota3A, %xor3A_1486 : vector<16xi32>
      %broadcast_in_dim3A_1488 = vector.shape_cast %xor3A_1487 : vector<16xi32> to vector<16x1xi32>
      %gather3A_1489 = vector.shape_cast %broadcast_in_dim3A_1488 : vector<16x1xi32> to vector<16xi32>
      %gather3A_1490 = tpu.dynamic_gather %add3A_1484[%gather3A_1489] in [0] : vector<16xf32>, vector<16xi32> -> vector<16xf32>
      %add3A_1491 = arith.addf %add3A_1484, %gather3A_1490 : vector<16xf32>
      %eq3A_1492 = arith.constant 2 : i32
      %eq3A_1493 = vector.broadcast %eq3A_1492 : i32 to vector<16xi32>
      %eq3A_1494 = arith.cmpi eq, %iota3A, %eq3A_1493 : vector<16xi32>
      %select_n3A_1495 = arith.select %eq3A_1494, %add3A_1463, %select_n3A_1399 : vector<16xi1>, vector<16xf32>
      %eq3A_1496 = arith.constant 3 : i32
      %eq3A_1497 = vector.broadcast %eq3A_1496 : i32 to vector<16xi32>
      %eq3A_1498 = arith.cmpi eq, %iota3A, %eq3A_1497 : vector<16xi32>
      %select_n3A_1499 = arith.select %eq3A_1498, %add3A_1491, %select_n3A_1495 : vector<16xi1>, vector<16xf32>
      %mul3A_1500 = arith.constant 8 : i32
      %mul3A_1501 = arith.muli %scan3A_1305, %mul3A_1500 : i32
      %add3A_1502 = arith.constant 2 : i32
      %add3A_1503 = arith.addi %mul3A_1501, %add3A_1502 : i32
      %scan3A_1504 = arith.constant 0 : i32
      %scan3A_1505 = arith.constant 12 : i32
      %scan3A_1506 = arith.addi %scan3A_1504, %scan3A_1505 : i32
      %scan3A_1507 = arith.constant 1 : i32
      %scan3A_1508:2 = scf.for %scan3A_2109 = %scan3A_1504 to %scan3A_1506 step %scan3A_1507 iter_args(%scan3A_2110 = %broadcast_in_dim3A_644, %scan3A_2111 = %broadcast_in_dim3A_644) -> (vector<16xf32>, vector<16xf32>)  : i32 {
        %mul3A_2112 = arith.constant 16 : i32
        %mul3A_2113 = arith.muli %scan3A_2109, %mul3A_2112 : i32
        %get3A_2114 = arith.index_cast %add3A_1503 : i32 to index
        %get3A_2115 = arith.index_cast %mul3A_2113 : i32 to index
        %get3A_2116 = tpu.vector_load %arg8[%get3A_2114, %get3A_2115] {strides = array<i32>} : memref<32x200xf32, #tpu.memory_space<vmem>>, vector<1x16xf32>,
        %get3A_2117 = vector.shape_cast %get3A_2116 : vector<1x16xf32> to vector<16xf32>
        %get3A_2118 = arith.index_cast %add3A_1503 : i32 to index
        %get3A_2119 = arith.index_cast %mul3A_2113 : i32 to index
        %get3A_2120 = tpu.vector_load %arg9[%get3A_2118, %get3A_2119] {strides = array<i32>} : memref<32x200xi32, #tpu.memory_space<vmem>>, vector<1x16xi32>,
        %get3A_2121 = vector.shape_cast %get3A_2120 : vector<1x16xi32> to vector<16xi32>
        %shift_left3A_2122 = arith.constant 16 : i32
        %shift_left3A_2123 = vector.broadcast %shift_left3A_2122 : i32 to vector<16xi32>
        %shift_left3A_2124 = arith.shli %get3A_2121, %shift_left3A_2123 : vector<16xi32>
        %bitcast_convert_type3A_2125 = tpu.bitcast %shift_left3A_2124 : vector<16xi32> -> vector<16xf32>
        %and3A_2126 = arith.constant -65536 : i32
        %and3A_2127 = vector.broadcast %and3A_2126 : i32 to vector<16xi32>
        %and3A_2128 = arith.andi %get3A_2121, %and3A_2127 : vector<16xi32>
        %bitcast_convert_type3A_2129 = tpu.bitcast %and3A_2128 : vector<16xi32> -> vector<16xf32>
        %mul3A_2130 = arith.mulf %bitcast_convert_type3A_2125, %get3A_2117 : vector<16xf32>
        %add3A_2131 = arith.addf %scan3A_2110, %mul3A_2130 : vector<16xf32>
        %mul3A_2132 = arith.mulf %bitcast_convert_type3A_2129, %get3A_2117 : vector<16xf32>
        %add3A_2133 = arith.addf %scan3A_2111, %mul3A_2132 : vector<16xf32>
        scf.yield %add3A_2131, %add3A_2133 : vector<16xf32>, vector<16xf32>
      }
      %scan3A_1509 = arith.constant 12 : i32
      %get3A_1510 = arith.index_cast %add3A_1503 : i32 to index
      %get3A_1511 = arith.constant 184 : index
      %get3A_1512 = tpu.vector_load %arg8[%get3A_1510, %get3A_1511] {strides = array<i32>} : memref<32x200xf32, #tpu.memory_space<vmem>>, vector<1x16xf32>,
      %get3A_1513 = vector.shape_cast %get3A_1512 : vector<1x16xf32> to vector<16xf32>
      %lt3A_1514 = arith.constant 8 : i32
      %lt3A_1515 = vector.broadcast %lt3A_1514 : i32 to vector<16xi32>
      %lt3A_1516 = arith.cmpi slt, %iota3A, %lt3A_1515 : vector<16xi32>
      %jit3A_1517 = arith.constant 0.000000e+00 : f32
      %broadcast_in_dim3A_1518 = vector.broadcast %jit3A_1517 : f32 to vector<16xf32>
      %select_n3A_1519 = arith.select %lt3A_1516, %broadcast_in_dim3A_1518, %get3A_1513 : vector<16xi1>, vector<16xf32>
      %get3A_1520 = arith.index_cast %add3A_1503 : i32 to index
      %get3A_1521 = arith.constant 184 : index
      %get3A_1522 = tpu.vector_load %arg9[%get3A_1520, %get3A_1521] {strides = array<i32>} : memref<32x200xi32, #tpu.memory_space<vmem>>, vector<1x16xi32>,
      %get3A_1523 = vector.shape_cast %get3A_1522 : vector<1x16xi32> to vector<16xi32>
      %shift_left3A_1524 = arith.constant 16 : i32
      %shift_left3A_1525 = vector.broadcast %shift_left3A_1524 : i32 to vector<16xi32>
      %shift_left3A_1526 = arith.shli %get3A_1523, %shift_left3A_1525 : vector<16xi32>
      %bitcast_convert_type3A_1527 = tpu.bitcast %shift_left3A_1526 : vector<16xi32> -> vector<16xf32>
      %and3A_1528 = arith.constant -65536 : i32
      %and3A_1529 = vector.broadcast %and3A_1528 : i32 to vector<16xi32>
      %and3A_1530 = arith.andi %get3A_1523, %and3A_1529 : vector<16xi32>
      %bitcast_convert_type3A_1531 = tpu.bitcast %and3A_1530 : vector<16xi32> -> vector<16xf32>
      %mul3A_1532 = arith.mulf %bitcast_convert_type3A_1527, %select_n3A_1519 : vector<16xf32>
      %add3A_1533 = arith.addf %scan3A_1508#0, %mul3A_1532 : vector<16xf32>
      %mul3A_1534 = arith.mulf %bitcast_convert_type3A_1531, %select_n3A_1519 : vector<16xf32>
      %add3A_1535 = arith.addf %scan3A_1508#1, %mul3A_1534 : vector<16xf32>
      %xor3A_1536 = arith.constant 8 : i32
      %xor3A_1537 = vector.broadcast %xor3A_1536 : i32 to vector<16xi32>
      %xor3A_1538 = arith.xori %iota3A, %xor3A_1537 : vector<16xi32>
      %broadcast_in_dim3A_1539 = vector.shape_cast %xor3A_1538 : vector<16xi32> to vector<16x1xi32>
      %gather3A_1540 = vector.shape_cast %broadcast_in_dim3A_1539 : vector<16x1xi32> to vector<16xi32>
      %gather3A_1541 = tpu.dynamic_gather %add3A_1533[%gather3A_1540] in [0] : vector<16xf32>, vector<16xi32> -> vector<16xf32>
      %add3A_1542 = arith.addf %add3A_1533, %gather3A_1541 : vector<16xf32>
      %xor3A_1543 = arith.constant 4 : i32
      %xor3A_1544 = vector.broadcast %xor3A_1543 : i32 to vector<16xi32>
      %xor3A_1545 = arith.xori %iota3A, %xor3A_1544 : vector<16xi32>
      %broadcast_in_dim3A_1546 = vector.shape_cast %xor3A_1545 : vector<16xi32> to vector<16x1xi32>
      %gather3A_1547 = vector.shape_cast %broadcast_in_dim3A_1546 : vector<16x1xi32> to vector<16xi32>
      %gather3A_1548 = tpu.dynamic_gather %add3A_1542[%gather3A_1547] in [0] : vector<16xf32>, vector<16xi32> -> vector<16xf32>
      %add3A_1549 = arith.addf %add3A_1542, %gather3A_1548 : vector<16xf32>
      %xor3A_1550 = arith.constant 2 : i32
      %xor3A_1551 = vector.broadcast %xor3A_1550 : i32 to vector<16xi32>
      %xor3A_1552 = arith.xori %iota3A, %xor3A_1551 : vector<16xi32>
      %broadcast_in_dim3A_1553 = vector.shape_cast %xor3A_1552 : vector<16xi32> to vector<16x1xi32>
      %gather3A_1554 = vector.shape_cast %broadcast_in_dim3A_1553 : vector<16x1xi32> to vector<16xi32>
      %gather3A_1555 = tpu.dynamic_gather %add3A_1549[%gather3A_1554] in [0] : vector<16xf32>, vector<16xi32> -> vector<16xf32>
      %add3A_1556 = arith.addf %add3A_1549, %gather3A_1555 : vector<16xf32>
      %xor3A_1557 = arith.constant 1 : i32
      %xor3A_1558 = vector.broadcast %xor3A_1557 : i32 to vector<16xi32>
      %xor3A_1559 = arith.xori %iota3A, %xor3A_1558 : vector<16xi32>
      %broadcast_in_dim3A_1560 = vector.shape_cast %xor3A_1559 : vector<16xi32> to vector<16x1xi32>
      %gather3A_1561 = vector.shape_cast %broadcast_in_dim3A_1560 : vector<16x1xi32> to vector<16xi32>
      %gather3A_1562 = tpu.dynamic_gather %add3A_1556[%gather3A_1561] in [0] : vector<16xf32>, vector<16xi32> -> vector<16xf32>
      %add3A_1563 = arith.addf %add3A_1556, %gather3A_1562 : vector<16xf32>
      %xor3A_1564 = arith.constant 8 : i32
      %xor3A_1565 = vector.broadcast %xor3A_1564 : i32 to vector<16xi32>
      %xor3A_1566 = arith.xori %iota3A, %xor3A_1565 : vector<16xi32>
      %broadcast_in_dim3A_1567 = vector.shape_cast %xor3A_1566 : vector<16xi32> to vector<16x1xi32>
      %gather3A_1568 = vector.shape_cast %broadcast_in_dim3A_1567 : vector<16x1xi32> to vector<16xi32>
      %gather3A_1569 = tpu.dynamic_gather %add3A_1535[%gather3A_1568] in [0] : vector<16xf32>, vector<16xi32> -> vector<16xf32>
      %add3A_1570 = arith.addf %add3A_1535, %gather3A_1569 : vector<16xf32>
      %xor3A_1571 = arith.constant 4 : i32
      %xor3A_1572 = vector.broadcast %xor3A_1571 : i32 to vector<16xi32>
      %xor3A_1573 = arith.xori %iota3A, %xor3A_1572 : vector<16xi32>
      %broadcast_in_dim3A_1574 = vector.shape_cast %xor3A_1573 : vector<16xi32> to vector<16x1xi32>
      %gather3A_1575 = vector.shape_cast %broadcast_in_dim3A_1574 : vector<16x1xi32> to vector<16xi32>
      %gather3A_1576 = tpu.dynamic_gather %add3A_1570[%gather3A_1575] in [0] : vector<16xf32>, vector<16xi32> -> vector<16xf32>
      %add3A_1577 = arith.addf %add3A_1570, %gather3A_1576 : vector<16xf32>
      %xor3A_1578 = arith.constant 2 : i32
      %xor3A_1579 = vector.broadcast %xor3A_1578 : i32 to vector<16xi32>
      %xor3A_1580 = arith.xori %iota3A, %xor3A_1579 : vector<16xi32>
      %broadcast_in_dim3A_1581 = vector.shape_cast %xor3A_1580 : vector<16xi32> to vector<16x1xi32>
      %gather3A_1582 = vector.shape_cast %broadcast_in_dim3A_1581 : vector<16x1xi32> to vector<16xi32>
      %gather3A_1583 = tpu.dynamic_gather %add3A_1577[%gather3A_1582] in [0] : vector<16xf32>, vector<16xi32> -> vector<16xf32>
      %add3A_1584 = arith.addf %add3A_1577, %gather3A_1583 : vector<16xf32>
      %xor3A_1585 = arith.constant 1 : i32
      %xor3A_1586 = vector.broadcast %xor3A_1585 : i32 to vector<16xi32>
      %xor3A_1587 = arith.xori %iota3A, %xor3A_1586 : vector<16xi32>
      %broadcast_in_dim3A_1588 = vector.shape_cast %xor3A_1587 : vector<16xi32> to vector<16x1xi32>
      %gather3A_1589 = vector.shape_cast %broadcast_in_dim3A_1588 : vector<16x1xi32> to vector<16xi32>
      %gather3A_1590 = tpu.dynamic_gather %add3A_1584[%gather3A_1589] in [0] : vector<16xf32>, vector<16xi32> -> vector<16xf32>
      %add3A_1591 = arith.addf %add3A_1584, %gather3A_1590 : vector<16xf32>
      %eq3A_1592 = arith.constant 4 : i32
      %eq3A_1593 = vector.broadcast %eq3A_1592 : i32 to vector<16xi32>
      %eq3A_1594 = arith.cmpi eq, %iota3A, %eq3A_1593 : vector<16xi32>
      %select_n3A_1595 = arith.select %eq3A_1594, %add3A_1563, %select_n3A_1499 : vector<16xi1>, vector<16xf32>
      %eq3A_1596 = arith.constant 5 : i32
      %eq3A_1597 = vector.broadcast %eq3A_1596 : i32 to vector<16xi32>
      %eq3A_1598 = arith.cmpi eq, %iota3A, %eq3A_1597 : vector<16xi32>
      %select_n3A_1599 = arith.select %eq3A_1598, %add3A_1591, %select_n3A_1595 : vector<16xi1>, vector<16xf32>
      %mul3A_1600 = arith.constant 8 : i32
      %mul3A_1601 = arith.muli %scan3A_1305, %mul3A_1600 : i32
      %add3A_1602 = arith.constant 3 : i32
      %add3A_1603 = arith.addi %mul3A_1601, %add3A_1602 : i32
      %scan3A_1604 = arith.constant 0 : i32
      %scan3A_1605 = arith.constant 12 : i32
      %scan3A_1606 = arith.addi %scan3A_1604, %scan3A_1605 : i32
      %scan3A_1607 = arith.constant 1 : i32
      %scan3A_1608:2 = scf.for %scan3A_2109 = %scan3A_1604 to %scan3A_1606 step %scan3A_1607 iter_args(%scan3A_2110 = %broadcast_in_dim3A_644, %scan3A_2111 = %broadcast_in_dim3A_644) -> (vector<16xf32>, vector<16xf32>)  : i32 {
        %mul3A_2112 = arith.constant 16 : i32
        %mul3A_2113 = arith.muli %scan3A_2109, %mul3A_2112 : i32
        %get3A_2114 = arith.index_cast %add3A_1603 : i32 to index
        %get3A_2115 = arith.index_cast %mul3A_2113 : i32 to index
        %get3A_2116 = tpu.vector_load %arg8[%get3A_2114, %get3A_2115] {strides = array<i32>} : memref<32x200xf32, #tpu.memory_space<vmem>>, vector<1x16xf32>,
        %get3A_2117 = vector.shape_cast %get3A_2116 : vector<1x16xf32> to vector<16xf32>
        %get3A_2118 = arith.index_cast %add3A_1603 : i32 to index
        %get3A_2119 = arith.index_cast %mul3A_2113 : i32 to index
        %get3A_2120 = tpu.vector_load %arg9[%get3A_2118, %get3A_2119] {strides = array<i32>} : memref<32x200xi32, #tpu.memory_space<vmem>>, vector<1x16xi32>,
        %get3A_2121 = vector.shape_cast %get3A_2120 : vector<1x16xi32> to vector<16xi32>
        %shift_left3A_2122 = arith.constant 16 : i32
        %shift_left3A_2123 = vector.broadcast %shift_left3A_2122 : i32 to vector<16xi32>
        %shift_left3A_2124 = arith.shli %get3A_2121, %shift_left3A_2123 : vector<16xi32>
        %bitcast_convert_type3A_2125 = tpu.bitcast %shift_left3A_2124 : vector<16xi32> -> vector<16xf32>
        %and3A_2126 = arith.constant -65536 : i32
        %and3A_2127 = vector.broadcast %and3A_2126 : i32 to vector<16xi32>
        %and3A_2128 = arith.andi %get3A_2121, %and3A_2127 : vector<16xi32>
        %bitcast_convert_type3A_2129 = tpu.bitcast %and3A_2128 : vector<16xi32> -> vector<16xf32>
        %mul3A_2130 = arith.mulf %bitcast_convert_type3A_2125, %get3A_2117 : vector<16xf32>
        %add3A_2131 = arith.addf %scan3A_2110, %mul3A_2130 : vector<16xf32>
        %mul3A_2132 = arith.mulf %bitcast_convert_type3A_2129, %get3A_2117 : vector<16xf32>
        %add3A_2133 = arith.addf %scan3A_2111, %mul3A_2132 : vector<16xf32>
        scf.yield %add3A_2131, %add3A_2133 : vector<16xf32>, vector<16xf32>
      }
      %scan3A_1609 = arith.constant 12 : i32
      %get3A_1610 = arith.index_cast %add3A_1603 : i32 to index
      %get3A_1611 = arith.constant 184 : index
      %get3A_1612 = tpu.vector_load %arg8[%get3A_1610, %get3A_1611] {strides = array<i32>} : memref<32x200xf32, #tpu.memory_space<vmem>>, vector<1x16xf32>,
      %get3A_1613 = vector.shape_cast %get3A_1612 : vector<1x16xf32> to vector<16xf32>
      %lt3A_1614 = arith.constant 8 : i32
      %lt3A_1615 = vector.broadcast %lt3A_1614 : i32 to vector<16xi32>
      %lt3A_1616 = arith.cmpi slt, %iota3A, %lt3A_1615 : vector<16xi32>
      %jit3A_1617 = arith.constant 0.000000e+00 : f32
      %broadcast_in_dim3A_1618 = vector.broadcast %jit3A_1617 : f32 to vector<16xf32>
      %select_n3A_1619 = arith.select %lt3A_1616, %broadcast_in_dim3A_1618, %get3A_1613 : vector<16xi1>, vector<16xf32>
      %get3A_1620 = arith.index_cast %add3A_1603 : i32 to index
      %get3A_1621 = arith.constant 184 : index
      %get3A_1622 = tpu.vector_load %arg9[%get3A_1620, %get3A_1621] {strides = array<i32>} : memref<32x200xi32, #tpu.memory_space<vmem>>, vector<1x16xi32>,
      %get3A_1623 = vector.shape_cast %get3A_1622 : vector<1x16xi32> to vector<16xi32>
      %shift_left3A_1624 = arith.constant 16 : i32
      %shift_left3A_1625 = vector.broadcast %shift_left3A_1624 : i32 to vector<16xi32>
      %shift_left3A_1626 = arith.shli %get3A_1623, %shift_left3A_1625 : vector<16xi32>
      %bitcast_convert_type3A_1627 = tpu.bitcast %shift_left3A_1626 : vector<16xi32> -> vector<16xf32>
      %and3A_1628 = arith.constant -65536 : i32
      %and3A_1629 = vector.broadcast %and3A_1628 : i32 to vector<16xi32>
      %and3A_1630 = arith.andi %get3A_1623, %and3A_1629 : vector<16xi32>
      %bitcast_convert_type3A_1631 = tpu.bitcast %and3A_1630 : vector<16xi32> -> vector<16xf32>
      %mul3A_1632 = arith.mulf %bitcast_convert_type3A_1627, %select_n3A_1619 : vector<16xf32>
      %add3A_1633 = arith.addf %scan3A_1608#0, %mul3A_1632 : vector<16xf32>
      %mul3A_1634 = arith.mulf %bitcast_convert_type3A_1631, %select_n3A_1619 : vector<16xf32>
      %add3A_1635 = arith.addf %scan3A_1608#1, %mul3A_1634 : vector<16xf32>
      %xor3A_1636 = arith.constant 8 : i32
      %xor3A_1637 = vector.broadcast %xor3A_1636 : i32 to vector<16xi32>
      %xor3A_1638 = arith.xori %iota3A, %xor3A_1637 : vector<16xi32>
      %broadcast_in_dim3A_1639 = vector.shape_cast %xor3A_1638 : vector<16xi32> to vector<16x1xi32>
      %gather3A_1640 = vector.shape_cast %broadcast_in_dim3A_1639 : vector<16x1xi32> to vector<16xi32>
      %gather3A_1641 = tpu.dynamic_gather %add3A_1633[%gather3A_1640] in [0] : vector<16xf32>, vector<16xi32> -> vector<16xf32>
      %add3A_1642 = arith.addf %add3A_1633, %gather3A_1641 : vector<16xf32>
      %xor3A_1643 = arith.constant 4 : i32
      %xor3A_1644 = vector.broadcast %xor3A_1643 : i32 to vector<16xi32>
      %xor3A_1645 = arith.xori %iota3A, %xor3A_1644 : vector<16xi32>
      %broadcast_in_dim3A_1646 = vector.shape_cast %xor3A_1645 : vector<16xi32> to vector<16x1xi32>
      %gather3A_1647 = vector.shape_cast %broadcast_in_dim3A_1646 : vector<16x1xi32> to vector<16xi32>
      %gather3A_1648 = tpu.dynamic_gather %add3A_1642[%gather3A_1647] in [0] : vector<16xf32>, vector<16xi32> -> vector<16xf32>
      %add3A_1649 = arith.addf %add3A_1642, %gather3A_1648 : vector<16xf32>
      %xor3A_1650 = arith.constant 2 : i32
      %xor3A_1651 = vector.broadcast %xor3A_1650 : i32 to vector<16xi32>
      %xor3A_1652 = arith.xori %iota3A, %xor3A_1651 : vector<16xi32>
      %broadcast_in_dim3A_1653 = vector.shape_cast %xor3A_1652 : vector<16xi32> to vector<16x1xi32>
      %gather3A_1654 = vector.shape_cast %broadcast_in_dim3A_1653 : vector<16x1xi32> to vector<16xi32>
      %gather3A_1655 = tpu.dynamic_gather %add3A_1649[%gather3A_1654] in [0] : vector<16xf32>, vector<16xi32> -> vector<16xf32>
      %add3A_1656 = arith.addf %add3A_1649, %gather3A_1655 : vector<16xf32>
      %xor3A_1657 = arith.constant 1 : i32
      %xor3A_1658 = vector.broadcast %xor3A_1657 : i32 to vector<16xi32>
      %xor3A_1659 = arith.xori %iota3A, %xor3A_1658 : vector<16xi32>
      %broadcast_in_dim3A_1660 = vector.shape_cast %xor3A_1659 : vector<16xi32> to vector<16x1xi32>
      %gather3A_1661 = vector.shape_cast %broadcast_in_dim3A_1660 : vector<16x1xi32> to vector<16xi32>
      %gather3A_1662 = tpu.dynamic_gather %add3A_1656[%gather3A_1661] in [0] : vector<16xf32>, vector<16xi32> -> vector<16xf32>
      %add3A_1663 = arith.addf %add3A_1656, %gather3A_1662 : vector<16xf32>
      %xor3A_1664 = arith.constant 8 : i32
      %xor3A_1665 = vector.broadcast %xor3A_1664 : i32 to vector<16xi32>
      %xor3A_1666 = arith.xori %iota3A, %xor3A_1665 : vector<16xi32>
      %broadcast_in_dim3A_1667 = vector.shape_cast %xor3A_1666 : vector<16xi32> to vector<16x1xi32>
      %gather3A_1668 = vector.shape_cast %broadcast_in_dim3A_1667 : vector<16x1xi32> to vector<16xi32>
      %gather3A_1669 = tpu.dynamic_gather %add3A_1635[%gather3A_1668] in [0] : vector<16xf32>, vector<16xi32> -> vector<16xf32>
      %add3A_1670 = arith.addf %add3A_1635, %gather3A_1669 : vector<16xf32>
      %xor3A_1671 = arith.constant 4 : i32
      %xor3A_1672 = vector.broadcast %xor3A_1671 : i32 to vector<16xi32>
      %xor3A_1673 = arith.xori %iota3A, %xor3A_1672 : vector<16xi32>
      %broadcast_in_dim3A_1674 = vector.shape_cast %xor3A_1673 : vector<16xi32> to vector<16x1xi32>
      %gather3A_1675 = vector.shape_cast %broadcast_in_dim3A_1674 : vector<16x1xi32> to vector<16xi32>
      %gather3A_1676 = tpu.dynamic_gather %add3A_1670[%gather3A_1675] in [0] : vector<16xf32>, vector<16xi32> -> vector<16xf32>
      %add3A_1677 = arith.addf %add3A_1670, %gather3A_1676 : vector<16xf32>
      %xor3A_1678 = arith.constant 2 : i32
      %xor3A_1679 = vector.broadcast %xor3A_1678 : i32 to vector<16xi32>
      %xor3A_1680 = arith.xori %iota3A, %xor3A_1679 : vector<16xi32>
      %broadcast_in_dim3A_1681 = vector.shape_cast %xor3A_1680 : vector<16xi32> to vector<16x1xi32>
      %gather3A_1682 = vector.shape_cast %broadcast_in_dim3A_1681 : vector<16x1xi32> to vector<16xi32>
      %gather3A_1683 = tpu.dynamic_gather %add3A_1677[%gather3A_1682] in [0] : vector<16xf32>, vector<16xi32> -> vector<16xf32>
      %add3A_1684 = arith.addf %add3A_1677, %gather3A_1683 : vector<16xf32>
      %xor3A_1685 = arith.constant 1 : i32
      %xor3A_1686 = vector.broadcast %xor3A_1685 : i32 to vector<16xi32>
      %xor3A_1687 = arith.xori %iota3A, %xor3A_1686 : vector<16xi32>
      %broadcast_in_dim3A_1688 = vector.shape_cast %xor3A_1687 : vector<16xi32> to vector<16x1xi32>
      %gather3A_1689 = vector.shape_cast %broadcast_in_dim3A_1688 : vector<16x1xi32> to vector<16xi32>
      %gather3A_1690 = tpu.dynamic_gather %add3A_1684[%gather3A_1689] in [0] : vector<16xf32>, vector<16xi32> -> vector<16xf32>
      %add3A_1691 = arith.addf %add3A_1684, %gather3A_1690 : vector<16xf32>
      %eq3A_1692 = arith.constant 6 : i32
      %eq3A_1693 = vector.broadcast %eq3A_1692 : i32 to vector<16xi32>
      %eq3A_1694 = arith.cmpi eq, %iota3A, %eq3A_1693 : vector<16xi32>
      %select_n3A_1695 = arith.select %eq3A_1694, %add3A_1663, %select_n3A_1599 : vector<16xi1>, vector<16xf32>
      %eq3A_1696 = arith.constant 7 : i32
      %eq3A_1697 = vector.broadcast %eq3A_1696 : i32 to vector<16xi32>
      %eq3A_1698 = arith.cmpi eq, %iota3A, %eq3A_1697 : vector<16xi32>
      %select_n3A_1699 = arith.select %eq3A_1698, %add3A_1691, %select_n3A_1695 : vector<16xi1>, vector<16xf32>
      %mul3A_1700 = arith.constant 8 : i32
      %mul3A_1701 = arith.muli %scan3A_1305, %mul3A_1700 : i32
      %add3A_1702 = arith.constant 4 : i32
      %add3A_1703 = arith.addi %mul3A_1701, %add3A_1702 : i32
      %scan3A_1704 = arith.constant 0 : i32
      %scan3A_1705 = arith.constant 12 : i32
      %scan3A_1706 = arith.addi %scan3A_1704, %scan3A_1705 : i32
      %scan3A_1707 = arith.constant 1 : i32
      %scan3A_1708:2 = scf.for %scan3A_2109 = %scan3A_1704 to %scan3A_1706 step %scan3A_1707 iter_args(%scan3A_2110 = %broadcast_in_dim3A_644, %scan3A_2111 = %broadcast_in_dim3A_644) -> (vector<16xf32>, vector<16xf32>)  : i32 {
        %mul3A_2112 = arith.constant 16 : i32
        %mul3A_2113 = arith.muli %scan3A_2109, %mul3A_2112 : i32
        %get3A_2114 = arith.index_cast %add3A_1703 : i32 to index
        %get3A_2115 = arith.index_cast %mul3A_2113 : i32 to index
        %get3A_2116 = tpu.vector_load %arg8[%get3A_2114, %get3A_2115] {strides = array<i32>} : memref<32x200xf32, #tpu.memory_space<vmem>>, vector<1x16xf32>,
        %get3A_2117 = vector.shape_cast %get3A_2116 : vector<1x16xf32> to vector<16xf32>
        %get3A_2118 = arith.index_cast %add3A_1703 : i32 to index
        %get3A_2119 = arith.index_cast %mul3A_2113 : i32 to index
        %get3A_2120 = tpu.vector_load %arg9[%get3A_2118, %get3A_2119] {strides = array<i32>} : memref<32x200xi32, #tpu.memory_space<vmem>>, vector<1x16xi32>,
        %get3A_2121 = vector.shape_cast %get3A_2120 : vector<1x16xi32> to vector<16xi32>
        %shift_left3A_2122 = arith.constant 16 : i32
        %shift_left3A_2123 = vector.broadcast %shift_left3A_2122 : i32 to vector<16xi32>
        %shift_left3A_2124 = arith.shli %get3A_2121, %shift_left3A_2123 : vector<16xi32>
        %bitcast_convert_type3A_2125 = tpu.bitcast %shift_left3A_2124 : vector<16xi32> -> vector<16xf32>
        %and3A_2126 = arith.constant -65536 : i32
        %and3A_2127 = vector.broadcast %and3A_2126 : i32 to vector<16xi32>
        %and3A_2128 = arith.andi %get3A_2121, %and3A_2127 : vector<16xi32>
        %bitcast_convert_type3A_2129 = tpu.bitcast %and3A_2128 : vector<16xi32> -> vector<16xf32>
        %mul3A_2130 = arith.mulf %bitcast_convert_type3A_2125, %get3A_2117 : vector<16xf32>
        %add3A_2131 = arith.addf %scan3A_2110, %mul3A_2130 : vector<16xf32>
        %mul3A_2132 = arith.mulf %bitcast_convert_type3A_2129, %get3A_2117 : vector<16xf32>
        %add3A_2133 = arith.addf %scan3A_2111, %mul3A_2132 : vector<16xf32>
        scf.yield %add3A_2131, %add3A_2133 : vector<16xf32>, vector<16xf32>
      }
      %scan3A_1709 = arith.constant 12 : i32
      %get3A_1710 = arith.index_cast %add3A_1703 : i32 to index
      %get3A_1711 = arith.constant 184 : index
      %get3A_1712 = tpu.vector_load %arg8[%get3A_1710, %get3A_1711] {strides = array<i32>} : memref<32x200xf32, #tpu.memory_space<vmem>>, vector<1x16xf32>,
      %get3A_1713 = vector.shape_cast %get3A_1712 : vector<1x16xf32> to vector<16xf32>
      %lt3A_1714 = arith.constant 8 : i32
      %lt3A_1715 = vector.broadcast %lt3A_1714 : i32 to vector<16xi32>
      %lt3A_1716 = arith.cmpi slt, %iota3A, %lt3A_1715 : vector<16xi32>
      %jit3A_1717 = arith.constant 0.000000e+00 : f32
      %broadcast_in_dim3A_1718 = vector.broadcast %jit3A_1717 : f32 to vector<16xf32>
      %select_n3A_1719 = arith.select %lt3A_1716, %broadcast_in_dim3A_1718, %get3A_1713 : vector<16xi1>, vector<16xf32>
      %get3A_1720 = arith.index_cast %add3A_1703 : i32 to index
      %get3A_1721 = arith.constant 184 : index
      %get3A_1722 = tpu.vector_load %arg9[%get3A_1720, %get3A_1721] {strides = array<i32>} : memref<32x200xi32, #tpu.memory_space<vmem>>, vector<1x16xi32>,
      %get3A_1723 = vector.shape_cast %get3A_1722 : vector<1x16xi32> to vector<16xi32>
      %shift_left3A_1724 = arith.constant 16 : i32
      %shift_left3A_1725 = vector.broadcast %shift_left3A_1724 : i32 to vector<16xi32>
      %shift_left3A_1726 = arith.shli %get3A_1723, %shift_left3A_1725 : vector<16xi32>
      %bitcast_convert_type3A_1727 = tpu.bitcast %shift_left3A_1726 : vector<16xi32> -> vector<16xf32>
      %and3A_1728 = arith.constant -65536 : i32
      %and3A_1729 = vector.broadcast %and3A_1728 : i32 to vector<16xi32>
      %and3A_1730 = arith.andi %get3A_1723, %and3A_1729 : vector<16xi32>
      %bitcast_convert_type3A_1731 = tpu.bitcast %and3A_1730 : vector<16xi32> -> vector<16xf32>
      %mul3A_1732 = arith.mulf %bitcast_convert_type3A_1727, %select_n3A_1719 : vector<16xf32>
      %add3A_1733 = arith.addf %scan3A_1708#0, %mul3A_1732 : vector<16xf32>
      %mul3A_1734 = arith.mulf %bitcast_convert_type3A_1731, %select_n3A_1719 : vector<16xf32>
      %add3A_1735 = arith.addf %scan3A_1708#1, %mul3A_1734 : vector<16xf32>
      %xor3A_1736 = arith.constant 8 : i32
      %xor3A_1737 = vector.broadcast %xor3A_1736 : i32 to vector<16xi32>
      %xor3A_1738 = arith.xori %iota3A, %xor3A_1737 : vector<16xi32>
      %broadcast_in_dim3A_1739 = vector.shape_cast %xor3A_1738 : vector<16xi32> to vector<16x1xi32>
      %gather3A_1740 = vector.shape_cast %broadcast_in_dim3A_1739 : vector<16x1xi32> to vector<16xi32>
      %gather3A_1741 = tpu.dynamic_gather %add3A_1733[%gather3A_1740] in [0] : vector<16xf32>, vector<16xi32> -> vector<16xf32>
      %add3A_1742 = arith.addf %add3A_1733, %gather3A_1741 : vector<16xf32>
      %xor3A_1743 = arith.constant 4 : i32
      %xor3A_1744 = vector.broadcast %xor3A_1743 : i32 to vector<16xi32>
      %xor3A_1745 = arith.xori %iota3A, %xor3A_1744 : vector<16xi32>
      %broadcast_in_dim3A_1746 = vector.shape_cast %xor3A_1745 : vector<16xi32> to vector<16x1xi32>
      %gather3A_1747 = vector.shape_cast %broadcast_in_dim3A_1746 : vector<16x1xi32> to vector<16xi32>
      %gather3A_1748 = tpu.dynamic_gather %add3A_1742[%gather3A_1747] in [0] : vector<16xf32>, vector<16xi32> -> vector<16xf32>
      %add3A_1749 = arith.addf %add3A_1742, %gather3A_1748 : vector<16xf32>
      %xor3A_1750 = arith.constant 2 : i32
      %xor3A_1751 = vector.broadcast %xor3A_1750 : i32 to vector<16xi32>
      %xor3A_1752 = arith.xori %iota3A, %xor3A_1751 : vector<16xi32>
      %broadcast_in_dim3A_1753 = vector.shape_cast %xor3A_1752 : vector<16xi32> to vector<16x1xi32>
      %gather3A_1754 = vector.shape_cast %broadcast_in_dim3A_1753 : vector<16x1xi32> to vector<16xi32>
      %gather3A_1755 = tpu.dynamic_gather %add3A_1749[%gather3A_1754] in [0] : vector<16xf32>, vector<16xi32> -> vector<16xf32>
      %add3A_1756 = arith.addf %add3A_1749, %gather3A_1755 : vector<16xf32>
      %xor3A_1757 = arith.constant 1 : i32
      %xor3A_1758 = vector.broadcast %xor3A_1757 : i32 to vector<16xi32>
      %xor3A_1759 = arith.xori %iota3A, %xor3A_1758 : vector<16xi32>
      %broadcast_in_dim3A_1760 = vector.shape_cast %xor3A_1759 : vector<16xi32> to vector<16x1xi32>
      %gather3A_1761 = vector.shape_cast %broadcast_in_dim3A_1760 : vector<16x1xi32> to vector<16xi32>
      %gather3A_1762 = tpu.dynamic_gather %add3A_1756[%gather3A_1761] in [0] : vector<16xf32>, vector<16xi32> -> vector<16xf32>
      %add3A_1763 = arith.addf %add3A_1756, %gather3A_1762 : vector<16xf32>
      %xor3A_1764 = arith.constant 8 : i32
      %xor3A_1765 = vector.broadcast %xor3A_1764 : i32 to vector<16xi32>
      %xor3A_1766 = arith.xori %iota3A, %xor3A_1765 : vector<16xi32>
      %broadcast_in_dim3A_1767 = vector.shape_cast %xor3A_1766 : vector<16xi32> to vector<16x1xi32>
      %gather3A_1768 = vector.shape_cast %broadcast_in_dim3A_1767 : vector<16x1xi32> to vector<16xi32>
      %gather3A_1769 = tpu.dynamic_gather %add3A_1735[%gather3A_1768] in [0] : vector<16xf32>, vector<16xi32> -> vector<16xf32>
      %add3A_1770 = arith.addf %add3A_1735, %gather3A_1769 : vector<16xf32>
      %xor3A_1771 = arith.constant 4 : i32
      %xor3A_1772 = vector.broadcast %xor3A_1771 : i32 to vector<16xi32>
      %xor3A_1773 = arith.xori %iota3A, %xor3A_1772 : vector<16xi32>
      %broadcast_in_dim3A_1774 = vector.shape_cast %xor3A_1773 : vector<16xi32> to vector<16x1xi32>
      %gather3A_1775 = vector.shape_cast %broadcast_in_dim3A_1774 : vector<16x1xi32> to vector<16xi32>
      %gather3A_1776 = tpu.dynamic_gather %add3A_1770[%gather3A_1775] in [0] : vector<16xf32>, vector<16xi32> -> vector<16xf32>
      %add3A_1777 = arith.addf %add3A_1770, %gather3A_1776 : vector<16xf32>
      %xor3A_1778 = arith.constant 2 : i32
      %xor3A_1779 = vector.broadcast %xor3A_1778 : i32 to vector<16xi32>
      %xor3A_1780 = arith.xori %iota3A, %xor3A_1779 : vector<16xi32>
      %broadcast_in_dim3A_1781 = vector.shape_cast %xor3A_1780 : vector<16xi32> to vector<16x1xi32>
      %gather3A_1782 = vector.shape_cast %broadcast_in_dim3A_1781 : vector<16x1xi32> to vector<16xi32>
      %gather3A_1783 = tpu.dynamic_gather %add3A_1777[%gather3A_1782] in [0] : vector<16xf32>, vector<16xi32> -> vector<16xf32>
      %add3A_1784 = arith.addf %add3A_1777, %gather3A_1783 : vector<16xf32>
      %xor3A_1785 = arith.constant 1 : i32
      %xor3A_1786 = vector.broadcast %xor3A_1785 : i32 to vector<16xi32>
      %xor3A_1787 = arith.xori %iota3A, %xor3A_1786 : vector<16xi32>
      %broadcast_in_dim3A_1788 = vector.shape_cast %xor3A_1787 : vector<16xi32> to vector<16x1xi32>
      %gather3A_1789 = vector.shape_cast %broadcast_in_dim3A_1788 : vector<16x1xi32> to vector<16xi32>
      %gather3A_1790 = tpu.dynamic_gather %add3A_1784[%gather3A_1789] in [0] : vector<16xf32>, vector<16xi32> -> vector<16xf32>
      %add3A_1791 = arith.addf %add3A_1784, %gather3A_1790 : vector<16xf32>
      %eq3A_1792 = arith.constant 8 : i32
      %eq3A_1793 = vector.broadcast %eq3A_1792 : i32 to vector<16xi32>
      %eq3A_1794 = arith.cmpi eq, %iota3A, %eq3A_1793 : vector<16xi32>
      %select_n3A_1795 = arith.select %eq3A_1794, %add3A_1763, %select_n3A_1699 : vector<16xi1>, vector<16xf32>
      %eq3A_1796 = arith.constant 9 : i32
      %eq3A_1797 = vector.broadcast %eq3A_1796 : i32 to vector<16xi32>
      %eq3A_1798 = arith.cmpi eq, %iota3A, %eq3A_1797 : vector<16xi32>
      %select_n3A_1799 = arith.select %eq3A_1798, %add3A_1791, %select_n3A_1795 : vector<16xi1>, vector<16xf32>
      %mul3A_1800 = arith.constant 8 : i32
      %mul3A_1801 = arith.muli %scan3A_1305, %mul3A_1800 : i32
      %add3A_1802 = arith.constant 5 : i32
      %add3A_1803 = arith.addi %mul3A_1801, %add3A_1802 : i32
      %scan3A_1804 = arith.constant 0 : i32
      %scan3A_1805 = arith.constant 12 : i32
      %scan3A_1806 = arith.addi %scan3A_1804, %scan3A_1805 : i32
      %scan3A_1807 = arith.constant 1 : i32
      %scan3A_1808:2 = scf.for %scan3A_2109 = %scan3A_1804 to %scan3A_1806 step %scan3A_1807 iter_args(%scan3A_2110 = %broadcast_in_dim3A_644, %scan3A_2111 = %broadcast_in_dim3A_644) -> (vector<16xf32>, vector<16xf32>)  : i32 {
        %mul3A_2112 = arith.constant 16 : i32
        %mul3A_2113 = arith.muli %scan3A_2109, %mul3A_2112 : i32
        %get3A_2114 = arith.index_cast %add3A_1803 : i32 to index
        %get3A_2115 = arith.index_cast %mul3A_2113 : i32 to index
        %get3A_2116 = tpu.vector_load %arg8[%get3A_2114, %get3A_2115] {strides = array<i32>} : memref<32x200xf32, #tpu.memory_space<vmem>>, vector<1x16xf32>,
        %get3A_2117 = vector.shape_cast %get3A_2116 : vector<1x16xf32> to vector<16xf32>
        %get3A_2118 = arith.index_cast %add3A_1803 : i32 to index
        %get3A_2119 = arith.index_cast %mul3A_2113 : i32 to index
        %get3A_2120 = tpu.vector_load %arg9[%get3A_2118, %get3A_2119] {strides = array<i32>} : memref<32x200xi32, #tpu.memory_space<vmem>>, vector<1x16xi32>,
        %get3A_2121 = vector.shape_cast %get3A_2120 : vector<1x16xi32> to vector<16xi32>
        %shift_left3A_2122 = arith.constant 16 : i32
        %shift_left3A_2123 = vector.broadcast %shift_left3A_2122 : i32 to vector<16xi32>
        %shift_left3A_2124 = arith.shli %get3A_2121, %shift_left3A_2123 : vector<16xi32>
        %bitcast_convert_type3A_2125 = tpu.bitcast %shift_left3A_2124 : vector<16xi32> -> vector<16xf32>
        %and3A_2126 = arith.constant -65536 : i32
        %and3A_2127 = vector.broadcast %and3A_2126 : i32 to vector<16xi32>
        %and3A_2128 = arith.andi %get3A_2121, %and3A_2127 : vector<16xi32>
        %bitcast_convert_type3A_2129 = tpu.bitcast %and3A_2128 : vector<16xi32> -> vector<16xf32>
        %mul3A_2130 = arith.mulf %bitcast_convert_type3A_2125, %get3A_2117 : vector<16xf32>
        %add3A_2131 = arith.addf %scan3A_2110, %mul3A_2130 : vector<16xf32>
        %mul3A_2132 = arith.mulf %bitcast_convert_type3A_2129, %get3A_2117 : vector<16xf32>
        %add3A_2133 = arith.addf %scan3A_2111, %mul3A_2132 : vector<16xf32>
        scf.yield %add3A_2131, %add3A_2133 : vector<16xf32>, vector<16xf32>
      }
      %scan3A_1809 = arith.constant 12 : i32
      %get3A_1810 = arith.index_cast %add3A_1803 : i32 to index
      %get3A_1811 = arith.constant 184 : index
      %get3A_1812 = tpu.vector_load %arg8[%get3A_1810, %get3A_1811] {strides = array<i32>} : memref<32x200xf32, #tpu.memory_space<vmem>>, vector<1x16xf32>,
      %get3A_1813 = vector.shape_cast %get3A_1812 : vector<1x16xf32> to vector<16xf32>
      %lt3A_1814 = arith.constant 8 : i32
      %lt3A_1815 = vector.broadcast %lt3A_1814 : i32 to vector<16xi32>
      %lt3A_1816 = arith.cmpi slt, %iota3A, %lt3A_1815 : vector<16xi32>
      %jit3A_1817 = arith.constant 0.000000e+00 : f32
      %broadcast_in_dim3A_1818 = vector.broadcast %jit3A_1817 : f32 to vector<16xf32>
      %select_n3A_1819 = arith.select %lt3A_1816, %broadcast_in_dim3A_1818, %get3A_1813 : vector<16xi1>, vector<16xf32>
      %get3A_1820 = arith.index_cast %add3A_1803 : i32 to index
      %get3A_1821 = arith.constant 184 : index
      %get3A_1822 = tpu.vector_load %arg9[%get3A_1820, %get3A_1821] {strides = array<i32>} : memref<32x200xi32, #tpu.memory_space<vmem>>, vector<1x16xi32>,
      %get3A_1823 = vector.shape_cast %get3A_1822 : vector<1x16xi32> to vector<16xi32>
      %shift_left3A_1824 = arith.constant 16 : i32
      %shift_left3A_1825 = vector.broadcast %shift_left3A_1824 : i32 to vector<16xi32>
      %shift_left3A_1826 = arith.shli %get3A_1823, %shift_left3A_1825 : vector<16xi32>
      %bitcast_convert_type3A_1827 = tpu.bitcast %shift_left3A_1826 : vector<16xi32> -> vector<16xf32>
      %and3A_1828 = arith.constant -65536 : i32
      %and3A_1829 = vector.broadcast %and3A_1828 : i32 to vector<16xi32>
      %and3A_1830 = arith.andi %get3A_1823, %and3A_1829 : vector<16xi32>
      %bitcast_convert_type3A_1831 = tpu.bitcast %and3A_1830 : vector<16xi32> -> vector<16xf32>
      %mul3A_1832 = arith.mulf %bitcast_convert_type3A_1827, %select_n3A_1819 : vector<16xf32>
      %add3A_1833 = arith.addf %scan3A_1808#0, %mul3A_1832 : vector<16xf32>
      %mul3A_1834 = arith.mulf %bitcast_convert_type3A_1831, %select_n3A_1819 : vector<16xf32>
      %add3A_1835 = arith.addf %scan3A_1808#1, %mul3A_1834 : vector<16xf32>
      %xor3A_1836 = arith.constant 8 : i32
      %xor3A_1837 = vector.broadcast %xor3A_1836 : i32 to vector<16xi32>
      %xor3A_1838 = arith.xori %iota3A, %xor3A_1837 : vector<16xi32>
      %broadcast_in_dim3A_1839 = vector.shape_cast %xor3A_1838 : vector<16xi32> to vector<16x1xi32>
      %gather3A_1840 = vector.shape_cast %broadcast_in_dim3A_1839 : vector<16x1xi32> to vector<16xi32>
      %gather3A_1841 = tpu.dynamic_gather %add3A_1833[%gather3A_1840] in [0] : vector<16xf32>, vector<16xi32> -> vector<16xf32>
      %add3A_1842 = arith.addf %add3A_1833, %gather3A_1841 : vector<16xf32>
      %xor3A_1843 = arith.constant 4 : i32
      %xor3A_1844 = vector.broadcast %xor3A_1843 : i32 to vector<16xi32>
      %xor3A_1845 = arith.xori %iota3A, %xor3A_1844 : vector<16xi32>
      %broadcast_in_dim3A_1846 = vector.shape_cast %xor3A_1845 : vector<16xi32> to vector<16x1xi32>
      %gather3A_1847 = vector.shape_cast %broadcast_in_dim3A_1846 : vector<16x1xi32> to vector<16xi32>
      %gather3A_1848 = tpu.dynamic_gather %add3A_1842[%gather3A_1847] in [0] : vector<16xf32>, vector<16xi32> -> vector<16xf32>
      %add3A_1849 = arith.addf %add3A_1842, %gather3A_1848 : vector<16xf32>
      %xor3A_1850 = arith.constant 2 : i32
      %xor3A_1851 = vector.broadcast %xor3A_1850 : i32 to vector<16xi32>
      %xor3A_1852 = arith.xori %iota3A, %xor3A_1851 : vector<16xi32>
      %broadcast_in_dim3A_1853 = vector.shape_cast %xor3A_1852 : vector<16xi32> to vector<16x1xi32>
      %gather3A_1854 = vector.shape_cast %broadcast_in_dim3A_1853 : vector<16x1xi32> to vector<16xi32>
      %gather3A_1855 = tpu.dynamic_gather %add3A_1849[%gather3A_1854] in [0] : vector<16xf32>, vector<16xi32> -> vector<16xf32>
      %add3A_1856 = arith.addf %add3A_1849, %gather3A_1855 : vector<16xf32>
      %xor3A_1857 = arith.constant 1 : i32
      %xor3A_1858 = vector.broadcast %xor3A_1857 : i32 to vector<16xi32>
      %xor3A_1859 = arith.xori %iota3A, %xor3A_1858 : vector<16xi32>
      %broadcast_in_dim3A_1860 = vector.shape_cast %xor3A_1859 : vector<16xi32> to vector<16x1xi32>
      %gather3A_1861 = vector.shape_cast %broadcast_in_dim3A_1860 : vector<16x1xi32> to vector<16xi32>
      %gather3A_1862 = tpu.dynamic_gather %add3A_1856[%gather3A_1861] in [0] : vector<16xf32>, vector<16xi32> -> vector<16xf32>
      %add3A_1863 = arith.addf %add3A_1856, %gather3A_1862 : vector<16xf32>
      %xor3A_1864 = arith.constant 8 : i32
      %xor3A_1865 = vector.broadcast %xor3A_1864 : i32 to vector<16xi32>
      %xor3A_1866 = arith.xori %iota3A, %xor3A_1865 : vector<16xi32>
      %broadcast_in_dim3A_1867 = vector.shape_cast %xor3A_1866 : vector<16xi32> to vector<16x1xi32>
      %gather3A_1868 = vector.shape_cast %broadcast_in_dim3A_1867 : vector<16x1xi32> to vector<16xi32>
      %gather3A_1869 = tpu.dynamic_gather %add3A_1835[%gather3A_1868] in [0] : vector<16xf32>, vector<16xi32> -> vector<16xf32>
      %add3A_1870 = arith.addf %add3A_1835, %gather3A_1869 : vector<16xf32>
      %xor3A_1871 = arith.constant 4 : i32
      %xor3A_1872 = vector.broadcast %xor3A_1871 : i32 to vector<16xi32>
      %xor3A_1873 = arith.xori %iota3A, %xor3A_1872 : vector<16xi32>
      %broadcast_in_dim3A_1874 = vector.shape_cast %xor3A_1873 : vector<16xi32> to vector<16x1xi32>
      %gather3A_1875 = vector.shape_cast %broadcast_in_dim3A_1874 : vector<16x1xi32> to vector<16xi32>
      %gather3A_1876 = tpu.dynamic_gather %add3A_1870[%gather3A_1875] in [0] : vector<16xf32>, vector<16xi32> -> vector<16xf32>
      %add3A_1877 = arith.addf %add3A_1870, %gather3A_1876 : vector<16xf32>
      %xor3A_1878 = arith.constant 2 : i32
      %xor3A_1879 = vector.broadcast %xor3A_1878 : i32 to vector<16xi32>
      %xor3A_1880 = arith.xori %iota3A, %xor3A_1879 : vector<16xi32>
      %broadcast_in_dim3A_1881 = vector.shape_cast %xor3A_1880 : vector<16xi32> to vector<16x1xi32>
      %gather3A_1882 = vector.shape_cast %broadcast_in_dim3A_1881 : vector<16x1xi32> to vector<16xi32>
      %gather3A_1883 = tpu.dynamic_gather %add3A_1877[%gather3A_1882] in [0] : vector<16xf32>, vector<16xi32> -> vector<16xf32>
      %add3A_1884 = arith.addf %add3A_1877, %gather3A_1883 : vector<16xf32>
      %xor3A_1885 = arith.constant 1 : i32
      %xor3A_1886 = vector.broadcast %xor3A_1885 : i32 to vector<16xi32>
      %xor3A_1887 = arith.xori %iota3A, %xor3A_1886 : vector<16xi32>
      %broadcast_in_dim3A_1888 = vector.shape_cast %xor3A_1887 : vector<16xi32> to vector<16x1xi32>
      %gather3A_1889 = vector.shape_cast %broadcast_in_dim3A_1888 : vector<16x1xi32> to vector<16xi32>
      %gather3A_1890 = tpu.dynamic_gather %add3A_1884[%gather3A_1889] in [0] : vector<16xf32>, vector<16xi32> -> vector<16xf32>
      %add3A_1891 = arith.addf %add3A_1884, %gather3A_1890 : vector<16xf32>
      %eq3A_1892 = arith.constant 10 : i32
      %eq3A_1893 = vector.broadcast %eq3A_1892 : i32 to vector<16xi32>
      %eq3A_1894 = arith.cmpi eq, %iota3A, %eq3A_1893 : vector<16xi32>
      %select_n3A_1895 = arith.select %eq3A_1894, %add3A_1863, %select_n3A_1799 : vector<16xi1>, vector<16xf32>
      %eq3A_1896 = arith.constant 11 : i32
      %eq3A_1897 = vector.broadcast %eq3A_1896 : i32 to vector<16xi32>
      %eq3A_1898 = arith.cmpi eq, %iota3A, %eq3A_1897 : vector<16xi32>
      %select_n3A_1899 = arith.select %eq3A_1898, %add3A_1891, %select_n3A_1895 : vector<16xi1>, vector<16xf32>
      %mul3A_1900 = arith.constant 8 : i32
      %mul3A_1901 = arith.muli %scan3A_1305, %mul3A_1900 : i32
      %add3A_1902 = arith.constant 6 : i32
      %add3A_1903 = arith.addi %mul3A_1901, %add3A_1902 : i32
      %scan3A_1904 = arith.constant 0 : i32
      %scan3A_1905 = arith.constant 12 : i32
      %scan3A_1906 = arith.addi %scan3A_1904, %scan3A_1905 : i32
      %scan3A_1907 = arith.constant 1 : i32
      %scan3A_1908:2 = scf.for %scan3A_2109 = %scan3A_1904 to %scan3A_1906 step %scan3A_1907 iter_args(%scan3A_2110 = %broadcast_in_dim3A_644, %scan3A_2111 = %broadcast_in_dim3A_644) -> (vector<16xf32>, vector<16xf32>)  : i32 {
        %mul3A_2112 = arith.constant 16 : i32
        %mul3A_2113 = arith.muli %scan3A_2109, %mul3A_2112 : i32
        %get3A_2114 = arith.index_cast %add3A_1903 : i32 to index
        %get3A_2115 = arith.index_cast %mul3A_2113 : i32 to index
        %get3A_2116 = tpu.vector_load %arg8[%get3A_2114, %get3A_2115] {strides = array<i32>} : memref<32x200xf32, #tpu.memory_space<vmem>>, vector<1x16xf32>,
        %get3A_2117 = vector.shape_cast %get3A_2116 : vector<1x16xf32> to vector<16xf32>
        %get3A_2118 = arith.index_cast %add3A_1903 : i32 to index
        %get3A_2119 = arith.index_cast %mul3A_2113 : i32 to index
        %get3A_2120 = tpu.vector_load %arg9[%get3A_2118, %get3A_2119] {strides = array<i32>} : memref<32x200xi32, #tpu.memory_space<vmem>>, vector<1x16xi32>,
        %get3A_2121 = vector.shape_cast %get3A_2120 : vector<1x16xi32> to vector<16xi32>
        %shift_left3A_2122 = arith.constant 16 : i32
        %shift_left3A_2123 = vector.broadcast %shift_left3A_2122 : i32 to vector<16xi32>
        %shift_left3A_2124 = arith.shli %get3A_2121, %shift_left3A_2123 : vector<16xi32>
        %bitcast_convert_type3A_2125 = tpu.bitcast %shift_left3A_2124 : vector<16xi32> -> vector<16xf32>
        %and3A_2126 = arith.constant -65536 : i32
        %and3A_2127 = vector.broadcast %and3A_2126 : i32 to vector<16xi32>
        %and3A_2128 = arith.andi %get3A_2121, %and3A_2127 : vector<16xi32>
        %bitcast_convert_type3A_2129 = tpu.bitcast %and3A_2128 : vector<16xi32> -> vector<16xf32>
        %mul3A_2130 = arith.mulf %bitcast_convert_type3A_2125, %get3A_2117 : vector<16xf32>
        %add3A_2131 = arith.addf %scan3A_2110, %mul3A_2130 : vector<16xf32>
        %mul3A_2132 = arith.mulf %bitcast_convert_type3A_2129, %get3A_2117 : vector<16xf32>
        %add3A_2133 = arith.addf %scan3A_2111, %mul3A_2132 : vector<16xf32>
        scf.yield %add3A_2131, %add3A_2133 : vector<16xf32>, vector<16xf32>
      }
      %scan3A_1909 = arith.constant 12 : i32
      %get3A_1910 = arith.index_cast %add3A_1903 : i32 to index
      %get3A_1911 = arith.constant 184 : index
      %get3A_1912 = tpu.vector_load %arg8[%get3A_1910, %get3A_1911] {strides = array<i32>} : memref<32x200xf32, #tpu.memory_space<vmem>>, vector<1x16xf32>,
      %get3A_1913 = vector.shape_cast %get3A_1912 : vector<1x16xf32> to vector<16xf32>
      %lt3A_1914 = arith.constant 8 : i32
      %lt3A_1915 = vector.broadcast %lt3A_1914 : i32 to vector<16xi32>
      %lt3A_1916 = arith.cmpi slt, %iota3A, %lt3A_1915 : vector<16xi32>
      %jit3A_1917 = arith.constant 0.000000e+00 : f32
      %broadcast_in_dim3A_1918 = vector.broadcast %jit3A_1917 : f32 to vector<16xf32>
      %select_n3A_1919 = arith.select %lt3A_1916, %broadcast_in_dim3A_1918, %get3A_1913 : vector<16xi1>, vector<16xf32>
      %get3A_1920 = arith.index_cast %add3A_1903 : i32 to index
      %get3A_1921 = arith.constant 184 : index
      %get3A_1922 = tpu.vector_load %arg9[%get3A_1920, %get3A_1921] {strides = array<i32>} : memref<32x200xi32, #tpu.memory_space<vmem>>, vector<1x16xi32>,
      %get3A_1923 = vector.shape_cast %get3A_1922 : vector<1x16xi32> to vector<16xi32>
      %shift_left3A_1924 = arith.constant 16 : i32
      %shift_left3A_1925 = vector.broadcast %shift_left3A_1924 : i32 to vector<16xi32>
      %shift_left3A_1926 = arith.shli %get3A_1923, %shift_left3A_1925 : vector<16xi32>
      %bitcast_convert_type3A_1927 = tpu.bitcast %shift_left3A_1926 : vector<16xi32> -> vector<16xf32>
      %and3A_1928 = arith.constant -65536 : i32
      %and3A_1929 = vector.broadcast %and3A_1928 : i32 to vector<16xi32>
      %and3A_1930 = arith.andi %get3A_1923, %and3A_1929 : vector<16xi32>
      %bitcast_convert_type3A_1931 = tpu.bitcast %and3A_1930 : vector<16xi32> -> vector<16xf32>
      %mul3A_1932 = arith.mulf %bitcast_convert_type3A_1927, %select_n3A_1919 : vector<16xf32>
      %add3A_1933 = arith.addf %scan3A_1908#0, %mul3A_1932 : vector<16xf32>
      %mul3A_1934 = arith.mulf %bitcast_convert_type3A_1931, %select_n3A_1919 : vector<16xf32>
      %add3A_1935 = arith.addf %scan3A_1908#1, %mul3A_1934 : vector<16xf32>
      %xor3A_1936 = arith.constant 8 : i32
      %xor3A_1937 = vector.broadcast %xor3A_1936 : i32 to vector<16xi32>
      %xor3A_1938 = arith.xori %iota3A, %xor3A_1937 : vector<16xi32>
      %broadcast_in_dim3A_1939 = vector.shape_cast %xor3A_1938 : vector<16xi32> to vector<16x1xi32>
      %gather3A_1940 = vector.shape_cast %broadcast_in_dim3A_1939 : vector<16x1xi32> to vector<16xi32>
      %gather3A_1941 = tpu.dynamic_gather %add3A_1933[%gather3A_1940] in [0] : vector<16xf32>, vector<16xi32> -> vector<16xf32>
      %add3A_1942 = arith.addf %add3A_1933, %gather3A_1941 : vector<16xf32>
      %xor3A_1943 = arith.constant 4 : i32
      %xor3A_1944 = vector.broadcast %xor3A_1943 : i32 to vector<16xi32>
      %xor3A_1945 = arith.xori %iota3A, %xor3A_1944 : vector<16xi32>
      %broadcast_in_dim3A_1946 = vector.shape_cast %xor3A_1945 : vector<16xi32> to vector<16x1xi32>
      %gather3A_1947 = vector.shape_cast %broadcast_in_dim3A_1946 : vector<16x1xi32> to vector<16xi32>
      %gather3A_1948 = tpu.dynamic_gather %add3A_1942[%gather3A_1947] in [0] : vector<16xf32>, vector<16xi32> -> vector<16xf32>
      %add3A_1949 = arith.addf %add3A_1942, %gather3A_1948 : vector<16xf32>
      %xor3A_1950 = arith.constant 2 : i32
      %xor3A_1951 = vector.broadcast %xor3A_1950 : i32 to vector<16xi32>
      %xor3A_1952 = arith.xori %iota3A, %xor3A_1951 : vector<16xi32>
      %broadcast_in_dim3A_1953 = vector.shape_cast %xor3A_1952 : vector<16xi32> to vector<16x1xi32>
      %gather3A_1954 = vector.shape_cast %broadcast_in_dim3A_1953 : vector<16x1xi32> to vector<16xi32>
      %gather3A_1955 = tpu.dynamic_gather %add3A_1949[%gather3A_1954] in [0] : vector<16xf32>, vector<16xi32> -> vector<16xf32>
      %add3A_1956 = arith.addf %add3A_1949, %gather3A_1955 : vector<16xf32>
      %xor3A_1957 = arith.constant 1 : i32
      %xor3A_1958 = vector.broadcast %xor3A_1957 : i32 to vector<16xi32>
      %xor3A_1959 = arith.xori %iota3A, %xor3A_1958 : vector<16xi32>
      %broadcast_in_dim3A_1960 = vector.shape_cast %xor3A_1959 : vector<16xi32> to vector<16x1xi32>
      %gather3A_1961 = vector.shape_cast %broadcast_in_dim3A_1960 : vector<16x1xi32> to vector<16xi32>
      %gather3A_1962 = tpu.dynamic_gather %add3A_1956[%gather3A_1961] in [0] : vector<16xf32>, vector<16xi32> -> vector<16xf32>
      %add3A_1963 = arith.addf %add3A_1956, %gather3A_1962 : vector<16xf32>
      %xor3A_1964 = arith.constant 8 : i32
      %xor3A_1965 = vector.broadcast %xor3A_1964 : i32 to vector<16xi32>
      %xor3A_1966 = arith.xori %iota3A, %xor3A_1965 : vector<16xi32>
      %broadcast_in_dim3A_1967 = vector.shape_cast %xor3A_1966 : vector<16xi32> to vector<16x1xi32>
      %gather3A_1968 = vector.shape_cast %broadcast_in_dim3A_1967 : vector<16x1xi32> to vector<16xi32>
      %gather3A_1969 = tpu.dynamic_gather %add3A_1935[%gather3A_1968] in [0] : vector<16xf32>, vector<16xi32> -> vector<16xf32>
      %add3A_1970 = arith.addf %add3A_1935, %gather3A_1969 : vector<16xf32>
      %xor3A_1971 = arith.constant 4 : i32
      %xor3A_1972 = vector.broadcast %xor3A_1971 : i32 to vector<16xi32>
      %xor3A_1973 = arith.xori %iota3A, %xor3A_1972 : vector<16xi32>
      %broadcast_in_dim3A_1974 = vector.shape_cast %xor3A_1973 : vector<16xi32> to vector<16x1xi32>
      %gather3A_1975 = vector.shape_cast %broadcast_in_dim3A_1974 : vector<16x1xi32> to vector<16xi32>
      %gather3A_1976 = tpu.dynamic_gather %add3A_1970[%gather3A_1975] in [0] : vector<16xf32>, vector<16xi32> -> vector<16xf32>
      %add3A_1977 = arith.addf %add3A_1970, %gather3A_1976 : vector<16xf32>
      %xor3A_1978 = arith.constant 2 : i32
      %xor3A_1979 = vector.broadcast %xor3A_1978 : i32 to vector<16xi32>
      %xor3A_1980 = arith.xori %iota3A, %xor3A_1979 : vector<16xi32>
      %broadcast_in_dim3A_1981 = vector.shape_cast %xor3A_1980 : vector<16xi32> to vector<16x1xi32>
      %gather3A_1982 = vector.shape_cast %broadcast_in_dim3A_1981 : vector<16x1xi32> to vector<16xi32>
      %gather3A_1983 = tpu.dynamic_gather %add3A_1977[%gather3A_1982] in [0] : vector<16xf32>, vector<16xi32> -> vector<16xf32>
      %add3A_1984 = arith.addf %add3A_1977, %gather3A_1983 : vector<16xf32>
      %xor3A_1985 = arith.constant 1 : i32
      %xor3A_1986 = vector.broadcast %xor3A_1985 : i32 to vector<16xi32>
      %xor3A_1987 = arith.xori %iota3A, %xor3A_1986 : vector<16xi32>
      %broadcast_in_dim3A_1988 = vector.shape_cast %xor3A_1987 : vector<16xi32> to vector<16x1xi32>
      %gather3A_1989 = vector.shape_cast %broadcast_in_dim3A_1988 : vector<16x1xi32> to vector<16xi32>
      %gather3A_1990 = tpu.dynamic_gather %add3A_1984[%gather3A_1989] in [0] : vector<16xf32>, vector<16xi32> -> vector<16xf32>
      %add3A_1991 = arith.addf %add3A_1984, %gather3A_1990 : vector<16xf32>
      %eq3A_1992 = arith.constant 12 : i32
      %eq3A_1993 = vector.broadcast %eq3A_1992 : i32 to vector<16xi32>
      %eq3A_1994 = arith.cmpi eq, %iota3A, %eq3A_1993 : vector<16xi32>
      %select_n3A_1995 = arith.select %eq3A_1994, %add3A_1963, %select_n3A_1899 : vector<16xi1>, vector<16xf32>
      %eq3A_1996 = arith.constant 13 : i32
      %eq3A_1997 = vector.broadcast %eq3A_1996 : i32 to vector<16xi32>
      %eq3A_1998 = arith.cmpi eq, %iota3A, %eq3A_1997 : vector<16xi32>
      %select_n3A_1999 = arith.select %eq3A_1998, %add3A_1991, %select_n3A_1995 : vector<16xi1>, vector<16xf32>
      %mul3A_2000 = arith.constant 8 : i32
      %mul3A_2001 = arith.muli %scan3A_1305, %mul3A_2000 : i32
      %add3A_2002 = arith.constant 7 : i32
      %add3A_2003 = arith.addi %mul3A_2001, %add3A_2002 : i32
      %scan3A_2004 = arith.constant 0 : i32
      %scan3A_2005 = arith.constant 12 : i32
      %scan3A_2006 = arith.addi %scan3A_2004, %scan3A_2005 : i32
      %scan3A_2007 = arith.constant 1 : i32
      %scan3A_2008:2 = scf.for %scan3A_2109 = %scan3A_2004 to %scan3A_2006 step %scan3A_2007 iter_args(%scan3A_2110 = %broadcast_in_dim3A_644, %scan3A_2111 = %broadcast_in_dim3A_644) -> (vector<16xf32>, vector<16xf32>)  : i32 {
        %mul3A_2112 = arith.constant 16 : i32
        %mul3A_2113 = arith.muli %scan3A_2109, %mul3A_2112 : i32
        %get3A_2114 = arith.index_cast %add3A_2003 : i32 to index
        %get3A_2115 = arith.index_cast %mul3A_2113 : i32 to index
        %get3A_2116 = tpu.vector_load %arg8[%get3A_2114, %get3A_2115] {strides = array<i32>} : memref<32x200xf32, #tpu.memory_space<vmem>>, vector<1x16xf32>,
        %get3A_2117 = vector.shape_cast %get3A_2116 : vector<1x16xf32> to vector<16xf32>
        %get3A_2118 = arith.index_cast %add3A_2003 : i32 to index
        %get3A_2119 = arith.index_cast %mul3A_2113 : i32 to index
        %get3A_2120 = tpu.vector_load %arg9[%get3A_2118, %get3A_2119] {strides = array<i32>} : memref<32x200xi32, #tpu.memory_space<vmem>>, vector<1x16xi32>,
        %get3A_2121 = vector.shape_cast %get3A_2120 : vector<1x16xi32> to vector<16xi32>
        %shift_left3A_2122 = arith.constant 16 : i32
        %shift_left3A_2123 = vector.broadcast %shift_left3A_2122 : i32 to vector<16xi32>
        %shift_left3A_2124 = arith.shli %get3A_2121, %shift_left3A_2123 : vector<16xi32>
        %bitcast_convert_type3A_2125 = tpu.bitcast %shift_left3A_2124 : vector<16xi32> -> vector<16xf32>
        %and3A_2126 = arith.constant -65536 : i32
        %and3A_2127 = vector.broadcast %and3A_2126 : i32 to vector<16xi32>
        %and3A_2128 = arith.andi %get3A_2121, %and3A_2127 : vector<16xi32>
        %bitcast_convert_type3A_2129 = tpu.bitcast %and3A_2128 : vector<16xi32> -> vector<16xf32>
        %mul3A_2130 = arith.mulf %bitcast_convert_type3A_2125, %get3A_2117 : vector<16xf32>
        %add3A_2131 = arith.addf %scan3A_2110, %mul3A_2130 : vector<16xf32>
        %mul3A_2132 = arith.mulf %bitcast_convert_type3A_2129, %get3A_2117 : vector<16xf32>
        %add3A_2133 = arith.addf %scan3A_2111, %mul3A_2132 : vector<16xf32>
        scf.yield %add3A_2131, %add3A_2133 : vector<16xf32>, vector<16xf32>
      }
      %scan3A_2009 = arith.constant 12 : i32
      %get3A_2010 = arith.index_cast %add3A_2003 : i32 to index
      %get3A_2011 = arith.constant 184 : index
      %get3A_2012 = tpu.vector_load %arg8[%get3A_2010, %get3A_2011] {strides = array<i32>} : memref<32x200xf32, #tpu.memory_space<vmem>>, vector<1x16xf32>,
      %get3A_2013 = vector.shape_cast %get3A_2012 : vector<1x16xf32> to vector<16xf32>
      %lt3A_2014 = arith.constant 8 : i32
      %lt3A_2015 = vector.broadcast %lt3A_2014 : i32 to vector<16xi32>
      %lt3A_2016 = arith.cmpi slt, %iota3A, %lt3A_2015 : vector<16xi32>
      %jit3A_2017 = arith.constant 0.000000e+00 : f32
      %broadcast_in_dim3A_2018 = vector.broadcast %jit3A_2017 : f32 to vector<16xf32>
      %select_n3A_2019 = arith.select %lt3A_2016, %broadcast_in_dim3A_2018, %get3A_2013 : vector<16xi1>, vector<16xf32>
      %get3A_2020 = arith.index_cast %add3A_2003 : i32 to index
      %get3A_2021 = arith.constant 184 : index
      %get3A_2022 = tpu.vector_load %arg9[%get3A_2020, %get3A_2021] {strides = array<i32>} : memref<32x200xi32, #tpu.memory_space<vmem>>, vector<1x16xi32>,
      %get3A_2023 = vector.shape_cast %get3A_2022 : vector<1x16xi32> to vector<16xi32>
      %shift_left3A_2024 = arith.constant 16 : i32
      %shift_left3A_2025 = vector.broadcast %shift_left3A_2024 : i32 to vector<16xi32>
      %shift_left3A_2026 = arith.shli %get3A_2023, %shift_left3A_2025 : vector<16xi32>
      %bitcast_convert_type3A_2027 = tpu.bitcast %shift_left3A_2026 : vector<16xi32> -> vector<16xf32>
      %and3A_2028 = arith.constant -65536 : i32
      %and3A_2029 = vector.broadcast %and3A_2028 : i32 to vector<16xi32>
      %and3A_2030 = arith.andi %get3A_2023, %and3A_2029 : vector<16xi32>
      %bitcast_convert_type3A_2031 = tpu.bitcast %and3A_2030 : vector<16xi32> -> vector<16xf32>
      %mul3A_2032 = arith.mulf %bitcast_convert_type3A_2027, %select_n3A_2019 : vector<16xf32>
      %add3A_2033 = arith.addf %scan3A_2008#0, %mul3A_2032 : vector<16xf32>
      %mul3A_2034 = arith.mulf %bitcast_convert_type3A_2031, %select_n3A_2019 : vector<16xf32>
      %add3A_2035 = arith.addf %scan3A_2008#1, %mul3A_2034 : vector<16xf32>
      %xor3A_2036 = arith.constant 8 : i32
      %xor3A_2037 = vector.broadcast %xor3A_2036 : i32 to vector<16xi32>
      %xor3A_2038 = arith.xori %iota3A, %xor3A_2037 : vector<16xi32>
      %broadcast_in_dim3A_2039 = vector.shape_cast %xor3A_2038 : vector<16xi32> to vector<16x1xi32>
      %gather3A_2040 = vector.shape_cast %broadcast_in_dim3A_2039 : vector<16x1xi32> to vector<16xi32>
      %gather3A_2041 = tpu.dynamic_gather %add3A_2033[%gather3A_2040] in [0] : vector<16xf32>, vector<16xi32> -> vector<16xf32>
      %add3A_2042 = arith.addf %add3A_2033, %gather3A_2041 : vector<16xf32>
      %xor3A_2043 = arith.constant 4 : i32
      %xor3A_2044 = vector.broadcast %xor3A_2043 : i32 to vector<16xi32>
      %xor3A_2045 = arith.xori %iota3A, %xor3A_2044 : vector<16xi32>
      %broadcast_in_dim3A_2046 = vector.shape_cast %xor3A_2045 : vector<16xi32> to vector<16x1xi32>
      %gather3A_2047 = vector.shape_cast %broadcast_in_dim3A_2046 : vector<16x1xi32> to vector<16xi32>
      %gather3A_2048 = tpu.dynamic_gather %add3A_2042[%gather3A_2047] in [0] : vector<16xf32>, vector<16xi32> -> vector<16xf32>
      %add3A_2049 = arith.addf %add3A_2042, %gather3A_2048 : vector<16xf32>
      %xor3A_2050 = arith.constant 2 : i32
      %xor3A_2051 = vector.broadcast %xor3A_2050 : i32 to vector<16xi32>
      %xor3A_2052 = arith.xori %iota3A, %xor3A_2051 : vector<16xi32>
      %broadcast_in_dim3A_2053 = vector.shape_cast %xor3A_2052 : vector<16xi32> to vector<16x1xi32>
      %gather3A_2054 = vector.shape_cast %broadcast_in_dim3A_2053 : vector<16x1xi32> to vector<16xi32>
      %gather3A_2055 = tpu.dynamic_gather %add3A_2049[%gather3A_2054] in [0] : vector<16xf32>, vector<16xi32> -> vector<16xf32>
      %add3A_2056 = arith.addf %add3A_2049, %gather3A_2055 : vector<16xf32>
      %xor3A_2057 = arith.constant 1 : i32
      %xor3A_2058 = vector.broadcast %xor3A_2057 : i32 to vector<16xi32>
      %xor3A_2059 = arith.xori %iota3A, %xor3A_2058 : vector<16xi32>
      %broadcast_in_dim3A_2060 = vector.shape_cast %xor3A_2059 : vector<16xi32> to vector<16x1xi32>
      %gather3A_2061 = vector.shape_cast %broadcast_in_dim3A_2060 : vector<16x1xi32> to vector<16xi32>
      %gather3A_2062 = tpu.dynamic_gather %add3A_2056[%gather3A_2061] in [0] : vector<16xf32>, vector<16xi32> -> vector<16xf32>
      %add3A_2063 = arith.addf %add3A_2056, %gather3A_2062 : vector<16xf32>
      %xor3A_2064 = arith.constant 8 : i32
      %xor3A_2065 = vector.broadcast %xor3A_2064 : i32 to vector<16xi32>
      %xor3A_2066 = arith.xori %iota3A, %xor3A_2065 : vector<16xi32>
      %broadcast_in_dim3A_2067 = vector.shape_cast %xor3A_2066 : vector<16xi32> to vector<16x1xi32>
      %gather3A_2068 = vector.shape_cast %broadcast_in_dim3A_2067 : vector<16x1xi32> to vector<16xi32>
      %gather3A_2069 = tpu.dynamic_gather %add3A_2035[%gather3A_2068] in [0] : vector<16xf32>, vector<16xi32> -> vector<16xf32>
      %add3A_2070 = arith.addf %add3A_2035, %gather3A_2069 : vector<16xf32>
      %xor3A_2071 = arith.constant 4 : i32
      %xor3A_2072 = vector.broadcast %xor3A_2071 : i32 to vector<16xi32>
      %xor3A_2073 = arith.xori %iota3A, %xor3A_2072 : vector<16xi32>
      %broadcast_in_dim3A_2074 = vector.shape_cast %xor3A_2073 : vector<16xi32> to vector<16x1xi32>
      %gather3A_2075 = vector.shape_cast %broadcast_in_dim3A_2074 : vector<16x1xi32> to vector<16xi32>
      %gather3A_2076 = tpu.dynamic_gather %add3A_2070[%gather3A_2075] in [0] : vector<16xf32>, vector<16xi32> -> vector<16xf32>
      %add3A_2077 = arith.addf %add3A_2070, %gather3A_2076 : vector<16xf32>
      %xor3A_2078 = arith.constant 2 : i32
      %xor3A_2079 = vector.broadcast %xor3A_2078 : i32 to vector<16xi32>
      %xor3A_2080 = arith.xori %iota3A, %xor3A_2079 : vector<16xi32>
      %broadcast_in_dim3A_2081 = vector.shape_cast %xor3A_2080 : vector<16xi32> to vector<16x1xi32>
      %gather3A_2082 = vector.shape_cast %broadcast_in_dim3A_2081 : vector<16x1xi32> to vector<16xi32>
      %gather3A_2083 = tpu.dynamic_gather %add3A_2077[%gather3A_2082] in [0] : vector<16xf32>, vector<16xi32> -> vector<16xf32>
      %add3A_2084 = arith.addf %add3A_2077, %gather3A_2083 : vector<16xf32>
      %xor3A_2085 = arith.constant 1 : i32
      %xor3A_2086 = vector.broadcast %xor3A_2085 : i32 to vector<16xi32>
      %xor3A_2087 = arith.xori %iota3A, %xor3A_2086 : vector<16xi32>
      %broadcast_in_dim3A_2088 = vector.shape_cast %xor3A_2087 : vector<16xi32> to vector<16x1xi32>
      %gather3A_2089 = vector.shape_cast %broadcast_in_dim3A_2088 : vector<16x1xi32> to vector<16xi32>
      %gather3A_2090 = tpu.dynamic_gather %add3A_2084[%gather3A_2089] in [0] : vector<16xf32>, vector<16xi32> -> vector<16xf32>
      %add3A_2091 = arith.addf %add3A_2084, %gather3A_2090 : vector<16xf32>
      %eq3A_2092 = arith.constant 14 : i32
      %eq3A_2093 = vector.broadcast %eq3A_2092 : i32 to vector<16xi32>
      %eq3A_2094 = arith.cmpi eq, %iota3A, %eq3A_2093 : vector<16xi32>
      %select_n3A_2095 = arith.select %eq3A_2094, %add3A_2063, %select_n3A_1999 : vector<16xi1>, vector<16xf32>
      %eq3A_2096 = arith.constant 15 : i32
      %eq3A_2097 = vector.broadcast %eq3A_2096 : i32 to vector<16xi32>
      %eq3A_2098 = arith.cmpi eq, %iota3A, %eq3A_2097 : vector<16xi32>
      %select_n3A_2099 = arith.select %eq3A_2098, %add3A_2091, %select_n3A_2095 : vector<16xi1>, vector<16xf32>
      %div3A = arith.constant 2.000000e+02 : f32
      %div3A_2100 = vector.broadcast %div3A : f32 to vector<16xf32>
      %div3A_2101 = arith.divf %select_n3A_2099, %div3A_2100 : vector<16xf32>
      %add3A_2102 = arith.addf %div3A_2101, %gather3A_648 : vector<16xf32>
      %mul3A_2103 = arith.constant 16 : i32
      %mul3A_2104 = arith.muli %scan3A_1305, %mul3A_2103 : i32
      %swap3A = arith.index_cast %mul3A_2104 : i32 to index
      %swap3A_2105 = tpu.vector_load %arg11[%swap3A] {strides = array<i32>} : memref<64xf32, #tpu.memory_space<vmem>>, vector<16xf32>,
      %swap3A_2106 = vector.shape_cast %swap3A_2105 : vector<16xf32> to vector<16xf32>
      %swap3A_2107 = vector.shape_cast %add3A_2102 : vector<16xf32> to vector<16xf32>
      tpu.vector_store %arg11[%swap3A], %swap3A_2107 {strides = array<i32>} : memref<64xf32, #tpu.memory_space<vmem>>, vector<16xf32>,
      %scan3A_2108 = arith.constant 0 : i32
      scf.yield %scan3A_2108 : i32
    }
    %scan3A_1300 = arith.constant 2 : i32
    %mul3A_1301 = arith.constant 2 : i32
    %mul3A_1302 = arith.muli %add3A, %mul3A_1301 : i32
    %mul3A_1303 = arith.constant 32 : i32
    %mul3A_1304 = arith.muli %mul3A_1302, %mul3A_1303 : i32
    "tpu.region"() ({
      %run_scoped3A = tpu.sem_alloc : memref<!tpu.dma_semaphore, #tpu.memory_space<semaphore_mem>>
      %dma_start3A_1305 = tpu.memref_slice %arg6[%mul3A_1304] : memref<2048xf32, #tpu.memory_space<hbm>> -> memref<64xf32, #tpu.memory_space<hbm>>
      %dma_start3A_1306 = tpu.memref_slice %arg6[%mul3A_1304] : memref<2048xf32, #tpu.memory_space<hbm>> -> memref<64xf32, #tpu.memory_space<hbm>>
      tpu.enqueue_dma source(%arg11 : memref<64xf32, #tpu.memory_space<vmem>>) target(%dma_start3A_1306 : memref<64xf32, #tpu.memory_space<hbm>>) target_semaphore(%run_scoped3A : memref<!tpu.dma_semaphore, #tpu.memory_space<semaphore_mem>>)
      %dma_wait3A_1307 = tpu.memref_slice %arg6[%mul3A_1304] : memref<2048xf32, #tpu.memory_space<hbm>> -> memref<64xf32, #tpu.memory_space<hbm>>
      %dma_wait3A_1308 = tpu.memref_slice %arg6[%mul3A_1304] : memref<2048xf32, #tpu.memory_space<hbm>> -> memref<64xf32, #tpu.memory_space<hbm>>
      tpu.wait_dma2 semaphore(%run_scoped3A : memref<!tpu.dma_semaphore, #tpu.memory_space<semaphore_mem>>) src(%arg11 : memref<64xf32, #tpu.memory_space<vmem>>) dst(%dma_wait3A_1308 : memref<64xf32, #tpu.memory_space<hbm>>)
      tpu.yield
    }) : () -> ()
    return
  }
}

module attributes {stable_mosaic.version = 14 : i64} {
  func.func @_proj_body(%arg0: i32, %arg1: memref<3072x768xf32, #tpu.memory_space<vmem>>, %arg2: memref<768x2xf32, #tpu.memory_space<vmem>>, %arg3: memref<3072xi32, #tpu.memory_space<vmem>>) attributes {dimension_semantics = [#tpu.dimension_semantics<arbitrary>], iteration_bounds = array<i64: 10>, scalar_prefetch = 0 : i64, scratch_operands = 0 : i64, tpu.core_type = #tpu.core_type<tc>, window_params = [{transform_indices = @transform_0, window_bounds = array<i64: 3072, 768>}, {pipeline_mode = #tpu.pipeline_mode<synchronous>, transform_indices = @transform_1, window_bounds = array<i64: 768, 2>}, {transform_indices = @transform_2, window_bounds = array<i64: 3072>}]} {
    %get3A = arith.constant 0 : index
    %get3A_0 = arith.constant 0 : index
    %get3A_1 = vector.load %arg1[%get3A, %get3A_0] : memref<3072x768xf32, #tpu.memory_space<vmem>>, vector<3072x768xf32>
    %get3A_2 = arith.constant 0 : index
    %get3A_3 = arith.constant 0 : index
    %get3A_4 = vector.load %arg2[%get3A_2, %get3A_3] : memref<768x2xf32, #tpu.memory_space<vmem>>, vector<768x2xf32>
    %dot_general3A = arith.constant dense<0.000000e+00> : vector<3072x2xf32>
    %dot_general3A_5 = tpu.matmul %get3A_1, %get3A_4, %dot_general3A {dimension_numbers = #tpu.dot_dimension_numbers<[1], [0], [0], [1], [0, 0, 1, 1], [], []>, transpose_lhs_hint = false} : vector<3072x768xf32>, vector<768x2xf32>, vector<3072x2xf32> -> vector<3072x2xf32>
    %slice3A = vector.extract_strided_slice %dot_general3A_5 {offsets = [0, 0], sizes = [3072, 1], strides = [1, 1]} : vector<3072x2xf32> to vector<3072x1xf32>
    %squeeze3A = vector.shape_cast %slice3A : vector<3072x1xf32> to vector<3072xf32>
    %bitcast_convert_type3A = tpu.bitcast %squeeze3A : vector<3072xf32> -> vector<3072xi32>
    %slice3A_6 = vector.extract_strided_slice %dot_general3A_5 {offsets = [0, 1], sizes = [3072, 1], strides = [1, 1]} : vector<3072x2xf32> to vector<3072x1xf32>
    %squeeze3A_7 = vector.shape_cast %slice3A_6 : vector<3072x1xf32> to vector<3072xf32>
    %bitcast_convert_type3A_8 = tpu.bitcast %squeeze3A_7 : vector<3072xf32> -> vector<3072xi32>
    %add3A = arith.constant 32767 : i32
    %add3A_9 = vector.broadcast %add3A : i32 to vector<3072xi32>
    %add3A_10 = arith.addi %bitcast_convert_type3A, %add3A_9 : vector<3072xi32>
    %shift_right_logical3A = arith.constant 16 : i32
    %shift_right_logical3A_11 = vector.broadcast %shift_right_logical3A : i32 to vector<3072xi32>
    %shift_right_logical3A_12 = arith.shrui %bitcast_convert_type3A, %shift_right_logical3A_11 : vector<3072xi32>
    %and3A = arith.constant 1 : i32
    %and3A_13 = vector.broadcast %and3A : i32 to vector<3072xi32>
    %and3A_14 = arith.andi %shift_right_logical3A_12, %and3A_13 : vector<3072xi32>
    %add3A_15 = arith.addi %add3A_10, %and3A_14 : vector<3072xi32>
    %and3A_16 = arith.constant -65536 : i32
    %and3A_17 = vector.broadcast %and3A_16 : i32 to vector<3072xi32>
    %and3A_18 = arith.andi %add3A_15, %and3A_17 : vector<3072xi32>
    %shift_right_logical3A_19 = arith.constant 16 : i32
    %shift_right_logical3A_20 = vector.broadcast %shift_right_logical3A_19 : i32 to vector<3072xi32>
    %shift_right_logical3A_21 = arith.shrui %and3A_18, %shift_right_logical3A_20 : vector<3072xi32>
    %add3A_22 = arith.constant 32767 : i32
    %add3A_23 = vector.broadcast %add3A_22 : i32 to vector<3072xi32>
    %add3A_24 = arith.addi %bitcast_convert_type3A_8, %add3A_23 : vector<3072xi32>
    %shift_right_logical3A_25 = arith.constant 16 : i32
    %shift_right_logical3A_26 = vector.broadcast %shift_right_logical3A_25 : i32 to vector<3072xi32>
    %shift_right_logical3A_27 = arith.shrui %bitcast_convert_type3A_8, %shift_right_logical3A_26 : vector<3072xi32>
    %and3A_28 = arith.constant 1 : i32
    %and3A_29 = vector.broadcast %and3A_28 : i32 to vector<3072xi32>
    %and3A_30 = arith.andi %shift_right_logical3A_27, %and3A_29 : vector<3072xi32>
    %add3A_31 = arith.addi %add3A_24, %and3A_30 : vector<3072xi32>
    %and3A_32 = arith.constant -65536 : i32
    %and3A_33 = vector.broadcast %and3A_32 : i32 to vector<3072xi32>
    %and3A_34 = arith.andi %add3A_31, %and3A_33 : vector<3072xi32>
    %or3A = arith.ori %shift_right_logical3A_21, %and3A_34 : vector<3072xi32>
    %swap3A = arith.constant 0 : index
    %swap3A_35 = vector.load %arg3[%swap3A] : memref<3072xi32, #tpu.memory_space<vmem>>, vector<3072xi32>
    tpu.vector_store %arg3[%swap3A], %or3A {strides = array<i32>} : memref<3072xi32, #tpu.memory_space<vmem>>, vector<3072xi32>,
    return
  }
  func.func @transform_0(%arg0: i32) -> (i32, i32) {
    %c0_i32 = arith.constant 0 : i32
    %c0_i32_0 = arith.constant 0 : i32
    return %arg0, %c0_i32 : i32, i32
  }
  func.func @transform_1(%arg0: i32) -> (i32, i32) {
    %c0_i32 = arith.constant 0 : i32
    %c0_i32_0 = arith.constant 0 : i32
    %c0_i32_1 = arith.constant 0 : i32
    return %c0_i32, %c0_i32_0 : i32, i32
  }
  func.func @transform_2(%arg0: i32) -> i32 {
    %c0_i32 = arith.constant 0 : i32
    return %arg0 : i32
  }
}

</mosaic_0001>

<sc_bundles>
// kernel: kernel.4.cloned.1.call-start
scs
__scs_entry_jumppad:
0x0: {  	(pc) =	sbr.rel $0x88, $3  }
0x1: {  	(tag) =	ssettag $0x0;
	lr =	simm.s32 $0x1  }
0x2: {  	[smem:$0x3F9C] =	sst lr;
	_ =	strace $0xD0000000  }
0x3: {  	_ = 	snop  }
0x4: {  	_ = 	snop  }
0x5: {  	_ = 	snop  }
0x6: {  	_ = 	snop  }
0x7: {  	_ = 	snop  }
__scs_overlays_trampoline_lowered:
0x8: {  	[smem:$0x3FAB] =	sst s0  }
0x9: {  	[smem:$0x3FAC] =	sst s1  }
0xa: {  	[smem:$0x3FAD] =	sst s2  }
0xb: {  	[smem:$0x3FAE] =	sst s3  }
0xc: {  	[smem:$0x3FAF] =	sst s4  }
0xd: {  	[smem:$0x3FB0] =	sst s5  }
0xe: {  	[smem:$0x3FB1] =	sst s6  }
0xf: {  	[smem:$0x3FB2] =	sst s7  }
0x10: {  	[smem:$0x3FB3] =	sst s8  }
0x11: {  	[smem:$0x3FB4] =	sst s9;
	s0 =	simm.s32 @!p0 $0x0  }
0x12: {  	s1 =	sld [smem:$0x3F9A];
	s0 =	simm.s32 @p0 $0x1  }
0x13: {  	[smem:$0x3FB5] =	sst s0;
	s0 =	simm.s32 @!p1 $0x0  }
0x14: {  	s2 =	sld [smem:$0x3F99];
	s0 =	simm.s32 @p1 $0x1  }
0x15: {  	[smem:$0x3FB6] =	sst s0;
	s0 =	simm.s32 @!p2 $0x0  }
0x16: {  	s3 =	sld [smem:$0x3FDB];
	s0 =	simm.s32 @p2 $0x1  }
0x17: {  	s4 =	simm.s32 $0x1BF5;
	[smem:$0x3FB8] =	sst s0  }
0x18: {  	s0 =	sld [smem:$0x3F9B];
	_ =	swait.ge [sflag:s4], $0x0  }
0x19: {  	s7 =	sld [smem:$0x3F9C]  }
0x1a: {  	s8 =	sadd.s32 $0xFFFFE003, lr  }
0x1b: {  	s9 =	sadd.s32 $0xFFFFFEF7, lr;
	s5 =	simm.s32 $0xFFFFFFFF;
	p2 =	slt.u32 s8, $0xFFFFF086  }
0x1c: {  	p1 =	slt.u32 s9, $0xF7A;
	s5 =	simm.s32 @!p2 $0x0  }
0x1d: {  	s5 =	simm.s32 @p1 $0x1;
	p0 =	seq.s32 s7, s2  }
0x1e: {  	s7 =	smul.u32 @!p0 $0xF7A, s2;
	p2 =	seq.s32 @!p0 s5, $0x0  }
0x1f: {  	s9 =	smul.u32 $0xF7A, s1;
	s8 =	simm.s32 @!p0 $0x1BF5;
	p2 =	por !p2, p0  }
0x20: {  	[sflag:s8] =	ssyncset.s32 @!p0 $0xFFFFF086;
	s6 =	sadd.s32 @!p0 s3, s7;
	s7 =	simm.s32 @!p0 $0x108  }
0x21: {  	s3 =	sadd.s32 s3, s9;
	s6 =	sadd.s32 @!p0 $0x88, s6;
	s7 =	simm.s32 @p2 $0x1082  }
0x22: {  	[simem:s7], [sflag:s8] =	dma.local @!p0 [hbm:s6], $0xF7A  }
0x23: {  	s9 =	sor.u32 $0xD0000000, s2;
	s6 =	simm.s32 $0x108;
	_ =	swait.ge @!p0 [sflag:s8], $0x0  }
0x24: {  	s3 =	sadd.s32 $0x88, s3;
	s6 =	simm.s32 @!p1 $0x1082;
	[sflag:s4] =	ssyncset.s32 $0xFFFFF086  }
0x25: {  	[simem:s6], [sflag:s4] =	dma.local [hbm:s3], $0xF7A  }
0x26: {  	[smem:$0x3F9C] =	sst s1;
	(tag) =	ssettag s2;
	_ =	strace s9  }
0x27: {  	s1 =	sld [smem:$0x3FAC]  }
0x28: {  	s2 =	sld [smem:$0x3FAD]  }
0x29: {  	s4 =	sld [smem:$0x3FAF]  }
0x2a: {  	p0 =	seq.s32 s5, $0x0;
	s5 =	sld [smem:$0x3FB0]  }
0x2b: {  	s6 =	sld [smem:$0x3FB1]  }
0x2c: {  	s7 =	sld [smem:$0x3FB2]  }
0x2d: {  	s3 =	simm.s32 $0x108;
	s8 =	sld [smem:$0x3FB3]  }
0x2e: {  	s3 =	simm.s32 @!p0 $0x1082;
	s9 =	sld [smem:$0x3FB4]  }
0x2f: {  	lr =	sadd.s32 s0, s3;
	s0 =	sld [smem:$0x3FAB]  }
0x30: {  	s3 =	sld [smem:$0x3FAE]  }
0x31: {  	[smem:$0x3FB7] =	sst s10  }
0x32: {  	s10 =	sld [smem:$0x3FB5];
	_ =	sdelay $0x3  }
0x33: {  	p0 =	seq.s32 s10, $0x1;
	s10 =	sld [smem:$0x3FB7];
	_ =	sdelay $0x3  }
0x34: {  	[smem:$0x3FB7] =	sst s10  }
0x35: {  	s10 =	sld [smem:$0x3FB6];
	_ =	sdelay $0x3  }
0x36: {  	p1 =	seq.s32 s10, $0x1;
	s10 =	sld [smem:$0x3FB7];
	_ =	sdelay $0x3  }
0x37: {  	[smem:$0x3FB7] =	sst s10  }
0x38: {  	s10 =	sld [smem:$0x3FB8]  }
0x39: {  	_ = 	snop;
	(pc) =	sbr.ind lr, $3  }
0x3a: {  	_ = 	snop  }
0x3b: {  	_ = 	snop  }
0x3c: {  	p2 =	seq.s32 s10, $0x1;
	s10 =	sld [smem:$0x3FB7]  }
0x3d: {  	_ =	shalt  }
0x3e: {  	_ =	shalt  }
0x3f: {  	_ =	shalt  }
0x40: {  	_ =	shalt  }
0x41: {  	_ =	shalt  }
0x42: {  	_ =	shalt  }
0x43: {  	_ =	shalt  }
0x44: {  	_ =	shalt  }
0x45: {  	_ =	shalt  }
0x46: {  	_ =	shalt  }
0x47: {  	_ =	shalt  }
0x48: {  	_ =	shalt  }
0x49: {  	_ =	shalt  }
0x4a: {  	_ =	shalt  }
0x4b: {  	_ =	shalt  }
0x4c: {  	_ =	shalt  }
0x4d: {  	_ =	shalt  }
0x4e: {  	_ =	shalt  }
0x4f: {  	_ =	shalt  }
0x50: {  	_ =	shalt  }
0x51: {  	_ =	shalt  }
0x52: {  	_ =	shalt  }
0x53: {  	_ =	shalt  }
0x54: {  	_ =	shalt  }
0x55: {  	_ =	shalt  }
0x56: {  	_ =	shalt  }
0x57: {  	_ =	shalt  }
0x58: {  	_ =	shalt  }
0x59: {  	_ =	shalt  }
0x5a: {  	_ =	shalt  }
0x5b: {  	_ =	shalt  }
0x5c: {  	_ =	shalt  }
0x5d: {  	_ =	shalt  }
0x5e: {  	_ =	shalt  }
0x5f: {  	_ =	shalt  }
0x60: {  	_ =	shalt  }
0x61: {  	_ =	shalt  }
0x62: {  	_ =	shalt  }
0x63: {  	_ =	shalt  }
0x64: {  	_ =	shalt  }
0x65: {  	_ =	shalt  }
0x66: {  	_ =	shalt  }
0x67: {  	_ =	shalt  }
0x68: {  	_ =	shalt  }
0x69: {  	_ =	shalt  }
0x6a: {  	_ =	shalt  }
0x6b: {  	_ =	shalt  }
0x6c: {  	_ =	shalt  }
0x6d: {  	_ =	shalt  }
0x6e: {  	_ =	shalt  }
0x6f: {  	_ =	shalt  }
0x70: {  	_ =	shalt  }
0x71: {  	_ =	shalt  }
0x72: {  	_ =	shalt  }
0x73: {  	_ =	shalt  }
0x74: {  	_ =	shalt  }
0x75: {  	_ =	shalt  }
0x76: {  	_ =	shalt  }
0x77: {  	_ =	shalt  }
0x78: {  	_ =	shalt  }
0x79: {  	_ =	shalt  }
0x7a: {  	_ =	shalt  }
0x7b: {  	_ =	shalt  }
0x7c: {  	_ =	shalt  }
0x7d: {  	_ =	shalt  }
0x7e: {  	_ =	shalt  }
0x7f: {  	_ =	shalt  }
0x80: {  	_ =	shalt  }
0x81: {  	_ =	shalt  }
0x82: {  	_ =	shalt  }
0x83: {  	_ =	shalt  }
0x84: {  	_ =	shalt  }
0x85: {  	_ =	shalt  }
0x86: {  	_ =	shalt  }
0x87: {  	_ =	shalt  }
.Lfunc_end0:
.L_simem_size_0:
called_computation_lowered:
.L_overlay_start_0:
0x88: {  	s2 =	sld [smem:$0x3FD9]  }
0x89: {  	s3 =	sld [smem:$0x3FFE];
	_ =	sdelay $0x1  }
0x8a: {  	s1 =	srdreg.scid  }
0x8b: {  	s0 =	sand.u32 $0x1, s1  }
0x8c: {  	s17 =	sshll.u32 s0, $0xA;
	s2 =	sadd.s32 s3, s2  }
0x8d: {  	s2 =	sadd.s32 s2, s17  }
0x8e: {  	[smem:$0x3FC3] =	sst s2  }
0x8f: {  	_ = 	snop  }
0x90: {  	s2 =	sld [smem:$0x3FD0];
	(tm) =	ssettm $0x1  }
0x91: {  	s18 =	sld [smem:$0x3FFB];
	_ =	sdelay $0x3  }
0x92: {  	_ =	strace s18  }
0x93: {  	s3 =	sld [smem:$0x3FFC];
	_ =	sdelay $0x3  }
0x94: {  	_ =	strace s3  }
0x95: {  	s3 =	sld [smem:$0x3FFD];
	_ =	sdelay $0x3  }
0x96: {  	_ =	strace s3  }
0x97: {  	_ =	strace $0x8FFFFFFF  }
0x98: {  	s19 =	sld [smem:$0x3FDB];
	_ =	sdelay $0x1  }
0x99: {  	s4 =	simm.s32 $_scs_section_size  }
0x9a: {  	s5 =	simm.s32 $_size__tile_overlayer_lowered;
	s6 =	simm.s32 $_tile_overlayer_lowered  }
0x9b: {  	s22 =	simm.s32 $0x1BFF;
	s21 =	sshll.u32 s6, $0x1;
	s3 =	sadd.s32 s4, s19  }
0x9c: {  	s7 =	simm.s32 $0x0;
	s20 =	sshll.u32 s5, $0x1;
	s5 =	sadd.s32 s21, s3  }
0x9d: {  	[timem:s7], [sflag:s22] =	dma.local [hbm:s5], s20  }
0x9e: {  	_ =	swait.ge [sflag:s22], s20  }
0x9f: {  	s4 =	ssub.s32 $0x0, s20;
	[sflag:s22] =	ssyncset.done $0x0  }
0xa0: {  	[sflag:s22] =	ssyncadd.s32 s4;
	_ =	sdelay $0x1  }
0xa1: {  	s23 =	simm.s32 $0x1B8B  }
0xa2: {  	_ =	swait.ge [sflag:s23], $0x1  }
0xa3: {  	[sflag:s23] =	ssyncset.done $0x0  }
0xa4: {  	s25 =	simm.s32 $0x1B8E;
	s24 =	sld [smem:$0x3FFE];
	[sflag:s23] =	ssyncadd.s32 $0xFFFFFFFF  }
0xa5: {  	s26 =	simm.s32 $execute0_lowered;
	[smem:$0x3FD2] =	sst s25  }
0xa6: {  	s5 =	sshll.u32 s26, $0x1;
	_ =	strace $0x80000046;
	[dreg:$0x1] =	wrdreg $0xFFFFFFFF  }
0xa7: {  	s28 =	simm.s32 $_size_execute0_lowered;
	s3 =	sadd.s32 s3, s5;
	[dreg:$0x0] =	wrdreg $0x0  }
0xa8: {  	s5 =	sshll.u32 s28, $0x1;
	[dreg:$0x2] =	wrdreg s3  }
0xa9: {  	[dreg:$0x3] =	wrdreg s5  }
0xaa: {  	[dreg:$0x4] =	wrdreg $0xC0  }
0xab: {  	_ =	task [dreg:s7], $0x5FFFF  }
0xac: {  	[dreg:$0x1] =	wrdreg $0xFFFFFFFF  }
0xad: {  	[dreg:$0x0] =	wrdreg $0x60  }
0xae: {  	[dreg:$0x2] =	wrdreg s24  }
0xaf: {  	[dreg:$0x3] =	wrdreg s2  }
0xb0: {  	[dreg:$0x4] =	wrdreg $0x9  }
0xb1: {  	_ =	task.clear_ibuf [dreg:s7], $0x5FFFF;
	_ =	strace $0x90000046  }
0xb2: {  	s29 =	simm.s32 $0x9;
	_ =	strace $0x80000048  }
0xb3: {  	_ =	swait.ge [sflag:s29], $0x1  }
0xb4: {  	[sflag:s29] =	ssyncadd.s32 $0xFFFFFFFF  }
0xb5: {  	_ =	strace $0x90000048  }
0xb6: {  	_ =	sfence  }
0xb7: {  	s30 =	sld [smem:$0x0];
	_ =	sdelay $0x2  }
0xb8: {  	s31 =	sshll.u32 s1, $0xD;
	s1 =	sshrl.u32 s1, $0x2  }
0xb9: {  	s3 =	sand.u32 $0x4000, s31;
	s1 =	sadd.s32 s1, s30  }
0xba: {  	s0 =	sor.u32 s3, s0;
	s1 =	sshll.u32 s1, $0x11  }
0xbb: {  	s0 =	sor.u32 s1, s0  }
0xbc: {  	s0 =	sadd.s32 $0x8F2B, s0  }
0xbd: {  	[sflag:s0] =	ssyncadd.remote.s32 $0x1  }
0xbe: {  	_ =	sfence.sel $0xFFFF  }
0xbf: {  	[dreg:$0x0] =	wrdreg $0xFFFFFFFF;
	(pc) =	sbr.abs _section_cstart, $3  }
0xc0: {  	[dreg:$0x1] =	wrdreg $0xFFFFFFFF  }
0xc1: {  	_ =	task.clear_ibuf [dreg:s7], $0x2FFFF;
	_ =	strace $0x9FFFFFFF  }
0xc2: {  	(tm) =	ssettm $0x7FFFFFFF  }
0xc3: {  	_ =	shalt  }
tec
execute0_lowered:
.L_overlay_start_1:
0x0: {  	(tag) =	ssettag $0x1  }
0x1: {  	v0 =	vimm.s32 $0x76543210;
	v1 =	vimm.s32 $0xFEDCBA98;
	v2 =	vimm.s32 $0xBA98FEDC  }
0x2: {  	v3 =	vimm.f32 $2.000000000e+02;
	v4 =	vimm.s32 $0x32107654;
	v5 =	vimm.s32 $0x54761032  }
0x3: {  	v6 =	vimm.s32 $0xEFCDAB89;
	v7 =	vimm.s32 $0x67452301;
	vm0 =	vmmov $0xff  }
0x4: {  	s0 =	rddreg [dreg:$0x0];
	vm1 =	vmmov $0x1;
	vm2 =	vmmov $0x3;
	vm3 =	vmmov $0x7  }
0x5: {  	s1 =	rddreg [dreg:$0x1];
	s3 =	srdreg.scid;
	s2 =	simm.s32 $0x0;
	vm4 =	vmmov $0xf;
	vm5 =	vmmov $0x1f;
	vm6 =	vmmov $0x3f  }
0x6: {  	s4 =	stileid.u32;
	vm7 =	vmmov $0x7f;
	vm8 =	vmmov $0x1ff;
	vm9 =	vmmov $0x3ff;
	[smem:$0x7FF] =	sst s2  }
0x7: {  	s9 =	simm.s32 $0x3;
	s10 =	simm.s32 $0x80;
	vm10 =	vmmov $0x7ff;
	vm11 =	vmmov $0xfff;
	v0 =	vunpack.c.l.s4.s8 v0;
	_ =	strace $0x80000047  }
0x8: {  	s12 =	simm.s32 $0x48;
	s24 =	simm.s32 $0x5E80;
	s28 =	simm.s32 $0x1F00;
	v1 =	vunpack.c.l.s4.s8 v1;
	v2 =	vunpack.c.l.s4.s8 v2;
	(erf) = vrcp.f32 v3  }
0x9: {  	s29 =	simm.s32 $0x5F00;
	s30 =	simm.s32 $0x1B80;
	s31 =	simm.s32 $0x5B80;
	v4 =	vunpack.c.l.s4.s8 v4;
	v5 =	vunpack.c.l.s4.s8 v5;
	v6 =	vunpack.c.l.s4.s8 v6  }
0xa: {  	s11 =	simm.s32 $0x2000;
	s13 =	simm.s32 $0x6000;
	s14 =	simm.s32 $0x1;
	v7 =	vunpack.c.l.s4.s8 v7;
	v3 =	vimm.s32 $0xDCFE98BA;
	v2 =	vunpack.c.0.s8.s32 v2  }
0xb: {  	s15 =	simm.s32 $0x6080;
	s3 =	sand.u32 $0x1, s3;
	s4 =	sshll.u32 s4, $0x1;
	v4 =	vunpack.c.0.s8.s32 v4;
	v5 =	vunpack.c.0.s8.s32 v5;
	v3 =	vunpack.c.l.s4.s8 v3  }
0xc: {  	s16 =	simm.s32 $0x0;
	s5 =	sor.u32 s3, s4;
	s6 =	ssub.s32 $0x2, s3;
	v1 =	vunpack.c.0.s8.s32 v1;
	v6 =	vunpack.c.0.s8.s32 v6;
	v7 =	vunpack.c.0.s8.s32 v7  }
0xd: {  	s3 =	sadd.s32 $0x10800, s0;
	s4 =	sshll.u32 s5, $0xA;
	s8 =	sshrl.u32 s6, $0x1;
	v4 =	vcombine.low v4, v2;
	v2 =	vunpack.c.0.s8.s32 v0;
	v3 =	vunpack.c.0.s8.s32 v3  }
0xe: {  	vm12 =	vmmov $0x1fff;
	vm13 =	vmmov $0x3fff;
	s26 =	sshll.u32 s5, $0x3;
	s7 =	sadd.s32 s4, s0;
	s4 =	sadd.s32 $0x10600, s0;
	v0 =	vlaneseq.u32  }
0xf: {  	s25 =	ssub.s32 s6, s8;
	s0 =	simm.s32 $0x1F80;
	s5 =	sadd.s32 $0x600, s7;
	v1 =	vand.u32 $0xF, v1;
	v6 =	vcombine.low v7, v6;
	v5 =	vcombine.low v5, v3  }
0x10: {  	vm14 =	vmmov $0x7fff;
	s6 =	sadd.s32 $0x8600, s7;
	s7 =	sadd.s32 s1, s26;
	s8 =	smax.u32 s25, $0x1;
	v0 =	vand.u32 $0x1, v0;
	v1 =	vcombine.low v1, v2  }
0x11: {  	s25 =	simm.s32 $0x1B00;
	s26 =	simm.s32 $0x5B00;
	s1 =	simm.s32 $0x5F80;
	v3 =	vand.u32 $0xF, v4;
	v4 =	vand.u32 $0xF, v5;
	v5 =	vand.u32 $0xF, v6;
	v2 =	vpop (erf)  }
.LBB2_1:
0x12: {  	[tilespmem:s2], [sflag:$0x3] =	stream.linear.gather [hbm4b:s5+s2], $0x2000, $0x38;
	[tilespmem:$0x6100] =	vst v63  }
0x13: {  	_ =	swait.ge [sflag:s9], $0x2000  }
0x14: {  	[sflag:s9] =	ssyncset.done $0x0  }
0x15: {  	s17 =	simm.s32 $0x4000;
	[sflag:s9] =	ssyncadd.s32 $0xFFFFE000  }
0x16: {  	[tilespmem:s17], [sflag:$0x1] =	stream.indirect.gather [hbm4b:s3+s10], $0x1, s2, s10, $0xb8;
	[tilespmem:$0x6100] =	vst v63  }
0x17: {  	s22 =	simm.s32 $0x400;
	s18 =	simm.s32 $0x4400  }
0x18: {  	[tilespmem:s18], [sflag:$0x1] =	stream.indirect.gather [hbm4b:s3+s12], $0x1, s22, s12, $0xb8;
	[tilespmem:$0x6100] =	vst v63  }
0x19: {  	s23 =	simm.s32 $0x4080  }
0x1a: {  	[tilespmem:s23], [sflag:$0x1] =	stream.indirect.gather [hbm4b:s3+s10], $0x1, s10, s10, $0xb8;
	[tilespmem:$0x6100] =	vst v63  }
0x1b: {  	s19 =	simm.s32 $0x4480;
	s18 =	simm.s32 $0x480  }
0x1c: {  	[tilespmem:s19], [sflag:$0x1] =	stream.indirect.gather [hbm4b:s3+s12], $0x1, s18, s12, $0xb8;
	[tilespmem:$0x6100] =	vst v63  }
0x1d: {  	s20 =	simm.s32 $0x100;
	s21 =	simm.s32 $0x4100  }
0x1e: {  	[tilespmem:s21], [sflag:$0x1] =	stream.indirect.gather [hbm4b:s3+s10], $0x1, s20, s10, $0xb8;
	[tilespmem:$0x6100] =	vst v63  }
0x1f: {  	s22 =	simm.s32 $0x500;
	s23 =	simm.s32 $0x4500  }
0x20: {  	[tilespmem:s23], [sflag:$0x1] =	stream.indirect.gather [hbm4b:s3+s12], $0x1, s22, s12, $0xb8;
	[tilespmem:$0x6100] =	vst v63  }
0x21: {  	s18 =	simm.s32 $0x180;
	s19 =	simm.s32 $0x4180  }
0x22: {  	[tilespmem:s19], [sflag:$0x1] =	stream.indirect.gather [hbm4b:s3+s10], $0x1, s18, s10, $0xb8;
	[tilespmem:$0x6100] =	vst v63  }
0x23: {  	s20 =	simm.s32 $0x580;
	s21 =	simm.s32 $0x4580  }
0x24: {  	[tilespmem:s21], [sflag:$0x1] =	stream.indirect.gather [hbm4b:s3+s12], $0x1, s20, s12, $0xb8;
	[tilespmem:$0x6100] =	vst v63  }
0x25: {  	s22 =	simm.s32 $0x200;
	s23 =	simm.s32 $0x4200  }
0x26: {  	[tilespmem:s23], [sflag:$0x1] =	stream.indirect.gather [hbm4b:s3+s10], $0x1, s22, s10, $0xb8;
	[tilespmem:$0x6100] =	vst v63  }
0x27: {  	s18 =	simm.s32 $0x600;
	s19 =	simm.s32 $0x4600  }
0x28: {  	[tilespmem:s19], [sflag:$0x1] =	stream.indirect.gather [hbm4b:s3+s12], $0x1, s18, s12, $0xb8;
	[tilespmem:$0x6100] =	vst v63  }
0x29: {  	s20 =	simm.s32 $0x280;
	s21 =	simm.s32 $0x4280  }
0x2a: {  	[tilespmem:s21], [sflag:$0x1] =	stream.indirect.gather [hbm4b:s3+s10], $0x1, s20, s10, $0xb8;
	[tilespmem:$0x6100] =	vst v63  }
0x2b: {  	s22 =	simm.s32 $0x680;
	s23 =	simm.s32 $0x4680  }
0x2c: {  	[tilespmem:s23], [sflag:$0x1] =	stream.indirect.gather [hbm4b:s3+s12], $0x1, s22, s12, $0xb8;
	[tilespmem:$0x6100] =	vst v63  }
0x2d: {  	s18 =	simm.s32 $0x300;
	s19 =	simm.s32 $0x4300  }
0x2e: {  	[tilespmem:s19], [sflag:$0x1] =	stream.indirect.gather [hbm4b:s3+s10], $0x1, s18, s10, $0xb8;
	[tilespmem:$0x6100] =	vst v63  }
0x2f: {  	s20 =	simm.s32 $0x700;
	s21 =	simm.s32 $0x4700  }
0x30: {  	[tilespmem:s21], [sflag:$0x1] =	stream.indirect.gather [hbm4b:s3+s12], $0x1, s20, s12, $0xb8;
	[tilespmem:$0x6100] =	vst v63  }
0x31: {  	s22 =	simm.s32 $0x380;
	s23 =	simm.s32 $0x4380  }
0x32: {  	[tilespmem:s23], [sflag:$0x1] =	stream.indirect.gather [hbm4b:s3+s10], $0x1, s22, s10, $0xb8;
	[tilespmem:$0x6100] =	vst v63  }
0x33: {  	s18 =	simm.s32 $0x780;
	s19 =	simm.s32 $0x4780  }
0x34: {  	[tilespmem:s19], [sflag:$0x1] =	stream.indirect.gather [hbm4b:s3+s12], $0x1, s18, s12, $0xb8;
	[tilespmem:$0x6100] =	vst v63  }
0x35: {  	s20 =	simm.s32 $0x800;
	s21 =	simm.s32 $0x4800  }
0x36: {  	[tilespmem:s21], [sflag:$0x1] =	stream.indirect.gather [hbm4b:s3+s10], $0x1, s20, s10, $0xb8;
	[tilespmem:$0x6100] =	vst v63  }
0x37: {  	s22 =	simm.s32 $0xC00;
	s23 =	simm.s32 $0x4C00  }
0x38: {  	[tilespmem:s23], [sflag:$0x1] =	stream.indirect.gather [hbm4b:s3+s12], $0x1, s22, s12, $0xb8;
	[tilespmem:$0x6100] =	vst v63  }
0x39: {  	s18 =	simm.s32 $0x880;
	s19 =	simm.s32 $0x4880  }
0x3a: {  	[tilespmem:s19], [sflag:$0x1] =	stream.indirect.gather [hbm4b:s3+s10], $0x1, s18, s10, $0xb8;
	[tilespmem:$0x6100] =	vst v63  }
0x3b: {  	s20 =	simm.s32 $0xC80;
	s21 =	simm.s32 $0x4C80  }
0x3c: {  	[tilespmem:s21], [sflag:$0x1] =	stream.indirect.gather [hbm4b:s3+s12], $0x1, s20, s12, $0xb8;
	[tilespmem:$0x6100] =	vst v63  }
0x3d: {  	s22 =	simm.s32 $0x900;
	s23 =	simm.s32 $0x4900  }
0x3e: {  	[tilespmem:s23], [sflag:$0x1] =	stream.indirect.gather [hbm4b:s3+s10], $0x1, s22, s10, $0xb8;
	[tilespmem:$0x6100] =	vst v63  }
0x3f: {  	s18 =	simm.s32 $0xD00;
	s19 =	simm.s32 $0x4D00  }
0x40: {  	[tilespmem:s19], [sflag:$0x1] =	stream.indirect.gather [hbm4b:s3+s12], $0x1, s18, s12, $0xb8;
	[tilespmem:$0x6100] =	vst v63  }
0x41: {  	s20 =	simm.s32 $0x980;
	s21 =	simm.s32 $0x4980  }
0x42: {  	[tilespmem:s21], [sflag:$0x1] =	stream.indirect.gather [hbm4b:s3+s10], $0x1, s20, s10, $0xb8;
	[tilespmem:$0x6100] =	vst v63  }
0x43: {  	s22 =	simm.s32 $0xD80;
	s23 =	simm.s32 $0x4D80  }
0x44: {  	[tilespmem:s23], [sflag:$0x1] =	stream.indirect.gather [hbm4b:s3+s12], $0x1, s22, s12, $0xb8;
	[tilespmem:$0x6100] =	vst v63  }
0x45: {  	s18 =	simm.s32 $0xA00;
	s19 =	simm.s32 $0x4A00  }
0x46: {  	[tilespmem:s19], [sflag:$0x1] =	stream.indirect.gather [hbm4b:s3+s10], $0x1, s18, s10, $0xb8;
	[tilespmem:$0x6100] =	vst v63  }
0x47: {  	s20 =	simm.s32 $0xE00;
	s21 =	simm.s32 $0x4E00  }
0x48: {  	[tilespmem:s21], [sflag:$0x1] =	stream.indirect.gather [hbm4b:s3+s12], $0x1, s20, s12, $0xb8;
	[tilespmem:$0x6100] =	vst v63  }
0x49: {  	s22 =	simm.s32 $0xA80;
	s23 =	simm.s32 $0x4A80  }
0x4a: {  	[tilespmem:s23], [sflag:$0x1] =	stream.indirect.gather [hbm4b:s3+s10], $0x1, s22, s10, $0xb8;
	[tilespmem:$0x6100] =	vst v63  }
0x4b: {  	s18 =	simm.s32 $0xE80;
	s19 =	simm.s32 $0x4E80  }
0x4c: {  	[tilespmem:s19], [sflag:$0x1] =	stream.indirect.gather [hbm4b:s3+s12], $0x1, s18, s12, $0xb8;
	[tilespmem:$0x6100] =	vst v63  }
0x4d: {  	s20 =	simm.s32 $0xB00;
	s21 =	simm.s32 $0x4B00  }
0x4e: {  	[tilespmem:s21], [sflag:$0x1] =	stream.indirect.gather [hbm4b:s3+s10], $0x1, s20, s10, $0xb8;
	[tilespmem:$0x6100] =	vst v63  }
0x4f: {  	s22 =	simm.s32 $0xF00;
	s23 =	simm.s32 $0x4F00  }
0x50: {  	[tilespmem:s23], [sflag:$0x1] =	stream.indirect.gather [hbm4b:s3+s12], $0x1, s22, s12, $0xb8;
	[tilespmem:$0x6100] =	vst v63  }
0x51: {  	s18 =	simm.s32 $0xB80;
	s19 =	simm.s32 $0x4B80  }
0x52: {  	[tilespmem:s19], [sflag:$0x1] =	stream.indirect.gather [hbm4b:s3+s10], $0x1, s18, s10, $0xb8;
	[tilespmem:$0x6100] =	vst v63  }
0x53: {  	s20 =	simm.s32 $0xF80;
	s21 =	simm.s32 $0x4F80  }
0x54: {  	[tilespmem:s21], [sflag:$0x1] =	stream.indirect.gather [hbm4b:s3+s12], $0x1, s20, s12, $0xb8;
	[tilespmem:$0x6100] =	vst v63  }
0x55: {  	s22 =	simm.s32 $0x1000;
	s23 =	simm.s32 $0x5000  }
0x56: {  	[tilespmem:s23], [sflag:$0x2] =	stream.indirect.gather [hbm4b:s3+s10], $0x1, s22, s10, $0xb8;
	[tilespmem:$0x6100] =	vst v63  }
0x57: {  	s18 =	simm.s32 $0x1400;
	s19 =	simm.s32 $0x5400  }
0x58: {  	[tilespmem:s19], [sflag:$0x2] =	stream.indirect.gather [hbm4b:s3+s12], $0x1, s18, s12, $0xb8;
	[tilespmem:$0x6100] =	vst v63  }
0x59: {  	s20 =	simm.s32 $0x1080;
	s21 =	simm.s32 $0x5080  }
0x5a: {  	[tilespmem:s21], [sflag:$0x2] =	stream.indirect.gather [hbm4b:s3+s10], $0x1, s20, s10, $0xb8;
	[tilespmem:$0x6100] =	vst v63  }
0x5b: {  	s22 =	simm.s32 $0x1480;
	s23 =	simm.s32 $0x5480  }
0x5c: {  	[tilespmem:s23], [sflag:$0x2] =	stream.indirect.gather [hbm4b:s3+s12], $0x1, s22, s12, $0xb8;
	[tilespmem:$0x6100] =	vst v63  }
0x5d: {  	s18 =	simm.s32 $0x1100;
	s19 =	simm.s32 $0x5100  }
0x5e: {  	[tilespmem:s19], [sflag:$0x2] =	stream.indirect.gather [hbm4b:s3+s10], $0x1, s18, s10, $0xb8;
	[tilespmem:$0x6100] =	vst v63  }
0x5f: {  	s20 =	simm.s32 $0x1500;
	s21 =	simm.s32 $0x5500  }
0x60: {  	[tilespmem:s21], [sflag:$0x2] =	stream.indirect.gather [hbm4b:s3+s12], $0x1, s20, s12, $0xb8;
	[tilespmem:$0x6100] =	vst v63  }
0x61: {  	s22 =	simm.s32 $0x1180;
	s23 =	simm.s32 $0x5180  }
0x62: {  	[tilespmem:s23], [sflag:$0x2] =	stream.indirect.gather [hbm4b:s3+s10], $0x1, s22, s10, $0xb8;
	[tilespmem:$0x6100] =	vst v63  }
0x63: {  	s18 =	simm.s32 $0x1580;
	s19 =	simm.s32 $0x5580  }
0x64: {  	[tilespmem:s19], [sflag:$0x2] =	stream.indirect.gather [hbm4b:s3+s12], $0x1, s18, s12, $0xb8;
	[tilespmem:$0x6100] =	vst v63  }
0x65: {  	s20 =	simm.s32 $0x1200;
	s21 =	simm.s32 $0x5200  }
0x66: {  	[tilespmem:s21], [sflag:$0x2] =	stream.indirect.gather [hbm4b:s3+s10], $0x1, s20, s10, $0xb8;
	[tilespmem:$0x6100] =	vst v63  }
0x67: {  	s22 =	simm.s32 $0x1600;
	s23 =	simm.s32 $0x5600  }
0x68: {  	[tilespmem:s23], [sflag:$0x2] =	stream.indirect.gather [hbm4b:s3+s12], $0x1, s22, s12, $0xb8;
	[tilespmem:$0x6100] =	vst v63  }
0x69: {  	s18 =	simm.s32 $0x1280;
	s19 =	simm.s32 $0x5280  }
0x6a: {  	[tilespmem:s19], [sflag:$0x2] =	stream.indirect.gather [hbm4b:s3+s10], $0x1, s18, s10, $0xb8;
	[tilespmem:$0x6100] =	vst v63  }
0x6b: {  	s20 =	simm.s32 $0x1680;
	s21 =	simm.s32 $0x5680  }
0x6c: {  	[tilespmem:s21], [sflag:$0x2] =	stream.indirect.gather [hbm4b:s3+s12], $0x1, s20, s12, $0xb8;
	[tilespmem:$0x6100] =	vst v63  }
0x6d: {  	s22 =	simm.s32 $0x1300;
	s23 =	simm.s32 $0x5300  }
0x6e: {  	[tilespmem:s23], [sflag:$0x2] =	stream.indirect.gather [hbm4b:s3+s10], $0x1, s22, s10, $0xb8;
	[tilespmem:$0x6100] =	vst v63  }
0x6f: {  	s18 =	simm.s32 $0x1700;
	s19 =	simm.s32 $0x5700  }
0x70: {  	[tilespmem:s19], [sflag:$0x2] =	stream.indirect.gather [hbm4b:s3+s12], $0x1, s18, s12, $0xb8;
	[tilespmem:$0x6100] =	vst v63  }
0x71: {  	s20 =	simm.s32 $0x1380;
	s21 =	simm.s32 $0x5380  }
0x72: {  	[tilespmem:s21], [sflag:$0x2] =	stream.indirect.gather [hbm4b:s3+s10], $0x1, s20, s10, $0xb8;
	[tilespmem:$0x6100] =	vst v63  }
0x73: {  	s22 =	simm.s32 $0x1780;
	s23 =	simm.s32 $0x5780  }
0x74: {  	[tilespmem:s23], [sflag:$0x2] =	stream.indirect.gather [hbm4b:s3+s12], $0x1, s22, s12, $0xb8;
	[tilespmem:$0x6100] =	vst v63  }
0x75: {  	s18 =	simm.s32 $0x1800;
	s19 =	simm.s32 $0x5800  }
0x76: {  	[tilespmem:s19], [sflag:$0x2] =	stream.indirect.gather [hbm4b:s3+s10], $0x1, s18, s10, $0xb8;
	[tilespmem:$0x6100] =	vst v63  }
0x77: {  	s20 =	simm.s32 $0x1C00;
	s21 =	simm.s32 $0x5C00  }
0x78: {  	[tilespmem:s21], [sflag:$0x2] =	stream.indirect.gather [hbm4b:s3+s12], $0x1, s20, s12, $0xb8;
	[tilespmem:$0x6100] =	vst v63  }
0x79: {  	s22 =	simm.s32 $0x1880;
	s23 =	simm.s32 $0x5880  }
0x7a: {  	[tilespmem:s23], [sflag:$0x2] =	stream.indirect.gather [hbm4b:s3+s10], $0x1, s22, s10, $0xb8;
	[tilespmem:$0x6100] =	vst v63  }
0x7b: {  	s18 =	simm.s32 $0x1C80;
	s19 =	simm.s32 $0x5C80  }
0x7c: {  	[tilespmem:s19], [sflag:$0x2] =	stream.indirect.gather [hbm4b:s3+s12], $0x1, s18, s12, $0xb8;
	[tilespmem:$0x6100] =	vst v63  }
0x7d: {  	s20 =	simm.s32 $0x1900;
	s21 =	simm.s32 $0x5900  }
0x7e: {  	[tilespmem:s21], [sflag:$0x2] =	stream.indirect.gather [hbm4b:s3+s10], $0x1, s20, s10, $0xb8;
	[tilespmem:$0x6100] =	vst v63  }
0x7f: {  	s22 =	simm.s32 $0x1D00;
	s23 =	simm.s32 $0x5D00  }
0x80: {  	[tilespmem:s23], [sflag:$0x2] =	stream.indirect.gather [hbm4b:s3+s12], $0x1, s22, s12, $0xb8;
	[tilespmem:$0x6100] =	vst v63  }
0x81: {  	s18 =	simm.s32 $0x1980;
	s19 =	simm.s32 $0x5980  }
0x82: {  	[tilespmem:s19], [sflag:$0x2] =	stream.indirect.gather [hbm4b:s3+s10], $0x1, s18, s10, $0xb8;
	[tilespmem:$0x6100] =	vst v63  }
0x83: {  	s20 =	simm.s32 $0x1D80;
	s21 =	simm.s32 $0x5D80  }
0x84: {  	[tilespmem:s21], [sflag:$0x2] =	stream.indirect.gather [hbm4b:s3+s12], $0x1, s20, s12, $0xb8;
	[tilespmem:$0x6100] =	vst v63  }
0x85: {  	s22 =	simm.s32 $0x1A00;
	s23 =	simm.s32 $0x5A00  }
0x86: {  	[tilespmem:s23], [sflag:$0x2] =	stream.indirect.gather [hbm4b:s3+s10], $0x1, s22, s10, $0xb8;
	[tilespmem:$0x6100] =	vst v63  }
0x87: {  	s19 =	simm.s32 $0x1E00;
	s20 =	simm.s32 $0x5E00  }
0x88: {  	[tilespmem:s20], [sflag:$0x2] =	stream.indirect.gather [hbm4b:s3+s12], $0x1, s19, s12, $0xb8;
	[tilespmem:$0x6100] =	vst v63  }
0x89: {  	s21 =	simm.s32 $0x1A80;
	s22 =	simm.s32 $0x5A80  }
0x8a: {  	[tilespmem:s22], [sflag:$0x2] =	stream.indirect.gather [hbm4b:s3+s10], $0x1, s21, s10, $0xb8;
	[tilespmem:$0x6100] =	vst v63  }
0x8b: {  	s23 =	simm.s32 $0x1E80  }
0x8c: {  	[tilespmem:s24], [sflag:$0x2] =	stream.indirect.gather [hbm4b:s3+s12], $0x1, s23, s12, $0xb8;
	[tilespmem:$0x6100] =	vst v63  }
0x8d: {  	_ = 	snop  }
0x8e: {  	[tilespmem:s26], [sflag:$0x2] =	stream.indirect.gather [hbm4b:s3+s10], $0x1, s25, s10, $0xb8;
	[tilespmem:$0x6100] =	vst v63  }
0x8f: {  	_ = 	snop  }
0x90: {  	[tilespmem:s29], [sflag:$0x2] =	stream.indirect.gather [hbm4b:s3+s12], $0x1, s28, s12, $0xb8;
	[tilespmem:$0x6100] =	vst v63  }
0x91: {  	_ = 	snop  }
0x92: {  	[tilespmem:s31], [sflag:$0x2] =	stream.indirect.gather [hbm4b:s3+s10], $0x1, s30, s10, $0xb8;
	[tilespmem:$0x6100] =	vst v63  }
0x93: {  	_ = 	snop  }
0x94: {  	[tilespmem:s1], [sflag:$0x2] =	stream.indirect.gather [hbm4b:s3+s12], $0x1, s0, s12, $0xb8;
	[tilespmem:$0x6100] =	vst v63  }
0x95: {  	_ = 	snop  }
0x96: {  	[tilespmem:s11], [sflag:$0x3] =	stream.linear.gather [hbm4b:s6+s2], $0x2000, $0x38;
	[tilespmem:$0x6100] =	vst v63  }
0x97: {  	_ =	swait.ge [sflag:s9], $0x2000  }
0x98: {  	[sflag:s9] =	ssyncset.done $0x0  }
0x99: {  	[sflag:s9] =	ssyncadd.s32 $0xFFFFE000  }
0x9a: {  	[tilespmem:s13], [sflag:$0x3] =	stream.linear.gather [hbm4b:s4+s2], $0x80, $0x38;
	[tilespmem:$0x6100] =	vst v63  }
0x9b: {  	_ =	swait.ge [sflag:s9], $0x80  }
0x9c: {  	[sflag:s9] =	ssyncset.done $0x0  }
0x9d: {  	[sflag:s9] =	ssyncadd.s32 $0xFFFFFF80  }
0x9e: {  	v6 =	vld [tilespmem:$0x6000];
	_ =	swait.ge [sflag:s14], $0x80  }
0x9f: {  	[sflag:s14] =	ssyncset.done $0x0  }
0xa0: {  	[sflag:s14] =	ssyncadd.s32 $0xFFFFFF80  }
0xa1: {  	_ =	swait.ge [sflag:s14], $0x48  }
0xa2: {  	[sflag:s14] =	ssyncset.done $0x0  }
0xa3: {  	[sflag:s14] =	ssyncadd.s32 $0xFFFFFFB8  }
0xa4: {  	_ =	swait.ge [sflag:s14], $0x80  }
0xa5: {  	[sflag:s14] =	ssyncset.done $0x0  }
0xa6: {  	[sflag:s14] =	ssyncadd.s32 $0xFFFFFF80  }
0xa7: {  	_ =	swait.ge [sflag:s14], $0x48  }
0xa8: {  	[sflag:s14] =	ssyncset.done $0x0  }
0xa9: {  	[sflag:s14] =	ssyncadd.s32 $0xFFFFFFB8  }
0xaa: {  	_ =	swait.ge [sflag:s14], $0x80  }
0xab: {  	[sflag:s14] =	ssyncset.done $0x0  }
0xac: {  	[sflag:s14] =	ssyncadd.s32 $0xFFFFFF80  }
0xad: {  	_ =	swait.ge [sflag:s14], $0x48  }
0xae: {  	[sflag:s14] =	ssyncset.done $0x0  }
0xaf: {  	[sflag:s14] =	ssyncadd.s32 $0xFFFFFFB8  }
0xb0: {  	_ =	swait.ge [sflag:s14], $0x80  }
0xb1: {  	[sflag:s14] =	ssyncset.done $0x0  }
0xb2: {  	[sflag:s14] =	ssyncadd.s32 $0xFFFFFF80  }
0xb3: {  	_ =	swait.ge [sflag:s14], $0x48  }
0xb4: {  	[sflag:s14] =	ssyncset.done $0x0  }
0xb5: {  	[sflag:s14] =	ssyncadd.s32 $0xFFFFFFB8  }
0xb6: {  	_ =	swait.ge [sflag:s14], $0x80  }
0xb7: {  	[sflag:s14] =	ssyncset.done $0x0  }
0xb8: {  	[sflag:s14] =	ssyncadd.s32 $0xFFFFFF80  }
0xb9: {  	_ =	swait.ge [sflag:s14], $0x48  }
0xba: {  	[sflag:s14] =	ssyncset.done $0x0  }
0xbb: {  	[sflag:s14] =	ssyncadd.s32 $0xFFFFFFB8  }
0xbc: {  	_ =	swait.ge [sflag:s14], $0x80  }
0xbd: {  	[sflag:s14] =	ssyncset.done $0x0  }
0xbe: {  	[sflag:s14] =	ssyncadd.s32 $0xFFFFFF80  }
0xbf: {  	_ =	swait.ge [sflag:s14], $0x48  }
0xc0: {  	[sflag:s14] =	ssyncset.done $0x0  }
0xc1: {  	[sflag:s14] =	ssyncadd.s32 $0xFFFFFFB8  }
0xc2: {  	_ =	swait.ge [sflag:s14], $0x80  }
0xc3: {  	[sflag:s14] =	ssyncset.done $0x0  }
0xc4: {  	[sflag:s14] =	ssyncadd.s32 $0xFFFFFF80  }
0xc5: {  	_ =	swait.ge [sflag:s14], $0x48  }
0xc6: {  	[sflag:s14] =	ssyncset.done $0x0  }
0xc7: {  	[sflag:s14] =	ssyncadd.s32 $0xFFFFFFB8  }
0xc8: {  	_ =	swait.ge [sflag:s14], $0x80  }
0xc9: {  	[sflag:s14] =	ssyncset.done $0x0  }
0xca: {  	[sflag:s14] =	ssyncadd.s32 $0xFFFFFF80  }
0xcb: {  	_ =	swait.ge [sflag:s14], $0x48  }
0xcc: {  	[sflag:s14] =	ssyncset.done $0x0  }
0xcd: {  	[sflag:s14] =	ssyncadd.s32 $0xFFFFFFB8  }
0xce: {  	_ =	swait.ge [sflag:s14], $0x80  }
0xcf: {  	[sflag:s14] =	ssyncset.done $0x0  }
0xd0: {  	[sflag:s14] =	ssyncadd.s32 $0xFFFFFF80  }
0xd1: {  	_ =	swait.ge [sflag:s14], $0x48  }
0xd2: {  	[sflag:s14] =	ssyncset.done $0x0  }
0xd3: {  	[sflag:s14] =	ssyncadd.s32 $0xFFFFFFB8  }
0xd4: {  	_ =	swait.ge [sflag:s14], $0x80  }
0xd5: {  	[sflag:s14] =	ssyncset.done $0x0  }
0xd6: {  	[sflag:s14] =	ssyncadd.s32 $0xFFFFFF80  }
0xd7: {  	_ =	swait.ge [sflag:s14], $0x48  }
0xd8: {  	[sflag:s14] =	ssyncset.done $0x0  }
0xd9: {  	[sflag:s14] =	ssyncadd.s32 $0xFFFFFFB8  }
0xda: {  	_ =	swait.ge [sflag:s14], $0x80  }
0xdb: {  	[sflag:s14] =	ssyncset.done $0x0  }
0xdc: {  	[sflag:s14] =	ssyncadd.s32 $0xFFFFFF80  }
0xdd: {  	_ =	swait.ge [sflag:s14], $0x48  }
0xde: {  	[sflag:s14] =	ssyncset.done $0x0  }
0xdf: {  	[sflag:s14] =	ssyncadd.s32 $0xFFFFFFB8  }
0xe0: {  	_ =	swait.ge [sflag:s14], $0x80  }
0xe1: {  	[sflag:s14] =	ssyncset.done $0x0  }
0xe2: {  	[sflag:s14] =	ssyncadd.s32 $0xFFFFFF80  }
0xe3: {  	_ =	swait.ge [sflag:s14], $0x48  }
0xe4: {  	[sflag:s14] =	ssyncset.done $0x0  }
0xe5: {  	[sflag:s14] =	ssyncadd.s32 $0xFFFFFFB8  }
0xe6: {  	_ =	swait.ge [sflag:s14], $0x80  }
0xe7: {  	[sflag:s14] =	ssyncset.done $0x0  }
0xe8: {  	[sflag:s14] =	ssyncadd.s32 $0xFFFFFF80  }
0xe9: {  	_ =	swait.ge [sflag:s14], $0x48  }
0xea: {  	[sflag:s14] =	ssyncset.done $0x0  }
0xeb: {  	[sflag:s14] =	ssyncadd.s32 $0xFFFFFFB8  }
0xec: {  	_ =	swait.ge [sflag:s14], $0x80  }
0xed: {  	[sflag:s14] =	ssyncset.done $0x0  }
0xee: {  	[sflag:s14] =	ssyncadd.s32 $0xFFFFFF80  }
0xef: {  	_ =	swait.ge [sflag:s14], $0x48  }
0xf0: {  	[sflag:s14] =	ssyncset.done $0x0  }
0xf1: {  	[sflag:s14] =	ssyncadd.s32 $0xFFFFFFB8  }
0xf2: {  	_ =	swait.ge [sflag:s14], $0x80  }
0xf3: {  	[sflag:s14] =	ssyncset.done $0x0  }
0xf4: {  	[sflag:s14] =	ssyncadd.s32 $0xFFFFFF80  }
0xf5: {  	_ =	swait.ge [sflag:s14], $0x48  }
0xf6: {  	[sflag:s14] =	ssyncset.done $0x0  }
0xf7: {  	[sflag:s14] =	ssyncadd.s32 $0xFFFFFFB8  }
0xf8: {  	_ =	swait.ge [sflag:s14], $0x80  }
0xf9: {  	[sflag:s14] =	ssyncset.done $0x0  }
0xfa: {  	[sflag:s14] =	ssyncadd.s32 $0xFFFFFF80  }
0xfb: {  	_ =	swait.ge [sflag:s14], $0x48  }
0xfc: {  	[sflag:s14] =	ssyncset.done $0x0  }
0xfd: {  	p1 =	por $0x1, $0x1;
	s17 =	simm.s32 $0x0;
	v6 =	vperm.xlane v6, v0;
	[sflag:s14] =	ssyncadd.s32 $0xFFFFFFB8  }
.LBB2_2:
0xfe: {  	s18 =	simm.s32 $0x0  }
0xff: {  	s19 =	sand.u32 $0x70, s18;
	s20 =	sand.u32 $0x400, s18  }
0x100: {  	s18 =	sshll.u32 s17, $0xB;
	s19 =	sor.u32 s19, s20  }
0x101: {  	s19 =	sor.u32 s18, s19  }
0x102: {  	v8 =	vld [tilespmem:s19+$0x4000]  }
0x103: {  	v10 =	vld [tilespmem:s19+$0x2000]  }
0x104: {  	s23 =	simm.s32 $0x10;
	s19 =	simm.s32 $0x80  }
0x105: {  	s20 =	sand.u32 $0x70, s23;
	s21 =	sand.u32 $0x400, s19  }
0x106: {  	s20 =	sor.u32 s20, s21  }
0x107: {  	s21 =	sor.u32 s18, s20;
	v11 =	vshll.u32 v8, $0x10;
	v8 =	vand.u32 $0xFFFF0000, v8  }
0x108: {  	v9 =	vld [tilespmem:s21+$0x4000];
	v12 =	vmul.f32 v11, v10;
	v10 =	vmul.f32 v8, v10  }
0x109: {  	v7 =	vimm.f32 $0.0e+00;
	p0 =	por p1, p1;
	s20 =	simm.s32 $0x20;
	v11 =	vld [tilespmem:s21+$0x2000];
	v8 =	vimm.f32 $0.0e+00  }
.LBB2_3:
0x10a: {  	s21 =	sand.u32 $0x70, s20;
	s19 =	sadd.s32 $0x80, s19;
	v7 =	vadd.f32 v12, v7;
	v8 =	vadd.f32 v10, v8;
	p1 =	sne.s32 s20, $0xB0  }
.Ltmp0:
0x10b: {  	s20 =	sadd.s32 $0x10, s20;
	s22 =	sand.u32 $0x400, s19;
	(pc) =	sbr.rel @p1 .LBB2_3-.Ltmp0, $4  }
0x10c: {  	s21 =	sor.u32 s21, s22  }
0x10d: {  	s21 =	sor.u32 s18, s21;
	v10 =	vshll.u32 v9, $0x10;
	v13 =	vand.u32 $0xFFFF0000, v9  }
0x10e: {  	v9 =	vld [tilespmem:s21+$0x4000];
	v12 =	vmul.f32 v10, v11;
	v10 =	vmul.f32 v13, v11  }
0x10f: {  	v11 =	vld [tilespmem:s21+$0x2000]  }
0x110: {  	v13 =	vld.msk [tilespmem:s18+$0x2440], $0xff;
	_ =	sdelay $0x2  }
0x111: {  	v14 =	vld [tilespmem:s18+$0x4430]  }
0x112: {  	v15 =	vld.msk [tilespmem:s18+$0x4440], $0xff  }
0x113: {  	v13 =	vperm.xlane v13, v1  }
0x114: {  	v16 =	vshll.u32 v9, $0x10  }
0x115: {  	v9 =	vand.u32 $0xFFFF0000, v9;
	v16 =	vmul.f32 v16, v11;
	v13 =	vsel vm0, $0x0, v13  }
0x116: {  	v9 =	vmul.f32 v9, v11;
	v11 =	vperm.xlane v13, v1  }
0x117: {  	v17 =	vshll.u32 v15, $0x10;
	v15 =	vand.u32 $0xFFFF0000, v15;
	v13 =	vshll.u32 v14, $0x10  }
0x118: {  	v14 =	vand.u32 $0xFFFF0000, v14;
	v13 =	vmul.f32 v13, v11;
	v17 =	vmul.f32 v17, v11  }
0x119: {  	v7 =	vadd.f32 v12, v7;
	v12 =	vmul.f32 v14, v11;
	v11 =	vmul.f32 v15, v11  }
0x11a: {  	v8 =	vadd.f32 v10, v8;
	v10 =	vperm.xlane v13, v1;
	v13 =	vperm.xlane v17, v1  }
0x11b: {  	v7 =	vadd.f32 v16, v7;
	v12 =	vperm.xlane v12, v1;
	v11 =	vperm.xlane v11, v1  }
0x11c: {  	v8 =	vadd.f32 v9, v8;
	v9 =	vsel vm0, v10, v13  }
0x11d: {  	v7 =	vadd.f32 v9, v7;
	v9 =	vsel vm0, v12, v11  }
0x11e: {  	v8 =	vadd.f32 v9, v8;
	_ =	sdelay $0x1  }
0x11f: {  	v9 =	vperm.xlane v7, v1;
	v10 =	vperm.xlane v8, v1;
	_ =	sdelay $0x1  }
0x120: {  	v7 =	vadd.f32 v9, v7;
	v8 =	vadd.f32 v10, v8;
	_ =	sdelay $0x1  }
0x121: {  	v9 =	vperm.xlane v7, v3;
	v10 =	vperm.xlane v8, v3;
	_ =	sdelay $0x1  }
0x122: {  	s19 =	simm.s32 $0x0;
	v7 =	vadd.f32 v9, v7;
	v9 =	vadd.f32 v10, v8  }
0x123: {  	s19 =	sand.u32 $0xFFFFFC00, s19  }
0x124: {  	s19 =	sadd.s32 s19, s18;
	v8 =	vperm.xlane v7, v4;
	v10 =	vperm.xlane v9, v4  }
0x125: {  	s20 =	sor.u32 $0x80, s19  }
0x126: {  	v13 =	vld [tilespmem:s20+$0x4000];
	v8 =	vadd.f32 v8, v7;
	v7 =	vadd.f32 v10, v9  }
0x127: {  	v14 =	vld [tilespmem:s20+$0x2000];
	v11 =	vimm.f32 $0.0e+00  }
0x128: {  	s19 =	simm.s32 $0x80;
	s20 =	sadd.s32 $0x10, s18;
	v12 =	vimm.f32 $0.0e+00;
	v10 =	vperm.xlane v8, v5;
	v9 =	vperm.xlane v7, v5  }
.LBB2_5:
0x129: {  	s21 =	sand.u32 $0xFFFFFC00, s19;
	p1 =	sne.s32 s19, $0x580;
	s19 =	sadd.s32 $0x80, s19  }
.Ltmp1:
0x12a: {  	s21 =	sadd.s32 s21, s20;
	(pc) =	sbr.rel @p1 .LBB2_5-.Ltmp1, $4  }
0x12b: {  	s21 =	sor.u32 $0x80, s21;
	v15 =	vshll.u32 v13, $0x10;
	v16 =	vand.u32 $0xFFFF0000, v13  }
0x12c: {  	v13 =	vld [tilespmem:s21+$0x4000];
	v15 =	vmul.f32 v15, v14;
	v16 =	vmul.f32 v16, v14  }
0x12d: {  	v14 =	vld [tilespmem:s21+$0x2000]  }
0x12e: {  	s20 =	sadd.s32 $0x10, s20;
	v11 =	vadd.f32 v15, v11;
	v12 =	vadd.f32 v16, v12  }
0x12f: {  	v15 =	vld.msk [tilespmem:s18+$0x24C0], $0xff;
	_ =	sdelay $0x2  }
0x130: {  	v16 =	vld [tilespmem:s18+$0x44B0]  }
0x131: {  	v17 =	vld.msk [tilespmem:s18+$0x44C0], $0xff  }
0x132: {  	v15 =	vperm.xlane v15, v1  }
0x133: {  	v18 =	vshll.u32 v13, $0x10  }
0x134: {  	v13 =	vand.u32 $0xFFFF0000, v13;
	v18 =	vmul.f32 v18, v14;
	v15 =	vsel vm0, $0x0, v15  }
0x135: {  	v13 =	vmul.f32 v13, v14;
	v14 =	vperm.xlane v15, v1  }
0x136: {  	v19 =	vshll.u32 v17, $0x10;
	v17 =	vand.u32 $0xFFFF0000, v17;
	v15 =	vshll.u32 v16, $0x10  }
0x137: {  	v16 =	vand.u32 $0xFFFF0000, v16;
	v15 =	vmul.f32 v15, v14;
	v19 =	vmul.f32 v19, v14  }
0x138: {  	v16 =	vmul.f32 v16, v14;
	v14 =	vmul.f32 v17, v14  }
0x139: {  	v15 =	vperm.xlane v15, v1;
	v17 =	vperm.xlane v19, v1  }
0x13a: {  	v16 =	vperm.xlane v16, v1;
	v14 =	vperm.xlane v14, v1  }
0x13b: {  	v11 =	vadd.f32 v18, v11;
	v12 =	vadd.f32 v13, v12  }
0x13c: {  	v13 =	vsel vm0, v15, v17;
	v14 =	vsel vm0, v16, v14  }
0x13d: {  	v11 =	vadd.f32 v13, v11;
	v12 =	vadd.f32 v14, v12;
	_ =	sdelay $0x1  }
0x13e: {  	s19 =	simm.s32 $0x0;
	v13 =	vperm.xlane v11, v1;
	v14 =	vperm.xlane v12, v1  }
0x13f: {  	s20 =	sand.u32 $0x70, s19;
	s21 =	sand.u32 $0x400, s19  }
0x140: {  	s19 =	sor.u32 $0x100, s18;
	s20 =	sor.u32 s21, s20;
	v11 =	vadd.f32 v13, v11;
	v12 =	vadd.f32 v14, v12  }
0x141: {  	s20 =	sor.u32 s19, s20  }
0x142: {  	v16 =	vld [tilespmem:s20+$0x4000];
	v13 =	vperm.xlane v11, v3;
	v14 =	vperm.xlane v12, v3;
	_ =	sdelay $0x1  }
0x143: {  	v18 =	vld [tilespmem:s20+$0x2000];
	v11 =	vadd.f32 v13, v11;
	v13 =	vadd.f32 v14, v12  }
0x144: {  	s23 =	simm.s32 $0x10;
	s20 =	simm.s32 $0x80  }
0x145: {  	s21 =	sand.u32 $0x70, s23;
	s22 =	sand.u32 $0x400, s20;
	v12 =	vperm.xlane v11, v4;
	v14 =	vperm.xlane v13, v4  }
0x146: {  	s21 =	sor.u32 s22, s21;
	v19 =	vshll.u32 v16, $0x10  }
0x147: {  	s22 =	sor.u32 s19, s21;
	v16 =	vand.u32 $0xFFFF0000, v16;
	v12 =	vadd.f32 v12, v11;
	v11 =	vadd.f32 v14, v13  }
0x148: {  	v15 =	vimm.f32 $0.0e+00;
	v17 =	vld [tilespmem:s22+$0x4000];
	v20 =	vmul.f32 v19, v18;
	v18 =	vmul.f32 v16, v18  }
0x149: {  	s21 =	simm.s32 $0x20;
	v19 =	vld [tilespmem:s22+$0x2000];
	v16 =	vimm.f32 $0.0e+00;
	v14 =	vperm.xlane v12, v5;
	v13 =	vperm.xlane v11, v5  }
.LBB2_7:
0x14a: {  	s22 =	sand.u32 $0x70, s21;
	s20 =	sadd.s32 $0x80, s20;
	v15 =	vadd.f32 v20, v15;
	v16 =	vadd.f32 v18, v16;
	p1 =	sne.s32 s21, $0xB0  }
.Ltmp2:
0x14b: {  	s21 =	sadd.s32 $0x10, s21;
	s23 =	sand.u32 $0x400, s20;
	(pc) =	sbr.rel @p1 .LBB2_7-.Ltmp2, $4  }
0x14c: {  	s22 =	sor.u32 s23, s22  }
0x14d: {  	s22 =	sor.u32 s19, s22;
	v18 =	vshll.u32 v17, $0x10;
	v21 =	vand.u32 $0xFFFF0000, v17  }
0x14e: {  	v17 =	vld [tilespmem:s22+$0x4000];
	v20 =	vmul.f32 v18, v19;
	v18 =	vmul.f32 v21, v19  }
0x14f: {  	v19 =	vld [tilespmem:s22+$0x2000]  }
0x150: {  	v21 =	vld.msk [tilespmem:s18+$0x2540], $0xff;
	_ =	sdelay $0x2  }
0x151: {  	v22 =	vld [tilespmem:s18+$0x4530]  }
0x152: {  	v23 =	vld.msk [tilespmem:s18+$0x4540], $0xff  }
0x153: {  	v21 =	vperm.xlane v21, v1  }
0x154: {  	v24 =	vshll.u32 v17, $0x10  }
0x155: {  	v17 =	vand.u32 $0xFFFF0000, v17;
	v24 =	vmul.f32 v24, v19;
	v21 =	vsel vm0, $0x0, v21  }
0x156: {  	v17 =	vmul.f32 v17, v19;
	v19 =	vperm.xlane v21, v1  }
0x157: {  	v25 =	vshll.u32 v23, $0x10;
	v23 =	vand.u32 $0xFFFF0000, v23;
	v21 =	vshll.u32 v22, $0x10  }
0x158: {  	v22 =	vand.u32 $0xFFFF0000, v22;
	v21 =	vmul.f32 v21, v19;
	v25 =	vmul.f32 v25, v19  }
0x159: {  	v15 =	vadd.f32 v20, v15;
	v20 =	vmul.f32 v22, v19;
	v19 =	vmul.f32 v23, v19  }
0x15a: {  	v16 =	vadd.f32 v18, v16;
	v18 =	vperm.xlane v21, v1;
	v21 =	vperm.xlane v25, v1  }
0x15b: {  	v15 =	vadd.f32 v24, v15;
	v20 =	vperm.xlane v20, v1;
	v19 =	vperm.xlane v19, v1  }
0x15c: {  	v16 =	vadd.f32 v17, v16;
	v17 =	vsel vm0, v18, v21  }
0x15d: {  	v15 =	vadd.f32 v17, v15;
	v17 =	vsel vm0, v20, v19  }
0x15e: {  	v16 =	vadd.f32 v17, v16;
	_ =	sdelay $0x1  }
0x15f: {  	v17 =	vperm.xlane v15, v1;
	v18 =	vperm.xlane v16, v1;
	_ =	sdelay $0x1  }
0x160: {  	v15 =	vadd.f32 v17, v15;
	v16 =	vadd.f32 v18, v16;
	_ =	sdelay $0x1  }
0x161: {  	v17 =	vperm.xlane v15, v3;
	v18 =	vperm.xlane v16, v3;
	_ =	sdelay $0x1  }
0x162: {  	s19 =	simm.s32 $0x0;
	v15 =	vadd.f32 v17, v15;
	v17 =	vadd.f32 v18, v16  }
0x163: {  	s19 =	sand.u32 $0xFFFFFC00, s19  }
0x164: {  	s19 =	sadd.s32 s19, s18;
	v16 =	vperm.xlane v15, v4;
	v18 =	vperm.xlane v17, v4  }
0x165: {  	s20 =	sor.u32 $0x180, s19  }
0x166: {  	v21 =	vld [tilespmem:s20+$0x4000];
	v16 =	vadd.f32 v16, v15;
	v15 =	vadd.f32 v18, v17  }
0x167: {  	v22 =	vld [tilespmem:s20+$0x2000];
	v19 =	vimm.f32 $0.0e+00  }
0x168: {  	s19 =	simm.s32 $0x80;
	s20 =	sadd.s32 $0x10, s18;
	v20 =	vimm.f32 $0.0e+00;
	v18 =	vperm.xlane v16, v5;
	v17 =	vperm.xlane v15, v5  }
.LBB2_9:
0x169: {  	s21 =	sand.u32 $0xFFFFFC00, s19;
	p1 =	sne.s32 s19, $0x580;
	s19 =	sadd.s32 $0x80, s19  }
.Ltmp3:
0x16a: {  	s21 =	sadd.s32 s21, s20;
	(pc) =	sbr.rel @p1 .LBB2_9-.Ltmp3, $4  }
0x16b: {  	s21 =	sor.u32 $0x180, s21;
	v23 =	vshll.u32 v21, $0x10;
	v24 =	vand.u32 $0xFFFF0000, v21  }
0x16c: {  	v21 =	vld [tilespmem:s21+$0x4000];
	v23 =	vmul.f32 v23, v22;
	v24 =	vmul.f32 v24, v22  }
0x16d: {  	v22 =	vld [tilespmem:s21+$0x2000]  }
0x16e: {  	s20 =	sadd.s32 $0x10, s20;
	v19 =	vadd.f32 v23, v19;
	v20 =	vadd.f32 v24, v20  }
0x16f: {  	v23 =	vld.msk [tilespmem:s18+$0x25C0], $0xff;
	_ =	sdelay $0x2  }
0x170: {  	v24 =	vld [tilespmem:s18+$0x45B0]  }
0x171: {  	v25 =	vld.msk [tilespmem:s18+$0x45C0], $0xff  }
0x172: {  	v23 =	vperm.xlane v23, v1  }
0x173: {  	v26 =	vshll.u32 v21, $0x10  }
0x174: {  	v21 =	vand.u32 $0xFFFF0000, v21;
	v26 =	vmul.f32 v26, v22;
	v23 =	vsel vm0, $0x0, v23  }
0x175: {  	v21 =	vmul.f32 v21, v22;
	v22 =	vperm.xlane v23, v1  }
0x176: {  	v27 =	vshll.u32 v25, $0x10;
	v25 =	vand.u32 $0xFFFF0000, v25;
	v23 =	vshll.u32 v24, $0x10  }
0x177: {  	v24 =	vand.u32 $0xFFFF0000, v24;
	v23 =	vmul.f32 v23, v22;
	v27 =	vmul.f32 v27, v22  }
0x178: {  	v24 =	vmul.f32 v24, v22;
	v22 =	vmul.f32 v25, v22  }
0x179: {  	v23 =	vperm.xlane v23, v1;
	v25 =	vperm.xlane v27, v1  }
0x17a: {  	v24 =	vperm.xlane v24, v1;
	v22 =	vperm.xlane v22, v1  }
0x17b: {  	v19 =	vadd.f32 v26, v19;
	v20 =	vadd.f32 v21, v20  }
0x17c: {  	v21 =	vsel vm0, v23, v25;
	v22 =	vsel vm0, v24, v22  }
0x17d: {  	v19 =	vadd.f32 v21, v19;
	v20 =	vadd.f32 v22, v20;
	_ =	sdelay $0x1  }
0x17e: {  	s19 =	simm.s32 $0x0;
	v21 =	vperm.xlane v19, v1;
	v22 =	vperm.xlane v20, v1  }
0x17f: {  	s20 =	sand.u32 $0x70, s19;
	s21 =	sand.u32 $0x400, s19  }
0x180: {  	s19 =	sor.u32 $0x200, s18;
	s20 =	sor.u32 s21, s20;
	v19 =	vadd.f32 v21, v19;
	v20 =	vadd.f32 v22, v20  }
0x181: {  	s20 =	sor.u32 s19, s20  }
0x182: {  	v24 =	vld [tilespmem:s20+$0x4000];
	v21 =	vperm.xlane v19, v3;
	v22 =	vperm.xlane v20, v3;
	_ =	sdelay $0x1  }
0x183: {  	v26 =	vld [tilespmem:s20+$0x2000];
	v19 =	vadd.f32 v21, v19;
	v21 =	vadd.f32 v22, v20  }
0x184: {  	s23 =	simm.s32 $0x10;
	s20 =	simm.s32 $0x80  }
0x185: {  	s21 =	sand.u32 $0x70, s23;
	s22 =	sand.u32 $0x400, s20;
	v20 =	vperm.xlane v19, v4;
	v22 =	vperm.xlane v21, v4  }
0x186: {  	s21 =	sor.u32 s22, s21;
	v27 =	vshll.u32 v24, $0x10  }
0x187: {  	s22 =	sor.u32 s19, s21;
	v24 =	vand.u32 $0xFFFF0000, v24;
	v20 =	vadd.f32 v20, v19;
	v19 =	vadd.f32 v22, v21  }
0x188: {  	v23 =	vimm.f32 $0.0e+00;
	v25 =	vld [tilespmem:s22+$0x4000];
	v28 =	vmul.f32 v27, v26;
	v26 =	vmul.f32 v24, v26  }
0x189: {  	s21 =	simm.s32 $0x20;
	v27 =	vld [tilespmem:s22+$0x2000];
	v24 =	vimm.f32 $0.0e+00;
	v22 =	vperm.xlane v20, v5;
	v21 =	vperm.xlane v19, v5  }
.LBB2_11:
0x18a: {  	s22 =	sand.u32 $0x70, s21;
	s20 =	sadd.s32 $0x80, s20;
	v23 =	vadd.f32 v28, v23;
	v24 =	vadd.f32 v26, v24;
	p1 =	sne.s32 s21, $0xB0  }
.Ltmp4:
0x18b: {  	s21 =	sadd.s32 $0x10, s21;
	s23 =	sand.u32 $0x400, s20;
	(pc) =	sbr.rel @p1 .LBB2_11-.Ltmp4, $4  }
0x18c: {  	s22 =	sor.u32 s23, s22  }
0x18d: {  	s22 =	sor.u32 s19, s22;
	v26 =	vshll.u32 v25, $0x10;
	v29 =	vand.u32 $0xFFFF0000, v25  }
0x18e: {  	v25 =	vld [tilespmem:s22+$0x4000];
	v28 =	vmul.f32 v26, v27;
	v26 =	vmul.f32 v29, v27  }
0x18f: {  	v27 =	vld [tilespmem:s22+$0x2000]  }
0x190: {  	v29 =	vld.msk [tilespmem:s18+$0x2640], $0xff;
	_ =	sdelay $0x2  }
0x191: {  	v30 =	vld [tilespmem:s18+$0x4630]  }
0x192: {  	v31 =	vld.msk [tilespmem:s18+$0x4640], $0xff  }
0x193: {  	v29 =	vperm.xlane v29, v1  }
0x194: {  	v32 =	vshll.u32 v25, $0x10  }
0x195: {  	v25 =	vand.u32 $0xFFFF0000, v25;
	v32 =	vmul.f32 v32, v27;
	v29 =	vsel vm0, $0x0, v29  }
0x196: {  	v25 =	vmul.f32 v25, v27;
	v27 =	vperm.xlane v29, v1  }
0x197: {  	v33 =	vshll.u32 v31, $0x10;
	v31 =	vand.u32 $0xFFFF0000, v31;
	v29 =	vshll.u32 v30, $0x10  }
0x198: {  	v30 =	vand.u32 $0xFFFF0000, v30;
	v29 =	vmul.f32 v29, v27;
	v33 =	vmul.f32 v33, v27  }
0x199: {  	v23 =	vadd.f32 v28, v23;
	v28 =	vmul.f32 v30, v27;
	v27 =	vmul.f32 v31, v27  }
0x19a: {  	v24 =	vadd.f32 v26, v24;
	v26 =	vperm.xlane v29, v1;
	v29 =	vperm.xlane v33, v1  }
0x19b: {  	v23 =	vadd.f32 v32, v23;
	v28 =	vperm.xlane v28, v1;
	v27 =	vperm.xlane v27, v1  }
0x19c: {  	v24 =	vadd.f32 v25, v24;
	v25 =	vsel vm0, v26, v29  }
0x19d: {  	v23 =	vadd.f32 v25, v23;
	v25 =	vsel vm0, v28, v27  }
0x19e: {  	v24 =	vadd.f32 v25, v24;
	_ =	sdelay $0x1  }
0x19f: {  	v25 =	vperm.xlane v23, v1;
	v26 =	vperm.xlane v24, v1;
	_ =	sdelay $0x1  }
0x1a0: {  	v23 =	vadd.f32 v25, v23;
	v24 =	vadd.f32 v26, v24;
	_ =	sdelay $0x1  }
0x1a1: {  	v25 =	vperm.xlane v23, v3;
	v26 =	vperm.xlane v24, v3;
	_ =	sdelay $0x1  }
0x1a2: {  	s19 =	simm.s32 $0x0;
	v23 =	vadd.f32 v25, v23;
	v25 =	vadd.f32 v26, v24  }
0x1a3: {  	s19 =	sand.u32 $0xFFFFFC00, s19  }
0x1a4: {  	s19 =	sadd.s32 s19, s18;
	v24 =	vperm.xlane v23, v4;
	v26 =	vperm.xlane v25, v4  }
0x1a5: {  	s20 =	sor.u32 $0x280, s19  }
0x1a6: {  	v29 =	vld [tilespmem:s20+$0x4000];
	v24 =	vadd.f32 v24, v23;
	v23 =	vadd.f32 v26, v25  }
0x1a7: {  	v30 =	vld [tilespmem:s20+$0x2000];
	v27 =	vimm.f32 $0.0e+00  }
0x1a8: {  	s19 =	simm.s32 $0x80;
	s20 =	sadd.s32 $0x10, s18;
	v28 =	vimm.f32 $0.0e+00;
	v26 =	vperm.xlane v24, v5;
	v25 =	vperm.xlane v23, v5  }
.LBB2_13:
0x1a9: {  	s21 =	sand.u32 $0xFFFFFC00, s19;
	p1 =	sne.s32 s19, $0x580;
	s19 =	sadd.s32 $0x80, s19  }
.Ltmp5:
0x1aa: {  	s21 =	sadd.s32 s21, s20;
	(pc) =	sbr.rel @p1 .LBB2_13-.Ltmp5, $4  }
0x1ab: {  	s21 =	sor.u32 $0x280, s21;
	v31 =	vshll.u32 v29, $0x10;
	v32 =	vand.u32 $0xFFFF0000, v29  }
0x1ac: {  	v29 =	vld [tilespmem:s21+$0x4000];
	v31 =	vmul.f32 v31, v30;
	v32 =	vmul.f32 v32, v30  }
0x1ad: {  	v30 =	vld [tilespmem:s21+$0x2000]  }
0x1ae: {  	s20 =	sadd.s32 $0x10, s20;
	v27 =	vadd.f32 v31, v27;
	v28 =	vadd.f32 v32, v28  }
0x1af: {  	v31 =	vld.msk [tilespmem:s18+$0x26C0], $0xff;
	_ =	sdelay $0x2  }
0x1b0: {  	v32 =	vld [tilespmem:s18+$0x46B0]  }
0x1b1: {  	v33 =	vld.msk [tilespmem:s18+$0x46C0], $0xff  }
0x1b2: {  	v31 =	vperm.xlane v31, v1  }
0x1b3: {  	v34 =	vshll.u32 v29, $0x10  }
0x1b4: {  	v29 =	vand.u32 $0xFFFF0000, v29;
	v34 =	vmul.f32 v34, v30;
	v31 =	vsel vm0, $0x0, v31  }
0x1b5: {  	v29 =	vmul.f32 v29, v30;
	v30 =	vperm.xlane v31, v1  }
0x1b6: {  	v35 =	vshll.u32 v33, $0x10;
	v33 =	vand.u32 $0xFFFF0000, v33;
	v31 =	vshll.u32 v32, $0x10  }
0x1b7: {  	v32 =	vand.u32 $0xFFFF0000, v32;
	v31 =	vmul.f32 v31, v30;
	v35 =	vmul.f32 v35, v30  }
0x1b8: {  	v32 =	vmul.f32 v32, v30;
	v30 =	vmul.f32 v33, v30  }
0x1b9: {  	v31 =	vperm.xlane v31, v1;
	v60 =	vperm.xlane v35, v1  }
0x1ba: {  	v32 =	vperm.xlane v32, v1;
	v30 =	vperm.xlane v30, v1  }
0x1bb: {  	v27 =	vadd.f32 v34, v27;
	v28 =	vadd.f32 v29, v28  }
0x1bc: {  	v29 =	vsel vm0, v31, v60;
	v30 =	vsel vm0, v32, v30  }
0x1bd: {  	v27 =	vadd.f32 v29, v27;
	v28 =	vadd.f32 v30, v28;
	_ =	sdelay $0x1  }
0x1be: {  	s19 =	simm.s32 $0x0;
	v29 =	vperm.xlane v27, v1;
	v30 =	vperm.xlane v28, v1  }
0x1bf: {  	s20 =	sand.u32 $0x70, s19;
	s21 =	sand.u32 $0x400, s19  }
0x1c0: {  	s19 =	sor.u32 $0x300, s18;
	s20 =	sor.u32 s21, s20;
	v27 =	vadd.f32 v29, v27;
	v28 =	vadd.f32 v30, v28  }
0x1c1: {  	s20 =	sor.u32 s19, s20  }
0x1c2: {  	v61 =	vld [tilespmem:s20+$0x4000];
	v29 =	vperm.xlane v27, v3;
	v30 =	vperm.xlane v28, v3;
	_ =	sdelay $0x1  }
0x1c3: {  	v62 =	vld [tilespmem:s20+$0x2000];
	v27 =	vadd.f32 v29, v27;
	v29 =	vadd.f32 v30, v28  }
0x1c4: {  	s23 =	simm.s32 $0x10;
	s20 =	simm.s32 $0x80  }
0x1c5: {  	s21 =	sand.u32 $0x70, s23;
	s22 =	sand.u32 $0x400, s20;
	v28 =	vperm.xlane v27, v4;
	v30 =	vperm.xlane v29, v4  }
0x1c6: {  	s21 =	sor.u32 s22, s21;
	v63 =	vshll.u32 v61, $0x10  }
0x1c7: {  	s22 =	sor.u32 s19, s21;
	v32 =	vand.u32 $0xFFFF0000, v61;
	v28 =	vadd.f32 v28, v27;
	v27 =	vadd.f32 v30, v29  }
0x1c8: {  	v33 =	vld [tilespmem:s22+$0x4000];
	v36 =	vmul.f32 v63, v62;
	v31 =	vimm.f32 $0.0e+00;
	v34 =	vmul.f32 v32, v62  }
0x1c9: {  	s21 =	simm.s32 $0x20;
	v35 =	vld [tilespmem:s22+$0x2000];
	v32 =	vimm.f32 $0.0e+00;
	v30 =	vperm.xlane v28, v5;
	v29 =	vperm.xlane v27, v5  }
.LBB2_15:
0x1ca: {  	s22 =	sand.u32 $0x70, s21;
	s20 =	sadd.s32 $0x80, s20;
	v31 =	vadd.f32 v36, v31;
	v32 =	vadd.f32 v34, v32;
	p1 =	sne.s32 s21, $0xB0  }
.Ltmp6:
0x1cb: {  	s21 =	sadd.s32 $0x10, s21;
	s23 =	sand.u32 $0x400, s20;
	(pc) =	sbr.rel @p1 .LBB2_15-.Ltmp6, $4  }
0x1cc: {  	s22 =	sor.u32 s23, s22  }
0x1cd: {  	s22 =	sor.u32 s19, s22;
	v34 =	vshll.u32 v33, $0x10;
	v37 =	vand.u32 $0xFFFF0000, v33  }
0x1ce: {  	v33 =	vld [tilespmem:s22+$0x4000];
	v36 =	vmul.f32 v34, v35;
	v34 =	vmul.f32 v37, v35  }
0x1cf: {  	v35 =	vld [tilespmem:s22+$0x2000]  }
0x1d0: {  	v37 =	vld.msk [tilespmem:s18+$0x2740], $0xff;
	_ =	sdelay $0x2  }
0x1d1: {  	v38 =	vld [tilespmem:s18+$0x4730]  }
0x1d2: {  	v39 =	vld.msk [tilespmem:s18+$0x4740], $0xff  }
0x1d3: {  	v37 =	vperm.xlane v37, v1  }
0x1d4: {  	v40 =	vshll.u32 v33, $0x10  }
0x1d5: {  	v54 =	vand.u32 $0xFFFF0000, v33;
	v40 =	vmul.f32 v40, v35;
	v37 =	vsel vm0, $0x0, v37  }
0x1d6: {  	v33 =	vmul.f32 v54, v35;
	v55 =	vperm.xlane v37, v1  }
0x1d7: {  	v56 =	vshll.u32 v38, $0x10;
	v41 =	vshll.u32 v39, $0x10;
	v38 =	vand.u32 $0xFFFF0000, v38  }
0x1d8: {  	v39 =	vand.u32 $0xFFFF0000, v39;
	v37 =	vmul.f32 v56, v55;
	v41 =	vmul.f32 v41, v55  }
0x1d9: {  	v31 =	vadd.f32 v36, v31;
	v57 =	vmul.f32 v38, v55;
	v35 =	vmul.f32 v39, v55  }
0x1da: {  	v32 =	vadd.f32 v34, v32;
	v58 =	vperm.xlane v37, v1;
	v59 =	vperm.xlane v41, v1  }
0x1db: {  	v36 =	vperm.xlane v57, v1;
	v35 =	vperm.xlane v35, v1  }
0x1dc: {  	v31 =	vadd.f32 v40, v31;
	v32 =	vadd.f32 v33, v32  }
0x1dd: {  	v60 =	vsel vm0, v58, v59;
	v61 =	vsel vm0, v36, v35  }
0x1de: {  	v31 =	vadd.f32 v60, v31;
	v32 =	vadd.f32 v61, v32;
	_ =	sdelay $0x1  }
0x1df: {  	v62 =	vperm.xlane v31, v1;
	v63 =	vperm.xlane v32, v1;
	_ =	sdelay $0x1  }
0x1e0: {  	v31 =	vadd.f32 v62, v31;
	v32 =	vadd.f32 v63, v32;
	_ =	sdelay $0x1  }
0x1e1: {  	v33 =	vperm.xlane v31, v3;
	v34 =	vperm.xlane v32, v3;
	_ =	sdelay $0x1  }
0x1e2: {  	s20 =	simm.s32 $0x0;
	v31 =	vadd.f32 v33, v31;
	v32 =	vadd.f32 v34, v32  }
0x1e3: {  	s19 =	sor.u32 $0x380, s18;
	s20 =	sor.u32 s20, s20  }
0x1e4: {  	s21 =	sor.u32 s19, s20;
	v33 =	vperm.xlane v31, v4;
	v34 =	vperm.xlane v32, v4  }
0x1e5: {  	v37 =	vld [tilespmem:s21+$0x4000]  }
0x1e6: {  	v38 =	vld [tilespmem:s21+$0x2000];
	v31 =	vadd.f32 v33, v31;
	v32 =	vadd.f32 v34, v32  }
0x1e7: {  	v35 =	vimm.f32 $0.0e+00  }
0x1e8: {  	s20 =	simm.s32 $0x10;
	s21 =	simm.s32 $0x80;
	v36 =	vimm.f32 $0.0e+00;
	v33 =	vperm.xlane v31, v5;
	v34 =	vperm.xlane v32, v5  }
.LBB2_17:
0x1e9: {  	s22 =	sor.u32 s21, s20;
	p1 =	sne.s32 s20, $0xB0;
	s20 =	sadd.s32 $0x10, s20  }
.Ltmp7:
0x1ea: {  	s22 =	sor.u32 s19, s22;
	v39 =	vshll.u32 v37, $0x10;
	v40 =	vand.u32 $0xFFFF0000, v37;
	(pc) =	sbr.rel @p1 .LBB2_17-.Ltmp7, $4  }
0x1eb: {  	v37 =	vld [tilespmem:s22+$0x4000];
	v39 =	vmul.f32 v39, v38;
	v40 =	vmul.f32 v40, v38  }
0x1ec: {  	v38 =	vld [tilespmem:s22+$0x2000]  }
0x1ed: {  	v35 =	vadd.f32 v39, v35;
	v36 =	vadd.f32 v40, v36  }
0x1ee: {  	s21 =	sadd.s32 $0x80, s21  }
0x1ef: {  	v39 =	vld.msk [tilespmem:s18+$0x27C0], $0xff;
	_ =	sdelay $0x2  }
0x1f0: {  	v40 =	vld [tilespmem:s18+$0x47B0]  }
0x1f1: {  	v41 =	vld.msk [tilespmem:s18+$0x47C0], $0xff  }
0x1f2: {  	v39 =	vperm.xlane v39, v1  }
0x1f3: {  	v42 =	vshll.u32 v37, $0x10  }
0x1f4: {  	v59 =	vand.u32 $0xFFFF0000, v37;
	v42 =	vmul.f32 v42, v38;
	v60 =	vsel vm0, $0x0, v39  }
0x1f5: {  	v8 =	vadd.f32 v10, v8;
	v37 =	vmul.f32 v59, v38;
	v61 =	vperm.xlane v60, v1  }
0x1f6: {  	v62 =	vshll.u32 v40, $0x10;
	v63 =	vshll.u32 v41, $0x10;
	v40 =	vand.u32 $0xFFFF0000, v40  }
0x1f7: {  	v41 =	vand.u32 $0xFFFF0000, v41;
	v38 =	vmul.f32 v62, v61;
	v39 =	vmul.f32 v63, v61  }
0x1f8: {  	v36 =	vadd.f32 v37, v36;
	v43 =	vmul.f32 v40, v61;
	v37 =	vmul.f32 v41, v61  }
0x1f9: {  	v7 =	vadd.f32 v9, v7;
	v44 =	vperm.xlane v38, v1;
	v45 =	vperm.xlane v39, v1  }
0x1fa: {  	v35 =	vadd.f32 v42, v35;
	v10 =	vperm.xlane v43, v1;
	v37 =	vperm.xlane v37, v1  }
0x1fb: {  	v7 =	vsel vm1, v8, v7;
	v8 =	vadd.f32 v14, v12;
	v9 =	vsel vm0, v44, v45  }
0x1fc: {  	v10 =	vsel vm0, v10, v37;
	v9 =	vadd.f32 v9, v35  }
0x1fd: {  	v7 =	vsel vm2, v7, v8;
	v8 =	vadd.f32 v10, v36  }
0x1fe: {  	v47 =	vperm.xlane v9, v1  }
0x1ff: {  	v48 =	vperm.xlane v8, v1  }
0x200: {  	v9 =	vadd.f32 v47, v9  }
0x201: {  	v11 =	vadd.f32 v13, v11;
	v8 =	vadd.f32 v48, v8  }
0x202: {  	v46 =	vadd.f32 v18, v16;
	v51 =	vperm.xlane v9, v3  }
0x203: {  	v49 =	vadd.f32 v17, v15;
	v7 =	vsel vm3, v7, v11;
	v53 =	vperm.xlane v8, v3  }
0x204: {  	v50 =	vadd.f32 v22, v20;
	v7 =	vsel vm4, v7, v46;
	v9 =	vadd.f32 v51, v9  }
0x205: {  	v52 =	vadd.f32 v21, v19;
	v7 =	vsel vm5, v7, v49;
	v8 =	vadd.f32 v53, v8  }
0x206: {  	v54 =	vadd.f32 v26, v24;
	v7 =	vsel vm6, v7, v50;
	v56 =	vperm.xlane v9, v4  }
0x207: {  	v55 =	vadd.f32 v25, v23;
	v7 =	vsel vm7, v7, v52;
	v58 =	vperm.xlane v8, v4  }
0x208: {  	v57 =	vadd.f32 v30, v28;
	v7 =	vsel vm0, v7, v54;
	v9 =	vadd.f32 v56, v9  }
0x209: {  	v59 =	vadd.f32 v29, v27;
	v7 =	vsel vm8, v7, v55;
	v8 =	vadd.f32 v58, v8  }
0x20a: {  	v60 =	vadd.f32 v33, v31;
	v7 =	vsel vm9, v7, v57;
	v61 =	vperm.xlane v9, v5  }
0x20b: {  	v62 =	vadd.f32 v34, v32;
	v7 =	vsel vm10, v7, v59;
	v63 =	vperm.xlane v8, v5  }
0x20c: {  	v7 =	vsel vm11, v7, v60;
	v9 =	vadd.f32 v61, v9  }
0x20d: {  	v7 =	vsel vm12, v7, v62;
	v8 =	vadd.f32 v63, v8  }
0x20e: {  	v7 =	vsel vm13, v7, v9  }
0x20f: {  	v7 =	vsel vm14, v7, v8  }
.Ltmp8:
0x210: {  	v7 =	vmul.f32 v7, v2;
	(pc) =	sbr.rel @p0 .LBB2_2-.Ltmp8, $4  }
0x211: {  	_ = 	snop  }
0x212: {  	s17 =	sshll.u32 s17, $0x4;
	v7 =	vadd.f32 v7, v6  }
0x213: {  	s17 =	sand.u32 $0x3FFFFFF0, s17  }
0x214: {  	p1 =	por $0x0, $0x0;
	[tilespmem:s17+$0x6080] =	vst v7;
	s17 =	simm.s32 $0x1  }
0x215: {  	s17 =	simm.s32 $0x2  }
0x216: {  	_ =	swait.ge [sflag:s17], $0x80  }
0x217: {  	[sflag:s17] =	ssyncset.done $0x0  }
0x218: {  	[sflag:s17] =	ssyncadd.s32 $0xFFFFFF80  }
0x219: {  	_ =	swait.ge [sflag:s17], $0x48  }
0x21a: {  	[sflag:s17] =	ssyncset.done $0x0  }
0x21b: {  	[sflag:s17] =	ssyncadd.s32 $0xFFFFFFB8  }
0x21c: {  	_ =	swait.ge [sflag:s17], $0x80  }
0x21d: {  	[sflag:s17] =	ssyncset.done $0x0  }
0x21e: {  	[sflag:s17] =	ssyncadd.s32 $0xFFFFFF80  }
0x21f: {  	_ =	swait.ge [sflag:s17], $0x48  }
0x220: {  	[sflag:s17] =	ssyncset.done $0x0  }
0x221: {  	[sflag:s17] =	ssyncadd.s32 $0xFFFFFFB8  }
0x222: {  	_ =	swait.ge [sflag:s17], $0x80  }
0x223: {  	[sflag:s17] =	ssyncset.done $0x0  }
0x224: {  	[sflag:s17] =	ssyncadd.s32 $0xFFFFFF80  }
0x225: {  	_ =	swait.ge [sflag:s17], $0x48  }
0x226: {  	[sflag:s17] =	ssyncset.done $0x0  }
0x227: {  	[sflag:s17] =	ssyncadd.s32 $0xFFFFFFB8  }
0x228: {  	_ =	swait.ge [sflag:s17], $0x80  }
0x229: {  	[sflag:s17] =	ssyncset.done $0x0  }
0x22a: {  	[sflag:s17] =	ssyncadd.s32 $0xFFFFFF80  }
0x22b: {  	_ =	swait.ge [sflag:s17], $0x48  }
0x22c: {  	[sflag:s17] =	ssyncset.done $0x0  }
0x22d: {  	[sflag:s17] =	ssyncadd.s32 $0xFFFFFFB8  }
0x22e: {  	_ =	swait.ge [sflag:s17], $0x80  }
0x22f: {  	[sflag:s17] =	ssyncset.done $0x0  }
0x230: {  	[sflag:s17] =	ssyncadd.s32 $0xFFFFFF80  }
0x231: {  	_ =	swait.ge [sflag:s17], $0x48  }
0x232: {  	[sflag:s17] =	ssyncset.done $0x0  }
0x233: {  	[sflag:s17] =	ssyncadd.s32 $0xFFFFFFB8  }
0x234: {  	_ =	swait.ge [sflag:s17], $0x80  }
0x235: {  	[sflag:s17] =	ssyncset.done $0x0  }
0x236: {  	[sflag:s17] =	ssyncadd.s32 $0xFFFFFF80  }
0x237: {  	_ =	swait.ge [sflag:s17], $0x48  }
0x238: {  	[sflag:s17] =	ssyncset.done $0x0  }
0x239: {  	[sflag:s17] =	ssyncadd.s32 $0xFFFFFFB8  }
0x23a: {  	_ =	swait.ge [sflag:s17], $0x80  }
0x23b: {  	[sflag:s17] =	ssyncset.done $0x0  }
0x23c: {  	[sflag:s17] =	ssyncadd.s32 $0xFFFFFF80  }
0x23d: {  	_ =	swait.ge [sflag:s17], $0x48  }
0x23e: {  	[sflag:s17] =	ssyncset.done $0x0  }
0x23f: {  	[sflag:s17] =	ssyncadd.s32 $0xFFFFFFB8  }
0x240: {  	_ =	swait.ge [sflag:s17], $0x80  }
0x241: {  	[sflag:s17] =	ssyncset.done $0x0  }
0x242: {  	[sflag:s17] =	ssyncadd.s32 $0xFFFFFF80  }
0x243: {  	_ =	swait.ge [sflag:s17], $0x48  }
0x244: {  	[sflag:s17] =	ssyncset.done $0x0  }
0x245: {  	[sflag:s17] =	ssyncadd.s32 $0xFFFFFFB8  }
0x246: {  	_ =	swait.ge [sflag:s17], $0x80  }
0x247: {  	[sflag:s17] =	ssyncset.done $0x0  }
0x248: {  	[sflag:s17] =	ssyncadd.s32 $0xFFFFFF80  }
0x249: {  	_ =	swait.ge [sflag:s17], $0x48  }
0x24a: {  	[sflag:s17] =	ssyncset.done $0x0  }
0x24b: {  	[sflag:s17] =	ssyncadd.s32 $0xFFFFFFB8  }
0x24c: {  	_ =	swait.ge [sflag:s17], $0x80  }
0x24d: {  	[sflag:s17] =	ssyncset.done $0x0  }
0x24e: {  	[sflag:s17] =	ssyncadd.s32 $0xFFFFFF80  }
0x24f: {  	_ =	swait.ge [sflag:s17], $0x48  }
0x250: {  	[sflag:s17] =	ssyncset.done $0x0  }
0x251: {  	[sflag:s17] =	ssyncadd.s32 $0xFFFFFFB8  }
0x252: {  	_ =	swait.ge [sflag:s17], $0x80  }
0x253: {  	[sflag:s17] =	ssyncset.done $0x0  }
0x254: {  	[sflag:s17] =	ssyncadd.s32 $0xFFFFFF80  }
0x255: {  	_ =	swait.ge [sflag:s17], $0x48  }
0x256: {  	[sflag:s17] =	ssyncset.done $0x0  }
0x257: {  	[sflag:s17] =	ssyncadd.s32 $0xFFFFFFB8  }
0x258: {  	_ =	swait.ge [sflag:s17], $0x80  }
0x259: {  	[sflag:s17] =	ssyncset.done $0x0  }
0x25a: {  	[sflag:s17] =	ssyncadd.s32 $0xFFFFFF80  }
0x25b: {  	_ =	swait.ge [sflag:s17], $0x48  }
0x25c: {  	[sflag:s17] =	ssyncset.done $0x0  }
0x25d: {  	[sflag:s17] =	ssyncadd.s32 $0xFFFFFFB8  }
0x25e: {  	_ =	swait.ge [sflag:s17], $0x80  }
0x25f: {  	[sflag:s17] =	ssyncset.done $0x0  }
0x260: {  	[sflag:s17] =	ssyncadd.s32 $0xFFFFFF80  }
0x261: {  	_ =	swait.ge [sflag:s17], $0x48  }
0x262: {  	[sflag:s17] =	ssyncset.done $0x0  }
0x263: {  	[sflag:s17] =	ssyncadd.s32 $0xFFFFFFB8  }
0x264: {  	_ =	swait.ge [sflag:s17], $0x80  }
0x265: {  	[sflag:s17] =	ssyncset.done $0x0  }
0x266: {  	[sflag:s17] =	ssyncadd.s32 $0xFFFFFF80  }
0x267: {  	_ =	swait.ge [sflag:s17], $0x48  }
0x268: {  	[sflag:s17] =	ssyncset.done $0x0  }
0x269: {  	[sflag:s17] =	ssyncadd.s32 $0xFFFFFFB8  }
0x26a: {  	_ =	swait.ge [sflag:s17], $0x80  }
0x26b: {  	[sflag:s17] =	ssyncset.done $0x0  }
0x26c: {  	[sflag:s17] =	ssyncadd.s32 $0xFFFFFF80  }
0x26d: {  	_ =	swait.ge [sflag:s17], $0x48  }
0x26e: {  	[sflag:s17] =	ssyncset.done $0x0  }
0x26f: {  	[sflag:s17] =	ssyncadd.s32 $0xFFFFFFB8  }
0x270: {  	_ =	swait.ge [sflag:s17], $0x80  }
0x271: {  	[sflag:s17] =	ssyncset.done $0x0  }
0x272: {  	[sflag:s17] =	ssyncadd.s32 $0xFFFFFF80  }
0x273: {  	_ =	swait.ge [sflag:s17], $0x48  }
0x274: {  	[sflag:s17] =	ssyncset.done $0x0  }
0x275: {  	p1 =	por $0x0, $0x0;
	[sflag:s17] =	ssyncadd.s32 $0xFFFFFFB8  }
.LBB2_20:
0x276: {  	s18 =	simm.s32 $0x0  }
0x277: {  	s19 =	sand.u32 $0x70, s18;
	s20 =	sand.u32 $0x400, s18  }
0x278: {  	s18 =	sshll.u32 s17, $0xB;
	s19 =	sor.u32 s19, s20  }
0x279: {  	s19 =	sor.u32 s18, s19  }
0x27a: {  	v8 =	vld [tilespmem:s19+$0x4000]  }
0x27b: {  	v10 =	vld [tilespmem:s19+$0x2000]  }
0x27c: {  	s23 =	simm.s32 $0x10;
	s19 =	simm.s32 $0x80  }
0x27d: {  	s20 =	sand.u32 $0x70, s23;
	s21 =	sand.u32 $0x400, s19  }
0x27e: {  	s20 =	sor.u32 s20, s21  }
0x27f: {  	s21 =	sor.u32 s18, s20;
	v11 =	vshll.u32 v8, $0x10;
	v8 =	vand.u32 $0xFFFF0000, v8  }
0x280: {  	v9 =	vld [tilespmem:s21+$0x4000];
	v12 =	vmul.f32 v11, v10;
	v10 =	vmul.f32 v8, v10  }
0x281: {  	v7 =	vimm.f32 $0.0e+00;
	p0 =	por p1, p1;
	s20 =	simm.s32 $0x20;
	v11 =	vld [tilespmem:s21+$0x2000];
	v8 =	vimm.f32 $0.0e+00  }
.LBB2_21:
0x282: {  	s21 =	sand.u32 $0x70, s20;
	s19 =	sadd.s32 $0x80, s19;
	v7 =	vadd.f32 v12, v7;
	v8 =	vadd.f32 v10, v8;
	p1 =	sne.s32 s20, $0xB0  }
.Ltmp9:
0x283: {  	s20 =	sadd.s32 $0x10, s20;
	s22 =	sand.u32 $0x400, s19;
	(pc) =	sbr.rel @p1 .LBB2_21-.Ltmp9, $4  }
0x284: {  	s21 =	sor.u32 s21, s22  }
0x285: {  	s21 =	sor.u32 s18, s21;
	v10 =	vshll.u32 v9, $0x10;
	v13 =	vand.u32 $0xFFFF0000, v9  }
0x286: {  	v9 =	vld [tilespmem:s21+$0x4000];
	v12 =	vmul.f32 v10, v11;
	v10 =	vmul.f32 v13, v11  }
0x287: {  	v11 =	vld [tilespmem:s21+$0x2000]  }
0x288: {  	v13 =	vld.msk [tilespmem:s18+$0x2440], $0xff;
	_ =	sdelay $0x2  }
0x289: {  	v14 =	vld [tilespmem:s18+$0x4430]  }
0x28a: {  	v15 =	vld.msk [tilespmem:s18+$0x4440], $0xff  }
0x28b: {  	v13 =	vperm.xlane v13, v1  }
0x28c: {  	v16 =	vshll.u32 v9, $0x10  }
0x28d: {  	v9 =	vand.u32 $0xFFFF0000, v9;
	v16 =	vmul.f32 v16, v11;
	v13 =	vsel vm0, $0x0, v13  }
0x28e: {  	v9 =	vmul.f32 v9, v11;
	v11 =	vperm.xlane v13, v1  }
0x28f: {  	v17 =	vshll.u32 v15, $0x10;
	v15 =	vand.u32 $0xFFFF0000, v15;
	v13 =	vshll.u32 v14, $0x10  }
0x290: {  	v14 =	vand.u32 $0xFFFF0000, v14;
	v13 =	vmul.f32 v13, v11;
	v17 =	vmul.f32 v17, v11  }
0x291: {  	v7 =	vadd.f32 v12, v7;
	v12 =	vmul.f32 v14, v11;
	v11 =	vmul.f32 v15, v11  }
0x292: {  	v8 =	vadd.f32 v10, v8;
	v10 =	vperm.xlane v13, v1;
	v13 =	vperm.xlane v17, v1  }
0x293: {  	v7 =	vadd.f32 v16, v7;
	v12 =	vperm.xlane v12, v1;
	v11 =	vperm.xlane v11, v1  }
0x294: {  	v8 =	vadd.f32 v9, v8;
	v9 =	vsel vm0, v10, v13  }
0x295: {  	v7 =	vadd.f32 v9, v7;
	v9 =	vsel vm0, v12, v11  }
0x296: {  	v8 =	vadd.f32 v9, v8;
	_ =	sdelay $0x1  }
0x297: {  	v9 =	vperm.xlane v7, v1;
	v10 =	vperm.xlane v8, v1;
	_ =	sdelay $0x1  }
0x298: {  	v7 =	vadd.f32 v9, v7;
	v8 =	vadd.f32 v10, v8;
	_ =	sdelay $0x1  }
0x299: {  	v9 =	vperm.xlane v7, v3;
	v10 =	vperm.xlane v8, v3;
	_ =	sdelay $0x1  }
0x29a: {  	s19 =	simm.s32 $0x0;
	v7 =	vadd.f32 v9, v7;
	v8 =	vadd.f32 v10, v8  }
0x29b: {  	s19 =	sand.u32 $0xFFFFFC00, s19  }
0x29c: {  	s19 =	sadd.s32 s19, s18;
	v9 =	vperm.xlane v7, v4;
	v10 =	vperm.xlane v8, v4  }
0x29d: {  	s20 =	sor.u32 $0x80, s19  }
0x29e: {  	v13 =	vld [tilespmem:s20+$0x4000];
	v7 =	vadd.f32 v9, v7;
	v8 =	vadd.f32 v10, v8  }
0x29f: {  	v14 =	vld [tilespmem:s20+$0x2000];
	v11 =	vimm.f32 $0.0e+00  }
0x2a0: {  	s19 =	simm.s32 $0x80;
	s20 =	sadd.s32 $0x10, s18;
	v12 =	vimm.f32 $0.0e+00;
	v9 =	vperm.xlane v7, v5;
	v10 =	vperm.xlane v8, v5  }
.LBB2_23:
0x2a1: {  	s21 =	sand.u32 $0xFFFFFC00, s19;
	p1 =	sne.s32 s19, $0x580;
	s19 =	sadd.s32 $0x80, s19  }
.Ltmp10:
0x2a2: {  	s21 =	sadd.s32 s21, s20;
	(pc) =	sbr.rel @p1 .LBB2_23-.Ltmp10, $4  }
0x2a3: {  	s21 =	sor.u32 $0x80, s21;
	v15 =	vshll.u32 v13, $0x10;
	v16 =	vand.u32 $0xFFFF0000, v13  }
0x2a4: {  	v13 =	vld [tilespmem:s21+$0x4000];
	v15 =	vmul.f32 v15, v14;
	v16 =	vmul.f32 v16, v14  }
0x2a5: {  	v14 =	vld [tilespmem:s21+$0x2000]  }
0x2a6: {  	s20 =	sadd.s32 $0x10, s20;
	v11 =	vadd.f32 v15, v11;
	v12 =	vadd.f32 v16, v12  }
0x2a7: {  	v15 =	vld.msk [tilespmem:s18+$0x24C0], $0xff;
	_ =	sdelay $0x2  }
0x2a8: {  	v16 =	vld [tilespmem:s18+$0x44B0]  }
0x2a9: {  	v17 =	vld.msk [tilespmem:s18+$0x44C0], $0xff  }
0x2aa: {  	v15 =	vperm.xlane v15, v1  }
0x2ab: {  	v18 =	vshll.u32 v13, $0x10  }
0x2ac: {  	v13 =	vand.u32 $0xFFFF0000, v13;
	v18 =	vmul.f32 v18, v14;
	v15 =	vsel vm0, $0x0, v15  }
0x2ad: {  	v13 =	vmul.f32 v13, v14;
	v14 =	vperm.xlane v15, v1  }
0x2ae: {  	v19 =	vshll.u32 v17, $0x10;
	v17 =	vand.u32 $0xFFFF0000, v17;
	v15 =	vshll.u32 v16, $0x10  }
0x2af: {  	v16 =	vand.u32 $0xFFFF0000, v16;
	v15 =	vmul.f32 v15, v14;
	v19 =	vmul.f32 v19, v14  }
0x2b0: {  	v16 =	vmul.f32 v16, v14;
	v14 =	vmul.f32 v17, v14  }
0x2b1: {  	v15 =	vperm.xlane v15, v1;
	v17 =	vperm.xlane v19, v1  }
0x2b2: {  	v16 =	vperm.xlane v16, v1;
	v14 =	vperm.xlane v14, v1  }
0x2b3: {  	v11 =	vadd.f32 v18, v11;
	v12 =	vadd.f32 v13, v12  }
0x2b4: {  	v13 =	vsel vm0, v15, v17;
	v14 =	vsel vm0, v16, v14  }
0x2b5: {  	v11 =	vadd.f32 v13, v11;
	v12 =	vadd.f32 v14, v12;
	_ =	sdelay $0x1  }
0x2b6: {  	s19 =	simm.s32 $0x0;
	v13 =	vperm.xlane v11, v1;
	v14 =	vperm.xlane v12, v1  }
0x2b7: {  	s20 =	sand.u32 $0x70, s19;
	s21 =	sand.u32 $0x400, s19  }
0x2b8: {  	s19 =	sor.u32 $0x100, s18;
	s20 =	sor.u32 s21, s20;
	v11 =	vadd.f32 v13, v11;
	v12 =	vadd.f32 v14, v12  }
0x2b9: {  	s20 =	sor.u32 s19, s20  }
0x2ba: {  	v16 =	vld [tilespmem:s20+$0x4000];
	v13 =	vperm.xlane v11, v3;
	v14 =	vperm.xlane v12, v3;
	_ =	sdelay $0x1  }
0x2bb: {  	v18 =	vld [tilespmem:s20+$0x2000];
	v11 =	vadd.f32 v13, v11;
	v13 =	vadd.f32 v14, v12  }
0x2bc: {  	s23 =	simm.s32 $0x10;
	s20 =	simm.s32 $0x80  }
0x2bd: {  	s21 =	sand.u32 $0x70, s23;
	s22 =	sand.u32 $0x400, s20;
	v12 =	vperm.xlane v11, v4;
	v14 =	vperm.xlane v13, v4  }
0x2be: {  	s21 =	sor.u32 s22, s21;
	v19 =	vshll.u32 v16, $0x10  }
0x2bf: {  	s22 =	sor.u32 s19, s21;
	v16 =	vand.u32 $0xFFFF0000, v16;
	v12 =	vadd.f32 v12, v11;
	v11 =	vadd.f32 v14, v13  }
0x2c0: {  	v15 =	vimm.f32 $0.0e+00;
	v17 =	vld [tilespmem:s22+$0x4000];
	v20 =	vmul.f32 v19, v18;
	v18 =	vmul.f32 v16, v18  }
0x2c1: {  	s21 =	simm.s32 $0x20;
	v19 =	vld [tilespmem:s22+$0x2000];
	v16 =	vimm.f32 $0.0e+00;
	v14 =	vperm.xlane v12, v5;
	v13 =	vperm.xlane v11, v5  }
.LBB2_25:
0x2c2: {  	s22 =	sand.u32 $0x70, s21;
	s20 =	sadd.s32 $0x80, s20;
	v15 =	vadd.f32 v20, v15;
	v16 =	vadd.f32 v18, v16;
	p1 =	sne.s32 s21, $0xB0  }
.Ltmp11:
0x2c3: {  	s21 =	sadd.s32 $0x10, s21;
	s23 =	sand.u32 $0x400, s20;
	(pc) =	sbr.rel @p1 .LBB2_25-.Ltmp11, $4  }
0x2c4: {  	s22 =	sor.u32 s23, s22  }
0x2c5: {  	s22 =	sor.u32 s19, s22;
	v18 =	vshll.u32 v17, $0x10;
	v21 =	vand.u32 $0xFFFF0000, v17  }
0x2c6: {  	v17 =	vld [tilespmem:s22+$0x4000];
	v20 =	vmul.f32 v18, v19;
	v18 =	vmul.f32 v21, v19  }
0x2c7: {  	v19 =	vld [tilespmem:s22+$0x2000]  }
0x2c8: {  	v21 =	vld.msk [tilespmem:s18+$0x2540], $0xff;
	_ =	sdelay $0x2  }
0x2c9: {  	v22 =	vld [tilespmem:s18+$0x4530]  }
0x2ca: {  	v23 =	vld.msk [tilespmem:s18+$0x4540], $0xff  }
0x2cb: {  	v21 =	vperm.xlane v21, v1  }
0x2cc: {  	v24 =	vshll.u32 v17, $0x10  }
0x2cd: {  	v17 =	vand.u32 $0xFFFF0000, v17;
	v24 =	vmul.f32 v24, v19;
	v21 =	vsel vm0, $0x0, v21  }
0x2ce: {  	v17 =	vmul.f32 v17, v19;
	v19 =	vperm.xlane v21, v1  }
0x2cf: {  	v25 =	vshll.u32 v23, $0x10;
	v23 =	vand.u32 $0xFFFF0000, v23;
	v21 =	vshll.u32 v22, $0x10  }
0x2d0: {  	v22 =	vand.u32 $0xFFFF0000, v22;
	v21 =	vmul.f32 v21, v19;
	v25 =	vmul.f32 v25, v19  }
0x2d1: {  	v15 =	vadd.f32 v20, v15;
	v20 =	vmul.f32 v22, v19;
	v19 =	vmul.f32 v23, v19  }
0x2d2: {  	v16 =	vadd.f32 v18, v16;
	v18 =	vperm.xlane v21, v1;
	v21 =	vperm.xlane v25, v1  }
0x2d3: {  	v15 =	vadd.f32 v24, v15;
	v20 =	vperm.xlane v20, v1;
	v19 =	vperm.xlane v19, v1  }
0x2d4: {  	v16 =	vadd.f32 v17, v16;
	v17 =	vsel vm0, v18, v21  }
0x2d5: {  	v15 =	vadd.f32 v17, v15;
	v17 =	vsel vm0, v20, v19  }
0x2d6: {  	v16 =	vadd.f32 v17, v16;
	_ =	sdelay $0x1  }
0x2d7: {  	v17 =	vperm.xlane v15, v1;
	v18 =	vperm.xlane v16, v1;
	_ =	sdelay $0x1  }
0x2d8: {  	v15 =	vadd.f32 v17, v15;
	v16 =	vadd.f32 v18, v16;
	_ =	sdelay $0x1  }
0x2d9: {  	v17 =	vperm.xlane v15, v3;
	v18 =	vperm.xlane v16, v3;
	_ =	sdelay $0x1  }
0x2da: {  	s19 =	simm.s32 $0x0;
	v15 =	vadd.f32 v17, v15;
	v17 =	vadd.f32 v18, v16  }
0x2db: {  	s19 =	sand.u32 $0xFFFFFC00, s19  }
0x2dc: {  	s19 =	sadd.s32 s19, s18;
	v16 =	vperm.xlane v15, v4;
	v18 =	vperm.xlane v17, v4  }
0x2dd: {  	s20 =	sor.u32 $0x180, s19  }
0x2de: {  	v21 =	vld [tilespmem:s20+$0x4000];
	v16 =	vadd.f32 v16, v15;
	v15 =	vadd.f32 v18, v17  }
0x2df: {  	v22 =	vld [tilespmem:s20+$0x2000];
	v19 =	vimm.f32 $0.0e+00  }
0x2e0: {  	s19 =	simm.s32 $0x80;
	s20 =	sadd.s32 $0x10, s18;
	v20 =	vimm.f32 $0.0e+00;
	v18 =	vperm.xlane v16, v5;
	v17 =	vperm.xlane v15, v5  }
.LBB2_27:
0x2e1: {  	s21 =	sand.u32 $0xFFFFFC00, s19;
	p1 =	sne.s32 s19, $0x580;
	s19 =	sadd.s32 $0x80, s19  }
.Ltmp12:
0x2e2: {  	s21 =	sadd.s32 s21, s20;
	(pc) =	sbr.rel @p1 .LBB2_27-.Ltmp12, $4  }
0x2e3: {  	s21 =	sor.u32 $0x180, s21;
	v23 =	vshll.u32 v21, $0x10;
	v24 =	vand.u32 $0xFFFF0000, v21  }
0x2e4: {  	v21 =	vld [tilespmem:s21+$0x4000];
	v23 =	vmul.f32 v23, v22;
	v24 =	vmul.f32 v24, v22  }
0x2e5: {  	v22 =	vld [tilespmem:s21+$0x2000]  }
0x2e6: {  	s20 =	sadd.s32 $0x10, s20;
	v19 =	vadd.f32 v23, v19;
	v20 =	vadd.f32 v24, v20  }
0x2e7: {  	v23 =	vld.msk [tilespmem:s18+$0x25C0], $0xff;
	_ =	sdelay $0x2  }
0x2e8: {  	v24 =	vld [tilespmem:s18+$0x45B0]  }
0x2e9: {  	v25 =	vld.msk [tilespmem:s18+$0x45C0], $0xff  }
0x2ea: {  	v23 =	vperm.xlane v23, v1  }
0x2eb: {  	v26 =	vshll.u32 v21, $0x10  }
0x2ec: {  	v21 =	vand.u32 $0xFFFF0000, v21;
	v26 =	vmul.f32 v26, v22;
	v23 =	vsel vm0, $0x0, v23  }
0x2ed: {  	v21 =	vmul.f32 v21, v22;
	v22 =	vperm.xlane v23, v1  }
0x2ee: {  	v27 =	vshll.u32 v25, $0x10;
	v25 =	vand.u32 $0xFFFF0000, v25;
	v23 =	vshll.u32 v24, $0x10  }
0x2ef: {  	v24 =	vand.u32 $0xFFFF0000, v24;
	v23 =	vmul.f32 v23, v22;
	v27 =	vmul.f32 v27, v22  }
0x2f0: {  	v24 =	vmul.f32 v24, v22;
	v22 =	vmul.f32 v25, v22  }
0x2f1: {  	v23 =	vperm.xlane v23, v1;
	v25 =	vperm.xlane v27, v1  }
0x2f2: {  	v24 =	vperm.xlane v24, v1;
	v22 =	vperm.xlane v22, v1  }
0x2f3: {  	v19 =	vadd.f32 v26, v19;
	v20 =	vadd.f32 v21, v20  }
0x2f4: {  	v21 =	vsel vm0, v23, v25;
	v22 =	vsel vm0, v24, v22  }
0x2f5: {  	v19 =	vadd.f32 v21, v19;
	v20 =	vadd.f32 v22, v20;
	_ =	sdelay $0x1  }
0x2f6: {  	s19 =	simm.s32 $0x0;
	v21 =	vperm.xlane v19, v1;
	v22 =	vperm.xlane v20, v1  }
0x2f7: {  	s20 =	sand.u32 $0x70, s19;
	s21 =	sand.u32 $0x400, s19  }
0x2f8: {  	s19 =	sor.u32 $0x200, s18;
	s20 =	sor.u32 s21, s20;
	v19 =	vadd.f32 v21, v19;
	v20 =	vadd.f32 v22, v20  }
0x2f9: {  	s20 =	sor.u32 s19, s20  }
0x2fa: {  	v24 =	vld [tilespmem:s20+$0x4000];
	v21 =	vperm.xlane v19, v3;
	v22 =	vperm.xlane v20, v3;
	_ =	sdelay $0x1  }
0x2fb: {  	v26 =	vld [tilespmem:s20+$0x2000];
	v19 =	vadd.f32 v21, v19;
	v21 =	vadd.f32 v22, v20  }
0x2fc: {  	s23 =	simm.s32 $0x10;
	s20 =	simm.s32 $0x80  }
0x2fd: {  	s21 =	sand.u32 $0x70, s23;
	s22 =	sand.u32 $0x400, s20;
	v20 =	vperm.xlane v19, v4;
	v22 =	vperm.xlane v21, v4  }
0x2fe: {  	s21 =	sor.u32 s22, s21;
	v27 =	vshll.u32 v24, $0x10  }
0x2ff: {  	s22 =	sor.u32 s19, s21;
	v24 =	vand.u32 $0xFFFF0000, v24;
	v20 =	vadd.f32 v20, v19;
	v19 =	vadd.f32 v22, v21  }
0x300: {  	v23 =	vimm.f32 $0.0e+00;
	v25 =	vld [tilespmem:s22+$0x4000];
	v28 =	vmul.f32 v27, v26;
	v26 =	vmul.f32 v24, v26  }
0x301: {  	s21 =	simm.s32 $0x20;
	v27 =	vld [tilespmem:s22+$0x2000];
	v24 =	vimm.f32 $0.0e+00;
	v22 =	vperm.xlane v20, v5;
	v21 =	vperm.xlane v19, v5  }
.LBB2_29:
0x302: {  	s22 =	sand.u32 $0x70, s21;
	s20 =	sadd.s32 $0x80, s20;
	v23 =	vadd.f32 v28, v23;
	v24 =	vadd.f32 v26, v24;
	p1 =	sne.s32 s21, $0xB0  }
.Ltmp13:
0x303: {  	s21 =	sadd.s32 $0x10, s21;
	s23 =	sand.u32 $0x400, s20;
	(pc) =	sbr.rel @p1 .LBB2_29-.Ltmp13, $4  }
0x304: {  	s22 =	sor.u32 s23, s22  }
0x305: {  	s22 =	sor.u32 s19, s22;
	v26 =	vshll.u32 v25, $0x10;
	v29 =	vand.u32 $0xFFFF0000, v25  }
0x306: {  	v25 =	vld [tilespmem:s22+$0x4000];
	v28 =	vmul.f32 v26, v27;
	v26 =	vmul.f32 v29, v27  }
0x307: {  	v27 =	vld [tilespmem:s22+$0x2000]  }
0x308: {  	v29 =	vld.msk [tilespmem:s18+$0x2640], $0xff;
	_ =	sdelay $0x2  }
0x309: {  	v30 =	vld [tilespmem:s18+$0x4630]  }
0x30a: {  	v31 =	vld.msk [tilespmem:s18+$0x4640], $0xff  }
0x30b: {  	v29 =	vperm.xlane v29, v1  }
0x30c: {  	v32 =	vshll.u32 v25, $0x10  }
0x30d: {  	v25 =	vand.u32 $0xFFFF0000, v25;
	v32 =	vmul.f32 v32, v27;
	v29 =	vsel vm0, $0x0, v29  }
0x30e: {  	v25 =	vmul.f32 v25, v27;
	v27 =	vperm.xlane v29, v1  }
0x30f: {  	v33 =	vshll.u32 v31, $0x10;
	v31 =	vand.u32 $0xFFFF0000, v31;
	v29 =	vshll.u32 v30, $0x10  }
0x310: {  	v30 =	vand.u32 $0xFFFF0000, v30;
	v29 =	vmul.f32 v29, v27;
	v33 =	vmul.f32 v33, v27  }
0x311: {  	v23 =	vadd.f32 v28, v23;
	v28 =	vmul.f32 v30, v27;
	v27 =	vmul.f32 v31, v27  }
0x312: {  	v24 =	vadd.f32 v26, v24;
	v26 =	vperm.xlane v29, v1;
	v29 =	vperm.xlane v33, v1  }
0x313: {  	v23 =	vadd.f32 v32, v23;
	v28 =	vperm.xlane v28, v1;
	v27 =	vperm.xlane v27, v1  }
0x314: {  	v24 =	vadd.f32 v25, v24;
	v25 =	vsel vm0, v26, v29  }
0x315: {  	v23 =	vadd.f32 v25, v23;
	v25 =	vsel vm0, v28, v27  }
0x316: {  	v24 =	vadd.f32 v25, v24;
	_ =	sdelay $0x1  }
0x317: {  	v25 =	vperm.xlane v23, v1;
	v26 =	vperm.xlane v24, v1;
	_ =	sdelay $0x1  }
0x318: {  	v23 =	vadd.f32 v25, v23;
	v24 =	vadd.f32 v26, v24;
	_ =	sdelay $0x1  }
0x319: {  	v25 =	vperm.xlane v23, v3;
	v26 =	vperm.xlane v24, v3;
	_ =	sdelay $0x1  }
0x31a: {  	s19 =	simm.s32 $0x0;
	v23 =	vadd.f32 v25, v23;
	v25 =	vadd.f32 v26, v24  }
0x31b: {  	s19 =	sand.u32 $0xFFFFFC00, s19  }
0x31c: {  	s19 =	sadd.s32 s19, s18;
	v24 =	vperm.xlane v23, v4;
	v26 =	vperm.xlane v25, v4  }
0x31d: {  	s20 =	sor.u32 $0x280, s19  }
0x31e: {  	v29 =	vld [tilespmem:s20+$0x4000];
	v24 =	vadd.f32 v24, v23;
	v23 =	vadd.f32 v26, v25  }
0x31f: {  	v30 =	vld [tilespmem:s20+$0x2000];
	v27 =	vimm.f32 $0.0e+00  }
0x320: {  	s19 =	simm.s32 $0x80;
	s20 =	sadd.s32 $0x10, s18;
	v28 =	vimm.f32 $0.0e+00;
	v26 =	vperm.xlane v24, v5;
	v25 =	vperm.xlane v23, v5  }
.LBB2_31:
0x321: {  	s21 =	sand.u32 $0xFFFFFC00, s19;
	p1 =	sne.s32 s19, $0x580;
	s19 =	sadd.s32 $0x80, s19  }
.Ltmp14:
0x322: {  	s21 =	sadd.s32 s21, s20;
	(pc) =	sbr.rel @p1 .LBB2_31-.Ltmp14, $4  }
0x323: {  	s21 =	sor.u32 $0x280, s21;
	v31 =	vshll.u32 v29, $0x10;
	v32 =	vand.u32 $0xFFFF0000, v29  }
0x324: {  	v29 =	vld [tilespmem:s21+$0x4000];
	v31 =	vmul.f32 v31, v30;
	v32 =	vmul.f32 v32, v30  }
0x325: {  	v30 =	vld [tilespmem:s21+$0x2000]  }
0x326: {  	s20 =	sadd.s32 $0x10, s20;
	v27 =	vadd.f32 v31, v27;
	v28 =	vadd.f32 v32, v28  }
0x327: {  	v31 =	vld.msk [tilespmem:s18+$0x26C0], $0xff;
	_ =	sdelay $0x2  }
0x328: {  	v32 =	vld [tilespmem:s18+$0x46B0]  }
0x329: {  	v33 =	vld.msk [tilespmem:s18+$0x46C0], $0xff  }
0x32a: {  	v31 =	vperm.xlane v31, v1  }
0x32b: {  	v34 =	vshll.u32 v29, $0x10  }
0x32c: {  	v29 =	vand.u32 $0xFFFF0000, v29;
	v34 =	vmul.f32 v34, v30;
	v31 =	vsel vm0, $0x0, v31  }
0x32d: {  	v29 =	vmul.f32 v29, v30;
	v30 =	vperm.xlane v31, v1  }
0x32e: {  	v35 =	vshll.u32 v33, $0x10;
	v33 =	vand.u32 $0xFFFF0000, v33;
	v31 =	vshll.u32 v32, $0x10  }
0x32f: {  	v32 =	vand.u32 $0xFFFF0000, v32;
	v31 =	vmul.f32 v31, v30;
	v35 =	vmul.f32 v35, v30  }
0x330: {  	v32 =	vmul.f32 v32, v30;
	v30 =	vmul.f32 v33, v30  }
0x331: {  	v31 =	vperm.xlane v31, v1;
	v60 =	vperm.xlane v35, v1  }
0x332: {  	v32 =	vperm.xlane v32, v1;
	v30 =	vperm.xlane v30, v1  }
0x333: {  	v27 =	vadd.f32 v34, v27;
	v28 =	vadd.f32 v29, v28  }
0x334: {  	v29 =	vsel vm0, v31, v60;
	v30 =	vsel vm0, v32, v30  }
0x335: {  	v27 =	vadd.f32 v29, v27;
	v28 =	vadd.f32 v30, v28;
	_ =	sdelay $0x1  }
0x336: {  	s19 =	simm.s32 $0x0;
	v29 =	vperm.xlane v27, v1;
	v30 =	vperm.xlane v28, v1  }
0x337: {  	s20 =	sand.u32 $0x70, s19;
	s21 =	sand.u32 $0x400, s19  }
0x338: {  	s19 =	sor.u32 $0x300, s18;
	s20 =	sor.u32 s21, s20;
	v27 =	vadd.f32 v29, v27;
	v28 =	vadd.f32 v30, v28  }
0x339: {  	s20 =	sor.u32 s19, s20  }
0x33a: {  	v61 =	vld [tilespmem:s20+$0x4000];
	v29 =	vperm.xlane v27, v3;
	v30 =	vperm.xlane v28, v3;
	_ =	sdelay $0x1  }
0x33b: {  	v62 =	vld [tilespmem:s20+$0x2000];
	v27 =	vadd.f32 v29, v27;
	v29 =	vadd.f32 v30, v28  }
0x33c: {  	s23 =	simm.s32 $0x10;
	s20 =	simm.s32 $0x80  }
0x33d: {  	s21 =	sand.u32 $0x70, s23;
	s22 =	sand.u32 $0x400, s20;
	v28 =	vperm.xlane v27, v4;
	v30 =	vperm.xlane v29, v4  }
0x33e: {  	s21 =	sor.u32 s22, s21;
	v63 =	vshll.u32 v61, $0x10  }
0x33f: {  	s22 =	sor.u32 s19, s21;
	v32 =	vand.u32 $0xFFFF0000, v61;
	v28 =	vadd.f32 v28, v27;
	v27 =	vadd.f32 v30, v29  }
0x340: {  	v33 =	vld [tilespmem:s22+$0x4000];
	v36 =	vmul.f32 v63, v62;
	v31 =	vimm.f32 $0.0e+00;
	v34 =	vmul.f32 v32, v62  }
0x341: {  	s21 =	simm.s32 $0x20;
	v35 =	vld [tilespmem:s22+$0x2000];
	v32 =	vimm.f32 $0.0e+00;
	v30 =	vperm.xlane v28, v5;
	v29 =	vperm.xlane v27, v5  }
.LBB2_33:
0x342: {  	s22 =	sand.u32 $0x70, s21;
	s20 =	sadd.s32 $0x80, s20;
	v31 =	vadd.f32 v36, v31;
	v32 =	vadd.f32 v34, v32;
	p1 =	sne.s32 s21, $0xB0  }
.Ltmp15:
0x343: {  	s21 =	sadd.s32 $0x10, s21;
	s23 =	sand.u32 $0x400, s20;
	(pc) =	sbr.rel @p1 .LBB2_33-.Ltmp15, $4  }
0x344: {  	s22 =	sor.u32 s23, s22  }
0x345: {  	s22 =	sor.u32 s19, s22;
	v34 =	vshll.u32 v33, $0x10;
	v37 =	vand.u32 $0xFFFF0000, v33  }
0x346: {  	v33 =	vld [tilespmem:s22+$0x4000];
	v36 =	vmul.f32 v34, v35;
	v34 =	vmul.f32 v37, v35  }
0x347: {  	v35 =	vld [tilespmem:s22+$0x2000]  }
0x348: {  	v37 =	vld.msk [tilespmem:s18+$0x2740], $0xff;
	_ =	sdelay $0x2  }
0x349: {  	v38 =	vld [tilespmem:s18+$0x4730]  }
0x34a: {  	v39 =	vld.msk [tilespmem:s18+$0x4740], $0xff  }
0x34b: {  	v37 =	vperm.xlane v37, v1  }
0x34c: {  	v40 =	vshll.u32 v33, $0x10  }
0x34d: {  	v54 =	vand.u32 $0xFFFF0000, v33;
	v40 =	vmul.f32 v40, v35;
	v37 =	vsel vm0, $0x0, v37  }
0x34e: {  	v33 =	vmul.f32 v54, v35;
	v55 =	vperm.xlane v37, v1  }
0x34f: {  	v56 =	vshll.u32 v38, $0x10;
	v41 =	vshll.u32 v39, $0x10;
	v38 =	vand.u32 $0xFFFF0000, v38  }
0x350: {  	v39 =	vand.u32 $0xFFFF0000, v39;
	v37 =	vmul.f32 v56, v55;
	v41 =	vmul.f32 v41, v55  }
0x351: {  	v31 =	vadd.f32 v36, v31;
	v57 =	vmul.f32 v38, v55;
	v35 =	vmul.f32 v39, v55  }
0x352: {  	v32 =	vadd.f32 v34, v32;
	v58 =	vperm.xlane v37, v1;
	v59 =	vperm.xlane v41, v1  }
0x353: {  	v36 =	vperm.xlane v57, v1;
	v35 =	vperm.xlane v35, v1  }
0x354: {  	v31 =	vadd.f32 v40, v31;
	v32 =	vadd.f32 v33, v32  }
0x355: {  	v60 =	vsel vm0, v58, v59;
	v61 =	vsel vm0, v36, v35  }
0x356: {  	v31 =	vadd.f32 v60, v31;
	v32 =	vadd.f32 v61, v32;
	_ =	sdelay $0x1  }
0x357: {  	v62 =	vperm.xlane v31, v1;
	v63 =	vperm.xlane v32, v1;
	_ =	sdelay $0x1  }
0x358: {  	v31 =	vadd.f32 v62, v31;
	v32 =	vadd.f32 v63, v32;
	_ =	sdelay $0x1  }
0x359: {  	v33 =	vperm.xlane v31, v3;
	v34 =	vperm.xlane v32, v3;
	_ =	sdelay $0x1  }
0x35a: {  	s20 =	simm.s32 $0x0;
	v31 =	vadd.f32 v33, v31;
	v32 =	vadd.f32 v34, v32  }
0x35b: {  	s19 =	sor.u32 $0x380, s18;
	s20 =	sor.u32 s20, s20  }
0x35c: {  	s21 =	sor.u32 s19, s20;
	v33 =	vperm.xlane v31, v4;
	v34 =	vperm.xlane v32, v4  }
0x35d: {  	v37 =	vld [tilespmem:s21+$0x4000]  }
0x35e: {  	v38 =	vld [tilespmem:s21+$0x2000];
	v31 =	vadd.f32 v33, v31;
	v32 =	vadd.f32 v34, v32  }
0x35f: {  	v35 =	vimm.f32 $0.0e+00  }
0x360: {  	s20 =	simm.s32 $0x10;
	s21 =	simm.s32 $0x80;
	v36 =	vimm.f32 $0.0e+00;
	v34 =	vperm.xlane v31, v5;
	v33 =	vperm.xlane v32, v5  }
.LBB2_35:
0x361: {  	s22 =	sor.u32 s21, s20;
	p1 =	sne.s32 s20, $0xB0;
	s20 =	sadd.s32 $0x10, s20  }
.Ltmp16:
0x362: {  	s22 =	sor.u32 s19, s22;
	v39 =	vshll.u32 v37, $0x10;
	v40 =	vand.u32 $0xFFFF0000, v37;
	(pc) =	sbr.rel @p1 .LBB2_35-.Ltmp16, $4  }
0x363: {  	v37 =	vld [tilespmem:s22+$0x4000];
	v39 =	vmul.f32 v39, v38;
	v40 =	vmul.f32 v40, v38  }
0x364: {  	v38 =	vld [tilespmem:s22+$0x2000]  }
0x365: {  	v35 =	vadd.f32 v39, v35;
	v36 =	vadd.f32 v40, v36  }
0x366: {  	s21 =	sadd.s32 $0x80, s21  }
0x367: {  	v39 =	vld.msk [tilespmem:s18+$0x27C0], $0xff;
	_ =	sdelay $0x2  }
0x368: {  	v40 =	vld [tilespmem:s18+$0x47B0]  }
0x369: {  	v41 =	vld.msk [tilespmem:s18+$0x47C0], $0xff  }
0x36a: {  	v39 =	vperm.xlane v39, v1  }
0x36b: {  	v42 =	vshll.u32 v37, $0x10  }
0x36c: {  	v46 =	vand.u32 $0xFFFF0000, v37;
	v42 =	vmul.f32 v42, v38;
	v39 =	vsel vm0, $0x0, v39  }
0x36d: {  	v37 =	vmul.f32 v46, v38;
	v47 =	vperm.xlane v39, v1  }
0x36e: {  	v48 =	vshll.u32 v40, $0x10;
	v43 =	vshll.u32 v41, $0x10;
	v40 =	vand.u32 $0xFFFF0000, v40  }
0x36f: {  	v41 =	vand.u32 $0xFFFF0000, v41;
	v39 =	vmul.f32 v48, v47;
	v43 =	vmul.f32 v43, v47  }
0x370: {  	v40 =	vmul.f32 v40, v47;
	v38 =	vmul.f32 v41, v47  }
0x371: {  	v39 =	vperm.xlane v39, v1;
	v49 =	vperm.xlane v43, v1  }
0x372: {  	v35 =	vadd.f32 v42, v35;
	v40 =	vperm.xlane v40, v1;
	v38 =	vperm.xlane v38, v1  }
0x373: {  	v36 =	vadd.f32 v37, v36;
	v50 =	vsel vm0, v39, v49  }
0x374: {  	v51 =	vsel vm0, v40, v38;
	v35 =	vadd.f32 v50, v35  }
0x375: {  	v36 =	vadd.f32 v51, v36  }
0x376: {  	v52 =	vperm.xlane v35, v1  }
0x377: {  	v7 =	vadd.f32 v9, v7;
	v8 =	vadd.f32 v10, v8;
	v53 =	vperm.xlane v36, v1  }
0x378: {  	v54 =	vadd.f32 v14, v12;
	v55 =	vadd.f32 v52, v35  }
0x379: {  	v7 =	vsel vm1, v7, v8;
	v8 =	vadd.f32 v13, v11;
	v9 =	vadd.f32 v53, v36  }
0x37a: {  	v56 =	vadd.f32 v18, v16;
	v7 =	vsel vm2, v7, v54;
	v57 =	vperm.xlane v55, v3  }
0x37b: {  	v7 =	vsel vm3, v7, v8;
	v8 =	vadd.f32 v17, v15;
	v58 =	vperm.xlane v9, v3  }
0x37c: {  	v59 =	vadd.f32 v22, v20;
	v7 =	vsel vm4, v7, v56;
	v11 =	vadd.f32 v57, v55  }
0x37d: {  	v7 =	vsel vm5, v7, v8;
	v8 =	vadd.f32 v21, v19;
	v9 =	vadd.f32 v58, v9  }
0x37e: {  	v60 =	vadd.f32 v26, v24;
	v7 =	vsel vm6, v7, v59;
	v12 =	vperm.xlane v11, v4  }
0x37f: {  	v7 =	vsel vm7, v7, v8;
	v8 =	vadd.f32 v25, v23;
	v13 =	vperm.xlane v9, v4  }
0x380: {  	v61 =	vadd.f32 v30, v28;
	v7 =	vsel vm0, v7, v60;
	v11 =	vadd.f32 v12, v11  }
0x381: {  	v7 =	vsel vm8, v7, v8;
	v8 =	vadd.f32 v29, v27;
	v9 =	vadd.f32 v13, v9  }
0x382: {  	v62 =	vadd.f32 v34, v31;
	v7 =	vsel vm9, v7, v61;
	v12 =	vperm.xlane v11, v5  }
0x383: {  	v7 =	vsel vm10, v7, v8;
	v8 =	vadd.f32 v33, v32;
	v13 =	vperm.xlane v9, v5  }
0x384: {  	v7 =	vsel vm11, v7, v62;
	v63 =	vadd.f32 v12, v11  }
0x385: {  	v7 =	vsel vm12, v7, v8;
	v8 =	vadd.f32 v13, v9  }
0x386: {  	v7 =	vsel vm13, v7, v63  }
0x387: {  	v7 =	vsel vm14, v7, v8  }
.Ltmp17:
0x388: {  	v7 =	vmul.f32 v7, v2;
	(pc) =	sbr.rel @!p0 .LBB2_20-.Ltmp17, $4  }
0x389: {  	_ = 	snop  }
0x38a: {  	s17 =	sshll.u32 s17, $0x4;
	v7 =	vadd.f32 v7, v6  }
0x38b: {  	s17 =	sand.u32 $0x3FFFFFF0, s17  }
0x38c: {  	p1 =	por $0x1, $0x1;
	[tilespmem:s17+$0x6080] =	vst v7;
	s17 =	simm.s32 $0x3  }
0x38d: {  	s16 =	sadd.s32 $0x1, s16  }
0x38e: {  	p0 =	sne.s32 s16, s8  }
.Ltmp18:
0x38f: {  	_ = 	snop;
	(pc) =	sbr.rel @p0 .LBB2_1-.Ltmp18, $4  }
0x390: {  	[hbm4b:s7+s2] =	stream.linear.scatter [tilespmem:s15], [sflag:$0x3], $0x40, $0x38;
	[tilespmem:$0x6100] =	vst v63  }
0x391: {  	_ =	swait.ge [sflag:s9], $0x40  }
0x392: {  	[sflag:s9] =	ssyncset.done $0x0  }
0x393: {  	[sflag:s9] =	ssyncadd.s32 $0xFFFFFFC0  }
0x394: {  	_ =	sfence.sel $0x180000  }
0x395: {  	[bflag:$0x0] =	sbarrier.arrive $0xFFFF  }
0x396: {  	_ =	strace $0x90000047  }
0x397: {  	s0 =	stileid.u32;
	[bflag:$0x2] =	sbarrier.arrive $0xFFFF  }
0x398: {  	p0 =	sne.s32 s0, $0x0;
	s0 =	rddreg [dreg:$0x2]  }
0x399: {  	s0 =	sadd.s32 @!p0 $0x100000, s0  }
0x39a: {  	[sflag:s0] =	ssyncadd.tile.s32 @!p0 $0x1;
	_ =	shalt  }
.Lfunc_end2:
_tile_overlayer_lowered:
.L_overlay_start_2:
0x39b: {  	(tag) =	ssettag $0x2  }
0x39c: {  	s0 =	rddreg [dreg:$0x0];
	s2 =	stileid.u32  }
0x39d: {  	s1 =	rddreg [dreg:$0x1];
	p0 =	sne.s32 s2, $0x0  }
0x39e: {  	s3 =	rddreg [dreg:$0x2];
	[bflag:$0x3] =	sbarrier.arrive $0xFFFF;
	s2 =	simm.s32 @!p0 $0x1C03  }
0x39f: {  	[timem:s3], [sflag:s2] =	dma.local @!p0 [hbm:s0], s1  }
0x3a0: {  	s0 =	simm.s32 @!p0 $0x3  }
0x3a1: {  	_ =	swait.ge @!p0 [sflag:s0], s1  }
0x3a2: {  	s1 =	ssub.s32 @!p0 $0x0, s1;
	[sflag:s0] =	ssyncset.done @!p0 $0x0  }
0x3a3: {  	[sflag:s0] =	ssyncadd.s32 @!p0 s1  }
0x3a4: {  	[bflag:$0x3] =	sbarrier.arrive $0xFFFF  }
0x3a5: {  	_ =	shalt  }

</sc_bundles>
